<compile_context>
chip_gen: v7x
topology: tpu7x:2x2x1
jax: 0.10.2.dev20260603
libtpu: 0.0.44.dev20260713+nightly
codegen_flags: <defaults>
</compile_context>

<pallas_src>
import functools

import jax
import jax.numpy as jnp
import numpy as np
from jax import lax
from jax.experimental import pallas as pl
from jax.experimental.pallas import tpu as pltpu
from jax.experimental.pallas import tpu_sc as plsc

H = 8


def _ln(x, g, b):
    m = jnp.mean(x, axis=-1, keepdims=True)
    v = jnp.mean((x - m) ** 2, axis=-1, keepdims=True)
    return (x - m) / jnp.sqrt(v + 1e-5) * g + b


def _gelu(x):
    return 0.5 * x * (1.0 + lax.erf(x * (1.0 / np.sqrt(2.0))))


def _dot(a, b):
    return jnp.dot(a, b, preferred_element_type=jnp.float32)


def _sc_gather(table, idx):
    NC, NS = 2, 16
    NW = NC * NS
    n, d = idx.shape[0], table.shape[1]
    bpw = n // NW
    mesh = plsc.VectorSubcoreMesh(core_axis_name="c", subcore_axis_name="s")

    @functools.partial(
        pl.kernel,
        mesh=mesh,
        out_type=jax.ShapeDtypeStruct((n, d), jnp.float32),
        scratch_types=[
            pltpu.VMEM((bpw,), jnp.int32),
            pltpu.VMEM((bpw, d), jnp.float32),
            pltpu.SemaphoreType.DMA,
        ],
    )
    def gather_kernel(table_hbm, idx_hbm, out_hbm, idx_v, rows_v, sem):
        wid = lax.axis_index("s") * NC + lax.axis_index("c")
        base = wid * bpw
        pltpu.sync_copy(idx_hbm.at[pl.ds(base, bpw)], idx_v)
        pltpu.async_copy(table_hbm.at[idx_v], rows_v, sem).wait()
        pltpu.sync_copy(rows_v, out_hbm.at[pl.ds(base, bpw)])

    return gather_kernel(table, idx)


def _add_pos(x, pos):
    b, s, d = x.shape
    bm = min(512, s)

    def body(x_ref, p_ref, o_ref):
        o_ref[0] = x_ref[0] + p_ref[...]

    return pl.pallas_call(
        body,
        grid=(b, s // bm),
        in_specs=[
            pl.BlockSpec((1, bm, d), lambda i, j: (i, j, 0)),
            pl.BlockSpec((bm, d), lambda i, j: (j, 0)),
        ],
        out_specs=pl.BlockSpec((1, bm, d), lambda i, j: (i, j, 0)),
        out_shape=jax.ShapeDtypeStruct((b, s, d), jnp.float32),
    )(x, pos)


def _qkv(x, Wq, Wk, Wv, bq, bk, bv, g, bta, l):
    b, s, d = x.shape
    dp = Wq.shape[2]
    bm = min(512, s)

    def body(x_ref, wq_ref, wk_ref, wv_ref, bq_ref, bk_ref, bv_ref,
             g_ref, bt_ref, q_out, k_out, v_out):
        h = _ln(x_ref[0], g_ref[0], bt_ref[0])
        q_out[0] = (_dot(h, wq_ref[0]) + bq_ref[0]).astype(jnp.bfloat16)
        k_out[0] = (_dot(h, wk_ref[0]) + bk_ref[0]).astype(jnp.bfloat16)
        v_out[0] = (_dot(h, wv_ref[0]) + bv_ref[0]).astype(jnp.bfloat16)

    wspec = pl.BlockSpec((1, d, dp), lambda i, j, l=l: (l, 0, 0))
    bspec = pl.BlockSpec((1, 1, dp), lambda i, j, l=l: (l, 0, 0))
    xspec = pl.BlockSpec((1, bm, d), lambda i, j: (i, j, 0))
    ospec = pl.BlockSpec((1, bm, dp), lambda i, j: (i, j, 0))
    out = jax.ShapeDtypeStruct((b, s, dp), jnp.bfloat16)
    return pl.pallas_call(
        body,
        grid=(b, s // bm),
        in_specs=[xspec, wspec, wspec, wspec, bspec, bspec, bspec,
                  pl.BlockSpec((1, 1, d), lambda i, j, l=l: (l, 0, 0)),
                  pl.BlockSpec((1, 1, d), lambda i, j, l=l: (l, 0, 0))],
        out_specs=[ospec, ospec, ospec],
        out_shape=[out, out, out],
        compiler_params=pltpu.CompilerParams(
            dimension_semantics=("parallel", "parallel"),
            vmem_limit_bytes=100 * 1024 * 1024,
        ),
    )(x, Wq, Wk, Wv, bq, bk, bv, g, bta)


def _attn(q, k, v, x, Wo, bo, l):
    b, s, d = x.shape
    dp = q.shape[2]
    dhp = dp // H
    bq_rows = min(256, s)

    def body(q_ref, k_ref, v_ref, x_ref, wo_ref, bo_ref, o_ref):
        acc = x_ref[0] + bo_ref[0]
        ones_col = jnp.ones((s, 1), jnp.bfloat16)
        for h in range(H):
            qh = q_ref[0][:, h * dhp:(h + 1) * dhp]
            kh = k_ref[0][:, h * dhp:(h + 1) * dhp]
            vh = v_ref[0][:, h * dhp:(h + 1) * dhp]
            vx = jnp.concatenate([vh, ones_col], axis=1)
            sc = lax.dot_general(qh, kh, (((1,), (1,)), ((), ())),
                                 preferred_element_type=jnp.float32)
            m = jnp.max(sc, axis=1, keepdims=True)
            p = jnp.exp2(sc - m).astype(jnp.bfloat16)
            cr = _dot(p, vx)
            ctx = cr[:, :dhp] * (1.0 / cr[:, dhp:dhp + 1])
            acc = acc + _dot(ctx, wo_ref[0][h * dhp:(h + 1) * dhp, :])
        o_ref[0] = acc

    qspec = pl.BlockSpec((1, bq_rows, dp), lambda i, j: (i, j, 0))
    kvspec = pl.BlockSpec((1, s, dp), lambda i, j: (i, 0, 0))
    xspec = pl.BlockSpec((1, bq_rows, d), lambda i, j: (i, j, 0))
    return pl.pallas_call(
        body,
        grid=(b, s // bq_rows),
        in_specs=[
            qspec, kvspec, kvspec, xspec,
            pl.BlockSpec((1, dp, d), lambda i, j, l=l: (l, 0, 0)),
            pl.BlockSpec((1, 1, d), lambda i, j, l=l: (l, 0, 0)),
        ],
        out_specs=xspec,
        out_shape=jax.ShapeDtypeStruct((b, s, d), jnp.float32),
        compiler_params=pltpu.CompilerParams(
            dimension_semantics=("parallel", "parallel"),
            vmem_limit_bytes=100 * 1024 * 1024,
        ),
    )(q, k, v, x, Wo, bo)


def _ffn(x, W1, b1, W2, b2, g, bta, l):
    b, s, d = x.shape
    ff = W1.shape[2]
    bm = min(512, s)

    def body(x_ref, w1_ref, b1_ref, w2_ref, b2_ref, g_ref, bt_ref, o_ref):
        x_blk = x_ref[0]
        h = _ln(x_blk, g_ref[0], bt_ref[0])
        t = _gelu(_dot(h, w1_ref[0]) + b1_ref[0])
        o_ref[0] = x_blk + _dot(t, w2_ref[0]) + b2_ref[0]

    xspec = pl.BlockSpec((1, bm, d), lambda i, j: (i, j, 0))
    return pl.pallas_call(
        body,
        grid=(b, s // bm),
        in_specs=[
            xspec,
            pl.BlockSpec((1, d, ff), lambda i, j, l=l: (l, 0, 0)),
            pl.BlockSpec((1, 1, ff), lambda i, j, l=l: (l, 0, 0)),
            pl.BlockSpec((1, ff, d), lambda i, j, l=l: (l, 0, 0)),
            pl.BlockSpec((1, 1, d), lambda i, j, l=l: (l, 0, 0)),
            pl.BlockSpec((1, 1, d), lambda i, j, l=l: (l, 0, 0)),
            pl.BlockSpec((1, 1, d), lambda i, j, l=l: (l, 0, 0)),
        ],
        out_specs=xspec,
        out_shape=jax.ShapeDtypeStruct((b, s, d), jnp.float32),
        compiler_params=pltpu.CompilerParams(
            dimension_semantics=("parallel", "parallel"),
            vmem_limit_bytes=100 * 1024 * 1024,
        ),
    )(x, W1, b1, W2, b2, g, bta)


def _ln_pool(x, g, bta):
    b, s, d = x.shape
    bm = min(512, s)
    inv_s = 1.0 / s

    def body(x_ref, g_ref, bt_ref, o_ref):
        j = pl.program_id(1)
        y = _ln(x_ref[0], g_ref[...], bt_ref[...])
        part = jnp.sum(y, axis=0, keepdims=True) * inv_s

        @pl.when(j == 0)
        def _():
            o_ref[0] = part

        @pl.when(j != 0)
        def _():
            o_ref[0] = o_ref[0] + part

    return pl.pallas_call(
        body,
        grid=(b, s // bm),
        in_specs=[
            pl.BlockSpec((1, bm, d), lambda i, j: (i, j, 0)),
            pl.BlockSpec((1, d), lambda i, j: (0, 0)),
            pl.BlockSpec((1, d), lambda i, j: (0, 0)),
        ],
        out_specs=pl.BlockSpec((1, 1, d), lambda i, j: (i, 0, 0)),
        out_shape=jax.ShapeDtypeStruct((b, 1, d), jnp.float32),
        compiler_params=pltpu.CompilerParams(
            dimension_semantics=("parallel", "arbitrary"),
        ),
    )(x, g, bta)


def _router(pooled, Wr, br):
    b, d = pooled.shape
    e_num = Wr.shape[1]

    def body(p_ref, wr_ref, br_ref, w_ref, i_ref):
        iota_e = lax.broadcasted_iota(jnp.int32, (b, e_num), 1)
        gl = _dot(p_ref[...], wr_ref[...]) + br_ref[...]
        m = jnp.max(gl, axis=1, keepdims=True)
        ex = jnp.exp(gl - m)
        gs = ex / jnp.sum(ex, axis=1, keepdims=True)
        v1 = jnp.max(gs, axis=1, keepdims=True)
        i1 = jnp.min(jnp.where(gs == v1, iota_e, e_num), axis=1,
                     keepdims=True)
        g2 = jnp.where(iota_e == i1, -1.0, gs)
        v2 = jnp.max(g2, axis=1, keepdims=True)
        i2 = jnp.min(jnp.where(g2 == v2, iota_e, e_num), axis=1,
                     keepdims=True)
        tot = v1 + v2
        w_ref[...] = (jnp.where(iota_e == i1, v1, 0.0)
                      + jnp.where(iota_e == i2, v2, 0.0)) / tot
        i_ref[...] = jnp.concatenate([i1, i2], axis=1)

    return pl.pallas_call(
        body,
        in_specs=[
            pl.BlockSpec((b, d), lambda: (0, 0)),
            pl.BlockSpec((d, e_num), lambda: (0, 0)),
            pl.BlockSpec((1, e_num), lambda: (0, 0)),
        ],
        out_specs=[
            pl.BlockSpec((b, e_num), lambda: (0, 0)),
            pl.BlockSpec((b, 2), lambda: (0, 0)),
        ],
        out_shape=[
            jax.ShapeDtypeStruct((b, e_num), jnp.float32),
            jax.ShapeDtypeStruct((b, 2), jnp.int32),
        ],
    )(pooled, Wr, br)


def _experts(pooled, w, eids, We1, be1, We2, be2):
    b, d = pooled.shape
    e_num = We1.shape[0]
    eh_dim = We1.shape[2]
    c = We2.shape[2]

    def body(eid_ref, p_ref, w_ref, we1_ref, be1_ref, we2_ref, be2_ref,
             o_ref):
        j = pl.program_id(0)
        e = eid_ref[j]
        bsel = j // 2
        ehid = _gelu(_dot(p_ref[...], we1_ref[0]) + be1_ref[0])
        eo = _dot(ehid, we2_ref[0]) + be2_ref[0]
        iota_e = lax.broadcasted_iota(jnp.int32, (b, e_num), 1)
        wcol = jnp.sum(jnp.where(iota_e == e, w_ref[...], 0.0), axis=1,
                       keepdims=True)
        iota_b = lax.broadcasted_iota(jnp.int32, (b, 1), 0)
        wrow = jnp.where(iota_b == bsel, wcol, 0.0)

        @pl.when(j == 0)
        def _():
            o_ref[...] = jnp.zeros((b, c), jnp.float32)

        o_ref[...] = o_ref[...] + wrow * eo

    grid_spec = pltpu.PrefetchScalarGridSpec(
        num_scalar_prefetch=1,
        grid=(2 * b,),
        in_specs=[
            pl.BlockSpec((b, d), lambda j, eid: (0, 0)),
            pl.BlockSpec((b, e_num), lambda j, eid: (0, 0)),
            pl.BlockSpec((1, d, eh_dim), lambda j, eid: (eid[j], 0, 0)),
            pl.BlockSpec((1, 1, eh_dim), lambda j, eid: (eid[j], 0, 0)),
            pl.BlockSpec((1, eh_dim, c), lambda j, eid: (eid[j], 0, 0)),
            pl.BlockSpec((1, 1, c), lambda j, eid: (eid[j], 0, 0)),
        ],
        out_specs=pl.BlockSpec((b, c), lambda j, eid: (0, 0)),
    )
    return pl.pallas_call(
        body,
        grid_spec=grid_spec,
        out_shape=jax.ShapeDtypeStruct((b, c), jnp.float32),
        compiler_params=pltpu.CompilerParams(
            dimension_semantics=("arbitrary",),
            vmem_limit_bytes=100 * 1024 * 1024,
        ),
    )(eids, pooled, w, We1, be1, We2, be2)


def kernel(input_ids, attention_mask, tok_emb, pos_emb, Wq, bq, Wk, bk,
           Wv, bv, Wo, bo, ln1_s, ln1_b, ln2_s, ln2_b, W1, b1, W2, b2,
           lnf_s, lnf_b, Wr, br, We1, be1, We2, be2):
    del attention_mask
    b, s = input_ids.shape
    d = tok_emb.shape[1]
    n_layers = Wq.shape[0]
    e_num = Wr.shape[1]

    ids = input_ids.reshape(-1)
    gathered = _sc_gather(tok_emb, ids).reshape(b, s, d)
    x = _add_pos(gathered, pos_emb[:s])

    dh = d // H
    dhp = dh
    dp = H * dhp

    def _pad_cols(w):
        w4 = w.reshape(n_layers, d, H, dh)
        return jnp.pad(w4, ((0, 0), (0, 0), (0, 0), (0, dhp - dh))) \
                  .reshape(n_layers, d, dp)

    def _pad_bias(bb):
        b3 = bb.reshape(n_layers, H, dh)
        return jnp.pad(b3, ((0, 0), (0, 0), (0, dhp - dh))) \
                  .reshape(n_layers, 1, dp)

    att_c = np.float32(np.log2(np.e) / np.sqrt(dh))
    Wq_p, Wk_p, Wv_p = _pad_cols(Wq) * att_c, _pad_cols(Wk), _pad_cols(Wv)
    bq_, bk_, bv_ = _pad_bias(bq) * att_c, _pad_bias(bk), _pad_bias(bv)
    Wo_p = jnp.pad(Wo.reshape(n_layers, H, dh, d),
                   ((0, 0), (0, 0), (0, dhp - dh), (0, 0))) \
              .reshape(n_layers, dp, d)
    bo_ = bo.reshape(n_layers, 1, d)
    W1_, W2_ = W1, W2
    We1_, We2_ = We1, We2
    b1_ = b1.reshape(n_layers, 1, -1)
    b2_ = b2.reshape(n_layers, 1, d)
    ln1s = ln1_s.reshape(n_layers, 1, d)
    ln1b = ln1_b.reshape(n_layers, 1, d)
    ln2s = ln2_s.reshape(n_layers, 1, d)
    ln2b = ln2_b.reshape(n_layers, 1, d)

    for l in range(n_layers):
        q, k, v = _qkv(x, Wq_p, Wk_p, Wv_p, bq_, bk_, bv_, ln1s, ln1b, l)
        x = _attn(q, k, v, x, Wo_p, bo_, l)
        x = _ffn(x, W1_, b1_, W2_, b2_, ln2s, ln2b, l)

    pooled = _ln_pool(x, lnf_s.reshape(1, d), lnf_b.reshape(1, d))
    pooled = pooled.reshape(b, d)
    w, idx = _router(pooled, Wr, br.reshape(1, e_num))
    out = _experts(
        pooled, w, idx.reshape(-1),
        We1_, be1.reshape(e_num, 1, -1),
        We2_, be2.reshape(e_num, 1, -1),
    )
    return out

# --- scband reference (transcript-rebuilt; emitter-appended) ---
"""Pipeline reference for scband-mo-eclassifier-67199058313278 (READ-ONLY COPY).

The authoritative reference and input builder live on the scoring server;
editing this copy changes nothing except your own understanding.
"""

import jax, jax.numpy as jnp
import numpy as np

B, S, V, D, L, H, FF, MAXPOS = 2, 2048, 30522, 768, 6, 8, 3072, 2048
E, K, C, EH = 16, 2, 8, 2048
DH = D // H

def setup_inputs():
    ks = jax.random.split(jax.random.key(0), 16)
    s = 0.02
    inp = {}
    inp['input_ids'] = jax.random.randint(ks[0], (B, S), 0, V, dtype=jnp.int32)
    inp['attention_mask'] = jnp.ones((B, S), dtype=jnp.int32)
    inp['tok_emb'] = jax.random.normal(ks[1], (V, D), jnp.float32) * s
    inp['pos_emb'] = jax.random.normal(ks[2], (MAXPOS, D), jnp.float32) * s
    inp['Wq'] = jax.random.normal(ks[3], (L, D, D), jnp.float32) * s
    inp['bq'] = jnp.zeros((L, D), jnp.float32)
    inp['Wk'] = jax.random.normal(ks[4], (L, D, D), jnp.float32) * s
    inp['bk'] = jnp.zeros((L, D), jnp.float32)
    inp['Wv'] = jax.random.normal(ks[5], (L, D, D), jnp.float32) * s
    inp['bv'] = jnp.zeros((L, D), jnp.float32)
    inp['Wo'] = jax.random.normal(ks[6], (L, D, D), jnp.float32) * s
    inp['bo'] = jnp.zeros((L, D), jnp.float32)
    inp['ln1_s'] = jnp.ones((L, D), jnp.float32)
    inp['ln1_b'] = jnp.zeros((L, D), jnp.float32)
    inp['ln2_s'] = jnp.ones((L, D), jnp.float32)
    inp['ln2_b'] = jnp.zeros((L, D), jnp.float32)
    inp['W1'] = jax.random.normal(ks[7], (L, D, FF), jnp.float32) * s
    inp['b1'] = jnp.zeros((L, FF), jnp.float32)
    inp['W2'] = jax.random.normal(ks[8], (L, FF, D), jnp.float32) * s
    inp['b2'] = jnp.zeros((L, D), jnp.float32)
    inp['lnf_s'] = jnp.ones((D,), jnp.float32)
    inp['lnf_b'] = jnp.zeros((D,), jnp.float32)
    inp['Wr'] = jax.random.normal(ks[9], (D, E), jnp.float32) * s
    inp['br'] = jnp.zeros((E,), jnp.float32)
    inp['We1'] = jax.random.normal(ks[10], (E, D, EH), jnp.float32) * s
    inp['be1'] = jnp.zeros((E, EH), jnp.float32)
    inp['We2'] = jax.random.normal(ks[11], (E, EH, C), jnp.float32) * s
    inp['be2'] = jnp.zeros((E, C), jnp.float32)
    return inp

def _ln(x, g, b):
    m = x.mean(-1, keepdims=True)
    v = ((x - m) ** 2).mean(-1, keepdims=True)
    return (x - m) / jnp.sqrt(v + 1e-5) * g + b

def _fwd(input_ids, attention_mask, fp):
    (tok_emb, pos_emb, Wq, bq, Wk, bk, Wv, bv, Wo, bo, ln1_s, ln1_b, ln2_s, ln2_b,
     W1, b1, W2, b2, lnf_s, lnf_b, Wr, br, We1, be1, We2, be2) = fp
    b, sl = input_ids.shape
    x = tok_emb[input_ids] + pos_emb[jnp.arange(sl)][None, :, :]
    pad = attention_mask <= 0
    bias = jnp.where(pad[:, None, None, :], -1e9, 0.0).astype(jnp.float32)
    for l in range(L):
        h = _ln(x, ln1_s[l], ln1_b[l])
        q = (h @ Wq[l] + bq[l]).reshape(b, sl, H, DH).transpose(0, 2, 1, 3)
        k = (h @ Wk[l] + bk[l]).reshape(b, sl, H, DH).transpose(0, 2, 1, 3)
        v = (h @ Wv[l] + bv[l]).reshape(b, sl, H, DH).transpose(0, 2, 1, 3)
        att = jax.nn.softmax(q @ k.transpose(0, 1, 3, 2) / np.sqrt(DH) + bias, axis=-1)
        ctx = (att @ v).transpose(0, 2, 1, 3).reshape(b, sl, D)
        x = x + ctx @ Wo[l] + bo[l]
        h2 = _ln(x, ln2_s[l], ln2_b[l])
        x = x + jax.nn.gelu(h2 @ W1[l] + b1[l], approximate=False) @ W2[l] + b2[l]
    x = _ln(x, lnf_s, lnf_b)
    m = attention_mask.astype(x.dtype)[:, :, None]
    pooled = (x * m).sum(1) / jnp.clip(m.sum(1), 1.0, None)
    gates = jax.nn.softmax(pooled @ Wr + br, axis=-1)
    topv, topi = jax.lax.top_k(gates, K)
    topv = topv / topv.sum(-1, keepdims=True)
    w = jnp.zeros((b, E), x.dtype).at[jnp.arange(b)[:, None], topi].set(topv)
    eh = jax.nn.gelu(jnp.einsum('bd,edh->beh', pooled, We1) + be1[None], approximate=False)
    eo = jnp.einsum('beh,ehc->bec', eh, We2) + be2[None]
    return (w[:, :, None] * eo).sum(1)

def reference(input_ids, attention_mask, tok_emb, pos_emb, Wq, bq, Wk, bk, Wv, bv, Wo, bo, ln1_s, ln1_b, ln2_s, ln2_b, W1, b1, W2, b2, lnf_s, lnf_b, Wr, br, We1, be1, We2, be2):
    fp = (tok_emb, pos_emb, Wq, bq, Wk, bk, Wv, bv, Wo, bo, ln1_s, ln1_b, ln2_s, ln2_b,
          W1, b1, W2, b2, lnf_s, lnf_b, Wr, br, We1, be1, We2, be2)
    return _fwd(input_ids, attention_mask, fp)

if __name__ == "__main__":
    import jax
    _d = setup_inputs()
    print(jax.jit(kernel)(*tuple(_d.values())))

</pallas_src>

<mosaic_0001>
#map = affine_map<(d0, d1) -> (0, 0)>
#map1 = affine_map<(d0, d1) -> (0)>
module attributes {stable_mosaic.version = 14 : i64} {
  func.func @gather_kernel(%arg0: i32, %arg1: i32, %arg2: memref<30522x768xf32, #tpu.memory_space<hbm>>, %arg3: memref<4096xi32, #tpu.memory_space<hbm>>, %arg4: memref<4096x768xf32, #tpu.memory_space<hbm>>, %arg5: memref<128xi32, #tpu.memory_space<vmem>>, %arg6: memref<128x768xf32, #tpu.memory_space<vmem>>, %arg7: memref<!tpu.dma_semaphore, #tpu.memory_space<semaphore_mem>>) attributes {dimension_semantics = [#tpu.dimension_semantics<core_parallel>, #tpu.dimension_semantics<subcore_parallel>], iteration_bounds = array<i64: 2, 16>, scalar_prefetch = 0 : i64, scratch_operands = 3 : i64, tpu.core_type = #tpu.core_type<sc_vector_subcore>, window_params = [{transform_indices = #map}, {transform_indices = #map1}, {transform_indices = #map}]} {
    %mul3A = arith.constant 2 : i32
    %mul3A_0 = arith.muli %arg1, %mul3A : i32
    %add3A = arith.addi %mul3A_0, %arg0 : i32
    %mul3A_1 = arith.constant 128 : i32
    %mul3A_2 = arith.muli %add3A, %mul3A_1 : i32
    "tpu.region"() ({
      %run_scoped3A = tpu.sem_alloc : memref<!tpu.dma_semaphore, #tpu.memory_space<semaphore_mem>>
      %dma_start3A_7 = tpu.memref_slice %arg3[%mul3A_2] : memref<4096xi32, #tpu.memory_space<hbm>> -> memref<128xi32, #tpu.memory_space<hbm>>
      %dma_start3A_8 = tpu.memref_slice %arg3[%mul3A_2] : memref<4096xi32, #tpu.memory_space<hbm>> -> memref<128xi32, #tpu.memory_space<hbm>>
      tpu.enqueue_dma source(%dma_start3A_8 : memref<128xi32, #tpu.memory_space<hbm>>) target(%arg5 : memref<128xi32, #tpu.memory_space<vmem>>) target_semaphore(%run_scoped3A : memref<!tpu.dma_semaphore, #tpu.memory_space<semaphore_mem>>)
      %dma_wait3A_9 = tpu.memref_slice %arg3[%mul3A_2] : memref<4096xi32, #tpu.memory_space<hbm>> -> memref<128xi32, #tpu.memory_space<hbm>>
      %dma_wait3A_10 = tpu.memref_slice %arg3[%mul3A_2] : memref<4096xi32, #tpu.memory_space<hbm>> -> memref<128xi32, #tpu.memory_space<hbm>>
      tpu.wait_dma2 semaphore(%run_scoped3A : memref<!tpu.dma_semaphore, #tpu.memory_space<semaphore_mem>>) src(%dma_wait3A_10 : memref<128xi32, #tpu.memory_space<hbm>>) dst(%arg5 : memref<128xi32, #tpu.memory_space<vmem>>)
      tpu.yield
    }) : () -> ()
    %dma_start3A = arith.constant 0 : i32
    %dma_start3A_3 = arith.constant 0 : i32
    %dma_start3A_4 = tpu.memref_slice %arg2[%dma_start3A, %dma_start3A_3] : memref<30522x768xf32, #tpu.memory_space<hbm>> -> memref<30522x768xf32, #tpu.memory_space<hbm>>
    tpu.enqueue_indirect_dma source(%dma_start3A_4 : memref<30522x768xf32, #tpu.memory_space<hbm>>) target(%arg6 : memref<128x768xf32, #tpu.memory_space<vmem>>) offsets(%arg5 : memref<128xi32, #tpu.memory_space<vmem>>) semaphore(%arg7 : memref<!tpu.dma_semaphore, #tpu.memory_space<semaphore_mem>>)
    %dma_wait3A = arith.constant 0 : i32
    %dma_wait3A_5 = arith.constant 0 : i32
    %dma_wait3A_6 = tpu.memref_slice %arg2[%dma_wait3A, %dma_wait3A_5] : memref<30522x768xf32, #tpu.memory_space<hbm>> -> memref<30522x768xf32, #tpu.memory_space<hbm>>
    tpu.wait_indirect_dma semaphore(%arg7 : memref<!tpu.dma_semaphore, #tpu.memory_space<semaphore_mem>>) src(%dma_wait3A_6 : memref<30522x768xf32, #tpu.memory_space<hbm>>) dst(%arg6 : memref<128x768xf32, #tpu.memory_space<vmem>>)
    "tpu.region"() ({
      %run_scoped3A = tpu.sem_alloc : memref<!tpu.dma_semaphore, #tpu.memory_space<semaphore_mem>>
      %dma_start3A_7 = arith.constant 0 : i32
      %dma_start3A_8 = tpu.memref_slice %arg4[%mul3A_2, %dma_start3A_7] : memref<4096x768xf32, #tpu.memory_space<hbm>> -> memref<128x768xf32, #tpu.memory_space<hbm>>
      %dma_start3A_9 = arith.constant 0 : i32
      %dma_start3A_10 = tpu.memref_slice %arg4[%mul3A_2, %dma_start3A_9] : memref<4096x768xf32, #tpu.memory_space<hbm>> -> memref<128x768xf32, #tpu.memory_space<hbm>>
      tpu.enqueue_dma source(%arg6 : memref<128x768xf32, #tpu.memory_space<vmem>>) target(%dma_start3A_10 : memref<128x768xf32, #tpu.memory_space<hbm>>) target_semaphore(%run_scoped3A : memref<!tpu.dma_semaphore, #tpu.memory_space<semaphore_mem>>)
      %dma_wait3A_11 = arith.constant 0 : i32
      %dma_wait3A_12 = tpu.memref_slice %arg4[%mul3A_2, %dma_wait3A_11] : memref<4096x768xf32, #tpu.memory_space<hbm>> -> memref<128x768xf32, #tpu.memory_space<hbm>>
      %dma_wait3A_13 = arith.constant 0 : i32
      %dma_wait3A_14 = tpu.memref_slice %arg4[%mul3A_2, %dma_wait3A_13] : memref<4096x768xf32, #tpu.memory_space<hbm>> -> memref<128x768xf32, #tpu.memory_space<hbm>>
      tpu.wait_dma2 semaphore(%run_scoped3A : memref<!tpu.dma_semaphore, #tpu.memory_space<semaphore_mem>>) src(%arg6 : memref<128x768xf32, #tpu.memory_space<vmem>>) dst(%dma_wait3A_14 : memref<128x768xf32, #tpu.memory_space<hbm>>)
      tpu.yield
    }) : () -> ()
    return
  }
}

module attributes {stable_mosaic.version = 14 : i64} {
  func.func @body(%arg0: i32, %arg1: i32, %arg2: memref<1x512x768xf32, #tpu.memory_space<vmem>>, %arg3: memref<512x768xf32, #tpu.memory_space<vmem>>, %arg4: memref<1x512x768xf32, #tpu.memory_space<vmem>>) attributes {dimension_semantics = [#tpu.dimension_semantics<arbitrary>, #tpu.dimension_semantics<arbitrary>], iteration_bounds = array<i64: 2, 4>, scalar_prefetch = 0 : i64, scratch_operands = 0 : i64, tpu.core_type = #tpu.core_type<tc>, window_params = [{transform_indices = @transform_0, window_bounds = array<i64: 1, 512, 768>}, {transform_indices = @transform_1, window_bounds = array<i64: 512, 768>}, {transform_indices = @transform_2, window_bounds = array<i64: 1, 512, 768>}]} {
    %get3A = arith.constant 0 : index
    %get3A_0 = arith.constant 0 : index
    %get3A_1 = arith.constant 0 : index
    %get3A_2 = vector.load %arg2[%get3A, %get3A_0, %get3A_1] : memref<1x512x768xf32, #tpu.memory_space<vmem>>, vector<1x512x768xf32>
    %get3A_3 = vector.shape_cast %get3A_2 : vector<1x512x768xf32> to vector<512x768xf32>
    %get3A_4 = arith.constant 0 : index
    %get3A_5 = arith.constant 0 : index
    %get3A_6 = vector.load %arg3[%get3A_4, %get3A_5] : memref<512x768xf32, #tpu.memory_space<vmem>>, vector<512x768xf32>
    %add3A = arith.addf %get3A_3, %get3A_6 : vector<512x768xf32>
    %swap3A = arith.constant 0 : index
    %swap3A_7 = arith.constant 0 : index
    %swap3A_8 = arith.constant 0 : index
    %swap3A_9 = vector.load %arg4[%swap3A, %swap3A_7, %swap3A_8] : memref<1x512x768xf32, #tpu.memory_space<vmem>>, vector<1x512x768xf32>
    %swap3A_10 = vector.shape_cast %swap3A_9 : vector<1x512x768xf32> to vector<512x768xf32>
    %swap3A_11 = vector.shape_cast %add3A : vector<512x768xf32> to vector<1x512x768xf32>
    tpu.vector_store %arg4[%swap3A, %swap3A_7, %swap3A_8], %swap3A_11 {strides = array<i32>} : memref<1x512x768xf32, #tpu.memory_space<vmem>>, vector<1x512x768xf32>,
    return
  }
  func.func @transform_0(%arg0: i32, %arg1: i32) -> (i32, i32, i32) {
    %c0_i32 = arith.constant 0 : i32
    %c0_i32_0 = arith.constant 0 : i32
    return %arg0, %arg1, %c0_i32 : i32, i32, i32
  }
  func.func @transform_1(%arg0: i32, %arg1: i32) -> (i32, i32) {
    %c0_i32 = arith.constant 0 : i32
    %c0_i32_0 = arith.constant 0 : i32
    return %arg1, %c0_i32 : i32, i32
  }
  func.func @transform_2(%arg0: i32, %arg1: i32) -> (i32, i32, i32) {
    %c0_i32 = arith.constant 0 : i32
    %c0_i32_0 = arith.constant 0 : i32
    return %arg0, %arg1, %c0_i32 : i32, i32, i32
  }
}

module attributes {stable_mosaic.version = 14 : i64} {
  func.func @body(%arg0: i32, %arg1: i32, %arg2: memref<1x256x768xbf16, #tpu.memory_space<vmem>>, %arg3: memref<1x2048x768xbf16, #tpu.memory_space<vmem>>, %arg4: memref<1x2048x768xbf16, #tpu.memory_space<vmem>>, %arg5: memref<1x256x768xf32, #tpu.memory_space<vmem>>, %arg6: memref<1x768x768xf32, #tpu.memory_space<vmem>>, %arg7: memref<1x1x768xf32, #tpu.memory_space<vmem>>, %arg8: memref<1x256x768xf32, #tpu.memory_space<vmem>>) attributes {dimension_semantics = [#tpu.dimension_semantics<parallel>, #tpu.dimension_semantics<parallel>], iteration_bounds = array<i64: 2, 8>, scalar_prefetch = 0 : i64, scratch_operands = 0 : i64, tpu.core_type = #tpu.core_type<tc>, window_params = [{transform_indices = @transform_0, window_bounds = array<i64: 1, 256, 768>}, {transform_indices = @transform_1, window_bounds = array<i64: 1, 2048, 768>}, {transform_indices = @transform_2, window_bounds = array<i64: 1, 2048, 768>}, {transform_indices = @transform_3, window_bounds = array<i64: 1, 256, 768>}, {transform_indices = @transform_4, window_bounds = array<i64: 1, 768, 768>}, {transform_indices = @transform_5, window_bounds = array<i64: 1, 1, 768>}, {transform_indices = @transform_6, window_bounds = array<i64: 1, 256, 768>}]} {
    %get3A = arith.constant 0 : index
    %get3A_0 = arith.constant 0 : index
    %get3A_1 = arith.constant 0 : index
    %get3A_2 = vector.load %arg5[%get3A, %get3A_0, %get3A_1] : memref<1x256x768xf32, #tpu.memory_space<vmem>>, vector<1x256x768xf32>
    %get3A_3 = vector.shape_cast %get3A_2 : vector<1x256x768xf32> to vector<256x768xf32>
    %get3A_4 = arith.constant 0 : index
    %get3A_5 = arith.constant 0 : index
    %get3A_6 = arith.constant 0 : index
    %get3A_7 = vector.load %arg7[%get3A_4, %get3A_5, %get3A_6] : memref<1x1x768xf32, #tpu.memory_space<vmem>>, vector<1x1x768xf32>
    %get3A_8 = vector.shape_cast %get3A_7 : vector<1x1x768xf32> to vector<1x768xf32>
    %add3A = vector.broadcast %get3A_8 : vector<1x768xf32> to vector<256x768xf32>
    %add3A_9 = arith.addf %get3A_3, %add3A : vector<256x768xf32>
    %broadcast_in_dim3A = arith.constant 1.000000e+00 : bf16
    %broadcast_in_dim3A_10 = vector.broadcast %broadcast_in_dim3A : bf16 to vector<2048x1xbf16>
    %get3A_11 = arith.constant 0 : index
    %get3A_12 = arith.constant 0 : index
    %get3A_13 = arith.constant 0 : index
    %get3A_14 = vector.load %arg2[%get3A_11, %get3A_12, %get3A_13] : memref<1x256x768xbf16, #tpu.memory_space<vmem>>, vector<1x256x768xbf16>
    %get3A_15 = vector.shape_cast %get3A_14 : vector<1x256x768xbf16> to vector<256x768xbf16>
    %slice3A = vector.extract_strided_slice %get3A_15 {offsets = [0, 0], sizes = [256, 96], strides = [1, 1]} : vector<256x768xbf16> to vector<256x96xbf16>
    %get3A_16 = arith.constant 0 : index
    %get3A_17 = arith.constant 0 : index
    %get3A_18 = arith.constant 0 : index
    %get3A_19 = vector.load %arg3[%get3A_16, %get3A_17, %get3A_18] : memref<1x2048x768xbf16, #tpu.memory_space<vmem>>, vector<1x2048x768xbf16>
    %get3A_20 = vector.shape_cast %get3A_19 : vector<1x2048x768xbf16> to vector<2048x768xbf16>
    %slice3A_21 = vector.extract_strided_slice %get3A_20 {offsets = [0, 0], sizes = [2048, 96], strides = [1, 1]} : vector<2048x768xbf16> to vector<2048x96xbf16>
    %get3A_22 = arith.constant 0 : index
    %get3A_23 = arith.constant 0 : index
    %get3A_24 = arith.constant 0 : index
    %get3A_25 = vector.load %arg4[%get3A_22, %get3A_23, %get3A_24] : memref<1x2048x768xbf16, #tpu.memory_space<vmem>>, vector<1x2048x768xbf16>
    %get3A_26 = vector.shape_cast %get3A_25 : vector<1x2048x768xbf16> to vector<2048x768xbf16>
    %slice3A_27 = vector.extract_strided_slice %get3A_26 {offsets = [0, 0], sizes = [2048, 96], strides = [1, 1]} : vector<2048x768xbf16> to vector<2048x96xbf16>
    %concatenate3A = tpu.concatenate %slice3A_27, %broadcast_in_dim3A_10 in 1 : vector<2048x96xbf16>, vector<2048x1xbf16> -> vector<2048x97xbf16>
    %dot_general3A = arith.constant dense<0.000000e+00> : vector<256x2048xf32>
    %dot_general3A_28 = tpu.matmul %slice3A, %slice3A_21, %dot_general3A {dimension_numbers = #tpu.dot_dimension_numbers<[1], [1], [0], [0], [0, 0, 1, 0], [], []>, transpose_lhs_hint = false} : vector<256x96xbf16>, vector<2048x96xbf16>, vector<256x2048xf32> -> vector<256x2048xf32>
    %reduce_max3A = arith.constant dense<0xFF800000> : vector<256xf32>
    %reduce_max3A_29 = vector.multi_reduction <maximumf>, %dot_general3A_28, %reduce_max3A [1] : vector<256x2048xf32> to vector<256xf32>
    %broadcast_in_dim3A_30 = vector.shape_cast %reduce_max3A_29 : vector<256xf32> to vector<256x1xf32>
    %sub3A = vector.broadcast %broadcast_in_dim3A_30 : vector<256x1xf32> to vector<256x2048xf32>
    %sub3A_31 = arith.subf %dot_general3A_28, %sub3A : vector<256x2048xf32>
    %exp23A = math.exp2 %sub3A_31 : vector<256x2048xf32>
    %convert_element_type3A = arith.truncf %exp23A : vector<256x2048xf32> to vector<256x2048xbf16>
    %dot_general3A_32 = arith.constant dense<0.000000e+00> : vector<256x97xf32>
    %dot_general3A_33 = tpu.matmul %convert_element_type3A, %concatenate3A, %dot_general3A_32 {dimension_numbers = #tpu.dot_dimension_numbers<[1], [0], [0], [1], [0, 0, 1, 1], [], []>, transpose_lhs_hint = false} : vector<256x2048xbf16>, vector<2048x97xbf16>, vector<256x97xf32> -> vector<256x97xf32>
    %slice3A_34 = vector.extract_strided_slice %dot_general3A_33 {offsets = [0, 0], sizes = [256, 96], strides = [1, 1]} : vector<256x97xf32> to vector<256x96xf32>
    %slice3A_35 = vector.extract_strided_slice %dot_general3A_33 {offsets = [0, 96], sizes = [256, 1], strides = [1, 1]} : vector<256x97xf32> to vector<256x1xf32>
    %div3A = arith.constant 1.000000e+00 : f32
    %div3A_36 = vector.broadcast %div3A : f32 to vector<256x1xf32>
    %div3A_37 = arith.divf %div3A_36, %slice3A_35 : vector<256x1xf32>
    %mul3A = vector.broadcast %div3A_37 : vector<256x1xf32> to vector<256x96xf32>
    %mul3A_38 = arith.mulf %slice3A_34, %mul3A : vector<256x96xf32>
    %get3A_39 = arith.constant 0 : index
    %get3A_40 = arith.constant 0 : index
    %get3A_41 = arith.constant 0 : index
    %get3A_42 = vector.load %arg6[%get3A_39, %get3A_40, %get3A_41] : memref<1x768x768xf32, #tpu.memory_space<vmem>>, vector<1x768x768xf32>
    %get3A_43 = vector.shape_cast %get3A_42 : vector<1x768x768xf32> to vector<768x768xf32>
    %slice3A_44 = vector.extract_strided_slice %get3A_43 {offsets = [0, 0], sizes = [96, 768], strides = [1, 1]} : vector<768x768xf32> to vector<96x768xf32>
    %dot_general3A_45 = arith.constant dense<0.000000e+00> : vector<256x768xf32>
    %dot_general3A_46 = tpu.matmul %mul3A_38, %slice3A_44, %dot_general3A_45 {dimension_numbers = #tpu.dot_dimension_numbers<[1], [0], [0], [1], [0, 0, 1, 1], [], []>, transpose_lhs_hint = false} : vector<256x96xf32>, vector<96x768xf32>, vector<256x768xf32> -> vector<256x768xf32>
    %add3A_47 = arith.addf %add3A_9, %dot_general3A_46 : vector<256x768xf32>
    %get3A_48 = arith.constant 0 : index
    %get3A_49 = arith.constant 0 : index
    %get3A_50 = arith.constant 0 : index
    %get3A_51 = vector.load %arg2[%get3A_48, %get3A_49, %get3A_50] : memref<1x256x768xbf16, #tpu.memory_space<vmem>>, vector<1x256x768xbf16>
    %get3A_52 = vector.shape_cast %get3A_51 : vector<1x256x768xbf16> to vector<256x768xbf16>
    %slice3A_53 = vector.extract_strided_slice %get3A_52 {offsets = [0, 96], sizes = [256, 96], strides = [1, 1]} : vector<256x768xbf16> to vector<256x96xbf16>
    %get3A_54 = arith.constant 0 : index
    %get3A_55 = arith.constant 0 : index
    %get3A_56 = arith.constant 0 : index
    %get3A_57 = vector.load %arg3[%get3A_54, %get3A_55, %get3A_56] : memref<1x2048x768xbf16, #tpu.memory_space<vmem>>, vector<1x2048x768xbf16>
    %get3A_58 = vector.shape_cast %get3A_57 : vector<1x2048x768xbf16> to vector<2048x768xbf16>
    %slice3A_59 = vector.extract_strided_slice %get3A_58 {offsets = [0, 96], sizes = [2048, 96], strides = [1, 1]} : vector<2048x768xbf16> to vector<2048x96xbf16>
    %get3A_60 = arith.constant 0 : index
    %get3A_61 = arith.constant 0 : index
    %get3A_62 = arith.constant 0 : index
    %get3A_63 = vector.load %arg4[%get3A_60, %get3A_61, %get3A_62] : memref<1x2048x768xbf16, #tpu.memory_space<vmem>>, vector<1x2048x768xbf16>
    %get3A_64 = vector.shape_cast %get3A_63 : vector<1x2048x768xbf16> to vector<2048x768xbf16>
    %slice3A_65 = vector.extract_strided_slice %get3A_64 {offsets = [0, 96], sizes = [2048, 96], strides = [1, 1]} : vector<2048x768xbf16> to vector<2048x96xbf16>
    %concatenate3A_66 = tpu.concatenate %slice3A_65, %broadcast_in_dim3A_10 in 1 : vector<2048x96xbf16>, vector<2048x1xbf16> -> vector<2048x97xbf16>
    %dot_general3A_67 = arith.constant dense<0.000000e+00> : vector<256x2048xf32>
    %dot_general3A_68 = tpu.matmul %slice3A_53, %slice3A_59, %dot_general3A_67 {dimension_numbers = #tpu.dot_dimension_numbers<[1], [1], [0], [0], [0, 0, 1, 0], [], []>, transpose_lhs_hint = false} : vector<256x96xbf16>, vector<2048x96xbf16>, vector<256x2048xf32> -> vector<256x2048xf32>
    %reduce_max3A_69 = arith.constant dense<0xFF800000> : vector<256xf32>
    %reduce_max3A_70 = vector.multi_reduction <maximumf>, %dot_general3A_68, %reduce_max3A_69 [1] : vector<256x2048xf32> to vector<256xf32>
    %broadcast_in_dim3A_71 = vector.shape_cast %reduce_max3A_70 : vector<256xf32> to vector<256x1xf32>
    %sub3A_72 = vector.broadcast %broadcast_in_dim3A_71 : vector<256x1xf32> to vector<256x2048xf32>
    %sub3A_73 = arith.subf %dot_general3A_68, %sub3A_72 : vector<256x2048xf32>
    %exp23A_74 = math.exp2 %sub3A_73 : vector<256x2048xf32>
    %convert_element_type3A_75 = arith.truncf %exp23A_74 : vector<256x2048xf32> to vector<256x2048xbf16>
    %dot_general3A_76 = arith.constant dense<0.000000e+00> : vector<256x97xf32>
    %dot_general3A_77 = tpu.matmul %convert_element_type3A_75, %concatenate3A_66, %dot_general3A_76 {dimension_numbers = #tpu.dot_dimension_numbers<[1], [0], [0], [1], [0, 0, 1, 1], [], []>, transpose_lhs_hint = false} : vector<256x2048xbf16>, vector<2048x97xbf16>, vector<256x97xf32> -> vector<256x97xf32>
    %slice3A_78 = vector.extract_strided_slice %dot_general3A_77 {offsets = [0, 0], sizes = [256, 96], strides = [1, 1]} : vector<256x97xf32> to vector<256x96xf32>
    %slice3A_79 = vector.extract_strided_slice %dot_general3A_77 {offsets = [0, 96], sizes = [256, 1], strides = [1, 1]} : vector<256x97xf32> to vector<256x1xf32>
    %div3A_80 = arith.constant 1.000000e+00 : f32
    %div3A_81 = vector.broadcast %div3A_80 : f32 to vector<256x1xf32>
    %div3A_82 = arith.divf %div3A_81, %slice3A_79 : vector<256x1xf32>
    %mul3A_83 = vector.broadcast %div3A_82 : vector<256x1xf32> to vector<256x96xf32>
    %mul3A_84 = arith.mulf %slice3A_78, %mul3A_83 : vector<256x96xf32>
    %get3A_85 = arith.constant 0 : index
    %get3A_86 = arith.constant 0 : index
    %get3A_87 = arith.constant 0 : index
    %get3A_88 = vector.load %arg6[%get3A_85, %get3A_86, %get3A_87] : memref<1x768x768xf32, #tpu.memory_space<vmem>>, vector<1x768x768xf32>
    %get3A_89 = vector.shape_cast %get3A_88 : vector<1x768x768xf32> to vector<768x768xf32>
    %slice3A_90 = vector.extract_strided_slice %get3A_89 {offsets = [96, 0], sizes = [96, 768], strides = [1, 1]} : vector<768x768xf32> to vector<96x768xf32>
    %dot_general3A_91 = arith.constant dense<0.000000e+00> : vector<256x768xf32>
    %dot_general3A_92 = tpu.matmul %mul3A_84, %slice3A_90, %dot_general3A_91 {dimension_numbers = #tpu.dot_dimension_numbers<[1], [0], [0], [1], [0, 0, 1, 1], [], []>, transpose_lhs_hint = false} : vector<256x96xf32>, vector<96x768xf32>, vector<256x768xf32> -> vector<256x768xf32>
    %add3A_93 = arith.addf %add3A_47, %dot_general3A_92 : vector<256x768xf32>
    %get3A_94 = arith.constant 0 : index
    %get3A_95 = arith.constant 0 : index
    %get3A_96 = arith.constant 0 : index
    %get3A_97 = vector.load %arg2[%get3A_94, %get3A_95, %get3A_96] : memref<1x256x768xbf16, #tpu.memory_space<vmem>>, vector<1x256x768xbf16>
    %get3A_98 = vector.shape_cast %get3A_97 : vector<1x256x768xbf16> to vector<256x768xbf16>
    %slice3A_99 = vector.extract_strided_slice %get3A_98 {offsets = [0, 192], sizes = [256, 96], strides = [1, 1]} : vector<256x768xbf16> to vector<256x96xbf16>
    %get3A_100 = arith.constant 0 : index
    %get3A_101 = arith.constant 0 : index
    %get3A_102 = arith.constant 0 : index
    %get3A_103 = vector.load %arg3[%get3A_100, %get3A_101, %get3A_102] : memref<1x2048x768xbf16, #tpu.memory_space<vmem>>, vector<1x2048x768xbf16>
    %get3A_104 = vector.shape_cast %get3A_103 : vector<1x2048x768xbf16> to vector<2048x768xbf16>
    %slice3A_105 = vector.extract_strided_slice %get3A_104 {offsets = [0, 192], sizes = [2048, 96], strides = [1, 1]} : vector<2048x768xbf16> to vector<2048x96xbf16>
    %get3A_106 = arith.constant 0 : index
    %get3A_107 = arith.constant 0 : index
    %get3A_108 = arith.constant 0 : index
    %get3A_109 = vector.load %arg4[%get3A_106, %get3A_107, %get3A_108] : memref<1x2048x768xbf16, #tpu.memory_space<vmem>>, vector<1x2048x768xbf16>
    %get3A_110 = vector.shape_cast %get3A_109 : vector<1x2048x768xbf16> to vector<2048x768xbf16>
    %slice3A_111 = vector.extract_strided_slice %get3A_110 {offsets = [0, 192], sizes = [2048, 96], strides = [1, 1]} : vector<2048x768xbf16> to vector<2048x96xbf16>
    %concatenate3A_112 = tpu.concatenate %slice3A_111, %broadcast_in_dim3A_10 in 1 : vector<2048x96xbf16>, vector<2048x1xbf16> -> vector<2048x97xbf16>
    %dot_general3A_113 = arith.constant dense<0.000000e+00> : vector<256x2048xf32>
    %dot_general3A_114 = tpu.matmul %slice3A_99, %slice3A_105, %dot_general3A_113 {dimension_numbers = #tpu.dot_dimension_numbers<[1], [1], [0], [0], [0, 0, 1, 0], [], []>, transpose_lhs_hint = false} : vector<256x96xbf16>, vector<2048x96xbf16>, vector<256x2048xf32> -> vector<256x2048xf32>
    %reduce_max3A_115 = arith.constant dense<0xFF800000> : vector<256xf32>
    %reduce_max3A_116 = vector.multi_reduction <maximumf>, %dot_general3A_114, %reduce_max3A_115 [1] : vector<256x2048xf32> to vector<256xf32>
    %broadcast_in_dim3A_117 = vector.shape_cast %reduce_max3A_116 : vector<256xf32> to vector<256x1xf32>
    %sub3A_118 = vector.broadcast %broadcast_in_dim3A_117 : vector<256x1xf32> to vector<256x2048xf32>
    %sub3A_119 = arith.subf %dot_general3A_114, %sub3A_118 : vector<256x2048xf32>
    %exp23A_120 = math.exp2 %sub3A_119 : vector<256x2048xf32>
    %convert_element_type3A_121 = arith.truncf %exp23A_120 : vector<256x2048xf32> to vector<256x2048xbf16>
    %dot_general3A_122 = arith.constant dense<0.000000e+00> : vector<256x97xf32>
    %dot_general3A_123 = tpu.matmul %convert_element_type3A_121, %concatenate3A_112, %dot_general3A_122 {dimension_numbers = #tpu.dot_dimension_numbers<[1], [0], [0], [1], [0, 0, 1, 1], [], []>, transpose_lhs_hint = false} : vector<256x2048xbf16>, vector<2048x97xbf16>, vector<256x97xf32> -> vector<256x97xf32>
    %slice3A_124 = vector.extract_strided_slice %dot_general3A_123 {offsets = [0, 0], sizes = [256, 96], strides = [1, 1]} : vector<256x97xf32> to vector<256x96xf32>
    %slice3A_125 = vector.extract_strided_slice %dot_general3A_123 {offsets = [0, 96], sizes = [256, 1], strides = [1, 1]} : vector<256x97xf32> to vector<256x1xf32>
    %div3A_126 = arith.constant 1.000000e+00 : f32
    %div3A_127 = vector.broadcast %div3A_126 : f32 to vector<256x1xf32>
    %div3A_128 = arith.divf %div3A_127, %slice3A_125 : vector<256x1xf32>
    %mul3A_129 = vector.broadcast %div3A_128 : vector<256x1xf32> to vector<256x96xf32>
    %mul3A_130 = arith.mulf %slice3A_124, %mul3A_129 : vector<256x96xf32>
    %get3A_131 = arith.constant 0 : index
    %get3A_132 = arith.constant 0 : index
    %get3A_133 = arith.constant 0 : index
    %get3A_134 = vector.load %arg6[%get3A_131, %get3A_132, %get3A_133] : memref<1x768x768xf32, #tpu.memory_space<vmem>>, vector<1x768x768xf32>
    %get3A_135 = vector.shape_cast %get3A_134 : vector<1x768x768xf32> to vector<768x768xf32>
    %slice3A_136 = vector.extract_strided_slice %get3A_135 {offsets = [192, 0], sizes = [96, 768], strides = [1, 1]} : vector<768x768xf32> to vector<96x768xf32>
    %dot_general3A_137 = arith.constant dense<0.000000e+00> : vector<256x768xf32>
    %dot_general3A_138 = tpu.matmul %mul3A_130, %slice3A_136, %dot_general3A_137 {dimension_numbers = #tpu.dot_dimension_numbers<[1], [0], [0], [1], [0, 0, 1, 1], [], []>, transpose_lhs_hint = false} : vector<256x96xf32>, vector<96x768xf32>, vector<256x768xf32> -> vector<256x768xf32>
    %add3A_139 = arith.addf %add3A_93, %dot_general3A_138 : vector<256x768xf32>
    %get3A_140 = arith.constant 0 : index
    %get3A_141 = arith.constant 0 : index
    %get3A_142 = arith.constant 0 : index
    %get3A_143 = vector.load %arg2[%get3A_140, %get3A_141, %get3A_142] : memref<1x256x768xbf16, #tpu.memory_space<vmem>>, vector<1x256x768xbf16>
    %get3A_144 = vector.shape_cast %get3A_143 : vector<1x256x768xbf16> to vector<256x768xbf16>
    %slice3A_145 = vector.extract_strided_slice %get3A_144 {offsets = [0, 288], sizes = [256, 96], strides = [1, 1]} : vector<256x768xbf16> to vector<256x96xbf16>
    %get3A_146 = arith.constant 0 : index
    %get3A_147 = arith.constant 0 : index
    %get3A_148 = arith.constant 0 : index
    %get3A_149 = vector.load %arg3[%get3A_146, %get3A_147, %get3A_148] : memref<1x2048x768xbf16, #tpu.memory_space<vmem>>, vector<1x2048x768xbf16>
    %get3A_150 = vector.shape_cast %get3A_149 : vector<1x2048x768xbf16> to vector<2048x768xbf16>
    %slice3A_151 = vector.extract_strided_slice %get3A_150 {offsets = [0, 288], sizes = [2048, 96], strides = [1, 1]} : vector<2048x768xbf16> to vector<2048x96xbf16>
    %get3A_152 = arith.constant 0 : index
    %get3A_153 = arith.constant 0 : index
    %get3A_154 = arith.constant 0 : index
    %get3A_155 = vector.load %arg4[%get3A_152, %get3A_153, %get3A_154] : memref<1x2048x768xbf16, #tpu.memory_space<vmem>>, vector<1x2048x768xbf16>
    %get3A_156 = vector.shape_cast %get3A_155 : vector<1x2048x768xbf16> to vector<2048x768xbf16>
    %slice3A_157 = vector.extract_strided_slice %get3A_156 {offsets = [0, 288], sizes = [2048, 96], strides = [1, 1]} : vector<2048x768xbf16> to vector<2048x96xbf16>
    %concatenate3A_158 = tpu.concatenate %slice3A_157, %broadcast_in_dim3A_10 in 1 : vector<2048x96xbf16>, vector<2048x1xbf16> -> vector<2048x97xbf16>
    %dot_general3A_159 = arith.constant dense<0.000000e+00> : vector<256x2048xf32>
    %dot_general3A_160 = tpu.matmul %slice3A_145, %slice3A_151, %dot_general3A_159 {dimension_numbers = #tpu.dot_dimension_numbers<[1], [1], [0], [0], [0, 0, 1, 0], [], []>, transpose_lhs_hint = false} : vector<256x96xbf16>, vector<2048x96xbf16>, vector<256x2048xf32> -> vector<256x2048xf32>
    %reduce_max3A_161 = arith.constant dense<0xFF800000> : vector<256xf32>
    %reduce_max3A_162 = vector.multi_reduction <maximumf>, %dot_general3A_160, %reduce_max3A_161 [1] : vector<256x2048xf32> to vector<256xf32>
    %broadcast_in_dim3A_163 = vector.shape_cast %reduce_max3A_162 : vector<256xf32> to vector<256x1xf32>
    %sub3A_164 = vector.broadcast %broadcast_in_dim3A_163 : vector<256x1xf32> to vector<256x2048xf32>
    %sub3A_165 = arith.subf %dot_general3A_160, %sub3A_164 : vector<256x2048xf32>
    %exp23A_166 = math.exp2 %sub3A_165 : vector<256x2048xf32>
    %convert_element_type3A_167 = arith.truncf %exp23A_166 : vector<256x2048xf32> to vector<256x2048xbf16>
    %dot_general3A_168 = arith.constant dense<0.000000e+00> : vector<256x97xf32>
    %dot_general3A_169 = tpu.matmul %convert_element_type3A_167, %concatenate3A_158, %dot_general3A_168 {dimension_numbers = #tpu.dot_dimension_numbers<[1], [0], [0], [1], [0, 0, 1, 1], [], []>, transpose_lhs_hint = false} : vector<256x2048xbf16>, vector<2048x97xbf16>, vector<256x97xf32> -> vector<256x97xf32>
    %slice3A_170 = vector.extract_strided_slice %dot_general3A_169 {offsets = [0, 0], sizes = [256, 96], strides = [1, 1]} : vector<256x97xf32> to vector<256x96xf32>
    %slice3A_171 = vector.extract_strided_slice %dot_general3A_169 {offsets = [0, 96], sizes = [256, 1], strides = [1, 1]} : vector<256x97xf32> to vector<256x1xf32>
    %div3A_172 = arith.constant 1.000000e+00 : f32
    %div3A_173 = vector.broadcast %div3A_172 : f32 to vector<256x1xf32>
    %div3A_174 = arith.divf %div3A_173, %slice3A_171 : vector<256x1xf32>
    %mul3A_175 = vector.broadcast %div3A_174 : vector<256x1xf32> to vector<256x96xf32>
    %mul3A_176 = arith.mulf %slice3A_170, %mul3A_175 : vector<256x96xf32>
    %get3A_177 = arith.constant 0 : index
    %get3A_178 = arith.constant 0 : index
    %get3A_179 = arith.constant 0 : index
    %get3A_180 = vector.load %arg6[%get3A_177, %get3A_178, %get3A_179] : memref<1x768x768xf32, #tpu.memory_space<vmem>>, vector<1x768x768xf32>
    %get3A_181 = vector.shape_cast %get3A_180 : vector<1x768x768xf32> to vector<768x768xf32>
    %slice3A_182 = vector.extract_strided_slice %get3A_181 {offsets = [288, 0], sizes = [96, 768], strides = [1, 1]} : vector<768x768xf32> to vector<96x768xf32>
    %dot_general3A_183 = arith.constant dense<0.000000e+00> : vector<256x768xf32>
    %dot_general3A_184 = tpu.matmul %mul3A_176, %slice3A_182, %dot_general3A_183 {dimension_numbers = #tpu.dot_dimension_numbers<[1], [0], [0], [1], [0, 0, 1, 1], [], []>, transpose_lhs_hint = false} : vector<256x96xf32>, vector<96x768xf32>, vector<256x768xf32> -> vector<256x768xf32>
    %add3A_185 = arith.addf %add3A_139, %dot_general3A_184 : vector<256x768xf32>
    %get3A_186 = arith.constant 0 : index
    %get3A_187 = arith.constant 0 : index
    %get3A_188 = arith.constant 0 : index
    %get3A_189 = vector.load %arg2[%get3A_186, %get3A_187, %get3A_188] : memref<1x256x768xbf16, #tpu.memory_space<vmem>>, vector<1x256x768xbf16>
    %get3A_190 = vector.shape_cast %get3A_189 : vector<1x256x768xbf16> to vector<256x768xbf16>
    %slice3A_191 = vector.extract_strided_slice %get3A_190 {offsets = [0, 384], sizes = [256, 96], strides = [1, 1]} : vector<256x768xbf16> to vector<256x96xbf16>
    %get3A_192 = arith.constant 0 : index
    %get3A_193 = arith.constant 0 : index
    %get3A_194 = arith.constant 0 : index
    %get3A_195 = vector.load %arg3[%get3A_192, %get3A_193, %get3A_194] : memref<1x2048x768xbf16, #tpu.memory_space<vmem>>, vector<1x2048x768xbf16>
    %get3A_196 = vector.shape_cast %get3A_195 : vector<1x2048x768xbf16> to vector<2048x768xbf16>
    %slice3A_197 = vector.extract_strided_slice %get3A_196 {offsets = [0, 384], sizes = [2048, 96], strides = [1, 1]} : vector<2048x768xbf16> to vector<2048x96xbf16>
    %get3A_198 = arith.constant 0 : index
    %get3A_199 = arith.constant 0 : index
    %get3A_200 = arith.constant 0 : index
    %get3A_201 = vector.load %arg4[%get3A_198, %get3A_199, %get3A_200] : memref<1x2048x768xbf16, #tpu.memory_space<vmem>>, vector<1x2048x768xbf16>
    %get3A_202 = vector.shape_cast %get3A_201 : vector<1x2048x768xbf16> to vector<2048x768xbf16>
    %slice3A_203 = vector.extract_strided_slice %get3A_202 {offsets = [0, 384], sizes = [2048, 96], strides = [1, 1]} : vector<2048x768xbf16> to vector<2048x96xbf16>
    %concatenate3A_204 = tpu.concatenate %slice3A_203, %broadcast_in_dim3A_10 in 1 : vector<2048x96xbf16>, vector<2048x1xbf16> -> vector<2048x97xbf16>
    %dot_general3A_205 = arith.constant dense<0.000000e+00> : vector<256x2048xf32>
    %dot_general3A_206 = tpu.matmul %slice3A_191, %slice3A_197, %dot_general3A_205 {dimension_numbers = #tpu.dot_dimension_numbers<[1], [1], [0], [0], [0, 0, 1, 0], [], []>, transpose_lhs_hint = false} : vector<256x96xbf16>, vector<2048x96xbf16>, vector<256x2048xf32> -> vector<256x2048xf32>
    %reduce_max3A_207 = arith.constant dense<0xFF800000> : vector<256xf32>
    %reduce_max3A_208 = vector.multi_reduction <maximumf>, %dot_general3A_206, %reduce_max3A_207 [1] : vector<256x2048xf32> to vector<256xf32>
    %broadcast_in_dim3A_209 = vector.shape_cast %reduce_max3A_208 : vector<256xf32> to vector<256x1xf32>
    %sub3A_210 = vector.broadcast %broadcast_in_dim3A_209 : vector<256x1xf32> to vector<256x2048xf32>
    %sub3A_211 = arith.subf %dot_general3A_206, %sub3A_210 : vector<256x2048xf32>
    %exp23A_212 = math.exp2 %sub3A_211 : vector<256x2048xf32>
    %convert_element_type3A_213 = arith.truncf %exp23A_212 : vector<256x2048xf32> to vector<256x2048xbf16>
    %dot_general3A_214 = arith.constant dense<0.000000e+00> : vector<256x97xf32>
    %dot_general3A_215 = tpu.matmul %convert_element_type3A_213, %concatenate3A_204, %dot_general3A_214 {dimension_numbers = #tpu.dot_dimension_numbers<[1], [0], [0], [1], [0, 0, 1, 1], [], []>, transpose_lhs_hint = false} : vector<256x2048xbf16>, vector<2048x97xbf16>, vector<256x97xf32> -> vector<256x97xf32>
    %slice3A_216 = vector.extract_strided_slice %dot_general3A_215 {offsets = [0, 0], sizes = [256, 96], strides = [1, 1]} : vector<256x97xf32> to vector<256x96xf32>
    %slice3A_217 = vector.extract_strided_slice %dot_general3A_215 {offsets = [0, 96], sizes = [256, 1], strides = [1, 1]} : vector<256x97xf32> to vector<256x1xf32>
    %div3A_218 = arith.constant 1.000000e+00 : f32
    %div3A_219 = vector.broadcast %div3A_218 : f32 to vector<256x1xf32>
    %div3A_220 = arith.divf %div3A_219, %slice3A_217 : vector<256x1xf32>
    %mul3A_221 = vector.broadcast %div3A_220 : vector<256x1xf32> to vector<256x96xf32>
    %mul3A_222 = arith.mulf %slice3A_216, %mul3A_221 : vector<256x96xf32>
    %get3A_223 = arith.constant 0 : index
    %get3A_224 = arith.constant 0 : index
    %get3A_225 = arith.constant 0 : index
    %get3A_226 = vector.load %arg6[%get3A_223, %get3A_224, %get3A_225] : memref<1x768x768xf32, #tpu.memory_space<vmem>>, vector<1x768x768xf32>
    %get3A_227 = vector.shape_cast %get3A_226 : vector<1x768x768xf32> to vector<768x768xf32>
    %slice3A_228 = vector.extract_strided_slice %get3A_227 {offsets = [384, 0], sizes = [96, 768], strides = [1, 1]} : vector<768x768xf32> to vector<96x768xf32>
    %dot_general3A_229 = arith.constant dense<0.000000e+00> : vector<256x768xf32>
    %dot_general3A_230 = tpu.matmul %mul3A_222, %slice3A_228, %dot_general3A_229 {dimension_numbers = #tpu.dot_dimension_numbers<[1], [0], [0], [1], [0, 0, 1, 1], [], []>, transpose_lhs_hint = false} : vector<256x96xf32>, vector<96x768xf32>, vector<256x768xf32> -> vector<256x768xf32>
    %add3A_231 = arith.addf %add3A_185, %dot_general3A_230 : vector<256x768xf32>
    %get3A_232 = arith.constant 0 : index
    %get3A_233 = arith.constant 0 : index
    %get3A_234 = arith.constant 0 : index
    %get3A_235 = vector.load %arg2[%get3A_232, %get3A_233, %get3A_234] : memref<1x256x768xbf16, #tpu.memory_space<vmem>>, vector<1x256x768xbf16>
    %get3A_236 = vector.shape_cast %get3A_235 : vector<1x256x768xbf16> to vector<256x768xbf16>
    %slice3A_237 = vector.extract_strided_slice %get3A_236 {offsets = [0, 480], sizes = [256, 96], strides = [1, 1]} : vector<256x768xbf16> to vector<256x96xbf16>
    %get3A_238 = arith.constant 0 : index
    %get3A_239 = arith.constant 0 : index
    %get3A_240 = arith.constant 0 : index
    %get3A_241 = vector.load %arg3[%get3A_238, %get3A_239, %get3A_240] : memref<1x2048x768xbf16, #tpu.memory_space<vmem>>, vector<1x2048x768xbf16>
    %get3A_242 = vector.shape_cast %get3A_241 : vector<1x2048x768xbf16> to vector<2048x768xbf16>
    %slice3A_243 = vector.extract_strided_slice %get3A_242 {offsets = [0, 480], sizes = [2048, 96], strides = [1, 1]} : vector<2048x768xbf16> to vector<2048x96xbf16>
    %get3A_244 = arith.constant 0 : index
    %get3A_245 = arith.constant 0 : index
    %get3A_246 = arith.constant 0 : index
    %get3A_247 = vector.load %arg4[%get3A_244, %get3A_245, %get3A_246] : memref<1x2048x768xbf16, #tpu.memory_space<vmem>>, vector<1x2048x768xbf16>
    %get3A_248 = vector.shape_cast %get3A_247 : vector<1x2048x768xbf16> to vector<2048x768xbf16>
    %slice3A_249 = vector.extract_strided_slice %get3A_248 {offsets = [0, 480], sizes = [2048, 96], strides = [1, 1]} : vector<2048x768xbf16> to vector<2048x96xbf16>
    %concatenate3A_250 = tpu.concatenate %slice3A_249, %broadcast_in_dim3A_10 in 1 : vector<2048x96xbf16>, vector<2048x1xbf16> -> vector<2048x97xbf16>
    %dot_general3A_251 = arith.constant dense<0.000000e+00> : vector<256x2048xf32>
    %dot_general3A_252 = tpu.matmul %slice3A_237, %slice3A_243, %dot_general3A_251 {dimension_numbers = #tpu.dot_dimension_numbers<[1], [1], [0], [0], [0, 0, 1, 0], [], []>, transpose_lhs_hint = false} : vector<256x96xbf16>, vector<2048x96xbf16>, vector<256x2048xf32> -> vector<256x2048xf32>
    %reduce_max3A_253 = arith.constant dense<0xFF800000> : vector<256xf32>
    %reduce_max3A_254 = vector.multi_reduction <maximumf>, %dot_general3A_252, %reduce_max3A_253 [1] : vector<256x2048xf32> to vector<256xf32>
    %broadcast_in_dim3A_255 = vector.shape_cast %reduce_max3A_254 : vector<256xf32> to vector<256x1xf32>
    %sub3A_256 = vector.broadcast %broadcast_in_dim3A_255 : vector<256x1xf32> to vector<256x2048xf32>
    %sub3A_257 = arith.subf %dot_general3A_252, %sub3A_256 : vector<256x2048xf32>
    %exp23A_258 = math.exp2 %sub3A_257 : vector<256x2048xf32>
    %convert_element_type3A_259 = arith.truncf %exp23A_258 : vector<256x2048xf32> to vector<256x2048xbf16>
    %dot_general3A_260 = arith.constant dense<0.000000e+00> : vector<256x97xf32>
    %dot_general3A_261 = tpu.matmul %convert_element_type3A_259, %concatenate3A_250, %dot_general3A_260 {dimension_numbers = #tpu.dot_dimension_numbers<[1], [0], [0], [1], [0, 0, 1, 1], [], []>, transpose_lhs_hint = false} : vector<256x2048xbf16>, vector<2048x97xbf16>, vector<256x97xf32> -> vector<256x97xf32>
    %slice3A_262 = vector.extract_strided_slice %dot_general3A_261 {offsets = [0, 0], sizes = [256, 96], strides = [1, 1]} : vector<256x97xf32> to vector<256x96xf32>
    %slice3A_263 = vector.extract_strided_slice %dot_general3A_261 {offsets = [0, 96], sizes = [256, 1], strides = [1, 1]} : vector<256x97xf32> to vector<256x1xf32>
    %div3A_264 = arith.constant 1.000000e+00 : f32
    %div3A_265 = vector.broadcast %div3A_264 : f32 to vector<256x1xf32>
    %div3A_266 = arith.divf %div3A_265, %slice3A_263 : vector<256x1xf32>
    %mul3A_267 = vector.broadcast %div3A_266 : vector<256x1xf32> to vector<256x96xf32>
    %mul3A_268 = arith.mulf %slice3A_262, %mul3A_267 : vector<256x96xf32>
    %get3A_269 = arith.constant 0 : index
    %get3A_270 = arith.constant 0 : index
    %get3A_271 = arith.constant 0 : index
    %get3A_272 = vector.load %arg6[%get3A_269, %get3A_270, %get3A_271] : memref<1x768x768xf32, #tpu.memory_space<vmem>>, vector<1x768x768xf32>
    %get3A_273 = vector.shape_cast %get3A_272 : vector<1x768x768xf32> to vector<768x768xf32>
    %slice3A_274 = vector.extract_strided_slice %get3A_273 {offsets = [480, 0], sizes = [96, 768], strides = [1, 1]} : vector<768x768xf32> to vector<96x768xf32>
    %dot_general3A_275 = arith.constant dense<0.000000e+00> : vector<256x768xf32>
    %dot_general3A_276 = tpu.matmul %mul3A_268, %slice3A_274, %dot_general3A_275 {dimension_numbers = #tpu.dot_dimension_numbers<[1], [0], [0], [1], [0, 0, 1, 1], [], []>, transpose_lhs_hint = false} : vector<256x96xf32>, vector<96x768xf32>, vector<256x768xf32> -> vector<256x768xf32>
    %add3A_277 = arith.addf %add3A_231, %dot_general3A_276 : vector<256x768xf32>
    %get3A_278 = arith.constant 0 : index
    %get3A_279 = arith.constant 0 : index
    %get3A_280 = arith.constant 0 : index
    %get3A_281 = vector.load %arg2[%get3A_278, %get3A_279, %get3A_280] : memref<1x256x768xbf16, #tpu.memory_space<vmem>>, vector<1x256x768xbf16>
    %get3A_282 = vector.shape_cast %get3A_281 : vector<1x256x768xbf16> to vector<256x768xbf16>
    %slice3A_283 = vector.extract_strided_slice %get3A_282 {offsets = [0, 576], sizes = [256, 96], strides = [1, 1]} : vector<256x768xbf16> to vector<256x96xbf16>
    %get3A_284 = arith.constant 0 : index
    %get3A_285 = arith.constant 0 : index
    %get3A_286 = arith.constant 0 : index
    %get3A_287 = vector.load %arg3[%get3A_284, %get3A_285, %get3A_286] : memref<1x2048x768xbf16, #tpu.memory_space<vmem>>, vector<1x2048x768xbf16>
    %get3A_288 = vector.shape_cast %get3A_287 : vector<1x2048x768xbf16> to vector<2048x768xbf16>
    %slice3A_289 = vector.extract_strided_slice %get3A_288 {offsets = [0, 576], sizes = [2048, 96], strides = [1, 1]} : vector<2048x768xbf16> to vector<2048x96xbf16>
    %get3A_290 = arith.constant 0 : index
    %get3A_291 = arith.constant 0 : index
    %get3A_292 = arith.constant 0 : index
    %get3A_293 = vector.load %arg4[%get3A_290, %get3A_291, %get3A_292] : memref<1x2048x768xbf16, #tpu.memory_space<vmem>>, vector<1x2048x768xbf16>
    %get3A_294 = vector.shape_cast %get3A_293 : vector<1x2048x768xbf16> to vector<2048x768xbf16>
    %slice3A_295 = vector.extract_strided_slice %get3A_294 {offsets = [0, 576], sizes = [2048, 96], strides = [1, 1]} : vector<2048x768xbf16> to vector<2048x96xbf16>
    %concatenate3A_296 = tpu.concatenate %slice3A_295, %broadcast_in_dim3A_10 in 1 : vector<2048x96xbf16>, vector<2048x1xbf16> -> vector<2048x97xbf16>
    %dot_general3A_297 = arith.constant dense<0.000000e+00> : vector<256x2048xf32>
    %dot_general3A_298 = tpu.matmul %slice3A_283, %slice3A_289, %dot_general3A_297 {dimension_numbers = #tpu.dot_dimension_numbers<[1], [1], [0], [0], [0, 0, 1, 0], [], []>, transpose_lhs_hint = false} : vector<256x96xbf16>, vector<2048x96xbf16>, vector<256x2048xf32> -> vector<256x2048xf32>
    %reduce_max3A_299 = arith.constant dense<0xFF800000> : vector<256xf32>
    %reduce_max3A_300 = vector.multi_reduction <maximumf>, %dot_general3A_298, %reduce_max3A_299 [1] : vector<256x2048xf32> to vector<256xf32>
    %broadcast_in_dim3A_301 = vector.shape_cast %reduce_max3A_300 : vector<256xf32> to vector<256x1xf32>
    %sub3A_302 = vector.broadcast %broadcast_in_dim3A_301 : vector<256x1xf32> to vector<256x2048xf32>
    %sub3A_303 = arith.subf %dot_general3A_298, %sub3A_302 : vector<256x2048xf32>
    %exp23A_304 = math.exp2 %sub3A_303 : vector<256x2048xf32>
    %convert_element_type3A_305 = arith.truncf %exp23A_304 : vector<256x2048xf32> to vector<256x2048xbf16>
    %dot_general3A_306 = arith.constant dense<0.000000e+00> : vector<256x97xf32>
    %dot_general3A_307 = tpu.matmul %convert_element_type3A_305, %concatenate3A_296, %dot_general3A_306 {dimension_numbers = #tpu.dot_dimension_numbers<[1], [0], [0], [1], [0, 0, 1, 1], [], []>, transpose_lhs_hint = false} : vector<256x2048xbf16>, vector<2048x97xbf16>, vector<256x97xf32> -> vector<256x97xf32>
    %slice3A_308 = vector.extract_strided_slice %dot_general3A_307 {offsets = [0, 0], sizes = [256, 96], strides = [1, 1]} : vector<256x97xf32> to vector<256x96xf32>
    %slice3A_309 = vector.extract_strided_slice %dot_general3A_307 {offsets = [0, 96], sizes = [256, 1], strides = [1, 1]} : vector<256x97xf32> to vector<256x1xf32>
    %div3A_310 = arith.constant 1.000000e+00 : f32
    %div3A_311 = vector.broadcast %div3A_310 : f32 to vector<256x1xf32>
    %div3A_312 = arith.divf %div3A_311, %slice3A_309 : vector<256x1xf32>
    %mul3A_313 = vector.broadcast %div3A_312 : vector<256x1xf32> to vector<256x96xf32>
    %mul3A_314 = arith.mulf %slice3A_308, %mul3A_313 : vector<256x96xf32>
    %get3A_315 = arith.constant 0 : index
    %get3A_316 = arith.constant 0 : index
    %get3A_317 = arith.constant 0 : index
    %get3A_318 = vector.load %arg6[%get3A_315, %get3A_316, %get3A_317] : memref<1x768x768xf32, #tpu.memory_space<vmem>>, vector<1x768x768xf32>
    %get3A_319 = vector.shape_cast %get3A_318 : vector<1x768x768xf32> to vector<768x768xf32>
    %slice3A_320 = vector.extract_strided_slice %get3A_319 {offsets = [576, 0], sizes = [96, 768], strides = [1, 1]} : vector<768x768xf32> to vector<96x768xf32>
    %dot_general3A_321 = arith.constant dense<0.000000e+00> : vector<256x768xf32>
    %dot_general3A_322 = tpu.matmul %mul3A_314, %slice3A_320, %dot_general3A_321 {dimension_numbers = #tpu.dot_dimension_numbers<[1], [0], [0], [1], [0, 0, 1, 1], [], []>, transpose_lhs_hint = false} : vector<256x96xf32>, vector<96x768xf32>, vector<256x768xf32> -> vector<256x768xf32>
    %add3A_323 = arith.addf %add3A_277, %dot_general3A_322 : vector<256x768xf32>
    %get3A_324 = arith.constant 0 : index
    %get3A_325 = arith.constant 0 : index
    %get3A_326 = arith.constant 0 : index
    %get3A_327 = vector.load %arg2[%get3A_324, %get3A_325, %get3A_326] : memref<1x256x768xbf16, #tpu.memory_space<vmem>>, vector<1x256x768xbf16>
    %get3A_328 = vector.shape_cast %get3A_327 : vector<1x256x768xbf16> to vector<256x768xbf16>
    %slice3A_329 = vector.extract_strided_slice %get3A_328 {offsets = [0, 672], sizes = [256, 96], strides = [1, 1]} : vector<256x768xbf16> to vector<256x96xbf16>
    %get3A_330 = arith.constant 0 : index
    %get3A_331 = arith.constant 0 : index
    %get3A_332 = arith.constant 0 : index
    %get3A_333 = vector.load %arg3[%get3A_330, %get3A_331, %get3A_332] : memref<1x2048x768xbf16, #tpu.memory_space<vmem>>, vector<1x2048x768xbf16>
    %get3A_334 = vector.shape_cast %get3A_333 : vector<1x2048x768xbf16> to vector<2048x768xbf16>
    %slice3A_335 = vector.extract_strided_slice %get3A_334 {offsets = [0, 672], sizes = [2048, 96], strides = [1, 1]} : vector<2048x768xbf16> to vector<2048x96xbf16>
    %get3A_336 = arith.constant 0 : index
    %get3A_337 = arith.constant 0 : index
    %get3A_338 = arith.constant 0 : index
    %get3A_339 = vector.load %arg4[%get3A_336, %get3A_337, %get3A_338] : memref<1x2048x768xbf16, #tpu.memory_space<vmem>>, vector<1x2048x768xbf16>
    %get3A_340 = vector.shape_cast %get3A_339 : vector<1x2048x768xbf16> to vector<2048x768xbf16>
    %slice3A_341 = vector.extract_strided_slice %get3A_340 {offsets = [0, 672], sizes = [2048, 96], strides = [1, 1]} : vector<2048x768xbf16> to vector<2048x96xbf16>
    %concatenate3A_342 = tpu.concatenate %slice3A_341, %broadcast_in_dim3A_10 in 1 : vector<2048x96xbf16>, vector<2048x1xbf16> -> vector<2048x97xbf16>
    %dot_general3A_343 = arith.constant dense<0.000000e+00> : vector<256x2048xf32>
    %dot_general3A_344 = tpu.matmul %slice3A_329, %slice3A_335, %dot_general3A_343 {dimension_numbers = #tpu.dot_dimension_numbers<[1], [1], [0], [0], [0, 0, 1, 0], [], []>, transpose_lhs_hint = false} : vector<256x96xbf16>, vector<2048x96xbf16>, vector<256x2048xf32> -> vector<256x2048xf32>
    %reduce_max3A_345 = arith.constant dense<0xFF800000> : vector<256xf32>
    %reduce_max3A_346 = vector.multi_reduction <maximumf>, %dot_general3A_344, %reduce_max3A_345 [1] : vector<256x2048xf32> to vector<256xf32>
    %broadcast_in_dim3A_347 = vector.shape_cast %reduce_max3A_346 : vector<256xf32> to vector<256x1xf32>
    %sub3A_348 = vector.broadcast %broadcast_in_dim3A_347 : vector<256x1xf32> to vector<256x2048xf32>
    %sub3A_349 = arith.subf %dot_general3A_344, %sub3A_348 : vector<256x2048xf32>
    %exp23A_350 = math.exp2 %sub3A_349 : vector<256x2048xf32>
    %convert_element_type3A_351 = arith.truncf %exp23A_350 : vector<256x2048xf32> to vector<256x2048xbf16>
    %dot_general3A_352 = arith.constant dense<0.000000e+00> : vector<256x97xf32>
    %dot_general3A_353 = tpu.matmul %convert_element_type3A_351, %concatenate3A_342, %dot_general3A_352 {dimension_numbers = #tpu.dot_dimension_numbers<[1], [0], [0], [1], [0, 0, 1, 1], [], []>, transpose_lhs_hint = false} : vector<256x2048xbf16>, vector<2048x97xbf16>, vector<256x97xf32> -> vector<256x97xf32>
    %slice3A_354 = vector.extract_strided_slice %dot_general3A_353 {offsets = [0, 0], sizes = [256, 96], strides = [1, 1]} : vector<256x97xf32> to vector<256x96xf32>
    %slice3A_355 = vector.extract_strided_slice %dot_general3A_353 {offsets = [0, 96], sizes = [256, 1], strides = [1, 1]} : vector<256x97xf32> to vector<256x1xf32>
    %div3A_356 = arith.constant 1.000000e+00 : f32
    %div3A_357 = vector.broadcast %div3A_356 : f32 to vector<256x1xf32>
    %div3A_358 = arith.divf %div3A_357, %slice3A_355 : vector<256x1xf32>
    %mul3A_359 = vector.broadcast %div3A_358 : vector<256x1xf32> to vector<256x96xf32>
    %mul3A_360 = arith.mulf %slice3A_354, %mul3A_359 : vector<256x96xf32>
    %get3A_361 = arith.constant 0 : index
    %get3A_362 = arith.constant 0 : index
    %get3A_363 = arith.constant 0 : index
    %get3A_364 = vector.load %arg6[%get3A_361, %get3A_362, %get3A_363] : memref<1x768x768xf32, #tpu.memory_space<vmem>>, vector<1x768x768xf32>
    %get3A_365 = vector.shape_cast %get3A_364 : vector<1x768x768xf32> to vector<768x768xf32>
    %slice3A_366 = vector.extract_strided_slice %get3A_365 {offsets = [672, 0], sizes = [96, 768], strides = [1, 1]} : vector<768x768xf32> to vector<96x768xf32>
    %dot_general3A_367 = arith.constant dense<0.000000e+00> : vector<256x768xf32>
    %dot_general3A_368 = tpu.matmul %mul3A_360, %slice3A_366, %dot_general3A_367 {dimension_numbers = #tpu.dot_dimension_numbers<[1], [0], [0], [1], [0, 0, 1, 1], [], []>, transpose_lhs_hint = false} : vector<256x96xf32>, vector<96x768xf32>, vector<256x768xf32> -> vector<256x768xf32>
    %add3A_369 = arith.addf %add3A_323, %dot_general3A_368 : vector<256x768xf32>
    %swap3A = arith.constant 0 : index
    %swap3A_370 = arith.constant 0 : index
    %swap3A_371 = arith.constant 0 : index
    %swap3A_372 = vector.load %arg8[%swap3A, %swap3A_370, %swap3A_371] : memref<1x256x768xf32, #tpu.memory_space<vmem>>, vector<1x256x768xf32>
    %swap3A_373 = vector.shape_cast %swap3A_372 : vector<1x256x768xf32> to vector<256x768xf32>
    %swap3A_374 = vector.shape_cast %add3A_369 : vector<256x768xf32> to vector<1x256x768xf32>
    tpu.vector_store %arg8[%swap3A, %swap3A_370, %swap3A_371], %swap3A_374 {strides = array<i32>} : memref<1x256x768xf32, #tpu.memory_space<vmem>>, vector<1x256x768xf32>,
    return
  }
  func.func @transform_0(%arg0: i32, %arg1: i32) -> (i32, i32, i32) {
    %c0_i32 = arith.constant 0 : i32
    %c0_i32_0 = arith.constant 0 : i32
    return %arg0, %arg1, %c0_i32 : i32, i32, i32
  }
  func.func @transform_1(%arg0: i32, %arg1: i32) -> (i32, i32, i32) {
    %c0_i32 = arith.constant 0 : i32
    %c0_i32_0 = arith.constant 0 : i32
    %c0_i32_1 = arith.constant 0 : i32
    return %arg0, %c0_i32, %c0_i32_0 : i32, i32, i32
  }
  func.func @transform_2(%arg0: i32, %arg1: i32) -> (i32, i32, i32) {
    %c0_i32 = arith.constant 0 : i32
    %c0_i32_0 = arith.constant 0 : i32
    %c0_i32_1 = arith.constant 0 : i32
    return %arg0, %c0_i32, %c0_i32_0 : i32, i32, i32
  }
  func.func @transform_3(%arg0: i32, %arg1: i32) -> (i32, i32, i32) {
    %c0_i32 = arith.constant 0 : i32
    %c0_i32_0 = arith.constant 0 : i32
    return %arg0, %arg1, %c0_i32 : i32, i32, i32
  }
  func.func @transform_4(%arg0: i32, %arg1: i32) -> (i32, i32, i32) {
    %c0_i32 = arith.constant 0 : i32
    %c0_i32_0 = arith.constant 0 : i32
    %c0_i32_1 = arith.constant 0 : i32
    %c0_i32_2 = arith.constant 0 : i32
    return %c0_i32, %c0_i32_0, %c0_i32_1 : i32, i32, i32
  }
  func.func @transform_5(%arg0: i32, %arg1: i32) -> (i32, i32, i32) {
    %c0_i32 = arith.constant 0 : i32
    %c0_i32_0 = arith.constant 0 : i32
    %c0_i32_1 = arith.constant 0 : i32
    %c0_i32_2 = arith.constant 0 : i32
    return %c0_i32, %c0_i32_0, %c0_i32_1 : i32, i32, i32
  }
  func.func @transform_6(%arg0: i32, %arg1: i32) -> (i32, i32, i32) {
    %c0_i32 = arith.constant 0 : i32
    %c0_i32_0 = arith.constant 0 : i32
    return %arg0, %arg1, %c0_i32 : i32, i32, i32
  }
}

module attributes {stable_mosaic.version = 14 : i64} {
  func.func @body(%arg0: i32, %arg1: i32, %arg2: memref<1x512x768xf32, #tpu.memory_space<vmem>>, %arg3: memref<1x768x768xf32, #tpu.memory_space<vmem>>, %arg4: memref<1x768x768xf32, #tpu.memory_space<vmem>>, %arg5: memref<1x768x768xf32, #tpu.memory_space<vmem>>, %arg6: memref<1x1x768xf32, #tpu.memory_space<vmem>>, %arg7: memref<1x1x768xf32, #tpu.memory_space<vmem>>, %arg8: memref<1x1x768xf32, #tpu.memory_space<vmem>>, %arg9: memref<1x1x768xf32, #tpu.memory_space<vmem>>, %arg10: memref<1x1x768xf32, #tpu.memory_space<vmem>>, %arg11: memref<1x512x768xbf16, #tpu.memory_space<vmem>>, %arg12: memref<1x512x768xbf16, #tpu.memory_space<vmem>>, %arg13: memref<1x512x768xbf16, #tpu.memory_space<vmem>>) attributes {dimension_semantics = [#tpu.dimension_semantics<parallel>, #tpu.dimension_semantics<parallel>], iteration_bounds = array<i64: 2, 4>, scalar_prefetch = 0 : i64, scratch_operands = 0 : i64, tpu.core_type = #tpu.core_type<tc>, window_params = [{transform_indices = @transform_0, window_bounds = array<i64: 1, 512, 768>}, {transform_indices = @transform_1, window_bounds = array<i64: 1, 768, 768>}, {transform_indices = @transform_2, window_bounds = array<i64: 1, 768, 768>}, {transform_indices = @transform_3, window_bounds = array<i64: 1, 768, 768>}, {transform_indices = @transform_4, window_bounds = array<i64: 1, 1, 768>}, {transform_indices = @transform_5, window_bounds = array<i64: 1, 1, 768>}, {transform_indices = @transform_6, window_bounds = array<i64: 1, 1, 768>}, {transform_indices = @transform_7, window_bounds = array<i64: 1, 1, 768>}, {transform_indices = @transform_8, window_bounds = array<i64: 1, 1, 768>}, {transform_indices = @transform_9, window_bounds = array<i64: 1, 512, 768>}, {transform_indices = @transform_10, window_bounds = array<i64: 1, 512, 768>}, {transform_indices = @transform_11, window_bounds = array<i64: 1, 512, 768>}]} {
    %get3A = arith.constant 0 : index
    %get3A_0 = arith.constant 0 : index
    %get3A_1 = arith.constant 0 : index
    %get3A_2 = vector.load %arg2[%get3A, %get3A_0, %get3A_1] : memref<1x512x768xf32, #tpu.memory_space<vmem>>, vector<1x512x768xf32>
    %get3A_3 = vector.shape_cast %get3A_2 : vector<1x512x768xf32> to vector<512x768xf32>
    %get3A_4 = arith.constant 0 : index
    %get3A_5 = arith.constant 0 : index
    %get3A_6 = arith.constant 0 : index
    %get3A_7 = vector.load %arg9[%get3A_4, %get3A_5, %get3A_6] : memref<1x1x768xf32, #tpu.memory_space<vmem>>, vector<1x1x768xf32>
    %get3A_8 = vector.shape_cast %get3A_7 : vector<1x1x768xf32> to vector<1x768xf32>
    %get3A_9 = arith.constant 0 : index
    %get3A_10 = arith.constant 0 : index
    %get3A_11 = arith.constant 0 : index
    %get3A_12 = vector.load %arg10[%get3A_9, %get3A_10, %get3A_11] : memref<1x1x768xf32, #tpu.memory_space<vmem>>, vector<1x1x768xf32>
    %get3A_13 = vector.shape_cast %get3A_12 : vector<1x1x768xf32> to vector<1x768xf32>
    %reduce_sum3A = arith.constant dense<0.000000e+00> : vector<512xf32>
    %reduce_sum3A_14 = vector.multi_reduction <add>, %get3A_3, %reduce_sum3A [1] : vector<512x768xf32> to vector<512xf32>
    %broadcast_in_dim3A = vector.shape_cast %reduce_sum3A_14 : vector<512xf32> to vector<512x1xf32>
    %div3A = arith.constant 7.680000e+02 : f32
    %div3A_15 = vector.broadcast %div3A : f32 to vector<512x1xf32>
    %div3A_16 = arith.divf %broadcast_in_dim3A, %div3A_15 : vector<512x1xf32>
    %sub3A = vector.broadcast %div3A_16 : vector<512x1xf32> to vector<512x768xf32>
    %sub3A_17 = arith.subf %get3A_3, %sub3A : vector<512x768xf32>
    %integer_pow3A = arith.mulf %sub3A_17, %sub3A_17 : vector<512x768xf32>
    %reduce_sum3A_18 = arith.constant dense<0.000000e+00> : vector<512xf32>
    %reduce_sum3A_19 = vector.multi_reduction <add>, %integer_pow3A, %reduce_sum3A_18 [1] : vector<512x768xf32> to vector<512xf32>
    %broadcast_in_dim3A_20 = vector.shape_cast %reduce_sum3A_19 : vector<512xf32> to vector<512x1xf32>
    %div3A_21 = arith.constant 7.680000e+02 : f32
    %div3A_22 = vector.broadcast %div3A_21 : f32 to vector<512x1xf32>
    %div3A_23 = arith.divf %broadcast_in_dim3A_20, %div3A_22 : vector<512x1xf32>
    %sub3A_24 = vector.broadcast %div3A_16 : vector<512x1xf32> to vector<512x768xf32>
    %sub3A_25 = arith.subf %get3A_3, %sub3A_24 : vector<512x768xf32>
    %add3A = arith.constant 9.99999974E-6 : f32
    %add3A_26 = vector.broadcast %add3A : f32 to vector<512x1xf32>
    %add3A_27 = arith.addf %div3A_23, %add3A_26 : vector<512x1xf32>
    %sqrt3A = math.sqrt %add3A_27 : vector<512x1xf32>
    %div3A_28 = vector.broadcast %sqrt3A : vector<512x1xf32> to vector<512x768xf32>
    %div3A_29 = arith.divf %sub3A_25, %div3A_28 : vector<512x768xf32>
    %mul3A = vector.broadcast %get3A_8 : vector<1x768xf32> to vector<512x768xf32>
    %mul3A_30 = arith.mulf %div3A_29, %mul3A : vector<512x768xf32>
    %add3A_31 = vector.broadcast %get3A_13 : vector<1x768xf32> to vector<512x768xf32>
    %add3A_32 = arith.addf %mul3A_30, %add3A_31 : vector<512x768xf32>
    %get3A_33 = arith.constant 0 : index
    %get3A_34 = arith.constant 0 : index
    %get3A_35 = arith.constant 0 : index
    %get3A_36 = vector.load %arg3[%get3A_33, %get3A_34, %get3A_35] : memref<1x768x768xf32, #tpu.memory_space<vmem>>, vector<1x768x768xf32>
    %get3A_37 = vector.shape_cast %get3A_36 : vector<1x768x768xf32> to vector<768x768xf32>
    %dot_general3A = arith.constant dense<0.000000e+00> : vector<512x768xf32>
    %dot_general3A_38 = tpu.matmul %add3A_32, %get3A_37, %dot_general3A {dimension_numbers = #tpu.dot_dimension_numbers<[1], [0], [0], [1], [0, 0, 1, 1], [], []>, transpose_lhs_hint = false} : vector<512x768xf32>, vector<768x768xf32>, vector<512x768xf32> -> vector<512x768xf32>
    %get3A_39 = arith.constant 0 : index
    %get3A_40 = arith.constant 0 : index
    %get3A_41 = arith.constant 0 : index
    %get3A_42 = vector.load %arg6[%get3A_39, %get3A_40, %get3A_41] : memref<1x1x768xf32, #tpu.memory_space<vmem>>, vector<1x1x768xf32>
    %get3A_43 = vector.shape_cast %get3A_42 : vector<1x1x768xf32> to vector<1x768xf32>
    %add3A_44 = vector.broadcast %get3A_43 : vector<1x768xf32> to vector<512x768xf32>
    %add3A_45 = arith.addf %dot_general3A_38, %add3A_44 : vector<512x768xf32>
    %convert_element_type3A = arith.truncf %add3A_45 : vector<512x768xf32> to vector<512x768xbf16>
    %swap3A = arith.constant 0 : index
    %swap3A_46 = arith.constant 0 : index
    %swap3A_47 = arith.constant 0 : index
    %swap3A_48 = vector.load %arg11[%swap3A, %swap3A_46, %swap3A_47] : memref<1x512x768xbf16, #tpu.memory_space<vmem>>, vector<1x512x768xbf16>
    %swap3A_49 = vector.shape_cast %swap3A_48 : vector<1x512x768xbf16> to vector<512x768xbf16>
    %swap3A_50 = vector.shape_cast %convert_element_type3A : vector<512x768xbf16> to vector<1x512x768xbf16>
    tpu.vector_store %arg11[%swap3A, %swap3A_46, %swap3A_47], %swap3A_50 {strides = array<i32>} : memref<1x512x768xbf16, #tpu.memory_space<vmem>>, vector<1x512x768xbf16>,
    %get3A_51 = arith.constant 0 : index
    %get3A_52 = arith.constant 0 : index
    %get3A_53 = arith.constant 0 : index
    %get3A_54 = vector.load %arg4[%get3A_51, %get3A_52, %get3A_53] : memref<1x768x768xf32, #tpu.memory_space<vmem>>, vector<1x768x768xf32>
    %get3A_55 = vector.shape_cast %get3A_54 : vector<1x768x768xf32> to vector<768x768xf32>
    %dot_general3A_56 = arith.constant dense<0.000000e+00> : vector<512x768xf32>
    %dot_general3A_57 = tpu.matmul %add3A_32, %get3A_55, %dot_general3A_56 {dimension_numbers = #tpu.dot_dimension_numbers<[1], [0], [0], [1], [0, 0, 1, 1], [], []>, transpose_lhs_hint = false} : vector<512x768xf32>, vector<768x768xf32>, vector<512x768xf32> -> vector<512x768xf32>
    %get3A_58 = arith.constant 0 : index
    %get3A_59 = arith.constant 0 : index
    %get3A_60 = arith.constant 0 : index
    %get3A_61 = vector.load %arg7[%get3A_58, %get3A_59, %get3A_60] : memref<1x1x768xf32, #tpu.memory_space<vmem>>, vector<1x1x768xf32>
    %get3A_62 = vector.shape_cast %get3A_61 : vector<1x1x768xf32> to vector<1x768xf32>
    %add3A_63 = vector.broadcast %get3A_62 : vector<1x768xf32> to vector<512x768xf32>
    %add3A_64 = arith.addf %dot_general3A_57, %add3A_63 : vector<512x768xf32>
    %convert_element_type3A_65 = arith.truncf %add3A_64 : vector<512x768xf32> to vector<512x768xbf16>
    %swap3A_66 = arith.constant 0 : index
    %swap3A_67 = arith.constant 0 : index
    %swap3A_68 = arith.constant 0 : index
    %swap3A_69 = vector.load %arg12[%swap3A_66, %swap3A_67, %swap3A_68] : memref<1x512x768xbf16, #tpu.memory_space<vmem>>, vector<1x512x768xbf16>
    %swap3A_70 = vector.shape_cast %swap3A_69 : vector<1x512x768xbf16> to vector<512x768xbf16>
    %swap3A_71 = vector.shape_cast %convert_element_type3A_65 : vector<512x768xbf16> to vector<1x512x768xbf16>
    tpu.vector_store %arg12[%swap3A_66, %swap3A_67, %swap3A_68], %swap3A_71 {strides = array<i32>} : memref<1x512x768xbf16, #tpu.memory_space<vmem>>, vector<1x512x768xbf16>,
    %get3A_72 = arith.constant 0 : index
    %get3A_73 = arith.constant 0 : index
    %get3A_74 = arith.constant 0 : index
    %get3A_75 = vector.load %arg5[%get3A_72, %get3A_73, %get3A_74] : memref<1x768x768xf32, #tpu.memory_space<vmem>>, vector<1x768x768xf32>
    %get3A_76 = vector.shape_cast %get3A_75 : vector<1x768x768xf32> to vector<768x768xf32>
    %dot_general3A_77 = arith.constant dense<0.000000e+00> : vector<512x768xf32>
    %dot_general3A_78 = tpu.matmul %add3A_32, %get3A_76, %dot_general3A_77 {dimension_numbers = #tpu.dot_dimension_numbers<[1], [0], [0], [1], [0, 0, 1, 1], [], []>, transpose_lhs_hint = false} : vector<512x768xf32>, vector<768x768xf32>, vector<512x768xf32> -> vector<512x768xf32>
    %get3A_79 = arith.constant 0 : index
    %get3A_80 = arith.constant 0 : index
    %get3A_81 = arith.constant 0 : index
    %get3A_82 = vector.load %arg8[%get3A_79, %get3A_80, %get3A_81] : memref<1x1x768xf32, #tpu.memory_space<vmem>>, vector<1x1x768xf32>
    %get3A_83 = vector.shape_cast %get3A_82 : vector<1x1x768xf32> to vector<1x768xf32>
    %add3A_84 = vector.broadcast %get3A_83 : vector<1x768xf32> to vector<512x768xf32>
    %add3A_85 = arith.addf %dot_general3A_78, %add3A_84 : vector<512x768xf32>
    %convert_element_type3A_86 = arith.truncf %add3A_85 : vector<512x768xf32> to vector<512x768xbf16>
    %swap3A_87 = arith.constant 0 : index
    %swap3A_88 = arith.constant 0 : index
    %swap3A_89 = arith.constant 0 : index
    %swap3A_90 = vector.load %arg13[%swap3A_87, %swap3A_88, %swap3A_89] : memref<1x512x768xbf16, #tpu.memory_space<vmem>>, vector<1x512x768xbf16>
    %swap3A_91 = vector.shape_cast %swap3A_90 : vector<1x512x768xbf16> to vector<512x768xbf16>
    %swap3A_92 = vector.shape_cast %convert_element_type3A_86 : vector<512x768xbf16> to vector<1x512x768xbf16>
    tpu.vector_store %arg13[%swap3A_87, %swap3A_88, %swap3A_89], %swap3A_92 {strides = array<i32>} : memref<1x512x768xbf16, #tpu.memory_space<vmem>>, vector<1x512x768xbf16>,
    return
  }
  func.func @transform_0(%arg0: i32, %arg1: i32) -> (i32, i32, i32) {
    %c0_i32 = arith.constant 0 : i32
    %c0_i32_0 = arith.constant 0 : i32
    return %arg0, %arg1, %c0_i32 : i32, i32, i32
  }
  func.func @transform_1(%arg0: i32, %arg1: i32) -> (i32, i32, i32) {
    %c0_i32 = arith.constant 0 : i32
    %c0_i32_0 = arith.constant 0 : i32
    %c0_i32_1 = arith.constant 0 : i32
    %c0_i32_2 = arith.constant 0 : i32
    return %c0_i32, %c0_i32_0, %c0_i32_1 : i32, i32, i32
  }
  func.func @transform_2(%arg0: i32, %arg1: i32) -> (i32, i32, i32) {
    %c0_i32 = arith.constant 0 : i32
    %c0_i32_0 = arith.constant 0 : i32
    %c0_i32_1 = arith.constant 0 : i32
    %c0_i32_2 = arith.constant 0 : i32
    return %c0_i32, %c0_i32_0, %c0_i32_1 : i32, i32, i32
  }
  func.func @transform_3(%arg0: i32, %arg1: i32) -> (i32, i32, i32) {
    %c0_i32 = arith.constant 0 : i32
    %c0_i32_0 = arith.constant 0 : i32
    %c0_i32_1 = arith.constant 0 : i32
    %c0_i32_2 = arith.constant 0 : i32
    return %c0_i32, %c0_i32_0, %c0_i32_1 : i32, i32, i32
  }
  func.func @transform_4(%arg0: i32, %arg1: i32) -> (i32, i32, i32) {
    %c0_i32 = arith.constant 0 : i32
    %c0_i32_0 = arith.constant 0 : i32
    %c0_i32_1 = arith.constant 0 : i32
    %c0_i32_2 = arith.constant 0 : i32
    return %c0_i32, %c0_i32_0, %c0_i32_1 : i32, i32, i32
  }
  func.func @transform_5(%arg0: i32, %arg1: i32) -> (i32, i32, i32) {
    %c0_i32 = arith.constant 0 : i32
    %c0_i32_0 = arith.constant 0 : i32
    %c0_i32_1 = arith.constant 0 : i32
    %c0_i32_2 = arith.constant 0 : i32
    return %c0_i32, %c0_i32_0, %c0_i32_1 : i32, i32, i32
  }
  func.func @transform_6(%arg0: i32, %arg1: i32) -> (i32, i32, i32) {
    %c0_i32 = arith.constant 0 : i32
    %c0_i32_0 = arith.constant 0 : i32
    %c0_i32_1 = arith.constant 0 : i32
    %c0_i32_2 = arith.constant 0 : i32
    return %c0_i32, %c0_i32_0, %c0_i32_1 : i32, i32, i32
  }
  func.func @transform_7(%arg0: i32, %arg1: i32) -> (i32, i32, i32) {
    %c0_i32 = arith.constant 0 : i32
    %c0_i32_0 = arith.constant 0 : i32
    %c0_i32_1 = arith.constant 0 : i32
    %c0_i32_2 = arith.constant 0 : i32
    return %c0_i32, %c0_i32_0, %c0_i32_1 : i32, i32, i32
  }
  func.func @transform_8(%arg0: i32, %arg1: i32) -> (i32, i32, i32) {
    %c0_i32 = arith.constant 0 : i32
    %c0_i32_0 = arith.constant 0 : i32
    %c0_i32_1 = arith.constant 0 : i32
    %c0_i32_2 = arith.constant 0 : i32
    return %c0_i32, %c0_i32_0, %c0_i32_1 : i32, i32, i32
  }
  func.func @transform_9(%arg0: i32, %arg1: i32) -> (i32, i32, i32) {
    %c0_i32 = arith.constant 0 : i32
    %c0_i32_0 = arith.constant 0 : i32
    return %arg0, %arg1, %c0_i32 : i32, i32, i32
  }
  func.func @transform_10(%arg0: i32, %arg1: i32) -> (i32, i32, i32) {
    %c0_i32 = arith.constant 0 : i32
    %c0_i32_0 = arith.constant 0 : i32
    return %arg0, %arg1, %c0_i32 : i32, i32, i32
  }
  func.func @transform_11(%arg0: i32, %arg1: i32) -> (i32, i32, i32) {
    %c0_i32 = arith.constant 0 : i32
    %c0_i32_0 = arith.constant 0 : i32
    return %arg0, %arg1, %c0_i32 : i32, i32, i32
  }
}

module attributes {stable_mosaic.version = 14 : i64} {
  func.func @body(%arg0: i32, %arg1: i32, %arg2: memref<1x512x768xf32, #tpu.memory_space<vmem>>, %arg3: memref<1x768x3072xf32, #tpu.memory_space<vmem>>, %arg4: memref<1x1x3072xf32, #tpu.memory_space<vmem>>, %arg5: memref<1x3072x768xf32, #tpu.memory_space<vmem>>, %arg6: memref<1x1x768xf32, #tpu.memory_space<vmem>>, %arg7: memref<1x1x768xf32, #tpu.memory_space<vmem>>, %arg8: memref<1x1x768xf32, #tpu.memory_space<vmem>>, %arg9: memref<1x512x768xf32, #tpu.memory_space<vmem>>) attributes {dimension_semantics = [#tpu.dimension_semantics<parallel>, #tpu.dimension_semantics<parallel>], iteration_bounds = array<i64: 2, 4>, scalar_prefetch = 0 : i64, scratch_operands = 0 : i64, tpu.core_type = #tpu.core_type<tc>, window_params = [{transform_indices = @transform_0, window_bounds = array<i64: 1, 512, 768>}, {transform_indices = @transform_1, window_bounds = array<i64: 1, 768, 3072>}, {transform_indices = @transform_2, window_bounds = array<i64: 1, 1, 3072>}, {transform_indices = @transform_3, window_bounds = array<i64: 1, 3072, 768>}, {transform_indices = @transform_4, window_bounds = array<i64: 1, 1, 768>}, {transform_indices = @transform_5, window_bounds = array<i64: 1, 1, 768>}, {transform_indices = @transform_6, window_bounds = array<i64: 1, 1, 768>}, {transform_indices = @transform_7, window_bounds = array<i64: 1, 512, 768>}]} {
    %get3A = arith.constant 0 : index
    %get3A_0 = arith.constant 0 : index
    %get3A_1 = arith.constant 0 : index
    %get3A_2 = vector.load %arg2[%get3A, %get3A_0, %get3A_1] : memref<1x512x768xf32, #tpu.memory_space<vmem>>, vector<1x512x768xf32>
    %get3A_3 = vector.shape_cast %get3A_2 : vector<1x512x768xf32> to vector<512x768xf32>
    %get3A_4 = arith.constant 0 : index
    %get3A_5 = arith.constant 0 : index
    %get3A_6 = arith.constant 0 : index
    %get3A_7 = vector.load %arg7[%get3A_4, %get3A_5, %get3A_6] : memref<1x1x768xf32, #tpu.memory_space<vmem>>, vector<1x1x768xf32>
    %get3A_8 = vector.shape_cast %get3A_7 : vector<1x1x768xf32> to vector<1x768xf32>
    %get3A_9 = arith.constant 0 : index
    %get3A_10 = arith.constant 0 : index
    %get3A_11 = arith.constant 0 : index
    %get3A_12 = vector.load %arg8[%get3A_9, %get3A_10, %get3A_11] : memref<1x1x768xf32, #tpu.memory_space<vmem>>, vector<1x1x768xf32>
    %get3A_13 = vector.shape_cast %get3A_12 : vector<1x1x768xf32> to vector<1x768xf32>
    %reduce_sum3A = arith.constant dense<0.000000e+00> : vector<512xf32>
    %reduce_sum3A_14 = vector.multi_reduction <add>, %get3A_3, %reduce_sum3A [1] : vector<512x768xf32> to vector<512xf32>
    %broadcast_in_dim3A = vector.shape_cast %reduce_sum3A_14 : vector<512xf32> to vector<512x1xf32>
    %div3A = arith.constant 7.680000e+02 : f32
    %div3A_15 = vector.broadcast %div3A : f32 to vector<512x1xf32>
    %div3A_16 = arith.divf %broadcast_in_dim3A, %div3A_15 : vector<512x1xf32>
    %sub3A = vector.broadcast %div3A_16 : vector<512x1xf32> to vector<512x768xf32>
    %sub3A_17 = arith.subf %get3A_3, %sub3A : vector<512x768xf32>
    %integer_pow3A = arith.mulf %sub3A_17, %sub3A_17 : vector<512x768xf32>
    %reduce_sum3A_18 = arith.constant dense<0.000000e+00> : vector<512xf32>
    %reduce_sum3A_19 = vector.multi_reduction <add>, %integer_pow3A, %reduce_sum3A_18 [1] : vector<512x768xf32> to vector<512xf32>
    %broadcast_in_dim3A_20 = vector.shape_cast %reduce_sum3A_19 : vector<512xf32> to vector<512x1xf32>
    %div3A_21 = arith.constant 7.680000e+02 : f32
    %div3A_22 = vector.broadcast %div3A_21 : f32 to vector<512x1xf32>
    %div3A_23 = arith.divf %broadcast_in_dim3A_20, %div3A_22 : vector<512x1xf32>
    %sub3A_24 = vector.broadcast %div3A_16 : vector<512x1xf32> to vector<512x768xf32>
    %sub3A_25 = arith.subf %get3A_3, %sub3A_24 : vector<512x768xf32>
    %add3A = arith.constant 9.99999974E-6 : f32
    %add3A_26 = vector.broadcast %add3A : f32 to vector<512x1xf32>
    %add3A_27 = arith.addf %div3A_23, %add3A_26 : vector<512x1xf32>
    %sqrt3A = math.sqrt %add3A_27 : vector<512x1xf32>
    %div3A_28 = vector.broadcast %sqrt3A : vector<512x1xf32> to vector<512x768xf32>
    %div3A_29 = arith.divf %sub3A_25, %div3A_28 : vector<512x768xf32>
    %mul3A = vector.broadcast %get3A_8 : vector<1x768xf32> to vector<512x768xf32>
    %mul3A_30 = arith.mulf %div3A_29, %mul3A : vector<512x768xf32>
    %add3A_31 = vector.broadcast %get3A_13 : vector<1x768xf32> to vector<512x768xf32>
    %add3A_32 = arith.addf %mul3A_30, %add3A_31 : vector<512x768xf32>
    %get3A_33 = arith.constant 0 : index
    %get3A_34 = arith.constant 0 : index
    %get3A_35 = arith.constant 0 : index
    %get3A_36 = vector.load %arg3[%get3A_33, %get3A_34, %get3A_35] : memref<1x768x3072xf32, #tpu.memory_space<vmem>>, vector<1x768x3072xf32>
    %get3A_37 = vector.shape_cast %get3A_36 : vector<1x768x3072xf32> to vector<768x3072xf32>
    %dot_general3A = arith.constant dense<0.000000e+00> : vector<512x3072xf32>
    %dot_general3A_38 = tpu.matmul %add3A_32, %get3A_37, %dot_general3A {dimension_numbers = #tpu.dot_dimension_numbers<[1], [0], [0], [1], [0, 0, 1, 1], [], []>, transpose_lhs_hint = false} : vector<512x768xf32>, vector<768x3072xf32>, vector<512x3072xf32> -> vector<512x3072xf32>
    %get3A_39 = arith.constant 0 : index
    %get3A_40 = arith.constant 0 : index
    %get3A_41 = arith.constant 0 : index
    %get3A_42 = vector.load %arg4[%get3A_39, %get3A_40, %get3A_41] : memref<1x1x3072xf32, #tpu.memory_space<vmem>>, vector<1x1x3072xf32>
    %get3A_43 = vector.shape_cast %get3A_42 : vector<1x1x3072xf32> to vector<1x3072xf32>
    %add3A_44 = vector.broadcast %get3A_43 : vector<1x3072xf32> to vector<512x3072xf32>
    %add3A_45 = arith.addf %dot_general3A_38, %add3A_44 : vector<512x3072xf32>
    %mul3A_46 = arith.constant 5.000000e-01 : f32
    %mul3A_47 = vector.broadcast %mul3A_46 : f32 to vector<512x3072xf32>
    %mul3A_48 = arith.mulf %mul3A_47, %add3A_45 : vector<512x3072xf32>
    %mul3A_49 = arith.constant 0.707106769 : f32
    %mul3A_50 = vector.broadcast %mul3A_49 : f32 to vector<512x3072xf32>
    %mul3A_51 = arith.mulf %add3A_45, %mul3A_50 : vector<512x3072xf32>
    %erf3A = math.erf %mul3A_51 : vector<512x3072xf32>
    %add3A_52 = arith.constant 1.000000e+00 : f32
    %add3A_53 = vector.broadcast %add3A_52 : f32 to vector<512x3072xf32>
    %add3A_54 = arith.addf %add3A_53, %erf3A : vector<512x3072xf32>
    %mul3A_55 = arith.mulf %mul3A_48, %add3A_54 : vector<512x3072xf32>
    %get3A_56 = arith.constant 0 : index
    %get3A_57 = arith.constant 0 : index
    %get3A_58 = arith.constant 0 : index
    %get3A_59 = vector.load %arg5[%get3A_56, %get3A_57, %get3A_58] : memref<1x3072x768xf32, #tpu.memory_space<vmem>>, vector<1x3072x768xf32>
    %get3A_60 = vector.shape_cast %get3A_59 : vector<1x3072x768xf32> to vector<3072x768xf32>
    %dot_general3A_61 = arith.constant dense<0.000000e+00> : vector<512x768xf32>
    %dot_general3A_62 = tpu.matmul %mul3A_55, %get3A_60, %dot_general3A_61 {dimension_numbers = #tpu.dot_dimension_numbers<[1], [0], [0], [1], [0, 0, 1, 1], [], []>, transpose_lhs_hint = false} : vector<512x3072xf32>, vector<3072x768xf32>, vector<512x768xf32> -> vector<512x768xf32>
    %add3A_63 = arith.addf %get3A_3, %dot_general3A_62 : vector<512x768xf32>
    %get3A_64 = arith.constant 0 : index
    %get3A_65 = arith.constant 0 : index
    %get3A_66 = arith.constant 0 : index
    %get3A_67 = vector.load %arg6[%get3A_64, %get3A_65, %get3A_66] : memref<1x1x768xf32, #tpu.memory_space<vmem>>, vector<1x1x768xf32>
    %get3A_68 = vector.shape_cast %get3A_67 : vector<1x1x768xf32> to vector<1x768xf32>
    %add3A_69 = vector.broadcast %get3A_68 : vector<1x768xf32> to vector<512x768xf32>
    %add3A_70 = arith.addf %add3A_63, %add3A_69 : vector<512x768xf32>
    %swap3A = arith.constant 0 : index
    %swap3A_71 = arith.constant 0 : index
    %swap3A_72 = arith.constant 0 : index
    %swap3A_73 = vector.load %arg9[%swap3A, %swap3A_71, %swap3A_72] : memref<1x512x768xf32, #tpu.memory_space<vmem>>, vector<1x512x768xf32>
    %swap3A_74 = vector.shape_cast %swap3A_73 : vector<1x512x768xf32> to vector<512x768xf32>
    %swap3A_75 = vector.shape_cast %add3A_70 : vector<512x768xf32> to vector<1x512x768xf32>
    tpu.vector_store %arg9[%swap3A, %swap3A_71, %swap3A_72], %swap3A_75 {strides = array<i32>} : memref<1x512x768xf32, #tpu.memory_space<vmem>>, vector<1x512x768xf32>,
    return
  }
  func.func @transform_0(%arg0: i32, %arg1: i32) -> (i32, i32, i32) {
    %c0_i32 = arith.constant 0 : i32
    %c0_i32_0 = arith.constant 0 : i32
    return %arg0, %arg1, %c0_i32 : i32, i32, i32
  }
  func.func @transform_1(%arg0: i32, %arg1: i32) -> (i32, i32, i32) {
    %c0_i32 = arith.constant 0 : i32
    %c0_i32_0 = arith.constant 0 : i32
    %c0_i32_1 = arith.constant 0 : i32
    %c0_i32_2 = arith.constant 0 : i32
    return %c0_i32, %c0_i32_0, %c0_i32_1 : i32, i32, i32
  }
  func.func @transform_2(%arg0: i32, %arg1: i32) -> (i32, i32, i32) {
    %c0_i32 = arith.constant 0 : i32
    %c0_i32_0 = arith.constant 0 : i32
    %c0_i32_1 = arith.constant 0 : i32
    %c0_i32_2 = arith.constant 0 : i32
    return %c0_i32, %c0_i32_0, %c0_i32_1 : i32, i32, i32
  }
  func.func @transform_3(%arg0: i32, %arg1: i32) -> (i32, i32, i32) {
    %c0_i32 = arith.constant 0 : i32
    %c0_i32_0 = arith.constant 0 : i32
    %c0_i32_1 = arith.constant 0 : i32
    %c0_i32_2 = arith.constant 0 : i32
    return %c0_i32, %c0_i32_0, %c0_i32_1 : i32, i32, i32
  }
  func.func @transform_4(%arg0: i32, %arg1: i32) -> (i32, i32, i32) {
    %c0_i32 = arith.constant 0 : i32
    %c0_i32_0 = arith.constant 0 : i32
    %c0_i32_1 = arith.constant 0 : i32
    %c0_i32_2 = arith.constant 0 : i32
    return %c0_i32, %c0_i32_0, %c0_i32_1 : i32, i32, i32
  }
  func.func @transform_5(%arg0: i32, %arg1: i32) -> (i32, i32, i32) {
    %c0_i32 = arith.constant 0 : i32
    %c0_i32_0 = arith.constant 0 : i32
    %c0_i32_1 = arith.constant 0 : i32
    %c0_i32_2 = arith.constant 0 : i32
    return %c0_i32, %c0_i32_0, %c0_i32_1 : i32, i32, i32
  }
  func.func @transform_6(%arg0: i32, %arg1: i32) -> (i32, i32, i32) {
    %c0_i32 = arith.constant 0 : i32
    %c0_i32_0 = arith.constant 0 : i32
    %c0_i32_1 = arith.constant 0 : i32
    %c0_i32_2 = arith.constant 0 : i32
    return %c0_i32, %c0_i32_0, %c0_i32_1 : i32, i32, i32
  }
  func.func @transform_7(%arg0: i32, %arg1: i32) -> (i32, i32, i32) {
    %c0_i32 = arith.constant 0 : i32
    %c0_i32_0 = arith.constant 0 : i32
    return %arg0, %arg1, %c0_i32 : i32, i32, i32
  }
}

module attributes {stable_mosaic.version = 14 : i64} {
  func.func @body(%arg0: i32, %arg1: i32, %arg2: memref<1x512x768xf32, #tpu.memory_space<vmem>>, %arg3: memref<1x768x768xf32, #tpu.memory_space<vmem>>, %arg4: memref<1x768x768xf32, #tpu.memory_space<vmem>>, %arg5: memref<1x768x768xf32, #tpu.memory_space<vmem>>, %arg6: memref<1x1x768xf32, #tpu.memory_space<vmem>>, %arg7: memref<1x1x768xf32, #tpu.memory_space<vmem>>, %arg8: memref<1x1x768xf32, #tpu.memory_space<vmem>>, %arg9: memref<1x1x768xf32, #tpu.memory_space<vmem>>, %arg10: memref<1x1x768xf32, #tpu.memory_space<vmem>>, %arg11: memref<1x512x768xbf16, #tpu.memory_space<vmem>>, %arg12: memref<1x512x768xbf16, #tpu.memory_space<vmem>>, %arg13: memref<1x512x768xbf16, #tpu.memory_space<vmem>>) attributes {dimension_semantics = [#tpu.dimension_semantics<parallel>, #tpu.dimension_semantics<parallel>], iteration_bounds = array<i64: 2, 4>, scalar_prefetch = 0 : i64, scratch_operands = 0 : i64, tpu.core_type = #tpu.core_type<tc>, window_params = [{transform_indices = @transform_0, window_bounds = array<i64: 1, 512, 768>}, {transform_indices = @transform_1, window_bounds = array<i64: 1, 768, 768>}, {transform_indices = @transform_2, window_bounds = array<i64: 1, 768, 768>}, {transform_indices = @transform_3, window_bounds = array<i64: 1, 768, 768>}, {transform_indices = @transform_4, window_bounds = array<i64: 1, 1, 768>}, {transform_indices = @transform_5, window_bounds = array<i64: 1, 1, 768>}, {transform_indices = @transform_6, window_bounds = array<i64: 1, 1, 768>}, {transform_indices = @transform_7, window_bounds = array<i64: 1, 1, 768>}, {transform_indices = @transform_8, window_bounds = array<i64: 1, 1, 768>}, {transform_indices = @transform_9, window_bounds = array<i64: 1, 512, 768>}, {transform_indices = @transform_10, window_bounds = array<i64: 1, 512, 768>}, {transform_indices = @transform_11, window_bounds = array<i64: 1, 512, 768>}]} {
    %get3A = arith.constant 0 : index
    %get3A_0 = arith.constant 0 : index
    %get3A_1 = arith.constant 0 : index
    %get3A_2 = vector.load %arg2[%get3A, %get3A_0, %get3A_1] : memref<1x512x768xf32, #tpu.memory_space<vmem>>, vector<1x512x768xf32>
    %get3A_3 = vector.shape_cast %get3A_2 : vector<1x512x768xf32> to vector<512x768xf32>
    %get3A_4 = arith.constant 0 : index
    %get3A_5 = arith.constant 0 : index
    %get3A_6 = arith.constant 0 : index
    %get3A_7 = vector.load %arg9[%get3A_4, %get3A_5, %get3A_6] : memref<1x1x768xf32, #tpu.memory_space<vmem>>, vector<1x1x768xf32>
    %get3A_8 = vector.shape_cast %get3A_7 : vector<1x1x768xf32> to vector<1x768xf32>
    %get3A_9 = arith.constant 0 : index
    %get3A_10 = arith.constant 0 : index
    %get3A_11 = arith.constant 0 : index
    %get3A_12 = vector.load %arg10[%get3A_9, %get3A_10, %get3A_11] : memref<1x1x768xf32, #tpu.memory_space<vmem>>, vector<1x1x768xf32>
    %get3A_13 = vector.shape_cast %get3A_12 : vector<1x1x768xf32> to vector<1x768xf32>
    %reduce_sum3A = arith.constant dense<0.000000e+00> : vector<512xf32>
    %reduce_sum3A_14 = vector.multi_reduction <add>, %get3A_3, %reduce_sum3A [1] : vector<512x768xf32> to vector<512xf32>
    %broadcast_in_dim3A = vector.shape_cast %reduce_sum3A_14 : vector<512xf32> to vector<512x1xf32>
    %div3A = arith.constant 7.680000e+02 : f32
    %div3A_15 = vector.broadcast %div3A : f32 to vector<512x1xf32>
    %div3A_16 = arith.divf %broadcast_in_dim3A, %div3A_15 : vector<512x1xf32>
    %sub3A = vector.broadcast %div3A_16 : vector<512x1xf32> to vector<512x768xf32>
    %sub3A_17 = arith.subf %get3A_3, %sub3A : vector<512x768xf32>
    %integer_pow3A = arith.mulf %sub3A_17, %sub3A_17 : vector<512x768xf32>
    %reduce_sum3A_18 = arith.constant dense<0.000000e+00> : vector<512xf32>
    %reduce_sum3A_19 = vector.multi_reduction <add>, %integer_pow3A, %reduce_sum3A_18 [1] : vector<512x768xf32> to vector<512xf32>
    %broadcast_in_dim3A_20 = vector.shape_cast %reduce_sum3A_19 : vector<512xf32> to vector<512x1xf32>
    %div3A_21 = arith.constant 7.680000e+02 : f32
    %div3A_22 = vector.broadcast %div3A_21 : f32 to vector<512x1xf32>
    %div3A_23 = arith.divf %broadcast_in_dim3A_20, %div3A_22 : vector<512x1xf32>
    %sub3A_24 = vector.broadcast %div3A_16 : vector<512x1xf32> to vector<512x768xf32>
    %sub3A_25 = arith.subf %get3A_3, %sub3A_24 : vector<512x768xf32>
    %add3A = arith.constant 9.99999974E-6 : f32
    %add3A_26 = vector.broadcast %add3A : f32 to vector<512x1xf32>
    %add3A_27 = arith.addf %div3A_23, %add3A_26 : vector<512x1xf32>
    %sqrt3A = math.sqrt %add3A_27 : vector<512x1xf32>
    %div3A_28 = vector.broadcast %sqrt3A : vector<512x1xf32> to vector<512x768xf32>
    %div3A_29 = arith.divf %sub3A_25, %div3A_28 : vector<512x768xf32>
    %mul3A = vector.broadcast %get3A_8 : vector<1x768xf32> to vector<512x768xf32>
    %mul3A_30 = arith.mulf %div3A_29, %mul3A : vector<512x768xf32>
    %add3A_31 = vector.broadcast %get3A_13 : vector<1x768xf32> to vector<512x768xf32>
    %add3A_32 = arith.addf %mul3A_30, %add3A_31 : vector<512x768xf32>
    %get3A_33 = arith.constant 0 : index
    %get3A_34 = arith.constant 0 : index
    %get3A_35 = arith.constant 0 : index
    %get3A_36 = vector.load %arg3[%get3A_33, %get3A_34, %get3A_35] : memref<1x768x768xf32, #tpu.memory_space<vmem>>, vector<1x768x768xf32>
    %get3A_37 = vector.shape_cast %get3A_36 : vector<1x768x768xf32> to vector<768x768xf32>
    %dot_general3A = arith.constant dense<0.000000e+00> : vector<512x768xf32>
    %dot_general3A_38 = tpu.matmul %add3A_32, %get3A_37, %dot_general3A {dimension_numbers = #tpu.dot_dimension_numbers<[1], [0], [0], [1], [0, 0, 1, 1], [], []>, transpose_lhs_hint = false} : vector<512x768xf32>, vector<768x768xf32>, vector<512x768xf32> -> vector<512x768xf32>
    %get3A_39 = arith.constant 0 : index
    %get3A_40 = arith.constant 0 : index
    %get3A_41 = arith.constant 0 : index
    %get3A_42 = vector.load %arg6[%get3A_39, %get3A_40, %get3A_41] : memref<1x1x768xf32, #tpu.memory_space<vmem>>, vector<1x1x768xf32>
    %get3A_43 = vector.shape_cast %get3A_42 : vector<1x1x768xf32> to vector<1x768xf32>
    %add3A_44 = vector.broadcast %get3A_43 : vector<1x768xf32> to vector<512x768xf32>
    %add3A_45 = arith.addf %dot_general3A_38, %add3A_44 : vector<512x768xf32>
    %convert_element_type3A = arith.truncf %add3A_45 : vector<512x768xf32> to vector<512x768xbf16>
    %swap3A = arith.constant 0 : index
    %swap3A_46 = arith.constant 0 : index
    %swap3A_47 = arith.constant 0 : index
    %swap3A_48 = vector.load %arg11[%swap3A, %swap3A_46, %swap3A_47] : memref<1x512x768xbf16, #tpu.memory_space<vmem>>, vector<1x512x768xbf16>
    %swap3A_49 = vector.shape_cast %swap3A_48 : vector<1x512x768xbf16> to vector<512x768xbf16>
    %swap3A_50 = vector.shape_cast %convert_element_type3A : vector<512x768xbf16> to vector<1x512x768xbf16>
    tpu.vector_store %arg11[%swap3A, %swap3A_46, %swap3A_47], %swap3A_50 {strides = array<i32>} : memref<1x512x768xbf16, #tpu.memory_space<vmem>>, vector<1x512x768xbf16>,
    %get3A_51 = arith.constant 0 : index
    %get3A_52 = arith.constant 0 : index
    %get3A_53 = arith.constant 0 : index
    %get3A_54 = vector.load %arg4[%get3A_51, %get3A_52, %get3A_53] : memref<1x768x768xf32, #tpu.memory_space<vmem>>, vector<1x768x768xf32>
    %get3A_55 = vector.shape_cast %get3A_54 : vector<1x768x768xf32> to vector<768x768xf32>
    %dot_general3A_56 = arith.constant dense<0.000000e+00> : vector<512x768xf32>
    %dot_general3A_57 = tpu.matmul %add3A_32, %get3A_55, %dot_general3A_56 {dimension_numbers = #tpu.dot_dimension_numbers<[1], [0], [0], [1], [0, 0, 1, 1], [], []>, transpose_lhs_hint = false} : vector<512x768xf32>, vector<768x768xf32>, vector<512x768xf32> -> vector<512x768xf32>
    %get3A_58 = arith.constant 0 : index
    %get3A_59 = arith.constant 0 : index
    %get3A_60 = arith.constant 0 : index
    %get3A_61 = vector.load %arg7[%get3A_58, %get3A_59, %get3A_60] : memref<1x1x768xf32, #tpu.memory_space<vmem>>, vector<1x1x768xf32>
    %get3A_62 = vector.shape_cast %get3A_61 : vector<1x1x768xf32> to vector<1x768xf32>
    %add3A_63 = vector.broadcast %get3A_62 : vector<1x768xf32> to vector<512x768xf32>
    %add3A_64 = arith.addf %dot_general3A_57, %add3A_63 : vector<512x768xf32>
    %convert_element_type3A_65 = arith.truncf %add3A_64 : vector<512x768xf32> to vector<512x768xbf16>
    %swap3A_66 = arith.constant 0 : index
    %swap3A_67 = arith.constant 0 : index
    %swap3A_68 = arith.constant 0 : index
    %swap3A_69 = vector.load %arg12[%swap3A_66, %swap3A_67, %swap3A_68] : memref<1x512x768xbf16, #tpu.memory_space<vmem>>, vector<1x512x768xbf16>
    %swap3A_70 = vector.shape_cast %swap3A_69 : vector<1x512x768xbf16> to vector<512x768xbf16>
    %swap3A_71 = vector.shape_cast %convert_element_type3A_65 : vector<512x768xbf16> to vector<1x512x768xbf16>
    tpu.vector_store %arg12[%swap3A_66, %swap3A_67, %swap3A_68], %swap3A_71 {strides = array<i32>} : memref<1x512x768xbf16, #tpu.memory_space<vmem>>, vector<1x512x768xbf16>,
    %get3A_72 = arith.constant 0 : index
    %get3A_73 = arith.constant 0 : index
    %get3A_74 = arith.constant 0 : index
    %get3A_75 = vector.load %arg5[%get3A_72, %get3A_73, %get3A_74] : memref<1x768x768xf32, #tpu.memory_space<vmem>>, vector<1x768x768xf32>
    %get3A_76 = vector.shape_cast %get3A_75 : vector<1x768x768xf32> to vector<768x768xf32>
    %dot_general3A_77 = arith.constant dense<0.000000e+00> : vector<512x768xf32>
    %dot_general3A_78 = tpu.matmul %add3A_32, %get3A_76, %dot_general3A_77 {dimension_numbers = #tpu.dot_dimension_numbers<[1], [0], [0], [1], [0, 0, 1, 1], [], []>, transpose_lhs_hint = false} : vector<512x768xf32>, vector<768x768xf32>, vector<512x768xf32> -> vector<512x768xf32>
    %get3A_79 = arith.constant 0 : index
    %get3A_80 = arith.constant 0 : index
    %get3A_81 = arith.constant 0 : index
    %get3A_82 = vector.load %arg8[%get3A_79, %get3A_80, %get3A_81] : memref<1x1x768xf32, #tpu.memory_space<vmem>>, vector<1x1x768xf32>
    %get3A_83 = vector.shape_cast %get3A_82 : vector<1x1x768xf32> to vector<1x768xf32>
    %add3A_84 = vector.broadcast %get3A_83 : vector<1x768xf32> to vector<512x768xf32>
    %add3A_85 = arith.addf %dot_general3A_78, %add3A_84 : vector<512x768xf32>
    %convert_element_type3A_86 = arith.truncf %add3A_85 : vector<512x768xf32> to vector<512x768xbf16>
    %swap3A_87 = arith.constant 0 : index
    %swap3A_88 = arith.constant 0 : index
    %swap3A_89 = arith.constant 0 : index
    %swap3A_90 = vector.load %arg13[%swap3A_87, %swap3A_88, %swap3A_89] : memref<1x512x768xbf16, #tpu.memory_space<vmem>>, vector<1x512x768xbf16>
    %swap3A_91 = vector.shape_cast %swap3A_90 : vector<1x512x768xbf16> to vector<512x768xbf16>
    %swap3A_92 = vector.shape_cast %convert_element_type3A_86 : vector<512x768xbf16> to vector<1x512x768xbf16>
    tpu.vector_store %arg13[%swap3A_87, %swap3A_88, %swap3A_89], %swap3A_92 {strides = array<i32>} : memref<1x512x768xbf16, #tpu.memory_space<vmem>>, vector<1x512x768xbf16>,
    return
  }
  func.func @transform_0(%arg0: i32, %arg1: i32) -> (i32, i32, i32) {
    %c0_i32 = arith.constant 0 : i32
    %c0_i32_0 = arith.constant 0 : i32
    return %arg0, %arg1, %c0_i32 : i32, i32, i32
  }
  func.func @transform_1(%arg0: i32, %arg1: i32) -> (i32, i32, i32) {
    %c1_i32 = arith.constant 1 : i32
    %c0_i32 = arith.constant 0 : i32
    %c0_i32_0 = arith.constant 0 : i32
    %c0_i32_1 = arith.constant 0 : i32
    return %c1_i32, %c0_i32, %c0_i32_0 : i32, i32, i32
  }
  func.func @transform_2(%arg0: i32, %arg1: i32) -> (i32, i32, i32) {
    %c1_i32 = arith.constant 1 : i32
    %c0_i32 = arith.constant 0 : i32
    %c0_i32_0 = arith.constant 0 : i32
    %c0_i32_1 = arith.constant 0 : i32
    return %c1_i32, %c0_i32, %c0_i32_0 : i32, i32, i32
  }
  func.func @transform_3(%arg0: i32, %arg1: i32) -> (i32, i32, i32) {
    %c1_i32 = arith.constant 1 : i32
    %c0_i32 = arith.constant 0 : i32
    %c0_i32_0 = arith.constant 0 : i32
    %c0_i32_1 = arith.constant 0 : i32
    return %c1_i32, %c0_i32, %c0_i32_0 : i32, i32, i32
  }
  func.func @transform_4(%arg0: i32, %arg1: i32) -> (i32, i32, i32) {
    %c1_i32 = arith.constant 1 : i32
    %c0_i32 = arith.constant 0 : i32
    %c0_i32_0 = arith.constant 0 : i32
    %c0_i32_1 = arith.constant 0 : i32
    return %c1_i32, %c0_i32, %c0_i32_0 : i32, i32, i32
  }
  func.func @transform_5(%arg0: i32, %arg1: i32) -> (i32, i32, i32) {
    %c1_i32 = arith.constant 1 : i32
    %c0_i32 = arith.constant 0 : i32
    %c0_i32_0 = arith.constant 0 : i32
    %c0_i32_1 = arith.constant 0 : i32
    return %c1_i32, %c0_i32, %c0_i32_0 : i32, i32, i32
  }
  func.func @transform_6(%arg0: i32, %arg1: i32) -> (i32, i32, i32) {
    %c1_i32 = arith.constant 1 : i32
    %c0_i32 = arith.constant 0 : i32
    %c0_i32_0 = arith.constant 0 : i32
    %c0_i32_1 = arith.constant 0 : i32
    return %c1_i32, %c0_i32, %c0_i32_0 : i32, i32, i32
  }
  func.func @transform_7(%arg0: i32, %arg1: i32) -> (i32, i32, i32) {
    %c1_i32 = arith.constant 1 : i32
    %c0_i32 = arith.constant 0 : i32
    %c0_i32_0 = arith.constant 0 : i32
    %c0_i32_1 = arith.constant 0 : i32
    return %c1_i32, %c0_i32, %c0_i32_0 : i32, i32, i32
  }
  func.func @transform_8(%arg0: i32, %arg1: i32) -> (i32, i32, i32) {
    %c1_i32 = arith.constant 1 : i32
    %c0_i32 = arith.constant 0 : i32
    %c0_i32_0 = arith.constant 0 : i32
    %c0_i32_1 = arith.constant 0 : i32
    return %c1_i32, %c0_i32, %c0_i32_0 : i32, i32, i32
  }
  func.func @transform_9(%arg0: i32, %arg1: i32) -> (i32, i32, i32) {
    %c0_i32 = arith.constant 0 : i32
    %c0_i32_0 = arith.constant 0 : i32
    return %arg0, %arg1, %c0_i32 : i32, i32, i32
  }
  func.func @transform_10(%arg0: i32, %arg1: i32) -> (i32, i32, i32) {
    %c0_i32 = arith.constant 0 : i32
    %c0_i32_0 = arith.constant 0 : i32
    return %arg0, %arg1, %c0_i32 : i32, i32, i32
  }
  func.func @transform_11(%arg0: i32, %arg1: i32) -> (i32, i32, i32) {
    %c0_i32 = arith.constant 0 : i32
    %c0_i32_0 = arith.constant 0 : i32
    return %arg0, %arg1, %c0_i32 : i32, i32, i32
  }
}

module attributes {stable_mosaic.version = 14 : i64} {
  func.func @body(%arg0: i32, %arg1: i32, %arg2: memref<1x256x768xbf16, #tpu.memory_space<vmem>>, %arg3: memref<1x2048x768xbf16, #tpu.memory_space<vmem>>, %arg4: memref<1x2048x768xbf16, #tpu.memory_space<vmem>>, %arg5: memref<1x256x768xf32, #tpu.memory_space<vmem>>, %arg6: memref<1x768x768xf32, #tpu.memory_space<vmem>>, %arg7: memref<1x1x768xf32, #tpu.memory_space<vmem>>, %arg8: memref<1x256x768xf32, #tpu.memory_space<vmem>>) attributes {dimension_semantics = [#tpu.dimension_semantics<parallel>, #tpu.dimension_semantics<parallel>], iteration_bounds = array<i64: 2, 8>, scalar_prefetch = 0 : i64, scratch_operands = 0 : i64, tpu.core_type = #tpu.core_type<tc>, window_params = [{transform_indices = @transform_0, window_bounds = array<i64: 1, 256, 768>}, {transform_indices = @transform_1, window_bounds = array<i64: 1, 2048, 768>}, {transform_indices = @transform_2, window_bounds = array<i64: 1, 2048, 768>}, {transform_indices = @transform_3, window_bounds = array<i64: 1, 256, 768>}, {transform_indices = @transform_4, window_bounds = array<i64: 1, 768, 768>}, {transform_indices = @transform_5, window_bounds = array<i64: 1, 1, 768>}, {transform_indices = @transform_6, window_bounds = array<i64: 1, 256, 768>}]} {
    %get3A = arith.constant 0 : index
    %get3A_0 = arith.constant 0 : index
    %get3A_1 = arith.constant 0 : index
    %get3A_2 = vector.load %arg5[%get3A, %get3A_0, %get3A_1] : memref<1x256x768xf32, #tpu.memory_space<vmem>>, vector<1x256x768xf32>
    %get3A_3 = vector.shape_cast %get3A_2 : vector<1x256x768xf32> to vector<256x768xf32>
    %get3A_4 = arith.constant 0 : index
    %get3A_5 = arith.constant 0 : index
    %get3A_6 = arith.constant 0 : index
    %get3A_7 = vector.load %arg7[%get3A_4, %get3A_5, %get3A_6] : memref<1x1x768xf32, #tpu.memory_space<vmem>>, vector<1x1x768xf32>
    %get3A_8 = vector.shape_cast %get3A_7 : vector<1x1x768xf32> to vector<1x768xf32>
    %add3A = vector.broadcast %get3A_8 : vector<1x768xf32> to vector<256x768xf32>
    %add3A_9 = arith.addf %get3A_3, %add3A : vector<256x768xf32>
    %broadcast_in_dim3A = arith.constant 1.000000e+00 : bf16
    %broadcast_in_dim3A_10 = vector.broadcast %broadcast_in_dim3A : bf16 to vector<2048x1xbf16>
    %get3A_11 = arith.constant 0 : index
    %get3A_12 = arith.constant 0 : index
    %get3A_13 = arith.constant 0 : index
    %get3A_14 = vector.load %arg2[%get3A_11, %get3A_12, %get3A_13] : memref<1x256x768xbf16, #tpu.memory_space<vmem>>, vector<1x256x768xbf16>
    %get3A_15 = vector.shape_cast %get3A_14 : vector<1x256x768xbf16> to vector<256x768xbf16>
    %slice3A = vector.extract_strided_slice %get3A_15 {offsets = [0, 0], sizes = [256, 96], strides = [1, 1]} : vector<256x768xbf16> to vector<256x96xbf16>
    %get3A_16 = arith.constant 0 : index
    %get3A_17 = arith.constant 0 : index
    %get3A_18 = arith.constant 0 : index
    %get3A_19 = vector.load %arg3[%get3A_16, %get3A_17, %get3A_18] : memref<1x2048x768xbf16, #tpu.memory_space<vmem>>, vector<1x2048x768xbf16>
    %get3A_20 = vector.shape_cast %get3A_19 : vector<1x2048x768xbf16> to vector<2048x768xbf16>
    %slice3A_21 = vector.extract_strided_slice %get3A_20 {offsets = [0, 0], sizes = [2048, 96], strides = [1, 1]} : vector<2048x768xbf16> to vector<2048x96xbf16>
    %get3A_22 = arith.constant 0 : index
    %get3A_23 = arith.constant 0 : index
    %get3A_24 = arith.constant 0 : index
    %get3A_25 = vector.load %arg4[%get3A_22, %get3A_23, %get3A_24] : memref<1x2048x768xbf16, #tpu.memory_space<vmem>>, vector<1x2048x768xbf16>
    %get3A_26 = vector.shape_cast %get3A_25 : vector<1x2048x768xbf16> to vector<2048x768xbf16>
    %slice3A_27 = vector.extract_strided_slice %get3A_26 {offsets = [0, 0], sizes = [2048, 96], strides = [1, 1]} : vector<2048x768xbf16> to vector<2048x96xbf16>
    %concatenate3A = tpu.concatenate %slice3A_27, %broadcast_in_dim3A_10 in 1 : vector<2048x96xbf16>, vector<2048x1xbf16> -> vector<2048x97xbf16>
    %dot_general3A = arith.constant dense<0.000000e+00> : vector<256x2048xf32>
    %dot_general3A_28 = tpu.matmul %slice3A, %slice3A_21, %dot_general3A {dimension_numbers = #tpu.dot_dimension_numbers<[1], [1], [0], [0], [0, 0, 1, 0], [], []>, transpose_lhs_hint = false} : vector<256x96xbf16>, vector<2048x96xbf16>, vector<256x2048xf32> -> vector<256x2048xf32>
    %reduce_max3A = arith.constant dense<0xFF800000> : vector<256xf32>
    %reduce_max3A_29 = vector.multi_reduction <maximumf>, %dot_general3A_28, %reduce_max3A [1] : vector<256x2048xf32> to vector<256xf32>
    %broadcast_in_dim3A_30 = vector.shape_cast %reduce_max3A_29 : vector<256xf32> to vector<256x1xf32>
    %sub3A = vector.broadcast %broadcast_in_dim3A_30 : vector<256x1xf32> to vector<256x2048xf32>
    %sub3A_31 = arith.subf %dot_general3A_28, %sub3A : vector<256x2048xf32>
    %exp23A = math.exp2 %sub3A_31 : vector<256x2048xf32>
    %convert_element_type3A = arith.truncf %exp23A : vector<256x2048xf32> to vector<256x2048xbf16>
    %dot_general3A_32 = arith.constant dense<0.000000e+00> : vector<256x97xf32>
    %dot_general3A_33 = tpu.matmul %convert_element_type3A, %concatenate3A, %dot_general3A_32 {dimension_numbers = #tpu.dot_dimension_numbers<[1], [0], [0], [1], [0, 0, 1, 1], [], []>, transpose_lhs_hint = false} : vector<256x2048xbf16>, vector<2048x97xbf16>, vector<256x97xf32> -> vector<256x97xf32>
    %slice3A_34 = vector.extract_strided_slice %dot_general3A_33 {offsets = [0, 0], sizes = [256, 96], strides = [1, 1]} : vector<256x97xf32> to vector<256x96xf32>
    %slice3A_35 = vector.extract_strided_slice %dot_general3A_33 {offsets = [0, 96], sizes = [256, 1], strides = [1, 1]} : vector<256x97xf32> to vector<256x1xf32>
    %div3A = arith.constant 1.000000e+00 : f32
    %div3A_36 = vector.broadcast %div3A : f32 to vector<256x1xf32>
    %div3A_37 = arith.divf %div3A_36, %slice3A_35 : vector<256x1xf32>
    %mul3A = vector.broadcast %div3A_37 : vector<256x1xf32> to vector<256x96xf32>
    %mul3A_38 = arith.mulf %slice3A_34, %mul3A : vector<256x96xf32>
    %get3A_39 = arith.constant 0 : index
    %get3A_40 = arith.constant 0 : index
    %get3A_41 = arith.constant 0 : index
    %get3A_42 = vector.load %arg6[%get3A_39, %get3A_40, %get3A_41] : memref<1x768x768xf32, #tpu.memory_space<vmem>>, vector<1x768x768xf32>
    %get3A_43 = vector.shape_cast %get3A_42 : vector<1x768x768xf32> to vector<768x768xf32>
    %slice3A_44 = vector.extract_strided_slice %get3A_43 {offsets = [0, 0], sizes = [96, 768], strides = [1, 1]} : vector<768x768xf32> to vector<96x768xf32>
    %dot_general3A_45 = arith.constant dense<0.000000e+00> : vector<256x768xf32>
    %dot_general3A_46 = tpu.matmul %mul3A_38, %slice3A_44, %dot_general3A_45 {dimension_numbers = #tpu.dot_dimension_numbers<[1], [0], [0], [1], [0, 0, 1, 1], [], []>, transpose_lhs_hint = false} : vector<256x96xf32>, vector<96x768xf32>, vector<256x768xf32> -> vector<256x768xf32>
    %add3A_47 = arith.addf %add3A_9, %dot_general3A_46 : vector<256x768xf32>
    %get3A_48 = arith.constant 0 : index
    %get3A_49 = arith.constant 0 : index
    %get3A_50 = arith.constant 0 : index
    %get3A_51 = vector.load %arg2[%get3A_48, %get3A_49, %get3A_50] : memref<1x256x768xbf16, #tpu.memory_space<vmem>>, vector<1x256x768xbf16>
    %get3A_52 = vector.shape_cast %get3A_51 : vector<1x256x768xbf16> to vector<256x768xbf16>
    %slice3A_53 = vector.extract_strided_slice %get3A_52 {offsets = [0, 96], sizes = [256, 96], strides = [1, 1]} : vector<256x768xbf16> to vector<256x96xbf16>
    %get3A_54 = arith.constant 0 : index
    %get3A_55 = arith.constant 0 : index
    %get3A_56 = arith.constant 0 : index
    %get3A_57 = vector.load %arg3[%get3A_54, %get3A_55, %get3A_56] : memref<1x2048x768xbf16, #tpu.memory_space<vmem>>, vector<1x2048x768xbf16>
    %get3A_58 = vector.shape_cast %get3A_57 : vector<1x2048x768xbf16> to vector<2048x768xbf16>
    %slice3A_59 = vector.extract_strided_slice %get3A_58 {offsets = [0, 96], sizes = [2048, 96], strides = [1, 1]} : vector<2048x768xbf16> to vector<2048x96xbf16>
    %get3A_60 = arith.constant 0 : index
    %get3A_61 = arith.constant 0 : index
    %get3A_62 = arith.constant 0 : index
    %get3A_63 = vector.load %arg4[%get3A_60, %get3A_61, %get3A_62] : memref<1x2048x768xbf16, #tpu.memory_space<vmem>>, vector<1x2048x768xbf16>
    %get3A_64 = vector.shape_cast %get3A_63 : vector<1x2048x768xbf16> to vector<2048x768xbf16>
    %slice3A_65 = vector.extract_strided_slice %get3A_64 {offsets = [0, 96], sizes = [2048, 96], strides = [1, 1]} : vector<2048x768xbf16> to vector<2048x96xbf16>
    %concatenate3A_66 = tpu.concatenate %slice3A_65, %broadcast_in_dim3A_10 in 1 : vector<2048x96xbf16>, vector<2048x1xbf16> -> vector<2048x97xbf16>
    %dot_general3A_67 = arith.constant dense<0.000000e+00> : vector<256x2048xf32>
    %dot_general3A_68 = tpu.matmul %slice3A_53, %slice3A_59, %dot_general3A_67 {dimension_numbers = #tpu.dot_dimension_numbers<[1], [1], [0], [0], [0, 0, 1, 0], [], []>, transpose_lhs_hint = false} : vector<256x96xbf16>, vector<2048x96xbf16>, vector<256x2048xf32> -> vector<256x2048xf32>
    %reduce_max3A_69 = arith.constant dense<0xFF800000> : vector<256xf32>
    %reduce_max3A_70 = vector.multi_reduction <maximumf>, %dot_general3A_68, %reduce_max3A_69 [1] : vector<256x2048xf32> to vector<256xf32>
    %broadcast_in_dim3A_71 = vector.shape_cast %reduce_max3A_70 : vector<256xf32> to vector<256x1xf32>
    %sub3A_72 = vector.broadcast %broadcast_in_dim3A_71 : vector<256x1xf32> to vector<256x2048xf32>
    %sub3A_73 = arith.subf %dot_general3A_68, %sub3A_72 : vector<256x2048xf32>
    %exp23A_74 = math.exp2 %sub3A_73 : vector<256x2048xf32>
    %convert_element_type3A_75 = arith.truncf %exp23A_74 : vector<256x2048xf32> to vector<256x2048xbf16>
    %dot_general3A_76 = arith.constant dense<0.000000e+00> : vector<256x97xf32>
    %dot_general3A_77 = tpu.matmul %convert_element_type3A_75, %concatenate3A_66, %dot_general3A_76 {dimension_numbers = #tpu.dot_dimension_numbers<[1], [0], [0], [1], [0, 0, 1, 1], [], []>, transpose_lhs_hint = false} : vector<256x2048xbf16>, vector<2048x97xbf16>, vector<256x97xf32> -> vector<256x97xf32>
    %slice3A_78 = vector.extract_strided_slice %dot_general3A_77 {offsets = [0, 0], sizes = [256, 96], strides = [1, 1]} : vector<256x97xf32> to vector<256x96xf32>
    %slice3A_79 = vector.extract_strided_slice %dot_general3A_77 {offsets = [0, 96], sizes = [256, 1], strides = [1, 1]} : vector<256x97xf32> to vector<256x1xf32>
    %div3A_80 = arith.constant 1.000000e+00 : f32
    %div3A_81 = vector.broadcast %div3A_80 : f32 to vector<256x1xf32>
    %div3A_82 = arith.divf %div3A_81, %slice3A_79 : vector<256x1xf32>
    %mul3A_83 = vector.broadcast %div3A_82 : vector<256x1xf32> to vector<256x96xf32>
    %mul3A_84 = arith.mulf %slice3A_78, %mul3A_83 : vector<256x96xf32>
    %get3A_85 = arith.constant 0 : index
    %get3A_86 = arith.constant 0 : index
    %get3A_87 = arith.constant 0 : index
    %get3A_88 = vector.load %arg6[%get3A_85, %get3A_86, %get3A_87] : memref<1x768x768xf32, #tpu.memory_space<vmem>>, vector<1x768x768xf32>
    %get3A_89 = vector.shape_cast %get3A_88 : vector<1x768x768xf32> to vector<768x768xf32>
    %slice3A_90 = vector.extract_strided_slice %get3A_89 {offsets = [96, 0], sizes = [96, 768], strides = [1, 1]} : vector<768x768xf32> to vector<96x768xf32>
    %dot_general3A_91 = arith.constant dense<0.000000e+00> : vector<256x768xf32>
    %dot_general3A_92 = tpu.matmul %mul3A_84, %slice3A_90, %dot_general3A_91 {dimension_numbers = #tpu.dot_dimension_numbers<[1], [0], [0], [1], [0, 0, 1, 1], [], []>, transpose_lhs_hint = false} : vector<256x96xf32>, vector<96x768xf32>, vector<256x768xf32> -> vector<256x768xf32>
    %add3A_93 = arith.addf %add3A_47, %dot_general3A_92 : vector<256x768xf32>
    %get3A_94 = arith.constant 0 : index
    %get3A_95 = arith.constant 0 : index
    %get3A_96 = arith.constant 0 : index
    %get3A_97 = vector.load %arg2[%get3A_94, %get3A_95, %get3A_96] : memref<1x256x768xbf16, #tpu.memory_space<vmem>>, vector<1x256x768xbf16>
    %get3A_98 = vector.shape_cast %get3A_97 : vector<1x256x768xbf16> to vector<256x768xbf16>
    %slice3A_99 = vector.extract_strided_slice %get3A_98 {offsets = [0, 192], sizes = [256, 96], strides = [1, 1]} : vector<256x768xbf16> to vector<256x96xbf16>
    %get3A_100 = arith.constant 0 : index
    %get3A_101 = arith.constant 0 : index
    %get3A_102 = arith.constant 0 : index
    %get3A_103 = vector.load %arg3[%get3A_100, %get3A_101, %get3A_102] : memref<1x2048x768xbf16, #tpu.memory_space<vmem>>, vector<1x2048x768xbf16>
    %get3A_104 = vector.shape_cast %get3A_103 : vector<1x2048x768xbf16> to vector<2048x768xbf16>
    %slice3A_105 = vector.extract_strided_slice %get3A_104 {offsets = [0, 192], sizes = [2048, 96], strides = [1, 1]} : vector<2048x768xbf16> to vector<2048x96xbf16>
    %get3A_106 = arith.constant 0 : index
    %get3A_107 = arith.constant 0 : index
    %get3A_108 = arith.constant 0 : index
    %get3A_109 = vector.load %arg4[%get3A_106, %get3A_107, %get3A_108] : memref<1x2048x768xbf16, #tpu.memory_space<vmem>>, vector<1x2048x768xbf16>
    %get3A_110 = vector.shape_cast %get3A_109 : vector<1x2048x768xbf16> to vector<2048x768xbf16>
    %slice3A_111 = vector.extract_strided_slice %get3A_110 {offsets = [0, 192], sizes = [2048, 96], strides = [1, 1]} : vector<2048x768xbf16> to vector<2048x96xbf16>
    %concatenate3A_112 = tpu.concatenate %slice3A_111, %broadcast_in_dim3A_10 in 1 : vector<2048x96xbf16>, vector<2048x1xbf16> -> vector<2048x97xbf16>
    %dot_general3A_113 = arith.constant dense<0.000000e+00> : vector<256x2048xf32>
    %dot_general3A_114 = tpu.matmul %slice3A_99, %slice3A_105, %dot_general3A_113 {dimension_numbers = #tpu.dot_dimension_numbers<[1], [1], [0], [0], [0, 0, 1, 0], [], []>, transpose_lhs_hint = false} : vector<256x96xbf16>, vector<2048x96xbf16>, vector<256x2048xf32> -> vector<256x2048xf32>
    %reduce_max3A_115 = arith.constant dense<0xFF800000> : vector<256xf32>
    %reduce_max3A_116 = vector.multi_reduction <maximumf>, %dot_general3A_114, %reduce_max3A_115 [1] : vector<256x2048xf32> to vector<256xf32>
    %broadcast_in_dim3A_117 = vector.shape_cast %reduce_max3A_116 : vector<256xf32> to vector<256x1xf32>
    %sub3A_118 = vector.broadcast %broadcast_in_dim3A_117 : vector<256x1xf32> to vector<256x2048xf32>
    %sub3A_119 = arith.subf %dot_general3A_114, %sub3A_118 : vector<256x2048xf32>
    %exp23A_120 = math.exp2 %sub3A_119 : vector<256x2048xf32>
    %convert_element_type3A_121 = arith.truncf %exp23A_120 : vector<256x2048xf32> to vector<256x2048xbf16>
    %dot_general3A_122 = arith.constant dense<0.000000e+00> : vector<256x97xf32>
    %dot_general3A_123 = tpu.matmul %convert_element_type3A_121, %concatenate3A_112, %dot_general3A_122 {dimension_numbers = #tpu.dot_dimension_numbers<[1], [0], [0], [1], [0, 0, 1, 1], [], []>, transpose_lhs_hint = false} : vector<256x2048xbf16>, vector<2048x97xbf16>, vector<256x97xf32> -> vector<256x97xf32>
    %slice3A_124 = vector.extract_strided_slice %dot_general3A_123 {offsets = [0, 0], sizes = [256, 96], strides = [1, 1]} : vector<256x97xf32> to vector<256x96xf32>
    %slice3A_125 = vector.extract_strided_slice %dot_general3A_123 {offsets = [0, 96], sizes = [256, 1], strides = [1, 1]} : vector<256x97xf32> to vector<256x1xf32>
    %div3A_126 = arith.constant 1.000000e+00 : f32
    %div3A_127 = vector.broadcast %div3A_126 : f32 to vector<256x1xf32>
    %div3A_128 = arith.divf %div3A_127, %slice3A_125 : vector<256x1xf32>
    %mul3A_129 = vector.broadcast %div3A_128 : vector<256x1xf32> to vector<256x96xf32>
    %mul3A_130 = arith.mulf %slice3A_124, %mul3A_129 : vector<256x96xf32>
    %get3A_131 = arith.constant 0 : index
    %get3A_132 = arith.constant 0 : index
    %get3A_133 = arith.constant 0 : index
    %get3A_134 = vector.load %arg6[%get3A_131, %get3A_132, %get3A_133] : memref<1x768x768xf32, #tpu.memory_space<vmem>>, vector<1x768x768xf32>
    %get3A_135 = vector.shape_cast %get3A_134 : vector<1x768x768xf32> to vector<768x768xf32>
    %slice3A_136 = vector.extract_strided_slice %get3A_135 {offsets = [192, 0], sizes = [96, 768], strides = [1, 1]} : vector<768x768xf32> to vector<96x768xf32>
    %dot_general3A_137 = arith.constant dense<0.000000e+00> : vector<256x768xf32>
    %dot_general3A_138 = tpu.matmul %mul3A_130, %slice3A_136, %dot_general3A_137 {dimension_numbers = #tpu.dot_dimension_numbers<[1], [0], [0], [1], [0, 0, 1, 1], [], []>, transpose_lhs_hint = false} : vector<256x96xf32>, vector<96x768xf32>, vector<256x768xf32> -> vector<256x768xf32>
    %add3A_139 = arith.addf %add3A_93, %dot_general3A_138 : vector<256x768xf32>
    %get3A_140 = arith.constant 0 : index
    %get3A_141 = arith.constant 0 : index
    %get3A_142 = arith.constant 0 : index
    %get3A_143 = vector.load %arg2[%get3A_140, %get3A_141, %get3A_142] : memref<1x256x768xbf16, #tpu.memory_space<vmem>>, vector<1x256x768xbf16>
    %get3A_144 = vector.shape_cast %get3A_143 : vector<1x256x768xbf16> to vector<256x768xbf16>
    %slice3A_145 = vector.extract_strided_slice %get3A_144 {offsets = [0, 288], sizes = [256, 96], strides = [1, 1]} : vector<256x768xbf16> to vector<256x96xbf16>
    %get3A_146 = arith.constant 0 : index
    %get3A_147 = arith.constant 0 : index
    %get3A_148 = arith.constant 0 : index
    %get3A_149 = vector.load %arg3[%get3A_146, %get3A_147, %get3A_148] : memref<1x2048x768xbf16, #tpu.memory_space<vmem>>, vector<1x2048x768xbf16>
    %get3A_150 = vector.shape_cast %get3A_149 : vector<1x2048x768xbf16> to vector<2048x768xbf16>
    %slice3A_151 = vector.extract_strided_slice %get3A_150 {offsets = [0, 288], sizes = [2048, 96], strides = [1, 1]} : vector<2048x768xbf16> to vector<2048x96xbf16>
    %get3A_152 = arith.constant 0 : index
    %get3A_153 = arith.constant 0 : index
    %get3A_154 = arith.constant 0 : index
    %get3A_155 = vector.load %arg4[%get3A_152, %get3A_153, %get3A_154] : memref<1x2048x768xbf16, #tpu.memory_space<vmem>>, vector<1x2048x768xbf16>
    %get3A_156 = vector.shape_cast %get3A_155 : vector<1x2048x768xbf16> to vector<2048x768xbf16>
    %slice3A_157 = vector.extract_strided_slice %get3A_156 {offsets = [0, 288], sizes = [2048, 96], strides = [1, 1]} : vector<2048x768xbf16> to vector<2048x96xbf16>
    %concatenate3A_158 = tpu.concatenate %slice3A_157, %broadcast_in_dim3A_10 in 1 : vector<2048x96xbf16>, vector<2048x1xbf16> -> vector<2048x97xbf16>
    %dot_general3A_159 = arith.constant dense<0.000000e+00> : vector<256x2048xf32>
    %dot_general3A_160 = tpu.matmul %slice3A_145, %slice3A_151, %dot_general3A_159 {dimension_numbers = #tpu.dot_dimension_numbers<[1], [1], [0], [0], [0, 0, 1, 0], [], []>, transpose_lhs_hint = false} : vector<256x96xbf16>, vector<2048x96xbf16>, vector<256x2048xf32> -> vector<256x2048xf32>
    %reduce_max3A_161 = arith.constant dense<0xFF800000> : vector<256xf32>
    %reduce_max3A_162 = vector.multi_reduction <maximumf>, %dot_general3A_160, %reduce_max3A_161 [1] : vector<256x2048xf32> to vector<256xf32>
    %broadcast_in_dim3A_163 = vector.shape_cast %reduce_max3A_162 : vector<256xf32> to vector<256x1xf32>
    %sub3A_164 = vector.broadcast %broadcast_in_dim3A_163 : vector<256x1xf32> to vector<256x2048xf32>
    %sub3A_165 = arith.subf %dot_general3A_160, %sub3A_164 : vector<256x2048xf32>
    %exp23A_166 = math.exp2 %sub3A_165 : vector<256x2048xf32>
    %convert_element_type3A_167 = arith.truncf %exp23A_166 : vector<256x2048xf32> to vector<256x2048xbf16>
    %dot_general3A_168 = arith.constant dense<0.000000e+00> : vector<256x97xf32>
    %dot_general3A_169 = tpu.matmul %convert_element_type3A_167, %concatenate3A_158, %dot_general3A_168 {dimension_numbers = #tpu.dot_dimension_numbers<[1], [0], [0], [1], [0, 0, 1, 1], [], []>, transpose_lhs_hint = false} : vector<256x2048xbf16>, vector<2048x97xbf16>, vector<256x97xf32> -> vector<256x97xf32>
    %slice3A_170 = vector.extract_strided_slice %dot_general3A_169 {offsets = [0, 0], sizes = [256, 96], strides = [1, 1]} : vector<256x97xf32> to vector<256x96xf32>
    %slice3A_171 = vector.extract_strided_slice %dot_general3A_169 {offsets = [0, 96], sizes = [256, 1], strides = [1, 1]} : vector<256x97xf32> to vector<256x1xf32>
    %div3A_172 = arith.constant 1.000000e+00 : f32
    %div3A_173 = vector.broadcast %div3A_172 : f32 to vector<256x1xf32>
    %div3A_174 = arith.divf %div3A_173, %slice3A_171 : vector<256x1xf32>
    %mul3A_175 = vector.broadcast %div3A_174 : vector<256x1xf32> to vector<256x96xf32>
    %mul3A_176 = arith.mulf %slice3A_170, %mul3A_175 : vector<256x96xf32>
    %get3A_177 = arith.constant 0 : index
    %get3A_178 = arith.constant 0 : index
    %get3A_179 = arith.constant 0 : index
    %get3A_180 = vector.load %arg6[%get3A_177, %get3A_178, %get3A_179] : memref<1x768x768xf32, #tpu.memory_space<vmem>>, vector<1x768x768xf32>
    %get3A_181 = vector.shape_cast %get3A_180 : vector<1x768x768xf32> to vector<768x768xf32>
    %slice3A_182 = vector.extract_strided_slice %get3A_181 {offsets = [288, 0], sizes = [96, 768], strides = [1, 1]} : vector<768x768xf32> to vector<96x768xf32>
    %dot_general3A_183 = arith.constant dense<0.000000e+00> : vector<256x768xf32>
    %dot_general3A_184 = tpu.matmul %mul3A_176, %slice3A_182, %dot_general3A_183 {dimension_numbers = #tpu.dot_dimension_numbers<[1], [0], [0], [1], [0, 0, 1, 1], [], []>, transpose_lhs_hint = false} : vector<256x96xf32>, vector<96x768xf32>, vector<256x768xf32> -> vector<256x768xf32>
    %add3A_185 = arith.addf %add3A_139, %dot_general3A_184 : vector<256x768xf32>
    %get3A_186 = arith.constant 0 : index
    %get3A_187 = arith.constant 0 : index
    %get3A_188 = arith.constant 0 : index
    %get3A_189 = vector.load %arg2[%get3A_186, %get3A_187, %get3A_188] : memref<1x256x768xbf16, #tpu.memory_space<vmem>>, vector<1x256x768xbf16>
    %get3A_190 = vector.shape_cast %get3A_189 : vector<1x256x768xbf16> to vector<256x768xbf16>
    %slice3A_191 = vector.extract_strided_slice %get3A_190 {offsets = [0, 384], sizes = [256, 96], strides = [1, 1]} : vector<256x768xbf16> to vector<256x96xbf16>
    %get3A_192 = arith.constant 0 : index
    %get3A_193 = arith.constant 0 : index
    %get3A_194 = arith.constant 0 : index
    %get3A_195 = vector.load %arg3[%get3A_192, %get3A_193, %get3A_194] : memref<1x2048x768xbf16, #tpu.memory_space<vmem>>, vector<1x2048x768xbf16>
    %get3A_196 = vector.shape_cast %get3A_195 : vector<1x2048x768xbf16> to vector<2048x768xbf16>
    %slice3A_197 = vector.extract_strided_slice %get3A_196 {offsets = [0, 384], sizes = [2048, 96], strides = [1, 1]} : vector<2048x768xbf16> to vector<2048x96xbf16>
    %get3A_198 = arith.constant 0 : index
    %get3A_199 = arith.constant 0 : index
    %get3A_200 = arith.constant 0 : index
    %get3A_201 = vector.load %arg4[%get3A_198, %get3A_199, %get3A_200] : memref<1x2048x768xbf16, #tpu.memory_space<vmem>>, vector<1x2048x768xbf16>
    %get3A_202 = vector.shape_cast %get3A_201 : vector<1x2048x768xbf16> to vector<2048x768xbf16>
    %slice3A_203 = vector.extract_strided_slice %get3A_202 {offsets = [0, 384], sizes = [2048, 96], strides = [1, 1]} : vector<2048x768xbf16> to vector<2048x96xbf16>
    %concatenate3A_204 = tpu.concatenate %slice3A_203, %broadcast_in_dim3A_10 in 1 : vector<2048x96xbf16>, vector<2048x1xbf16> -> vector<2048x97xbf16>
    %dot_general3A_205 = arith.constant dense<0.000000e+00> : vector<256x2048xf32>
    %dot_general3A_206 = tpu.matmul %slice3A_191, %slice3A_197, %dot_general3A_205 {dimension_numbers = #tpu.dot_dimension_numbers<[1], [1], [0], [0], [0, 0, 1, 0], [], []>, transpose_lhs_hint = false} : vector<256x96xbf16>, vector<2048x96xbf16>, vector<256x2048xf32> -> vector<256x2048xf32>
    %reduce_max3A_207 = arith.constant dense<0xFF800000> : vector<256xf32>
    %reduce_max3A_208 = vector.multi_reduction <maximumf>, %dot_general3A_206, %reduce_max3A_207 [1] : vector<256x2048xf32> to vector<256xf32>
    %broadcast_in_dim3A_209 = vector.shape_cast %reduce_max3A_208 : vector<256xf32> to vector<256x1xf32>
    %sub3A_210 = vector.broadcast %broadcast_in_dim3A_209 : vector<256x1xf32> to vector<256x2048xf32>
    %sub3A_211 = arith.subf %dot_general3A_206, %sub3A_210 : vector<256x2048xf32>
    %exp23A_212 = math.exp2 %sub3A_211 : vector<256x2048xf32>
    %convert_element_type3A_213 = arith.truncf %exp23A_212 : vector<256x2048xf32> to vector<256x2048xbf16>
    %dot_general3A_214 = arith.constant dense<0.000000e+00> : vector<256x97xf32>
    %dot_general3A_215 = tpu.matmul %convert_element_type3A_213, %concatenate3A_204, %dot_general3A_214 {dimension_numbers = #tpu.dot_dimension_numbers<[1], [0], [0], [1], [0, 0, 1, 1], [], []>, transpose_lhs_hint = false} : vector<256x2048xbf16>, vector<2048x97xbf16>, vector<256x97xf32> -> vector<256x97xf32>
    %slice3A_216 = vector.extract_strided_slice %dot_general3A_215 {offsets = [0, 0], sizes = [256, 96], strides = [1, 1]} : vector<256x97xf32> to vector<256x96xf32>
    %slice3A_217 = vector.extract_strided_slice %dot_general3A_215 {offsets = [0, 96], sizes = [256, 1], strides = [1, 1]} : vector<256x97xf32> to vector<256x1xf32>
    %div3A_218 = arith.constant 1.000000e+00 : f32
    %div3A_219 = vector.broadcast %div3A_218 : f32 to vector<256x1xf32>
    %div3A_220 = arith.divf %div3A_219, %slice3A_217 : vector<256x1xf32>
    %mul3A_221 = vector.broadcast %div3A_220 : vector<256x1xf32> to vector<256x96xf32>
    %mul3A_222 = arith.mulf %slice3A_216, %mul3A_221 : vector<256x96xf32>
    %get3A_223 = arith.constant 0 : index
    %get3A_224 = arith.constant 0 : index
    %get3A_225 = arith.constant 0 : index
    %get3A_226 = vector.load %arg6[%get3A_223, %get3A_224, %get3A_225] : memref<1x768x768xf32, #tpu.memory_space<vmem>>, vector<1x768x768xf32>
    %get3A_227 = vector.shape_cast %get3A_226 : vector<1x768x768xf32> to vector<768x768xf32>
    %slice3A_228 = vector.extract_strided_slice %get3A_227 {offsets = [384, 0], sizes = [96, 768], strides = [1, 1]} : vector<768x768xf32> to vector<96x768xf32>
    %dot_general3A_229 = arith.constant dense<0.000000e+00> : vector<256x768xf32>
    %dot_general3A_230 = tpu.matmul %mul3A_222, %slice3A_228, %dot_general3A_229 {dimension_numbers = #tpu.dot_dimension_numbers<[1], [0], [0], [1], [0, 0, 1, 1], [], []>, transpose_lhs_hint = false} : vector<256x96xf32>, vector<96x768xf32>, vector<256x768xf32> -> vector<256x768xf32>
    %add3A_231 = arith.addf %add3A_185, %dot_general3A_230 : vector<256x768xf32>
    %get3A_232 = arith.constant 0 : index
    %get3A_233 = arith.constant 0 : index
    %get3A_234 = arith.constant 0 : index
    %get3A_235 = vector.load %arg2[%get3A_232, %get3A_233, %get3A_234] : memref<1x256x768xbf16, #tpu.memory_space<vmem>>, vector<1x256x768xbf16>
    %get3A_236 = vector.shape_cast %get3A_235 : vector<1x256x768xbf16> to vector<256x768xbf16>
    %slice3A_237 = vector.extract_strided_slice %get3A_236 {offsets = [0, 480], sizes = [256, 96], strides = [1, 1]} : vector<256x768xbf16> to vector<256x96xbf16>
    %get3A_238 = arith.constant 0 : index
    %get3A_239 = arith.constant 0 : index
    %get3A_240 = arith.constant 0 : index
    %get3A_241 = vector.load %arg3[%get3A_238, %get3A_239, %get3A_240] : memref<1x2048x768xbf16, #tpu.memory_space<vmem>>, vector<1x2048x768xbf16>
    %get3A_242 = vector.shape_cast %get3A_241 : vector<1x2048x768xbf16> to vector<2048x768xbf16>
    %slice3A_243 = vector.extract_strided_slice %get3A_242 {offsets = [0, 480], sizes = [2048, 96], strides = [1, 1]} : vector<2048x768xbf16> to vector<2048x96xbf16>
    %get3A_244 = arith.constant 0 : index
    %get3A_245 = arith.constant 0 : index
    %get3A_246 = arith.constant 0 : index
    %get3A_247 = vector.load %arg4[%get3A_244, %get3A_245, %get3A_246] : memref<1x2048x768xbf16, #tpu.memory_space<vmem>>, vector<1x2048x768xbf16>
    %get3A_248 = vector.shape_cast %get3A_247 : vector<1x2048x768xbf16> to vector<2048x768xbf16>
    %slice3A_249 = vector.extract_strided_slice %get3A_248 {offsets = [0, 480], sizes = [2048, 96], strides = [1, 1]} : vector<2048x768xbf16> to vector<2048x96xbf16>
    %concatenate3A_250 = tpu.concatenate %slice3A_249, %broadcast_in_dim3A_10 in 1 : vector<2048x96xbf16>, vector<2048x1xbf16> -> vector<2048x97xbf16>
    %dot_general3A_251 = arith.constant dense<0.000000e+00> : vector<256x2048xf32>
    %dot_general3A_252 = tpu.matmul %slice3A_237, %slice3A_243, %dot_general3A_251 {dimension_numbers = #tpu.dot_dimension_numbers<[1], [1], [0], [0], [0, 0, 1, 0], [], []>, transpose_lhs_hint = false} : vector<256x96xbf16>, vector<2048x96xbf16>, vector<256x2048xf32> -> vector<256x2048xf32>
    %reduce_max3A_253 = arith.constant dense<0xFF800000> : vector<256xf32>
    %reduce_max3A_254 = vector.multi_reduction <maximumf>, %dot_general3A_252, %reduce_max3A_253 [1] : vector<256x2048xf32> to vector<256xf32>
    %broadcast_in_dim3A_255 = vector.shape_cast %reduce_max3A_254 : vector<256xf32> to vector<256x1xf32>
    %sub3A_256 = vector.broadcast %broadcast_in_dim3A_255 : vector<256x1xf32> to vector<256x2048xf32>
    %sub3A_257 = arith.subf %dot_general3A_252, %sub3A_256 : vector<256x2048xf32>
    %exp23A_258 = math.exp2 %sub3A_257 : vector<256x2048xf32>
    %convert_element_type3A_259 = arith.truncf %exp23A_258 : vector<256x2048xf32> to vector<256x2048xbf16>
    %dot_general3A_260 = arith.constant dense<0.000000e+00> : vector<256x97xf32>
    %dot_general3A_261 = tpu.matmul %convert_element_type3A_259, %concatenate3A_250, %dot_general3A_260 {dimension_numbers = #tpu.dot_dimension_numbers<[1], [0], [0], [1], [0, 0, 1, 1], [], []>, transpose_lhs_hint = false} : vector<256x2048xbf16>, vector<2048x97xbf16>, vector<256x97xf32> -> vector<256x97xf32>
    %slice3A_262 = vector.extract_strided_slice %dot_general3A_261 {offsets = [0, 0], sizes = [256, 96], strides = [1, 1]} : vector<256x97xf32> to vector<256x96xf32>
    %slice3A_263 = vector.extract_strided_slice %dot_general3A_261 {offsets = [0, 96], sizes = [256, 1], strides = [1, 1]} : vector<256x97xf32> to vector<256x1xf32>
    %div3A_264 = arith.constant 1.000000e+00 : f32
    %div3A_265 = vector.broadcast %div3A_264 : f32 to vector<256x1xf32>
    %div3A_266 = arith.divf %div3A_265, %slice3A_263 : vector<256x1xf32>
    %mul3A_267 = vector.broadcast %div3A_266 : vector<256x1xf32> to vector<256x96xf32>
    %mul3A_268 = arith.mulf %slice3A_262, %mul3A_267 : vector<256x96xf32>
    %get3A_269 = arith.constant 0 : index
    %get3A_270 = arith.constant 0 : index
    %get3A_271 = arith.constant 0 : index
    %get3A_272 = vector.load %arg6[%get3A_269, %get3A_270, %get3A_271] : memref<1x768x768xf32, #tpu.memory_space<vmem>>, vector<1x768x768xf32>
    %get3A_273 = vector.shape_cast %get3A_272 : vector<1x768x768xf32> to vector<768x768xf32>
    %slice3A_274 = vector.extract_strided_slice %get3A_273 {offsets = [480, 0], sizes = [96, 768], strides = [1, 1]} : vector<768x768xf32> to vector<96x768xf32>
    %dot_general3A_275 = arith.constant dense<0.000000e+00> : vector<256x768xf32>
    %dot_general3A_276 = tpu.matmul %mul3A_268, %slice3A_274, %dot_general3A_275 {dimension_numbers = #tpu.dot_dimension_numbers<[1], [0], [0], [1], [0, 0, 1, 1], [], []>, transpose_lhs_hint = false} : vector<256x96xf32>, vector<96x768xf32>, vector<256x768xf32> -> vector<256x768xf32>
    %add3A_277 = arith.addf %add3A_231, %dot_general3A_276 : vector<256x768xf32>
    %get3A_278 = arith.constant 0 : index
    %get3A_279 = arith.constant 0 : index
    %get3A_280 = arith.constant 0 : index
    %get3A_281 = vector.load %arg2[%get3A_278, %get3A_279, %get3A_280] : memref<1x256x768xbf16, #tpu.memory_space<vmem>>, vector<1x256x768xbf16>
    %get3A_282 = vector.shape_cast %get3A_281 : vector<1x256x768xbf16> to vector<256x768xbf16>
    %slice3A_283 = vector.extract_strided_slice %get3A_282 {offsets = [0, 576], sizes = [256, 96], strides = [1, 1]} : vector<256x768xbf16> to vector<256x96xbf16>
    %get3A_284 = arith.constant 0 : index
    %get3A_285 = arith.constant 0 : index
    %get3A_286 = arith.constant 0 : index
    %get3A_287 = vector.load %arg3[%get3A_284, %get3A_285, %get3A_286] : memref<1x2048x768xbf16, #tpu.memory_space<vmem>>, vector<1x2048x768xbf16>
    %get3A_288 = vector.shape_cast %get3A_287 : vector<1x2048x768xbf16> to vector<2048x768xbf16>
    %slice3A_289 = vector.extract_strided_slice %get3A_288 {offsets = [0, 576], sizes = [2048, 96], strides = [1, 1]} : vector<2048x768xbf16> to vector<2048x96xbf16>
    %get3A_290 = arith.constant 0 : index
    %get3A_291 = arith.constant 0 : index
    %get3A_292 = arith.constant 0 : index
    %get3A_293 = vector.load %arg4[%get3A_290, %get3A_291, %get3A_292] : memref<1x2048x768xbf16, #tpu.memory_space<vmem>>, vector<1x2048x768xbf16>
    %get3A_294 = vector.shape_cast %get3A_293 : vector<1x2048x768xbf16> to vector<2048x768xbf16>
    %slice3A_295 = vector.extract_strided_slice %get3A_294 {offsets = [0, 576], sizes = [2048, 96], strides = [1, 1]} : vector<2048x768xbf16> to vector<2048x96xbf16>
    %concatenate3A_296 = tpu.concatenate %slice3A_295, %broadcast_in_dim3A_10 in 1 : vector<2048x96xbf16>, vector<2048x1xbf16> -> vector<2048x97xbf16>
    %dot_general3A_297 = arith.constant dense<0.000000e+00> : vector<256x2048xf32>
    %dot_general3A_298 = tpu.matmul %slice3A_283, %slice3A_289, %dot_general3A_297 {dimension_numbers = #tpu.dot_dimension_numbers<[1], [1], [0], [0], [0, 0, 1, 0], [], []>, transpose_lhs_hint = false} : vector<256x96xbf16>, vector<2048x96xbf16>, vector<256x2048xf32> -> vector<256x2048xf32>
    %reduce_max3A_299 = arith.constant dense<0xFF800000> : vector<256xf32>
    %reduce_max3A_300 = vector.multi_reduction <maximumf>, %dot_general3A_298, %reduce_max3A_299 [1] : vector<256x2048xf32> to vector<256xf32>
    %broadcast_in_dim3A_301 = vector.shape_cast %reduce_max3A_300 : vector<256xf32> to vector<256x1xf32>
    %sub3A_302 = vector.broadcast %broadcast_in_dim3A_301 : vector<256x1xf32> to vector<256x2048xf32>
    %sub3A_303 = arith.subf %dot_general3A_298, %sub3A_302 : vector<256x2048xf32>
    %exp23A_304 = math.exp2 %sub3A_303 : vector<256x2048xf32>
    %convert_element_type3A_305 = arith.truncf %exp23A_304 : vector<256x2048xf32> to vector<256x2048xbf16>
    %dot_general3A_306 = arith.constant dense<0.000000e+00> : vector<256x97xf32>
    %dot_general3A_307 = tpu.matmul %convert_element_type3A_305, %concatenate3A_296, %dot_general3A_306 {dimension_numbers = #tpu.dot_dimension_numbers<[1], [0], [0], [1], [0, 0, 1, 1], [], []>, transpose_lhs_hint = false} : vector<256x2048xbf16>, vector<2048x97xbf16>, vector<256x97xf32> -> vector<256x97xf32>
    %slice3A_308 = vector.extract_strided_slice %dot_general3A_307 {offsets = [0, 0], sizes = [256, 96], strides = [1, 1]} : vector<256x97xf32> to vector<256x96xf32>
    %slice3A_309 = vector.extract_strided_slice %dot_general3A_307 {offsets = [0, 96], sizes = [256, 1], strides = [1, 1]} : vector<256x97xf32> to vector<256x1xf32>
    %div3A_310 = arith.constant 1.000000e+00 : f32
    %div3A_311 = vector.broadcast %div3A_310 : f32 to vector<256x1xf32>
    %div3A_312 = arith.divf %div3A_311, %slice3A_309 : vector<256x1xf32>
    %mul3A_313 = vector.broadcast %div3A_312 : vector<256x1xf32> to vector<256x96xf32>
    %mul3A_314 = arith.mulf %slice3A_308, %mul3A_313 : vector<256x96xf32>
    %get3A_315 = arith.constant 0 : index
    %get3A_316 = arith.constant 0 : index
    %get3A_317 = arith.constant 0 : index
    %get3A_318 = vector.load %arg6[%get3A_315, %get3A_316, %get3A_317] : memref<1x768x768xf32, #tpu.memory_space<vmem>>, vector<1x768x768xf32>
    %get3A_319 = vector.shape_cast %get3A_318 : vector<1x768x768xf32> to vector<768x768xf32>
    %slice3A_320 = vector.extract_strided_slice %get3A_319 {offsets = [576, 0], sizes = [96, 768], strides = [1, 1]} : vector<768x768xf32> to vector<96x768xf32>
    %dot_general3A_321 = arith.constant dense<0.000000e+00> : vector<256x768xf32>
    %dot_general3A_322 = tpu.matmul %mul3A_314, %slice3A_320, %dot_general3A_321 {dimension_numbers = #tpu.dot_dimension_numbers<[1], [0], [0], [1], [0, 0, 1, 1], [], []>, transpose_lhs_hint = false} : vector<256x96xf32>, vector<96x768xf32>, vector<256x768xf32> -> vector<256x768xf32>
    %add3A_323 = arith.addf %add3A_277, %dot_general3A_322 : vector<256x768xf32>
    %get3A_324 = arith.constant 0 : index
    %get3A_325 = arith.constant 0 : index
    %get3A_326 = arith.constant 0 : index
    %get3A_327 = vector.load %arg2[%get3A_324, %get3A_325, %get3A_326] : memref<1x256x768xbf16, #tpu.memory_space<vmem>>, vector<1x256x768xbf16>
    %get3A_328 = vector.shape_cast %get3A_327 : vector<1x256x768xbf16> to vector<256x768xbf16>
    %slice3A_329 = vector.extract_strided_slice %get3A_328 {offsets = [0, 672], sizes = [256, 96], strides = [1, 1]} : vector<256x768xbf16> to vector<256x96xbf16>
    %get3A_330 = arith.constant 0 : index
    %get3A_331 = arith.constant 0 : index
    %get3A_332 = arith.constant 0 : index
    %get3A_333 = vector.load %arg3[%get3A_330, %get3A_331, %get3A_332] : memref<1x2048x768xbf16, #tpu.memory_space<vmem>>, vector<1x2048x768xbf16>
    %get3A_334 = vector.shape_cast %get3A_333 : vector<1x2048x768xbf16> to vector<2048x768xbf16>
    %slice3A_335 = vector.extract_strided_slice %get3A_334 {offsets = [0, 672], sizes = [2048, 96], strides = [1, 1]} : vector<2048x768xbf16> to vector<2048x96xbf16>
    %get3A_336 = arith.constant 0 : index
    %get3A_337 = arith.constant 0 : index
    %get3A_338 = arith.constant 0 : index
    %get3A_339 = vector.load %arg4[%get3A_336, %get3A_337, %get3A_338] : memref<1x2048x768xbf16, #tpu.memory_space<vmem>>, vector<1x2048x768xbf16>
    %get3A_340 = vector.shape_cast %get3A_339 : vector<1x2048x768xbf16> to vector<2048x768xbf16>
    %slice3A_341 = vector.extract_strided_slice %get3A_340 {offsets = [0, 672], sizes = [2048, 96], strides = [1, 1]} : vector<2048x768xbf16> to vector<2048x96xbf16>
    %concatenate3A_342 = tpu.concatenate %slice3A_341, %broadcast_in_dim3A_10 in 1 : vector<2048x96xbf16>, vector<2048x1xbf16> -> vector<2048x97xbf16>
    %dot_general3A_343 = arith.constant dense<0.000000e+00> : vector<256x2048xf32>
    %dot_general3A_344 = tpu.matmul %slice3A_329, %slice3A_335, %dot_general3A_343 {dimension_numbers = #tpu.dot_dimension_numbers<[1], [1], [0], [0], [0, 0, 1, 0], [], []>, transpose_lhs_hint = false} : vector<256x96xbf16>, vector<2048x96xbf16>, vector<256x2048xf32> -> vector<256x2048xf32>
    %reduce_max3A_345 = arith.constant dense<0xFF800000> : vector<256xf32>
    %reduce_max3A_346 = vector.multi_reduction <maximumf>, %dot_general3A_344, %reduce_max3A_345 [1] : vector<256x2048xf32> to vector<256xf32>
    %broadcast_in_dim3A_347 = vector.shape_cast %reduce_max3A_346 : vector<256xf32> to vector<256x1xf32>
    %sub3A_348 = vector.broadcast %broadcast_in_dim3A_347 : vector<256x1xf32> to vector<256x2048xf32>
    %sub3A_349 = arith.subf %dot_general3A_344, %sub3A_348 : vector<256x2048xf32>
    %exp23A_350 = math.exp2 %sub3A_349 : vector<256x2048xf32>
    %convert_element_type3A_351 = arith.truncf %exp23A_350 : vector<256x2048xf32> to vector<256x2048xbf16>
    %dot_general3A_352 = arith.constant dense<0.000000e+00> : vector<256x97xf32>
    %dot_general3A_353 = tpu.matmul %convert_element_type3A_351, %concatenate3A_342, %dot_general3A_352 {dimension_numbers = #tpu.dot_dimension_numbers<[1], [0], [0], [1], [0, 0, 1, 1], [], []>, transpose_lhs_hint = false} : vector<256x2048xbf16>, vector<2048x97xbf16>, vector<256x97xf32> -> vector<256x97xf32>
    %slice3A_354 = vector.extract_strided_slice %dot_general3A_353 {offsets = [0, 0], sizes = [256, 96], strides = [1, 1]} : vector<256x97xf32> to vector<256x96xf32>
    %slice3A_355 = vector.extract_strided_slice %dot_general3A_353 {offsets = [0, 96], sizes = [256, 1], strides = [1, 1]} : vector<256x97xf32> to vector<256x1xf32>
    %div3A_356 = arith.constant 1.000000e+00 : f32
    %div3A_357 = vector.broadcast %div3A_356 : f32 to vector<256x1xf32>
    %div3A_358 = arith.divf %div3A_357, %slice3A_355 : vector<256x1xf32>
    %mul3A_359 = vector.broadcast %div3A_358 : vector<256x1xf32> to vector<256x96xf32>
    %mul3A_360 = arith.mulf %slice3A_354, %mul3A_359 : vector<256x96xf32>
    %get3A_361 = arith.constant 0 : index
    %get3A_362 = arith.constant 0 : index
    %get3A_363 = arith.constant 0 : index
    %get3A_364 = vector.load %arg6[%get3A_361, %get3A_362, %get3A_363] : memref<1x768x768xf32, #tpu.memory_space<vmem>>, vector<1x768x768xf32>
    %get3A_365 = vector.shape_cast %get3A_364 : vector<1x768x768xf32> to vector<768x768xf32>
    %slice3A_366 = vector.extract_strided_slice %get3A_365 {offsets = [672, 0], sizes = [96, 768], strides = [1, 1]} : vector<768x768xf32> to vector<96x768xf32>
    %dot_general3A_367 = arith.constant dense<0.000000e+00> : vector<256x768xf32>
    %dot_general3A_368 = tpu.matmul %mul3A_360, %slice3A_366, %dot_general3A_367 {dimension_numbers = #tpu.dot_dimension_numbers<[1], [0], [0], [1], [0, 0, 1, 1], [], []>, transpose_lhs_hint = false} : vector<256x96xf32>, vector<96x768xf32>, vector<256x768xf32> -> vector<256x768xf32>
    %add3A_369 = arith.addf %add3A_323, %dot_general3A_368 : vector<256x768xf32>
    %swap3A = arith.constant 0 : index
    %swap3A_370 = arith.constant 0 : index
    %swap3A_371 = arith.constant 0 : index
    %swap3A_372 = vector.load %arg8[%swap3A, %swap3A_370, %swap3A_371] : memref<1x256x768xf32, #tpu.memory_space<vmem>>, vector<1x256x768xf32>
    %swap3A_373 = vector.shape_cast %swap3A_372 : vector<1x256x768xf32> to vector<256x768xf32>
    %swap3A_374 = vector.shape_cast %add3A_369 : vector<256x768xf32> to vector<1x256x768xf32>
    tpu.vector_store %arg8[%swap3A, %swap3A_370, %swap3A_371], %swap3A_374 {strides = array<i32>} : memref<1x256x768xf32, #tpu.memory_space<vmem>>, vector<1x256x768xf32>,
    return
  }
  func.func @transform_0(%arg0: i32, %arg1: i32) -> (i32, i32, i32) {
    %c0_i32 = arith.constant 0 : i32
    %c0_i32_0 = arith.constant 0 : i32
    return %arg0, %arg1, %c0_i32 : i32, i32, i32
  }
  func.func @transform_1(%arg0: i32, %arg1: i32) -> (i32, i32, i32) {
    %c0_i32 = arith.constant 0 : i32
    %c0_i32_0 = arith.constant 0 : i32
    %c0_i32_1 = arith.constant 0 : i32
    return %arg0, %c0_i32, %c0_i32_0 : i32, i32, i32
  }
  func.func @transform_2(%arg0: i32, %arg1: i32) -> (i32, i32, i32) {
    %c0_i32 = arith.constant 0 : i32
    %c0_i32_0 = arith.constant 0 : i32
    %c0_i32_1 = arith.constant 0 : i32
    return %arg0, %c0_i32, %c0_i32_0 : i32, i32, i32
  }
  func.func @transform_3(%arg0: i32, %arg1: i32) -> (i32, i32, i32) {
    %c0_i32 = arith.constant 0 : i32
    %c0_i32_0 = arith.constant 0 : i32
    return %arg0, %arg1, %c0_i32 : i32, i32, i32
  }
  func.func @transform_4(%arg0: i32, %arg1: i32) -> (i32, i32, i32) {
    %c1_i32 = arith.constant 1 : i32
    %c0_i32 = arith.constant 0 : i32
    %c0_i32_0 = arith.constant 0 : i32
    %c0_i32_1 = arith.constant 0 : i32
    return %c1_i32, %c0_i32, %c0_i32_0 : i32, i32, i32
  }
  func.func @transform_5(%arg0: i32, %arg1: i32) -> (i32, i32, i32) {
    %c1_i32 = arith.constant 1 : i32
    %c0_i32 = arith.constant 0 : i32
    %c0_i32_0 = arith.constant 0 : i32
    %c0_i32_1 = arith.constant 0 : i32
    return %c1_i32, %c0_i32, %c0_i32_0 : i32, i32, i32
  }
  func.func @transform_6(%arg0: i32, %arg1: i32) -> (i32, i32, i32) {
    %c0_i32 = arith.constant 0 : i32
    %c0_i32_0 = arith.constant 0 : i32
    return %arg0, %arg1, %c0_i32 : i32, i32, i32
  }
}

module attributes {stable_mosaic.version = 14 : i64} {
  func.func @body(%arg0: i32, %arg1: i32, %arg2: memref<1x512x768xf32, #tpu.memory_space<vmem>>, %arg3: memref<1x768x3072xf32, #tpu.memory_space<vmem>>, %arg4: memref<1x1x3072xf32, #tpu.memory_space<vmem>>, %arg5: memref<1x3072x768xf32, #tpu.memory_space<vmem>>, %arg6: memref<1x1x768xf32, #tpu.memory_space<vmem>>, %arg7: memref<1x1x768xf32, #tpu.memory_space<vmem>>, %arg8: memref<1x1x768xf32, #tpu.memory_space<vmem>>, %arg9: memref<1x512x768xf32, #tpu.memory_space<vmem>>) attributes {dimension_semantics = [#tpu.dimension_semantics<parallel>, #tpu.dimension_semantics<parallel>], iteration_bounds = array<i64: 2, 4>, scalar_prefetch = 0 : i64, scratch_operands = 0 : i64, tpu.core_type = #tpu.core_type<tc>, window_params = [{transform_indices = @transform_0, window_bounds = array<i64: 1, 512, 768>}, {transform_indices = @transform_1, window_bounds = array<i64: 1, 768, 3072>}, {transform_indices = @transform_2, window_bounds = array<i64: 1, 1, 3072>}, {transform_indices = @transform_3, window_bounds = array<i64: 1, 3072, 768>}, {transform_indices = @transform_4, window_bounds = array<i64: 1, 1, 768>}, {transform_indices = @transform_5, window_bounds = array<i64: 1, 1, 768>}, {transform_indices = @transform_6, window_bounds = array<i64: 1, 1, 768>}, {transform_indices = @transform_7, window_bounds = array<i64: 1, 512, 768>}]} {
    %get3A = arith.constant 0 : index
    %get3A_0 = arith.constant 0 : index
    %get3A_1 = arith.constant 0 : index
    %get3A_2 = vector.load %arg2[%get3A, %get3A_0, %get3A_1] : memref<1x512x768xf32, #tpu.memory_space<vmem>>, vector<1x512x768xf32>
    %get3A_3 = vector.shape_cast %get3A_2 : vector<1x512x768xf32> to vector<512x768xf32>
    %get3A_4 = arith.constant 0 : index
    %get3A_5 = arith.constant 0 : index
    %get3A_6 = arith.constant 0 : index
    %get3A_7 = vector.load %arg7[%get3A_4, %get3A_5, %get3A_6] : memref<1x1x768xf32, #tpu.memory_space<vmem>>, vector<1x1x768xf32>
    %get3A_8 = vector.shape_cast %get3A_7 : vector<1x1x768xf32> to vector<1x768xf32>
    %get3A_9 = arith.constant 0 : index
    %get3A_10 = arith.constant 0 : index
    %get3A_11 = arith.constant 0 : index
    %get3A_12 = vector.load %arg8[%get3A_9, %get3A_10, %get3A_11] : memref<1x1x768xf32, #tpu.memory_space<vmem>>, vector<1x1x768xf32>
    %get3A_13 = vector.shape_cast %get3A_12 : vector<1x1x768xf32> to vector<1x768xf32>
    %reduce_sum3A = arith.constant dense<0.000000e+00> : vector<512xf32>
    %reduce_sum3A_14 = vector.multi_reduction <add>, %get3A_3, %reduce_sum3A [1] : vector<512x768xf32> to vector<512xf32>
    %broadcast_in_dim3A = vector.shape_cast %reduce_sum3A_14 : vector<512xf32> to vector<512x1xf32>
    %div3A = arith.constant 7.680000e+02 : f32
    %div3A_15 = vector.broadcast %div3A : f32 to vector<512x1xf32>
    %div3A_16 = arith.divf %broadcast_in_dim3A, %div3A_15 : vector<512x1xf32>
    %sub3A = vector.broadcast %div3A_16 : vector<512x1xf32> to vector<512x768xf32>
    %sub3A_17 = arith.subf %get3A_3, %sub3A : vector<512x768xf32>
    %integer_pow3A = arith.mulf %sub3A_17, %sub3A_17 : vector<512x768xf32>
    %reduce_sum3A_18 = arith.constant dense<0.000000e+00> : vector<512xf32>
    %reduce_sum3A_19 = vector.multi_reduction <add>, %integer_pow3A, %reduce_sum3A_18 [1] : vector<512x768xf32> to vector<512xf32>
    %broadcast_in_dim3A_20 = vector.shape_cast %reduce_sum3A_19 : vector<512xf32> to vector<512x1xf32>
    %div3A_21 = arith.constant 7.680000e+02 : f32
    %div3A_22 = vector.broadcast %div3A_21 : f32 to vector<512x1xf32>
    %div3A_23 = arith.divf %broadcast_in_dim3A_20, %div3A_22 : vector<512x1xf32>
    %sub3A_24 = vector.broadcast %div3A_16 : vector<512x1xf32> to vector<512x768xf32>
    %sub3A_25 = arith.subf %get3A_3, %sub3A_24 : vector<512x768xf32>
    %add3A = arith.constant 9.99999974E-6 : f32
    %add3A_26 = vector.broadcast %add3A : f32 to vector<512x1xf32>
    %add3A_27 = arith.addf %div3A_23, %add3A_26 : vector<512x1xf32>
    %sqrt3A = math.sqrt %add3A_27 : vector<512x1xf32>
    %div3A_28 = vector.broadcast %sqrt3A : vector<512x1xf32> to vector<512x768xf32>
    %div3A_29 = arith.divf %sub3A_25, %div3A_28 : vector<512x768xf32>
    %mul3A = vector.broadcast %get3A_8 : vector<1x768xf32> to vector<512x768xf32>
    %mul3A_30 = arith.mulf %div3A_29, %mul3A : vector<512x768xf32>
    %add3A_31 = vector.broadcast %get3A_13 : vector<1x768xf32> to vector<512x768xf32>
    %add3A_32 = arith.addf %mul3A_30, %add3A_31 : vector<512x768xf32>
    %get3A_33 = arith.constant 0 : index
    %get3A_34 = arith.constant 0 : index
    %get3A_35 = arith.constant 0 : index
    %get3A_36 = vector.load %arg3[%get3A_33, %get3A_34, %get3A_35] : memref<1x768x3072xf32, #tpu.memory_space<vmem>>, vector<1x768x3072xf32>
    %get3A_37 = vector.shape_cast %get3A_36 : vector<1x768x3072xf32> to vector<768x3072xf32>
    %dot_general3A = arith.constant dense<0.000000e+00> : vector<512x3072xf32>
    %dot_general3A_38 = tpu.matmul %add3A_32, %get3A_37, %dot_general3A {dimension_numbers = #tpu.dot_dimension_numbers<[1], [0], [0], [1], [0, 0, 1, 1], [], []>, transpose_lhs_hint = false} : vector<512x768xf32>, vector<768x3072xf32>, vector<512x3072xf32> -> vector<512x3072xf32>
    %get3A_39 = arith.constant 0 : index
    %get3A_40 = arith.constant 0 : index
    %get3A_41 = arith.constant 0 : index
    %get3A_42 = vector.load %arg4[%get3A_39, %get3A_40, %get3A_41] : memref<1x1x3072xf32, #tpu.memory_space<vmem>>, vector<1x1x3072xf32>
    %get3A_43 = vector.shape_cast %get3A_42 : vector<1x1x3072xf32> to vector<1x3072xf32>
    %add3A_44 = vector.broadcast %get3A_43 : vector<1x3072xf32> to vector<512x3072xf32>
    %add3A_45 = arith.addf %dot_general3A_38, %add3A_44 : vector<512x3072xf32>
    %mul3A_46 = arith.constant 5.000000e-01 : f32
    %mul3A_47 = vector.broadcast %mul3A_46 : f32 to vector<512x3072xf32>
    %mul3A_48 = arith.mulf %mul3A_47, %add3A_45 : vector<512x3072xf32>
    %mul3A_49 = arith.constant 0.707106769 : f32
    %mul3A_50 = vector.broadcast %mul3A_49 : f32 to vector<512x3072xf32>
    %mul3A_51 = arith.mulf %add3A_45, %mul3A_50 : vector<512x3072xf32>
    %erf3A = math.erf %mul3A_51 : vector<512x3072xf32>
    %add3A_52 = arith.constant 1.000000e+00 : f32
    %add3A_53 = vector.broadcast %add3A_52 : f32 to vector<512x3072xf32>
    %add3A_54 = arith.addf %add3A_53, %erf3A : vector<512x3072xf32>
    %mul3A_55 = arith.mulf %mul3A_48, %add3A_54 : vector<512x3072xf32>
    %get3A_56 = arith.constant 0 : index
    %get3A_57 = arith.constant 0 : index
    %get3A_58 = arith.constant 0 : index
    %get3A_59 = vector.load %arg5[%get3A_56, %get3A_57, %get3A_58] : memref<1x3072x768xf32, #tpu.memory_space<vmem>>, vector<1x3072x768xf32>
    %get3A_60 = vector.shape_cast %get3A_59 : vector<1x3072x768xf32> to vector<3072x768xf32>
    %dot_general3A_61 = arith.constant dense<0.000000e+00> : vector<512x768xf32>
    %dot_general3A_62 = tpu.matmul %mul3A_55, %get3A_60, %dot_general3A_61 {dimension_numbers = #tpu.dot_dimension_numbers<[1], [0], [0], [1], [0, 0, 1, 1], [], []>, transpose_lhs_hint = false} : vector<512x3072xf32>, vector<3072x768xf32>, vector<512x768xf32> -> vector<512x768xf32>
    %add3A_63 = arith.addf %get3A_3, %dot_general3A_62 : vector<512x768xf32>
    %get3A_64 = arith.constant 0 : index
    %get3A_65 = arith.constant 0 : index
    %get3A_66 = arith.constant 0 : index
    %get3A_67 = vector.load %arg6[%get3A_64, %get3A_65, %get3A_66] : memref<1x1x768xf32, #tpu.memory_space<vmem>>, vector<1x1x768xf32>
    %get3A_68 = vector.shape_cast %get3A_67 : vector<1x1x768xf32> to vector<1x768xf32>
    %add3A_69 = vector.broadcast %get3A_68 : vector<1x768xf32> to vector<512x768xf32>
    %add3A_70 = arith.addf %add3A_63, %add3A_69 : vector<512x768xf32>
    %swap3A = arith.constant 0 : index
    %swap3A_71 = arith.constant 0 : index
    %swap3A_72 = arith.constant 0 : index
    %swap3A_73 = vector.load %arg9[%swap3A, %swap3A_71, %swap3A_72] : memref<1x512x768xf32, #tpu.memory_space<vmem>>, vector<1x512x768xf32>
    %swap3A_74 = vector.shape_cast %swap3A_73 : vector<1x512x768xf32> to vector<512x768xf32>
    %swap3A_75 = vector.shape_cast %add3A_70 : vector<512x768xf32> to vector<1x512x768xf32>
    tpu.vector_store %arg9[%swap3A, %swap3A_71, %swap3A_72], %swap3A_75 {strides = array<i32>} : memref<1x512x768xf32, #tpu.memory_space<vmem>>, vector<1x512x768xf32>,
    return
  }
  func.func @transform_0(%arg0: i32, %arg1: i32) -> (i32, i32, i32) {
    %c0_i32 = arith.constant 0 : i32
    %c0_i32_0 = arith.constant 0 : i32
    return %arg0, %arg1, %c0_i32 : i32, i32, i32
  }
  func.func @transform_1(%arg0: i32, %arg1: i32) -> (i32, i32, i32) {
    %c1_i32 = arith.constant 1 : i32
    %c0_i32 = arith.constant 0 : i32
    %c0_i32_0 = arith.constant 0 : i32
    %c0_i32_1 = arith.constant 0 : i32
    return %c1_i32, %c0_i32, %c0_i32_0 : i32, i32, i32
  }
  func.func @transform_2(%arg0: i32, %arg1: i32) -> (i32, i32, i32) {
    %c1_i32 = arith.constant 1 : i32
    %c0_i32 = arith.constant 0 : i32
    %c0_i32_0 = arith.constant 0 : i32
    %c0_i32_1 = arith.constant 0 : i32
    return %c1_i32, %c0_i32, %c0_i32_0 : i32, i32, i32
  }
  func.func @transform_3(%arg0: i32, %arg1: i32) -> (i32, i32, i32) {
    %c1_i32 = arith.constant 1 : i32
    %c0_i32 = arith.constant 0 : i32
    %c0_i32_0 = arith.constant 0 : i32
    %c0_i32_1 = arith.constant 0 : i32
    return %c1_i32, %c0_i32, %c0_i32_0 : i32, i32, i32
  }
  func.func @transform_4(%arg0: i32, %arg1: i32) -> (i32, i32, i32) {
    %c1_i32 = arith.constant 1 : i32
    %c0_i32 = arith.constant 0 : i32
    %c0_i32_0 = arith.constant 0 : i32
    %c0_i32_1 = arith.constant 0 : i32
    return %c1_i32, %c0_i32, %c0_i32_0 : i32, i32, i32
  }
  func.func @transform_5(%arg0: i32, %arg1: i32) -> (i32, i32, i32) {
    %c1_i32 = arith.constant 1 : i32
    %c0_i32 = arith.constant 0 : i32
    %c0_i32_0 = arith.constant 0 : i32
    %c0_i32_1 = arith.constant 0 : i32
    return %c1_i32, %c0_i32, %c0_i32_0 : i32, i32, i32
  }
  func.func @transform_6(%arg0: i32, %arg1: i32) -> (i32, i32, i32) {
    %c1_i32 = arith.constant 1 : i32
    %c0_i32 = arith.constant 0 : i32
    %c0_i32_0 = arith.constant 0 : i32
    %c0_i32_1 = arith.constant 0 : i32
    return %c1_i32, %c0_i32, %c0_i32_0 : i32, i32, i32
  }
  func.func @transform_7(%arg0: i32, %arg1: i32) -> (i32, i32, i32) {
    %c0_i32 = arith.constant 0 : i32
    %c0_i32_0 = arith.constant 0 : i32
    return %arg0, %arg1, %c0_i32 : i32, i32, i32
  }
}

module attributes {stable_mosaic.version = 14 : i64} {
  func.func @body(%arg0: i32, %arg1: i32, %arg2: memref<1x512x768xf32, #tpu.memory_space<vmem>>, %arg3: memref<1x768x768xf32, #tpu.memory_space<vmem>>, %arg4: memref<1x768x768xf32, #tpu.memory_space<vmem>>, %arg5: memref<1x768x768xf32, #tpu.memory_space<vmem>>, %arg6: memref<1x1x768xf32, #tpu.memory_space<vmem>>, %arg7: memref<1x1x768xf32, #tpu.memory_space<vmem>>, %arg8: memref<1x1x768xf32, #tpu.memory_space<vmem>>, %arg9: memref<1x1x768xf32, #tpu.memory_space<vmem>>, %arg10: memref<1x1x768xf32, #tpu.memory_space<vmem>>, %arg11: memref<1x512x768xbf16, #tpu.memory_space<vmem>>, %arg12: memref<1x512x768xbf16, #tpu.memory_space<vmem>>, %arg13: memref<1x512x768xbf16, #tpu.memory_space<vmem>>) attributes {dimension_semantics = [#tpu.dimension_semantics<parallel>, #tpu.dimension_semantics<parallel>], iteration_bounds = array<i64: 2, 4>, scalar_prefetch = 0 : i64, scratch_operands = 0 : i64, tpu.core_type = #tpu.core_type<tc>, window_params = [{transform_indices = @transform_0, window_bounds = array<i64: 1, 512, 768>}, {transform_indices = @transform_1, window_bounds = array<i64: 1, 768, 768>}, {transform_indices = @transform_2, window_bounds = array<i64: 1, 768, 768>}, {transform_indices = @transform_3, window_bounds = array<i64: 1, 768, 768>}, {transform_indices = @transform_4, window_bounds = array<i64: 1, 1, 768>}, {transform_indices = @transform_5, window_bounds = array<i64: 1, 1, 768>}, {transform_indices = @transform_6, window_bounds = array<i64: 1, 1, 768>}, {transform_indices = @transform_7, window_bounds = array<i64: 1, 1, 768>}, {transform_indices = @transform_8, window_bounds = array<i64: 1, 1, 768>}, {transform_indices = @transform_9, window_bounds = array<i64: 1, 512, 768>}, {transform_indices = @transform_10, window_bounds = array<i64: 1, 512, 768>}, {transform_indices = @transform_11, window_bounds = array<i64: 1, 512, 768>}]} {
    %get3A = arith.constant 0 : index
    %get3A_0 = arith.constant 0 : index
    %get3A_1 = arith.constant 0 : index
    %get3A_2 = vector.load %arg2[%get3A, %get3A_0, %get3A_1] : memref<1x512x768xf32, #tpu.memory_space<vmem>>, vector<1x512x768xf32>
    %get3A_3 = vector.shape_cast %get3A_2 : vector<1x512x768xf32> to vector<512x768xf32>
    %get3A_4 = arith.constant 0 : index
    %get3A_5 = arith.constant 0 : index
    %get3A_6 = arith.constant 0 : index
    %get3A_7 = vector.load %arg9[%get3A_4, %get3A_5, %get3A_6] : memref<1x1x768xf32, #tpu.memory_space<vmem>>, vector<1x1x768xf32>
    %get3A_8 = vector.shape_cast %get3A_7 : vector<1x1x768xf32> to vector<1x768xf32>
    %get3A_9 = arith.constant 0 : index
    %get3A_10 = arith.constant 0 : index
    %get3A_11 = arith.constant 0 : index
    %get3A_12 = vector.load %arg10[%get3A_9, %get3A_10, %get3A_11] : memref<1x1x768xf32, #tpu.memory_space<vmem>>, vector<1x1x768xf32>
    %get3A_13 = vector.shape_cast %get3A_12 : vector<1x1x768xf32> to vector<1x768xf32>
    %reduce_sum3A = arith.constant dense<0.000000e+00> : vector<512xf32>
    %reduce_sum3A_14 = vector.multi_reduction <add>, %get3A_3, %reduce_sum3A [1] : vector<512x768xf32> to vector<512xf32>
    %broadcast_in_dim3A = vector.shape_cast %reduce_sum3A_14 : vector<512xf32> to vector<512x1xf32>
    %div3A = arith.constant 7.680000e+02 : f32
    %div3A_15 = vector.broadcast %div3A : f32 to vector<512x1xf32>
    %div3A_16 = arith.divf %broadcast_in_dim3A, %div3A_15 : vector<512x1xf32>
    %sub3A = vector.broadcast %div3A_16 : vector<512x1xf32> to vector<512x768xf32>
    %sub3A_17 = arith.subf %get3A_3, %sub3A : vector<512x768xf32>
    %integer_pow3A = arith.mulf %sub3A_17, %sub3A_17 : vector<512x768xf32>
    %reduce_sum3A_18 = arith.constant dense<0.000000e+00> : vector<512xf32>
    %reduce_sum3A_19 = vector.multi_reduction <add>, %integer_pow3A, %reduce_sum3A_18 [1] : vector<512x768xf32> to vector<512xf32>
    %broadcast_in_dim3A_20 = vector.shape_cast %reduce_sum3A_19 : vector<512xf32> to vector<512x1xf32>
    %div3A_21 = arith.constant 7.680000e+02 : f32
    %div3A_22 = vector.broadcast %div3A_21 : f32 to vector<512x1xf32>
    %div3A_23 = arith.divf %broadcast_in_dim3A_20, %div3A_22 : vector<512x1xf32>
    %sub3A_24 = vector.broadcast %div3A_16 : vector<512x1xf32> to vector<512x768xf32>
    %sub3A_25 = arith.subf %get3A_3, %sub3A_24 : vector<512x768xf32>
    %add3A = arith.constant 9.99999974E-6 : f32
    %add3A_26 = vector.broadcast %add3A : f32 to vector<512x1xf32>
    %add3A_27 = arith.addf %div3A_23, %add3A_26 : vector<512x1xf32>
    %sqrt3A = math.sqrt %add3A_27 : vector<512x1xf32>
    %div3A_28 = vector.broadcast %sqrt3A : vector<512x1xf32> to vector<512x768xf32>
    %div3A_29 = arith.divf %sub3A_25, %div3A_28 : vector<512x768xf32>
    %mul3A = vector.broadcast %get3A_8 : vector<1x768xf32> to vector<512x768xf32>
    %mul3A_30 = arith.mulf %div3A_29, %mul3A : vector<512x768xf32>
    %add3A_31 = vector.broadcast %get3A_13 : vector<1x768xf32> to vector<512x768xf32>
    %add3A_32 = arith.addf %mul3A_30, %add3A_31 : vector<512x768xf32>
    %get3A_33 = arith.constant 0 : index
    %get3A_34 = arith.constant 0 : index
    %get3A_35 = arith.constant 0 : index
    %get3A_36 = vector.load %arg3[%get3A_33, %get3A_34, %get3A_35] : memref<1x768x768xf32, #tpu.memory_space<vmem>>, vector<1x768x768xf32>
    %get3A_37 = vector.shape_cast %get3A_36 : vector<1x768x768xf32> to vector<768x768xf32>
    %dot_general3A = arith.constant dense<0.000000e+00> : vector<512x768xf32>
    %dot_general3A_38 = tpu.matmul %add3A_32, %get3A_37, %dot_general3A {dimension_numbers = #tpu.dot_dimension_numbers<[1], [0], [0], [1], [0, 0, 1, 1], [], []>, transpose_lhs_hint = false} : vector<512x768xf32>, vector<768x768xf32>, vector<512x768xf32> -> vector<512x768xf32>
    %get3A_39 = arith.constant 0 : index
    %get3A_40 = arith.constant 0 : index
    %get3A_41 = arith.constant 0 : index
    %get3A_42 = vector.load %arg6[%get3A_39, %get3A_40, %get3A_41] : memref<1x1x768xf32, #tpu.memory_space<vmem>>, vector<1x1x768xf32>
    %get3A_43 = vector.shape_cast %get3A_42 : vector<1x1x768xf32> to vector<1x768xf32>
    %add3A_44 = vector.broadcast %get3A_43 : vector<1x768xf32> to vector<512x768xf32>
    %add3A_45 = arith.addf %dot_general3A_38, %add3A_44 : vector<512x768xf32>
    %convert_element_type3A = arith.truncf %add3A_45 : vector<512x768xf32> to vector<512x768xbf16>
    %swap3A = arith.constant 0 : index
    %swap3A_46 = arith.constant 0 : index
    %swap3A_47 = arith.constant 0 : index
    %swap3A_48 = vector.load %arg11[%swap3A, %swap3A_46, %swap3A_47] : memref<1x512x768xbf16, #tpu.memory_space<vmem>>, vector<1x512x768xbf16>
    %swap3A_49 = vector.shape_cast %swap3A_48 : vector<1x512x768xbf16> to vector<512x768xbf16>
    %swap3A_50 = vector.shape_cast %convert_element_type3A : vector<512x768xbf16> to vector<1x512x768xbf16>
    tpu.vector_store %arg11[%swap3A, %swap3A_46, %swap3A_47], %swap3A_50 {strides = array<i32>} : memref<1x512x768xbf16, #tpu.memory_space<vmem>>, vector<1x512x768xbf16>,
    %get3A_51 = arith.constant 0 : index
    %get3A_52 = arith.constant 0 : index
    %get3A_53 = arith.constant 0 : index
    %get3A_54 = vector.load %arg4[%get3A_51, %get3A_52, %get3A_53] : memref<1x768x768xf32, #tpu.memory_space<vmem>>, vector<1x768x768xf32>
    %get3A_55 = vector.shape_cast %get3A_54 : vector<1x768x768xf32> to vector<768x768xf32>
    %dot_general3A_56 = arith.constant dense<0.000000e+00> : vector<512x768xf32>
    %dot_general3A_57 = tpu.matmul %add3A_32, %get3A_55, %dot_general3A_56 {dimension_numbers = #tpu.dot_dimension_numbers<[1], [0], [0], [1], [0, 0, 1, 1], [], []>, transpose_lhs_hint = false} : vector<512x768xf32>, vector<768x768xf32>, vector<512x768xf32> -> vector<512x768xf32>
    %get3A_58 = arith.constant 0 : index
    %get3A_59 = arith.constant 0 : index
    %get3A_60 = arith.constant 0 : index
    %get3A_61 = vector.load %arg7[%get3A_58, %get3A_59, %get3A_60] : memref<1x1x768xf32, #tpu.memory_space<vmem>>, vector<1x1x768xf32>
    %get3A_62 = vector.shape_cast %get3A_61 : vector<1x1x768xf32> to vector<1x768xf32>
    %add3A_63 = vector.broadcast %get3A_62 : vector<1x768xf32> to vector<512x768xf32>
    %add3A_64 = arith.addf %dot_general3A_57, %add3A_63 : vector<512x768xf32>
    %convert_element_type3A_65 = arith.truncf %add3A_64 : vector<512x768xf32> to vector<512x768xbf16>
    %swap3A_66 = arith.constant 0 : index
    %swap3A_67 = arith.constant 0 : index
    %swap3A_68 = arith.constant 0 : index
    %swap3A_69 = vector.load %arg12[%swap3A_66, %swap3A_67, %swap3A_68] : memref<1x512x768xbf16, #tpu.memory_space<vmem>>, vector<1x512x768xbf16>
    %swap3A_70 = vector.shape_cast %swap3A_69 : vector<1x512x768xbf16> to vector<512x768xbf16>
    %swap3A_71 = vector.shape_cast %convert_element_type3A_65 : vector<512x768xbf16> to vector<1x512x768xbf16>
    tpu.vector_store %arg12[%swap3A_66, %swap3A_67, %swap3A_68], %swap3A_71 {strides = array<i32>} : memref<1x512x768xbf16, #tpu.memory_space<vmem>>, vector<1x512x768xbf16>,
    %get3A_72 = arith.constant 0 : index
    %get3A_73 = arith.constant 0 : index
    %get3A_74 = arith.constant 0 : index
    %get3A_75 = vector.load %arg5[%get3A_72, %get3A_73, %get3A_74] : memref<1x768x768xf32, #tpu.memory_space<vmem>>, vector<1x768x768xf32>
    %get3A_76 = vector.shape_cast %get3A_75 : vector<1x768x768xf32> to vector<768x768xf32>
    %dot_general3A_77 = arith.constant dense<0.000000e+00> : vector<512x768xf32>
    %dot_general3A_78 = tpu.matmul %add3A_32, %get3A_76, %dot_general3A_77 {dimension_numbers = #tpu.dot_dimension_numbers<[1], [0], [0], [1], [0, 0, 1, 1], [], []>, transpose_lhs_hint = false} : vector<512x768xf32>, vector<768x768xf32>, vector<512x768xf32> -> vector<512x768xf32>
    %get3A_79 = arith.constant 0 : index
    %get3A_80 = arith.constant 0 : index
    %get3A_81 = arith.constant 0 : index
    %get3A_82 = vector.load %arg8[%get3A_79, %get3A_80, %get3A_81] : memref<1x1x768xf32, #tpu.memory_space<vmem>>, vector<1x1x768xf32>
    %get3A_83 = vector.shape_cast %get3A_82 : vector<1x1x768xf32> to vector<1x768xf32>
    %add3A_84 = vector.broadcast %get3A_83 : vector<1x768xf32> to vector<512x768xf32>
    %add3A_85 = arith.addf %dot_general3A_78, %add3A_84 : vector<512x768xf32>
    %convert_element_type3A_86 = arith.truncf %add3A_85 : vector<512x768xf32> to vector<512x768xbf16>
    %swap3A_87 = arith.constant 0 : index
    %swap3A_88 = arith.constant 0 : index
    %swap3A_89 = arith.constant 0 : index
    %swap3A_90 = vector.load %arg13[%swap3A_87, %swap3A_88, %swap3A_89] : memref<1x512x768xbf16, #tpu.memory_space<vmem>>, vector<1x512x768xbf16>
    %swap3A_91 = vector.shape_cast %swap3A_90 : vector<1x512x768xbf16> to vector<512x768xbf16>
    %swap3A_92 = vector.shape_cast %convert_element_type3A_86 : vector<512x768xbf16> to vector<1x512x768xbf16>
    tpu.vector_store %arg13[%swap3A_87, %swap3A_88, %swap3A_89], %swap3A_92 {strides = array<i32>} : memref<1x512x768xbf16, #tpu.memory_space<vmem>>, vector<1x512x768xbf16>,
    return
  }
  func.func @transform_0(%arg0: i32, %arg1: i32) -> (i32, i32, i32) {
    %c0_i32 = arith.constant 0 : i32
    %c0_i32_0 = arith.constant 0 : i32
    return %arg0, %arg1, %c0_i32 : i32, i32, i32
  }
  func.func @transform_1(%arg0: i32, %arg1: i32) -> (i32, i32, i32) {
    %c2_i32 = arith.constant 2 : i32
    %c0_i32 = arith.constant 0 : i32
    %c0_i32_0 = arith.constant 0 : i32
    %c0_i32_1 = arith.constant 0 : i32
    return %c2_i32, %c0_i32, %c0_i32_0 : i32, i32, i32
  }
  func.func @transform_2(%arg0: i32, %arg1: i32) -> (i32, i32, i32) {
    %c2_i32 = arith.constant 2 : i32
    %c0_i32 = arith.constant 0 : i32
    %c0_i32_0 = arith.constant 0 : i32
    %c0_i32_1 = arith.constant 0 : i32
    return %c2_i32, %c0_i32, %c0_i32_0 : i32, i32, i32
  }
  func.func @transform_3(%arg0: i32, %arg1: i32) -> (i32, i32, i32) {
    %c2_i32 = arith.constant 2 : i32
    %c0_i32 = arith.constant 0 : i32
    %c0_i32_0 = arith.constant 0 : i32
    %c0_i32_1 = arith.constant 0 : i32
    return %c2_i32, %c0_i32, %c0_i32_0 : i32, i32, i32
  }
  func.func @transform_4(%arg0: i32, %arg1: i32) -> (i32, i32, i32) {
    %c2_i32 = arith.constant 2 : i32
    %c0_i32 = arith.constant 0 : i32
    %c0_i32_0 = arith.constant 0 : i32
    %c0_i32_1 = arith.constant 0 : i32
    return %c2_i32, %c0_i32, %c0_i32_0 : i32, i32, i32
  }
  func.func @transform_5(%arg0: i32, %arg1: i32) -> (i32, i32, i32) {
    %c2_i32 = arith.constant 2 : i32
    %c0_i32 = arith.constant 0 : i32
    %c0_i32_0 = arith.constant 0 : i32
    %c0_i32_1 = arith.constant 0 : i32
    return %c2_i32, %c0_i32, %c0_i32_0 : i32, i32, i32
  }
  func.func @transform_6(%arg0: i32, %arg1: i32) -> (i32, i32, i32) {
    %c2_i32 = arith.constant 2 : i32
    %c0_i32 = arith.constant 0 : i32
    %c0_i32_0 = arith.constant 0 : i32
    %c0_i32_1 = arith.constant 0 : i32
    return %c2_i32, %c0_i32, %c0_i32_0 : i32, i32, i32
  }
  func.func @transform_7(%arg0: i32, %arg1: i32) -> (i32, i32, i32) {
    %c2_i32 = arith.constant 2 : i32
    %c0_i32 = arith.constant 0 : i32
    %c0_i32_0 = arith.constant 0 : i32
    %c0_i32_1 = arith.constant 0 : i32
    return %c2_i32, %c0_i32, %c0_i32_0 : i32, i32, i32
  }
  func.func @transform_8(%arg0: i32, %arg1: i32) -> (i32, i32, i32) {
    %c2_i32 = arith.constant 2 : i32
    %c0_i32 = arith.constant 0 : i32
    %c0_i32_0 = arith.constant 0 : i32
    %c0_i32_1 = arith.constant 0 : i32
    return %c2_i32, %c0_i32, %c0_i32_0 : i32, i32, i32
  }
  func.func @transform_9(%arg0: i32, %arg1: i32) -> (i32, i32, i32) {
    %c0_i32 = arith.constant 0 : i32
    %c0_i32_0 = arith.constant 0 : i32
    return %arg0, %arg1, %c0_i32 : i32, i32, i32
  }
  func.func @transform_10(%arg0: i32, %arg1: i32) -> (i32, i32, i32) {
    %c0_i32 = arith.constant 0 : i32
    %c0_i32_0 = arith.constant 0 : i32
    return %arg0, %arg1, %c0_i32 : i32, i32, i32
  }
  func.func @transform_11(%arg0: i32, %arg1: i32) -> (i32, i32, i32) {
    %c0_i32 = arith.constant 0 : i32
    %c0_i32_0 = arith.constant 0 : i32
    return %arg0, %arg1, %c0_i32 : i32, i32, i32
  }
}

module attributes {stable_mosaic.version = 14 : i64} {
  func.func @body(%arg0: i32, %arg1: i32, %arg2: memref<1x256x768xbf16, #tpu.memory_space<vmem>>, %arg3: memref<1x2048x768xbf16, #tpu.memory_space<vmem>>, %arg4: memref<1x2048x768xbf16, #tpu.memory_space<vmem>>, %arg5: memref<1x256x768xf32, #tpu.memory_space<vmem>>, %arg6: memref<1x768x768xf32, #tpu.memory_space<vmem>>, %arg7: memref<1x1x768xf32, #tpu.memory_space<vmem>>, %arg8: memref<1x256x768xf32, #tpu.memory_space<vmem>>) attributes {dimension_semantics = [#tpu.dimension_semantics<parallel>, #tpu.dimension_semantics<parallel>], iteration_bounds = array<i64: 2, 8>, scalar_prefetch = 0 : i64, scratch_operands = 0 : i64, tpu.core_type = #tpu.core_type<tc>, window_params = [{transform_indices = @transform_0, window_bounds = array<i64: 1, 256, 768>}, {transform_indices = @transform_1, window_bounds = array<i64: 1, 2048, 768>}, {transform_indices = @transform_2, window_bounds = array<i64: 1, 2048, 768>}, {transform_indices = @transform_3, window_bounds = array<i64: 1, 256, 768>}, {transform_indices = @transform_4, window_bounds = array<i64: 1, 768, 768>}, {transform_indices = @transform_5, window_bounds = array<i64: 1, 1, 768>}, {transform_indices = @transform_6, window_bounds = array<i64: 1, 256, 768>}]} {
    %get3A = arith.constant 0 : index
    %get3A_0 = arith.constant 0 : index
    %get3A_1 = arith.constant 0 : index
    %get3A_2 = vector.load %arg5[%get3A, %get3A_0, %get3A_1] : memref<1x256x768xf32, #tpu.memory_space<vmem>>, vector<1x256x768xf32>
    %get3A_3 = vector.shape_cast %get3A_2 : vector<1x256x768xf32> to vector<256x768xf32>
    %get3A_4 = arith.constant 0 : index
    %get3A_5 = arith.constant 0 : index
    %get3A_6 = arith.constant 0 : index
    %get3A_7 = vector.load %arg7[%get3A_4, %get3A_5, %get3A_6] : memref<1x1x768xf32, #tpu.memory_space<vmem>>, vector<1x1x768xf32>
    %get3A_8 = vector.shape_cast %get3A_7 : vector<1x1x768xf32> to vector<1x768xf32>
    %add3A = vector.broadcast %get3A_8 : vector<1x768xf32> to vector<256x768xf32>
    %add3A_9 = arith.addf %get3A_3, %add3A : vector<256x768xf32>
    %broadcast_in_dim3A = arith.constant 1.000000e+00 : bf16
    %broadcast_in_dim3A_10 = vector.broadcast %broadcast_in_dim3A : bf16 to vector<2048x1xbf16>
    %get3A_11 = arith.constant 0 : index
    %get3A_12 = arith.constant 0 : index
    %get3A_13 = arith.constant 0 : index
    %get3A_14 = vector.load %arg2[%get3A_11, %get3A_12, %get3A_13] : memref<1x256x768xbf16, #tpu.memory_space<vmem>>, vector<1x256x768xbf16>
    %get3A_15 = vector.shape_cast %get3A_14 : vector<1x256x768xbf16> to vector<256x768xbf16>
    %slice3A = vector.extract_strided_slice %get3A_15 {offsets = [0, 0], sizes = [256, 96], strides = [1, 1]} : vector<256x768xbf16> to vector<256x96xbf16>
    %get3A_16 = arith.constant 0 : index
    %get3A_17 = arith.constant 0 : index
    %get3A_18 = arith.constant 0 : index
    %get3A_19 = vector.load %arg3[%get3A_16, %get3A_17, %get3A_18] : memref<1x2048x768xbf16, #tpu.memory_space<vmem>>, vector<1x2048x768xbf16>
    %get3A_20 = vector.shape_cast %get3A_19 : vector<1x2048x768xbf16> to vector<2048x768xbf16>
    %slice3A_21 = vector.extract_strided_slice %get3A_20 {offsets = [0, 0], sizes = [2048, 96], strides = [1, 1]} : vector<2048x768xbf16> to vector<2048x96xbf16>
    %get3A_22 = arith.constant 0 : index
    %get3A_23 = arith.constant 0 : index
    %get3A_24 = arith.constant 0 : index
    %get3A_25 = vector.load %arg4[%get3A_22, %get3A_23, %get3A_24] : memref<1x2048x768xbf16, #tpu.memory_space<vmem>>, vector<1x2048x768xbf16>
    %get3A_26 = vector.shape_cast %get3A_25 : vector<1x2048x768xbf16> to vector<2048x768xbf16>
    %slice3A_27 = vector.extract_strided_slice %get3A_26 {offsets = [0, 0], sizes = [2048, 96], strides = [1, 1]} : vector<2048x768xbf16> to vector<2048x96xbf16>
    %concatenate3A = tpu.concatenate %slice3A_27, %broadcast_in_dim3A_10 in 1 : vector<2048x96xbf16>, vector<2048x1xbf16> -> vector<2048x97xbf16>
    %dot_general3A = arith.constant dense<0.000000e+00> : vector<256x2048xf32>
    %dot_general3A_28 = tpu.matmul %slice3A, %slice3A_21, %dot_general3A {dimension_numbers = #tpu.dot_dimension_numbers<[1], [1], [0], [0], [0, 0, 1, 0], [], []>, transpose_lhs_hint = false} : vector<256x96xbf16>, vector<2048x96xbf16>, vector<256x2048xf32> -> vector<256x2048xf32>
    %reduce_max3A = arith.constant dense<0xFF800000> : vector<256xf32>
    %reduce_max3A_29 = vector.multi_reduction <maximumf>, %dot_general3A_28, %reduce_max3A [1] : vector<256x2048xf32> to vector<256xf32>
    %broadcast_in_dim3A_30 = vector.shape_cast %reduce_max3A_29 : vector<256xf32> to vector<256x1xf32>
    %sub3A = vector.broadcast %broadcast_in_dim3A_30 : vector<256x1xf32> to vector<256x2048xf32>
    %sub3A_31 = arith.subf %dot_general3A_28, %sub3A : vector<256x2048xf32>
    %exp23A = math.exp2 %sub3A_31 : vector<256x2048xf32>
    %convert_element_type3A = arith.truncf %exp23A : vector<256x2048xf32> to vector<256x2048xbf16>
    %dot_general3A_32 = arith.constant dense<0.000000e+00> : vector<256x97xf32>
    %dot_general3A_33 = tpu.matmul %convert_element_type3A, %concatenate3A, %dot_general3A_32 {dimension_numbers = #tpu.dot_dimension_numbers<[1], [0], [0], [1], [0, 0, 1, 1], [], []>, transpose_lhs_hint = false} : vector<256x2048xbf16>, vector<2048x97xbf16>, vector<256x97xf32> -> vector<256x97xf32>
    %slice3A_34 = vector.extract_strided_slice %dot_general3A_33 {offsets = [0, 0], sizes = [256, 96], strides = [1, 1]} : vector<256x97xf32> to vector<256x96xf32>
    %slice3A_35 = vector.extract_strided_slice %dot_general3A_33 {offsets = [0, 96], sizes = [256, 1], strides = [1, 1]} : vector<256x97xf32> to vector<256x1xf32>
    %div3A = arith.constant 1.000000e+00 : f32
    %div3A_36 = vector.broadcast %div3A : f32 to vector<256x1xf32>
    %div3A_37 = arith.divf %div3A_36, %slice3A_35 : vector<256x1xf32>
    %mul3A = vector.broadcast %div3A_37 : vector<256x1xf32> to vector<256x96xf32>
    %mul3A_38 = arith.mulf %slice3A_34, %mul3A : vector<256x96xf32>
    %get3A_39 = arith.constant 0 : index
    %get3A_40 = arith.constant 0 : index
    %get3A_41 = arith.constant 0 : index
    %get3A_42 = vector.load %arg6[%get3A_39, %get3A_40, %get3A_41] : memref<1x768x768xf32, #tpu.memory_space<vmem>>, vector<1x768x768xf32>
    %get3A_43 = vector.shape_cast %get3A_42 : vector<1x768x768xf32> to vector<768x768xf32>
    %slice3A_44 = vector.extract_strided_slice %get3A_43 {offsets = [0, 0], sizes = [96, 768], strides = [1, 1]} : vector<768x768xf32> to vector<96x768xf32>
    %dot_general3A_45 = arith.constant dense<0.000000e+00> : vector<256x768xf32>
    %dot_general3A_46 = tpu.matmul %mul3A_38, %slice3A_44, %dot_general3A_45 {dimension_numbers = #tpu.dot_dimension_numbers<[1], [0], [0], [1], [0, 0, 1, 1], [], []>, transpose_lhs_hint = false} : vector<256x96xf32>, vector<96x768xf32>, vector<256x768xf32> -> vector<256x768xf32>
    %add3A_47 = arith.addf %add3A_9, %dot_general3A_46 : vector<256x768xf32>
    %get3A_48 = arith.constant 0 : index
    %get3A_49 = arith.constant 0 : index
    %get3A_50 = arith.constant 0 : index
    %get3A_51 = vector.load %arg2[%get3A_48, %get3A_49, %get3A_50] : memref<1x256x768xbf16, #tpu.memory_space<vmem>>, vector<1x256x768xbf16>
    %get3A_52 = vector.shape_cast %get3A_51 : vector<1x256x768xbf16> to vector<256x768xbf16>
    %slice3A_53 = vector.extract_strided_slice %get3A_52 {offsets = [0, 96], sizes = [256, 96], strides = [1, 1]} : vector<256x768xbf16> to vector<256x96xbf16>
    %get3A_54 = arith.constant 0 : index
    %get3A_55 = arith.constant 0 : index
    %get3A_56 = arith.constant 0 : index
    %get3A_57 = vector.load %arg3[%get3A_54, %get3A_55, %get3A_56] : memref<1x2048x768xbf16, #tpu.memory_space<vmem>>, vector<1x2048x768xbf16>
    %get3A_58 = vector.shape_cast %get3A_57 : vector<1x2048x768xbf16> to vector<2048x768xbf16>
    %slice3A_59 = vector.extract_strided_slice %get3A_58 {offsets = [0, 96], sizes = [2048, 96], strides = [1, 1]} : vector<2048x768xbf16> to vector<2048x96xbf16>
    %get3A_60 = arith.constant 0 : index
    %get3A_61 = arith.constant 0 : index
    %get3A_62 = arith.constant 0 : index
    %get3A_63 = vector.load %arg4[%get3A_60, %get3A_61, %get3A_62] : memref<1x2048x768xbf16, #tpu.memory_space<vmem>>, vector<1x2048x768xbf16>
    %get3A_64 = vector.shape_cast %get3A_63 : vector<1x2048x768xbf16> to vector<2048x768xbf16>
    %slice3A_65 = vector.extract_strided_slice %get3A_64 {offsets = [0, 96], sizes = [2048, 96], strides = [1, 1]} : vector<2048x768xbf16> to vector<2048x96xbf16>
    %concatenate3A_66 = tpu.concatenate %slice3A_65, %broadcast_in_dim3A_10 in 1 : vector<2048x96xbf16>, vector<2048x1xbf16> -> vector<2048x97xbf16>
    %dot_general3A_67 = arith.constant dense<0.000000e+00> : vector<256x2048xf32>
    %dot_general3A_68 = tpu.matmul %slice3A_53, %slice3A_59, %dot_general3A_67 {dimension_numbers = #tpu.dot_dimension_numbers<[1], [1], [0], [0], [0, 0, 1, 0], [], []>, transpose_lhs_hint = false} : vector<256x96xbf16>, vector<2048x96xbf16>, vector<256x2048xf32> -> vector<256x2048xf32>
    %reduce_max3A_69 = arith.constant dense<0xFF800000> : vector<256xf32>
    %reduce_max3A_70 = vector.multi_reduction <maximumf>, %dot_general3A_68, %reduce_max3A_69 [1] : vector<256x2048xf32> to vector<256xf32>
    %broadcast_in_dim3A_71 = vector.shape_cast %reduce_max3A_70 : vector<256xf32> to vector<256x1xf32>
    %sub3A_72 = vector.broadcast %broadcast_in_dim3A_71 : vector<256x1xf32> to vector<256x2048xf32>
    %sub3A_73 = arith.subf %dot_general3A_68, %sub3A_72 : vector<256x2048xf32>
    %exp23A_74 = math.exp2 %sub3A_73 : vector<256x2048xf32>
    %convert_element_type3A_75 = arith.truncf %exp23A_74 : vector<256x2048xf32> to vector<256x2048xbf16>
    %dot_general3A_76 = arith.constant dense<0.000000e+00> : vector<256x97xf32>
    %dot_general3A_77 = tpu.matmul %convert_element_type3A_75, %concatenate3A_66, %dot_general3A_76 {dimension_numbers = #tpu.dot_dimension_numbers<[1], [0], [0], [1], [0, 0, 1, 1], [], []>, transpose_lhs_hint = false} : vector<256x2048xbf16>, vector<2048x97xbf16>, vector<256x97xf32> -> vector<256x97xf32>
    %slice3A_78 = vector.extract_strided_slice %dot_general3A_77 {offsets = [0, 0], sizes = [256, 96], strides = [1, 1]} : vector<256x97xf32> to vector<256x96xf32>
    %slice3A_79 = vector.extract_strided_slice %dot_general3A_77 {offsets = [0, 96], sizes = [256, 1], strides = [1, 1]} : vector<256x97xf32> to vector<256x1xf32>
    %div3A_80 = arith.constant 1.000000e+00 : f32
    %div3A_81 = vector.broadcast %div3A_80 : f32 to vector<256x1xf32>
    %div3A_82 = arith.divf %div3A_81, %slice3A_79 : vector<256x1xf32>
    %mul3A_83 = vector.broadcast %div3A_82 : vector<256x1xf32> to vector<256x96xf32>
    %mul3A_84 = arith.mulf %slice3A_78, %mul3A_83 : vector<256x96xf32>
    %get3A_85 = arith.constant 0 : index
    %get3A_86 = arith.constant 0 : index
    %get3A_87 = arith.constant 0 : index
    %get3A_88 = vector.load %arg6[%get3A_85, %get3A_86, %get3A_87] : memref<1x768x768xf32, #tpu.memory_space<vmem>>, vector<1x768x768xf32>
    %get3A_89 = vector.shape_cast %get3A_88 : vector<1x768x768xf32> to vector<768x768xf32>
    %slice3A_90 = vector.extract_strided_slice %get3A_89 {offsets = [96, 0], sizes = [96, 768], strides = [1, 1]} : vector<768x768xf32> to vector<96x768xf32>
    %dot_general3A_91 = arith.constant dense<0.000000e+00> : vector<256x768xf32>
    %dot_general3A_92 = tpu.matmul %mul3A_84, %slice3A_90, %dot_general3A_91 {dimension_numbers = #tpu.dot_dimension_numbers<[1], [0], [0], [1], [0, 0, 1, 1], [], []>, transpose_lhs_hint = false} : vector<256x96xf32>, vector<96x768xf32>, vector<256x768xf32> -> vector<256x768xf32>
    %add3A_93 = arith.addf %add3A_47, %dot_general3A_92 : vector<256x768xf32>
    %get3A_94 = arith.constant 0 : index
    %get3A_95 = arith.constant 0 : index
    %get3A_96 = arith.constant 0 : index
    %get3A_97 = vector.load %arg2[%get3A_94, %get3A_95, %get3A_96] : memref<1x256x768xbf16, #tpu.memory_space<vmem>>, vector<1x256x768xbf16>
    %get3A_98 = vector.shape_cast %get3A_97 : vector<1x256x768xbf16> to vector<256x768xbf16>
    %slice3A_99 = vector.extract_strided_slice %get3A_98 {offsets = [0, 192], sizes = [256, 96], strides = [1, 1]} : vector<256x768xbf16> to vector<256x96xbf16>
    %get3A_100 = arith.constant 0 : index
    %get3A_101 = arith.constant 0 : index
    %get3A_102 = arith.constant 0 : index
    %get3A_103 = vector.load %arg3[%get3A_100, %get3A_101, %get3A_102] : memref<1x2048x768xbf16, #tpu.memory_space<vmem>>, vector<1x2048x768xbf16>
    %get3A_104 = vector.shape_cast %get3A_103 : vector<1x2048x768xbf16> to vector<2048x768xbf16>
    %slice3A_105 = vector.extract_strided_slice %get3A_104 {offsets = [0, 192], sizes = [2048, 96], strides = [1, 1]} : vector<2048x768xbf16> to vector<2048x96xbf16>
    %get3A_106 = arith.constant 0 : index
    %get3A_107 = arith.constant 0 : index
    %get3A_108 = arith.constant 0 : index
    %get3A_109 = vector.load %arg4[%get3A_106, %get3A_107, %get3A_108] : memref<1x2048x768xbf16, #tpu.memory_space<vmem>>, vector<1x2048x768xbf16>
    %get3A_110 = vector.shape_cast %get3A_109 : vector<1x2048x768xbf16> to vector<2048x768xbf16>
    %slice3A_111 = vector.extract_strided_slice %get3A_110 {offsets = [0, 192], sizes = [2048, 96], strides = [1, 1]} : vector<2048x768xbf16> to vector<2048x96xbf16>
    %concatenate3A_112 = tpu.concatenate %slice3A_111, %broadcast_in_dim3A_10 in 1 : vector<2048x96xbf16>, vector<2048x1xbf16> -> vector<2048x97xbf16>
    %dot_general3A_113 = arith.constant dense<0.000000e+00> : vector<256x2048xf32>
    %dot_general3A_114 = tpu.matmul %slice3A_99, %slice3A_105, %dot_general3A_113 {dimension_numbers = #tpu.dot_dimension_numbers<[1], [1], [0], [0], [0, 0, 1, 0], [], []>, transpose_lhs_hint = false} : vector<256x96xbf16>, vector<2048x96xbf16>, vector<256x2048xf32> -> vector<256x2048xf32>
    %reduce_max3A_115 = arith.constant dense<0xFF800000> : vector<256xf32>
    %reduce_max3A_116 = vector.multi_reduction <maximumf>, %dot_general3A_114, %reduce_max3A_115 [1] : vector<256x2048xf32> to vector<256xf32>
    %broadcast_in_dim3A_117 = vector.shape_cast %reduce_max3A_116 : vector<256xf32> to vector<256x1xf32>
    %sub3A_118 = vector.broadcast %broadcast_in_dim3A_117 : vector<256x1xf32> to vector<256x2048xf32>
    %sub3A_119 = arith.subf %dot_general3A_114, %sub3A_118 : vector<256x2048xf32>
    %exp23A_120 = math.exp2 %sub3A_119 : vector<256x2048xf32>
    %convert_element_type3A_121 = arith.truncf %exp23A_120 : vector<256x2048xf32> to vector<256x2048xbf16>
    %dot_general3A_122 = arith.constant dense<0.000000e+00> : vector<256x97xf32>
    %dot_general3A_123 = tpu.matmul %convert_element_type3A_121, %concatenate3A_112, %dot_general3A_122 {dimension_numbers = #tpu.dot_dimension_numbers<[1], [0], [0], [1], [0, 0, 1, 1], [], []>, transpose_lhs_hint = false} : vector<256x2048xbf16>, vector<2048x97xbf16>, vector<256x97xf32> -> vector<256x97xf32>
    %slice3A_124 = vector.extract_strided_slice %dot_general3A_123 {offsets = [0, 0], sizes = [256, 96], strides = [1, 1]} : vector<256x97xf32> to vector<256x96xf32>
    %slice3A_125 = vector.extract_strided_slice %dot_general3A_123 {offsets = [0, 96], sizes = [256, 1], strides = [1, 1]} : vector<256x97xf32> to vector<256x1xf32>
    %div3A_126 = arith.constant 1.000000e+00 : f32
    %div3A_127 = vector.broadcast %div3A_126 : f32 to vector<256x1xf32>
    %div3A_128 = arith.divf %div3A_127, %slice3A_125 : vector<256x1xf32>
    %mul3A_129 = vector.broadcast %div3A_128 : vector<256x1xf32> to vector<256x96xf32>
    %mul3A_130 = arith.mulf %slice3A_124, %mul3A_129 : vector<256x96xf32>
    %get3A_131 = arith.constant 0 : index
    %get3A_132 = arith.constant 0 : index
    %get3A_133 = arith.constant 0 : index
    %get3A_134 = vector.load %arg6[%get3A_131, %get3A_132, %get3A_133] : memref<1x768x768xf32, #tpu.memory_space<vmem>>, vector<1x768x768xf32>
    %get3A_135 = vector.shape_cast %get3A_134 : vector<1x768x768xf32> to vector<768x768xf32>
    %slice3A_136 = vector.extract_strided_slice %get3A_135 {offsets = [192, 0], sizes = [96, 768], strides = [1, 1]} : vector<768x768xf32> to vector<96x768xf32>
    %dot_general3A_137 = arith.constant dense<0.000000e+00> : vector<256x768xf32>
    %dot_general3A_138 = tpu.matmul %mul3A_130, %slice3A_136, %dot_general3A_137 {dimension_numbers = #tpu.dot_dimension_numbers<[1], [0], [0], [1], [0, 0, 1, 1], [], []>, transpose_lhs_hint = false} : vector<256x96xf32>, vector<96x768xf32>, vector<256x768xf32> -> vector<256x768xf32>
    %add3A_139 = arith.addf %add3A_93, %dot_general3A_138 : vector<256x768xf32>
    %get3A_140 = arith.constant 0 : index
    %get3A_141 = arith.constant 0 : index
    %get3A_142 = arith.constant 0 : index
    %get3A_143 = vector.load %arg2[%get3A_140, %get3A_141, %get3A_142] : memref<1x256x768xbf16, #tpu.memory_space<vmem>>, vector<1x256x768xbf16>
    %get3A_144 = vector.shape_cast %get3A_143 : vector<1x256x768xbf16> to vector<256x768xbf16>
    %slice3A_145 = vector.extract_strided_slice %get3A_144 {offsets = [0, 288], sizes = [256, 96], strides = [1, 1]} : vector<256x768xbf16> to vector<256x96xbf16>
    %get3A_146 = arith.constant 0 : index
    %get3A_147 = arith.constant 0 : index
    %get3A_148 = arith.constant 0 : index
    %get3A_149 = vector.load %arg3[%get3A_146, %get3A_147, %get3A_148] : memref<1x2048x768xbf16, #tpu.memory_space<vmem>>, vector<1x2048x768xbf16>
    %get3A_150 = vector.shape_cast %get3A_149 : vector<1x2048x768xbf16> to vector<2048x768xbf16>
    %slice3A_151 = vector.extract_strided_slice %get3A_150 {offsets = [0, 288], sizes = [2048, 96], strides = [1, 1]} : vector<2048x768xbf16> to vector<2048x96xbf16>
    %get3A_152 = arith.constant 0 : index
    %get3A_153 = arith.constant 0 : index
    %get3A_154 = arith.constant 0 : index
    %get3A_155 = vector.load %arg4[%get3A_152, %get3A_153, %get3A_154] : memref<1x2048x768xbf16, #tpu.memory_space<vmem>>, vector<1x2048x768xbf16>
    %get3A_156 = vector.shape_cast %get3A_155 : vector<1x2048x768xbf16> to vector<2048x768xbf16>
    %slice3A_157 = vector.extract_strided_slice %get3A_156 {offsets = [0, 288], sizes = [2048, 96], strides = [1, 1]} : vector<2048x768xbf16> to vector<2048x96xbf16>
    %concatenate3A_158 = tpu.concatenate %slice3A_157, %broadcast_in_dim3A_10 in 1 : vector<2048x96xbf16>, vector<2048x1xbf16> -> vector<2048x97xbf16>
    %dot_general3A_159 = arith.constant dense<0.000000e+00> : vector<256x2048xf32>
    %dot_general3A_160 = tpu.matmul %slice3A_145, %slice3A_151, %dot_general3A_159 {dimension_numbers = #tpu.dot_dimension_numbers<[1], [1], [0], [0], [0, 0, 1, 0], [], []>, transpose_lhs_hint = false} : vector<256x96xbf16>, vector<2048x96xbf16>, vector<256x2048xf32> -> vector<256x2048xf32>
    %reduce_max3A_161 = arith.constant dense<0xFF800000> : vector<256xf32>
    %reduce_max3A_162 = vector.multi_reduction <maximumf>, %dot_general3A_160, %reduce_max3A_161 [1] : vector<256x2048xf32> to vector<256xf32>
    %broadcast_in_dim3A_163 = vector.shape_cast %reduce_max3A_162 : vector<256xf32> to vector<256x1xf32>
    %sub3A_164 = vector.broadcast %broadcast_in_dim3A_163 : vector<256x1xf32> to vector<256x2048xf32>
    %sub3A_165 = arith.subf %dot_general3A_160, %sub3A_164 : vector<256x2048xf32>
    %exp23A_166 = math.exp2 %sub3A_165 : vector<256x2048xf32>
    %convert_element_type3A_167 = arith.truncf %exp23A_166 : vector<256x2048xf32> to vector<256x2048xbf16>
    %dot_general3A_168 = arith.constant dense<0.000000e+00> : vector<256x97xf32>
    %dot_general3A_169 = tpu.matmul %convert_element_type3A_167, %concatenate3A_158, %dot_general3A_168 {dimension_numbers = #tpu.dot_dimension_numbers<[1], [0], [0], [1], [0, 0, 1, 1], [], []>, transpose_lhs_hint = false} : vector<256x2048xbf16>, vector<2048x97xbf16>, vector<256x97xf32> -> vector<256x97xf32>
    %slice3A_170 = vector.extract_strided_slice %dot_general3A_169 {offsets = [0, 0], sizes = [256, 96], strides = [1, 1]} : vector<256x97xf32> to vector<256x96xf32>
    %slice3A_171 = vector.extract_strided_slice %dot_general3A_169 {offsets = [0, 96], sizes = [256, 1], strides = [1, 1]} : vector<256x97xf32> to vector<256x1xf32>
    %div3A_172 = arith.constant 1.000000e+00 : f32
    %div3A_173 = vector.broadcast %div3A_172 : f32 to vector<256x1xf32>
    %div3A_174 = arith.divf %div3A_173, %slice3A_171 : vector<256x1xf32>
    %mul3A_175 = vector.broadcast %div3A_174 : vector<256x1xf32> to vector<256x96xf32>
    %mul3A_176 = arith.mulf %slice3A_170, %mul3A_175 : vector<256x96xf32>
    %get3A_177 = arith.constant 0 : index
    %get3A_178 = arith.constant 0 : index
    %get3A_179 = arith.constant 0 : index
    %get3A_180 = vector.load %arg6[%get3A_177, %get3A_178, %get3A_179] : memref<1x768x768xf32, #tpu.memory_space<vmem>>, vector<1x768x768xf32>
    %get3A_181 = vector.shape_cast %get3A_180 : vector<1x768x768xf32> to vector<768x768xf32>
    %slice3A_182 = vector.extract_strided_slice %get3A_181 {offsets = [288, 0], sizes = [96, 768], strides = [1, 1]} : vector<768x768xf32> to vector<96x768xf32>
    %dot_general3A_183 = arith.constant dense<0.000000e+00> : vector<256x768xf32>
    %dot_general3A_184 = tpu.matmul %mul3A_176, %slice3A_182, %dot_general3A_183 {dimension_numbers = #tpu.dot_dimension_numbers<[1], [0], [0], [1], [0, 0, 1, 1], [], []>, transpose_lhs_hint = false} : vector<256x96xf32>, vector<96x768xf32>, vector<256x768xf32> -> vector<256x768xf32>
    %add3A_185 = arith.addf %add3A_139, %dot_general3A_184 : vector<256x768xf32>
    %get3A_186 = arith.constant 0 : index
    %get3A_187 = arith.constant 0 : index
    %get3A_188 = arith.constant 0 : index
    %get3A_189 = vector.load %arg2[%get3A_186, %get3A_187, %get3A_188] : memref<1x256x768xbf16, #tpu.memory_space<vmem>>, vector<1x256x768xbf16>
    %get3A_190 = vector.shape_cast %get3A_189 : vector<1x256x768xbf16> to vector<256x768xbf16>
    %slice3A_191 = vector.extract_strided_slice %get3A_190 {offsets = [0, 384], sizes = [256, 96], strides = [1, 1]} : vector<256x768xbf16> to vector<256x96xbf16>
    %get3A_192 = arith.constant 0 : index
    %get3A_193 = arith.constant 0 : index
    %get3A_194 = arith.constant 0 : index
    %get3A_195 = vector.load %arg3[%get3A_192, %get3A_193, %get3A_194] : memref<1x2048x768xbf16, #tpu.memory_space<vmem>>, vector<1x2048x768xbf16>
    %get3A_196 = vector.shape_cast %get3A_195 : vector<1x2048x768xbf16> to vector<2048x768xbf16>
    %slice3A_197 = vector.extract_strided_slice %get3A_196 {offsets = [0, 384], sizes = [2048, 96], strides = [1, 1]} : vector<2048x768xbf16> to vector<2048x96xbf16>
    %get3A_198 = arith.constant 0 : index
    %get3A_199 = arith.constant 0 : index
    %get3A_200 = arith.constant 0 : index
    %get3A_201 = vector.load %arg4[%get3A_198, %get3A_199, %get3A_200] : memref<1x2048x768xbf16, #tpu.memory_space<vmem>>, vector<1x2048x768xbf16>
    %get3A_202 = vector.shape_cast %get3A_201 : vector<1x2048x768xbf16> to vector<2048x768xbf16>
    %slice3A_203 = vector.extract_strided_slice %get3A_202 {offsets = [0, 384], sizes = [2048, 96], strides = [1, 1]} : vector<2048x768xbf16> to vector<2048x96xbf16>
    %concatenate3A_204 = tpu.concatenate %slice3A_203, %broadcast_in_dim3A_10 in 1 : vector<2048x96xbf16>, vector<2048x1xbf16> -> vector<2048x97xbf16>
    %dot_general3A_205 = arith.constant dense<0.000000e+00> : vector<256x2048xf32>
    %dot_general3A_206 = tpu.matmul %slice3A_191, %slice3A_197, %dot_general3A_205 {dimension_numbers = #tpu.dot_dimension_numbers<[1], [1], [0], [0], [0, 0, 1, 0], [], []>, transpose_lhs_hint = false} : vector<256x96xbf16>, vector<2048x96xbf16>, vector<256x2048xf32> -> vector<256x2048xf32>
    %reduce_max3A_207 = arith.constant dense<0xFF800000> : vector<256xf32>
    %reduce_max3A_208 = vector.multi_reduction <maximumf>, %dot_general3A_206, %reduce_max3A_207 [1] : vector<256x2048xf32> to vector<256xf32>
    %broadcast_in_dim3A_209 = vector.shape_cast %reduce_max3A_208 : vector<256xf32> to vector<256x1xf32>
    %sub3A_210 = vector.broadcast %broadcast_in_dim3A_209 : vector<256x1xf32> to vector<256x2048xf32>
    %sub3A_211 = arith.subf %dot_general3A_206, %sub3A_210 : vector<256x2048xf32>
    %exp23A_212 = math.exp2 %sub3A_211 : vector<256x2048xf32>
    %convert_element_type3A_213 = arith.truncf %exp23A_212 : vector<256x2048xf32> to vector<256x2048xbf16>
    %dot_general3A_214 = arith.constant dense<0.000000e+00> : vector<256x97xf32>
    %dot_general3A_215 = tpu.matmul %convert_element_type3A_213, %concatenate3A_204, %dot_general3A_214 {dimension_numbers = #tpu.dot_dimension_numbers<[1], [0], [0], [1], [0, 0, 1, 1], [], []>, transpose_lhs_hint = false} : vector<256x2048xbf16>, vector<2048x97xbf16>, vector<256x97xf32> -> vector<256x97xf32>
    %slice3A_216 = vector.extract_strided_slice %dot_general3A_215 {offsets = [0, 0], sizes = [256, 96], strides = [1, 1]} : vector<256x97xf32> to vector<256x96xf32>
    %slice3A_217 = vector.extract_strided_slice %dot_general3A_215 {offsets = [0, 96], sizes = [256, 1], strides = [1, 1]} : vector<256x97xf32> to vector<256x1xf32>
    %div3A_218 = arith.constant 1.000000e+00 : f32
    %div3A_219 = vector.broadcast %div3A_218 : f32 to vector<256x1xf32>
    %div3A_220 = arith.divf %div3A_219, %slice3A_217 : vector<256x1xf32>
    %mul3A_221 = vector.broadcast %div3A_220 : vector<256x1xf32> to vector<256x96xf32>
    %mul3A_222 = arith.mulf %slice3A_216, %mul3A_221 : vector<256x96xf32>
    %get3A_223 = arith.constant 0 : index
    %get3A_224 = arith.constant 0 : index
    %get3A_225 = arith.constant 0 : index
    %get3A_226 = vector.load %arg6[%get3A_223, %get3A_224, %get3A_225] : memref<1x768x768xf32, #tpu.memory_space<vmem>>, vector<1x768x768xf32>
    %get3A_227 = vector.shape_cast %get3A_226 : vector<1x768x768xf32> to vector<768x768xf32>
    %slice3A_228 = vector.extract_strided_slice %get3A_227 {offsets = [384, 0], sizes = [96, 768], strides = [1, 1]} : vector<768x768xf32> to vector<96x768xf32>
    %dot_general3A_229 = arith.constant dense<0.000000e+00> : vector<256x768xf32>
    %dot_general3A_230 = tpu.matmul %mul3A_222, %slice3A_228, %dot_general3A_229 {dimension_numbers = #tpu.dot_dimension_numbers<[1], [0], [0], [1], [0, 0, 1, 1], [], []>, transpose_lhs_hint = false} : vector<256x96xf32>, vector<96x768xf32>, vector<256x768xf32> -> vector<256x768xf32>
    %add3A_231 = arith.addf %add3A_185, %dot_general3A_230 : vector<256x768xf32>
    %get3A_232 = arith.constant 0 : index
    %get3A_233 = arith.constant 0 : index
    %get3A_234 = arith.constant 0 : index
    %get3A_235 = vector.load %arg2[%get3A_232, %get3A_233, %get3A_234] : memref<1x256x768xbf16, #tpu.memory_space<vmem>>, vector<1x256x768xbf16>
    %get3A_236 = vector.shape_cast %get3A_235 : vector<1x256x768xbf16> to vector<256x768xbf16>
    %slice3A_237 = vector.extract_strided_slice %get3A_236 {offsets = [0, 480], sizes = [256, 96], strides = [1, 1]} : vector<256x768xbf16> to vector<256x96xbf16>
    %get3A_238 = arith.constant 0 : index
    %get3A_239 = arith.constant 0 : index
    %get3A_240 = arith.constant 0 : index
    %get3A_241 = vector.load %arg3[%get3A_238, %get3A_239, %get3A_240] : memref<1x2048x768xbf16, #tpu.memory_space<vmem>>, vector<1x2048x768xbf16>
    %get3A_242 = vector.shape_cast %get3A_241 : vector<1x2048x768xbf16> to vector<2048x768xbf16>
    %slice3A_243 = vector.extract_strided_slice %get3A_242 {offsets = [0, 480], sizes = [2048, 96], strides = [1, 1]} : vector<2048x768xbf16> to vector<2048x96xbf16>
    %get3A_244 = arith.constant 0 : index
    %get3A_245 = arith.constant 0 : index
    %get3A_246 = arith.constant 0 : index
    %get3A_247 = vector.load %arg4[%get3A_244, %get3A_245, %get3A_246] : memref<1x2048x768xbf16, #tpu.memory_space<vmem>>, vector<1x2048x768xbf16>
    %get3A_248 = vector.shape_cast %get3A_247 : vector<1x2048x768xbf16> to vector<2048x768xbf16>
    %slice3A_249 = vector.extract_strided_slice %get3A_248 {offsets = [0, 480], sizes = [2048, 96], strides = [1, 1]} : vector<2048x768xbf16> to vector<2048x96xbf16>
    %concatenate3A_250 = tpu.concatenate %slice3A_249, %broadcast_in_dim3A_10 in 1 : vector<2048x96xbf16>, vector<2048x1xbf16> -> vector<2048x97xbf16>
    %dot_general3A_251 = arith.constant dense<0.000000e+00> : vector<256x2048xf32>
    %dot_general3A_252 = tpu.matmul %slice3A_237, %slice3A_243, %dot_general3A_251 {dimension_numbers = #tpu.dot_dimension_numbers<[1], [1], [0], [0], [0, 0, 1, 0], [], []>, transpose_lhs_hint = false} : vector<256x96xbf16>, vector<2048x96xbf16>, vector<256x2048xf32> -> vector<256x2048xf32>
    %reduce_max3A_253 = arith.constant dense<0xFF800000> : vector<256xf32>
    %reduce_max3A_254 = vector.multi_reduction <maximumf>, %dot_general3A_252, %reduce_max3A_253 [1] : vector<256x2048xf32> to vector<256xf32>
    %broadcast_in_dim3A_255 = vector.shape_cast %reduce_max3A_254 : vector<256xf32> to vector<256x1xf32>
    %sub3A_256 = vector.broadcast %broadcast_in_dim3A_255 : vector<256x1xf32> to vector<256x2048xf32>
    %sub3A_257 = arith.subf %dot_general3A_252, %sub3A_256 : vector<256x2048xf32>
    %exp23A_258 = math.exp2 %sub3A_257 : vector<256x2048xf32>
    %convert_element_type3A_259 = arith.truncf %exp23A_258 : vector<256x2048xf32> to vector<256x2048xbf16>
    %dot_general3A_260 = arith.constant dense<0.000000e+00> : vector<256x97xf32>
    %dot_general3A_261 = tpu.matmul %convert_element_type3A_259, %concatenate3A_250, %dot_general3A_260 {dimension_numbers = #tpu.dot_dimension_numbers<[1], [0], [0], [1], [0, 0, 1, 1], [], []>, transpose_lhs_hint = false} : vector<256x2048xbf16>, vector<2048x97xbf16>, vector<256x97xf32> -> vector<256x97xf32>
    %slice3A_262 = vector.extract_strided_slice %dot_general3A_261 {offsets = [0, 0], sizes = [256, 96], strides = [1, 1]} : vector<256x97xf32> to vector<256x96xf32>
    %slice3A_263 = vector.extract_strided_slice %dot_general3A_261 {offsets = [0, 96], sizes = [256, 1], strides = [1, 1]} : vector<256x97xf32> to vector<256x1xf32>
    %div3A_264 = arith.constant 1.000000e+00 : f32
    %div3A_265 = vector.broadcast %div3A_264 : f32 to vector<256x1xf32>
    %div3A_266 = arith.divf %div3A_265, %slice3A_263 : vector<256x1xf32>
    %mul3A_267 = vector.broadcast %div3A_266 : vector<256x1xf32> to vector<256x96xf32>
    %mul3A_268 = arith.mulf %slice3A_262, %mul3A_267 : vector<256x96xf32>
    %get3A_269 = arith.constant 0 : index
    %get3A_270 = arith.constant 0 : index
    %get3A_271 = arith.constant 0 : index
    %get3A_272 = vector.load %arg6[%get3A_269, %get3A_270, %get3A_271] : memref<1x768x768xf32, #tpu.memory_space<vmem>>, vector<1x768x768xf32>
    %get3A_273 = vector.shape_cast %get3A_272 : vector<1x768x768xf32> to vector<768x768xf32>
    %slice3A_274 = vector.extract_strided_slice %get3A_273 {offsets = [480, 0], sizes = [96, 768], strides = [1, 1]} : vector<768x768xf32> to vector<96x768xf32>
    %dot_general3A_275 = arith.constant dense<0.000000e+00> : vector<256x768xf32>
    %dot_general3A_276 = tpu.matmul %mul3A_268, %slice3A_274, %dot_general3A_275 {dimension_numbers = #tpu.dot_dimension_numbers<[1], [0], [0], [1], [0, 0, 1, 1], [], []>, transpose_lhs_hint = false} : vector<256x96xf32>, vector<96x768xf32>, vector<256x768xf32> -> vector<256x768xf32>
    %add3A_277 = arith.addf %add3A_231, %dot_general3A_276 : vector<256x768xf32>
    %get3A_278 = arith.constant 0 : index
    %get3A_279 = arith.constant 0 : index
    %get3A_280 = arith.constant 0 : index
    %get3A_281 = vector.load %arg2[%get3A_278, %get3A_279, %get3A_280] : memref<1x256x768xbf16, #tpu.memory_space<vmem>>, vector<1x256x768xbf16>
    %get3A_282 = vector.shape_cast %get3A_281 : vector<1x256x768xbf16> to vector<256x768xbf16>
    %slice3A_283 = vector.extract_strided_slice %get3A_282 {offsets = [0, 576], sizes = [256, 96], strides = [1, 1]} : vector<256x768xbf16> to vector<256x96xbf16>
    %get3A_284 = arith.constant 0 : index
    %get3A_285 = arith.constant 0 : index
    %get3A_286 = arith.constant 0 : index
    %get3A_287 = vector.load %arg3[%get3A_284, %get3A_285, %get3A_286] : memref<1x2048x768xbf16, #tpu.memory_space<vmem>>, vector<1x2048x768xbf16>
    %get3A_288 = vector.shape_cast %get3A_287 : vector<1x2048x768xbf16> to vector<2048x768xbf16>
    %slice3A_289 = vector.extract_strided_slice %get3A_288 {offsets = [0, 576], sizes = [2048, 96], strides = [1, 1]} : vector<2048x768xbf16> to vector<2048x96xbf16>
    %get3A_290 = arith.constant 0 : index
    %get3A_291 = arith.constant 0 : index
    %get3A_292 = arith.constant 0 : index
    %get3A_293 = vector.load %arg4[%get3A_290, %get3A_291, %get3A_292] : memref<1x2048x768xbf16, #tpu.memory_space<vmem>>, vector<1x2048x768xbf16>
    %get3A_294 = vector.shape_cast %get3A_293 : vector<1x2048x768xbf16> to vector<2048x768xbf16>
    %slice3A_295 = vector.extract_strided_slice %get3A_294 {offsets = [0, 576], sizes = [2048, 96], strides = [1, 1]} : vector<2048x768xbf16> to vector<2048x96xbf16>
    %concatenate3A_296 = tpu.concatenate %slice3A_295, %broadcast_in_dim3A_10 in 1 : vector<2048x96xbf16>, vector<2048x1xbf16> -> vector<2048x97xbf16>
    %dot_general3A_297 = arith.constant dense<0.000000e+00> : vector<256x2048xf32>
    %dot_general3A_298 = tpu.matmul %slice3A_283, %slice3A_289, %dot_general3A_297 {dimension_numbers = #tpu.dot_dimension_numbers<[1], [1], [0], [0], [0, 0, 1, 0], [], []>, transpose_lhs_hint = false} : vector<256x96xbf16>, vector<2048x96xbf16>, vector<256x2048xf32> -> vector<256x2048xf32>
    %reduce_max3A_299 = arith.constant dense<0xFF800000> : vector<256xf32>
    %reduce_max3A_300 = vector.multi_reduction <maximumf>, %dot_general3A_298, %reduce_max3A_299 [1] : vector<256x2048xf32> to vector<256xf32>
    %broadcast_in_dim3A_301 = vector.shape_cast %reduce_max3A_300 : vector<256xf32> to vector<256x1xf32>
    %sub3A_302 = vector.broadcast %broadcast_in_dim3A_301 : vector<256x1xf32> to vector<256x2048xf32>
    %sub3A_303 = arith.subf %dot_general3A_298, %sub3A_302 : vector<256x2048xf32>
    %exp23A_304 = math.exp2 %sub3A_303 : vector<256x2048xf32>
    %convert_element_type3A_305 = arith.truncf %exp23A_304 : vector<256x2048xf32> to vector<256x2048xbf16>
    %dot_general3A_306 = arith.constant dense<0.000000e+00> : vector<256x97xf32>
    %dot_general3A_307 = tpu.matmul %convert_element_type3A_305, %concatenate3A_296, %dot_general3A_306 {dimension_numbers = #tpu.dot_dimension_numbers<[1], [0], [0], [1], [0, 0, 1, 1], [], []>, transpose_lhs_hint = false} : vector<256x2048xbf16>, vector<2048x97xbf16>, vector<256x97xf32> -> vector<256x97xf32>
    %slice3A_308 = vector.extract_strided_slice %dot_general3A_307 {offsets = [0, 0], sizes = [256, 96], strides = [1, 1]} : vector<256x97xf32> to vector<256x96xf32>
    %slice3A_309 = vector.extract_strided_slice %dot_general3A_307 {offsets = [0, 96], sizes = [256, 1], strides = [1, 1]} : vector<256x97xf32> to vector<256x1xf32>
    %div3A_310 = arith.constant 1.000000e+00 : f32
    %div3A_311 = vector.broadcast %div3A_310 : f32 to vector<256x1xf32>
    %div3A_312 = arith.divf %div3A_311, %slice3A_309 : vector<256x1xf32>
    %mul3A_313 = vector.broadcast %div3A_312 : vector<256x1xf32> to vector<256x96xf32>
    %mul3A_314 = arith.mulf %slice3A_308, %mul3A_313 : vector<256x96xf32>
    %get3A_315 = arith.constant 0 : index
    %get3A_316 = arith.constant 0 : index
    %get3A_317 = arith.constant 0 : index
    %get3A_318 = vector.load %arg6[%get3A_315, %get3A_316, %get3A_317] : memref<1x768x768xf32, #tpu.memory_space<vmem>>, vector<1x768x768xf32>
    %get3A_319 = vector.shape_cast %get3A_318 : vector<1x768x768xf32> to vector<768x768xf32>
    %slice3A_320 = vector.extract_strided_slice %get3A_319 {offsets = [576, 0], sizes = [96, 768], strides = [1, 1]} : vector<768x768xf32> to vector<96x768xf32>
    %dot_general3A_321 = arith.constant dense<0.000000e+00> : vector<256x768xf32>
    %dot_general3A_322 = tpu.matmul %mul3A_314, %slice3A_320, %dot_general3A_321 {dimension_numbers = #tpu.dot_dimension_numbers<[1], [0], [0], [1], [0, 0, 1, 1], [], []>, transpose_lhs_hint = false} : vector<256x96xf32>, vector<96x768xf32>, vector<256x768xf32> -> vector<256x768xf32>
    %add3A_323 = arith.addf %add3A_277, %dot_general3A_322 : vector<256x768xf32>
    %get3A_324 = arith.constant 0 : index
    %get3A_325 = arith.constant 0 : index
    %get3A_326 = arith.constant 0 : index
    %get3A_327 = vector.load %arg2[%get3A_324, %get3A_325, %get3A_326] : memref<1x256x768xbf16, #tpu.memory_space<vmem>>, vector<1x256x768xbf16>
    %get3A_328 = vector.shape_cast %get3A_327 : vector<1x256x768xbf16> to vector<256x768xbf16>
    %slice3A_329 = vector.extract_strided_slice %get3A_328 {offsets = [0, 672], sizes = [256, 96], strides = [1, 1]} : vector<256x768xbf16> to vector<256x96xbf16>
    %get3A_330 = arith.constant 0 : index
    %get3A_331 = arith.constant 0 : index
    %get3A_332 = arith.constant 0 : index
    %get3A_333 = vector.load %arg3[%get3A_330, %get3A_331, %get3A_332] : memref<1x2048x768xbf16, #tpu.memory_space<vmem>>, vector<1x2048x768xbf16>
    %get3A_334 = vector.shape_cast %get3A_333 : vector<1x2048x768xbf16> to vector<2048x768xbf16>
    %slice3A_335 = vector.extract_strided_slice %get3A_334 {offsets = [0, 672], sizes = [2048, 96], strides = [1, 1]} : vector<2048x768xbf16> to vector<2048x96xbf16>
    %get3A_336 = arith.constant 0 : index
    %get3A_337 = arith.constant 0 : index
    %get3A_338 = arith.constant 0 : index
    %get3A_339 = vector.load %arg4[%get3A_336, %get3A_337, %get3A_338] : memref<1x2048x768xbf16, #tpu.memory_space<vmem>>, vector<1x2048x768xbf16>
    %get3A_340 = vector.shape_cast %get3A_339 : vector<1x2048x768xbf16> to vector<2048x768xbf16>
    %slice3A_341 = vector.extract_strided_slice %get3A_340 {offsets = [0, 672], sizes = [2048, 96], strides = [1, 1]} : vector<2048x768xbf16> to vector<2048x96xbf16>
    %concatenate3A_342 = tpu.concatenate %slice3A_341, %broadcast_in_dim3A_10 in 1 : vector<2048x96xbf16>, vector<2048x1xbf16> -> vector<2048x97xbf16>
    %dot_general3A_343 = arith.constant dense<0.000000e+00> : vector<256x2048xf32>
    %dot_general3A_344 = tpu.matmul %slice3A_329, %slice3A_335, %dot_general3A_343 {dimension_numbers = #tpu.dot_dimension_numbers<[1], [1], [0], [0], [0, 0, 1, 0], [], []>, transpose_lhs_hint = false} : vector<256x96xbf16>, vector<2048x96xbf16>, vector<256x2048xf32> -> vector<256x2048xf32>
    %reduce_max3A_345 = arith.constant dense<0xFF800000> : vector<256xf32>
    %reduce_max3A_346 = vector.multi_reduction <maximumf>, %dot_general3A_344, %reduce_max3A_345 [1] : vector<256x2048xf32> to vector<256xf32>
    %broadcast_in_dim3A_347 = vector.shape_cast %reduce_max3A_346 : vector<256xf32> to vector<256x1xf32>
    %sub3A_348 = vector.broadcast %broadcast_in_dim3A_347 : vector<256x1xf32> to vector<256x2048xf32>
    %sub3A_349 = arith.subf %dot_general3A_344, %sub3A_348 : vector<256x2048xf32>
    %exp23A_350 = math.exp2 %sub3A_349 : vector<256x2048xf32>
    %convert_element_type3A_351 = arith.truncf %exp23A_350 : vector<256x2048xf32> to vector<256x2048xbf16>
    %dot_general3A_352 = arith.constant dense<0.000000e+00> : vector<256x97xf32>
    %dot_general3A_353 = tpu.matmul %convert_element_type3A_351, %concatenate3A_342, %dot_general3A_352 {dimension_numbers = #tpu.dot_dimension_numbers<[1], [0], [0], [1], [0, 0, 1, 1], [], []>, transpose_lhs_hint = false} : vector<256x2048xbf16>, vector<2048x97xbf16>, vector<256x97xf32> -> vector<256x97xf32>
    %slice3A_354 = vector.extract_strided_slice %dot_general3A_353 {offsets = [0, 0], sizes = [256, 96], strides = [1, 1]} : vector<256x97xf32> to vector<256x96xf32>
    %slice3A_355 = vector.extract_strided_slice %dot_general3A_353 {offsets = [0, 96], sizes = [256, 1], strides = [1, 1]} : vector<256x97xf32> to vector<256x1xf32>
    %div3A_356 = arith.constant 1.000000e+00 : f32
    %div3A_357 = vector.broadcast %div3A_356 : f32 to vector<256x1xf32>
    %div3A_358 = arith.divf %div3A_357, %slice3A_355 : vector<256x1xf32>
    %mul3A_359 = vector.broadcast %div3A_358 : vector<256x1xf32> to vector<256x96xf32>
    %mul3A_360 = arith.mulf %slice3A_354, %mul3A_359 : vector<256x96xf32>
    %get3A_361 = arith.constant 0 : index
    %get3A_362 = arith.constant 0 : index
    %get3A_363 = arith.constant 0 : index
    %get3A_364 = vector.load %arg6[%get3A_361, %get3A_362, %get3A_363] : memref<1x768x768xf32, #tpu.memory_space<vmem>>, vector<1x768x768xf32>
    %get3A_365 = vector.shape_cast %get3A_364 : vector<1x768x768xf32> to vector<768x768xf32>
    %slice3A_366 = vector.extract_strided_slice %get3A_365 {offsets = [672, 0], sizes = [96, 768], strides = [1, 1]} : vector<768x768xf32> to vector<96x768xf32>
    %dot_general3A_367 = arith.constant dense<0.000000e+00> : vector<256x768xf32>
    %dot_general3A_368 = tpu.matmul %mul3A_360, %slice3A_366, %dot_general3A_367 {dimension_numbers = #tpu.dot_dimension_numbers<[1], [0], [0], [1], [0, 0, 1, 1], [], []>, transpose_lhs_hint = false} : vector<256x96xf32>, vector<96x768xf32>, vector<256x768xf32> -> vector<256x768xf32>
    %add3A_369 = arith.addf %add3A_323, %dot_general3A_368 : vector<256x768xf32>
    %swap3A = arith.constant 0 : index
    %swap3A_370 = arith.constant 0 : index
    %swap3A_371 = arith.constant 0 : index
    %swap3A_372 = vector.load %arg8[%swap3A, %swap3A_370, %swap3A_371] : memref<1x256x768xf32, #tpu.memory_space<vmem>>, vector<1x256x768xf32>
    %swap3A_373 = vector.shape_cast %swap3A_372 : vector<1x256x768xf32> to vector<256x768xf32>
    %swap3A_374 = vector.shape_cast %add3A_369 : vector<256x768xf32> to vector<1x256x768xf32>
    tpu.vector_store %arg8[%swap3A, %swap3A_370, %swap3A_371], %swap3A_374 {strides = array<i32>} : memref<1x256x768xf32, #tpu.memory_space<vmem>>, vector<1x256x768xf32>,
    return
  }
  func.func @transform_0(%arg0: i32, %arg1: i32) -> (i32, i32, i32) {
    %c0_i32 = arith.constant 0 : i32
    %c0_i32_0 = arith.constant 0 : i32
    return %arg0, %arg1, %c0_i32 : i32, i32, i32
  }
  func.func @transform_1(%arg0: i32, %arg1: i32) -> (i32, i32, i32) {
    %c0_i32 = arith.constant 0 : i32
    %c0_i32_0 = arith.constant 0 : i32
    %c0_i32_1 = arith.constant 0 : i32
    return %arg0, %c0_i32, %c0_i32_0 : i32, i32, i32
  }
  func.func @transform_2(%arg0: i32, %arg1: i32) -> (i32, i32, i32) {
    %c0_i32 = arith.constant 0 : i32
    %c0_i32_0 = arith.constant 0 : i32
    %c0_i32_1 = arith.constant 0 : i32
    return %arg0, %c0_i32, %c0_i32_0 : i32, i32, i32
  }
  func.func @transform_3(%arg0: i32, %arg1: i32) -> (i32, i32, i32) {
    %c0_i32 = arith.constant 0 : i32
    %c0_i32_0 = arith.constant 0 : i32
    return %arg0, %arg1, %c0_i32 : i32, i32, i32
  }
  func.func @transform_4(%arg0: i32, %arg1: i32) -> (i32, i32, i32) {
    %c2_i32 = arith.constant 2 : i32
    %c0_i32 = arith.constant 0 : i32
    %c0_i32_0 = arith.constant 0 : i32
    %c0_i32_1 = arith.constant 0 : i32
    return %c2_i32, %c0_i32, %c0_i32_0 : i32, i32, i32
  }
  func.func @transform_5(%arg0: i32, %arg1: i32) -> (i32, i32, i32) {
    %c2_i32 = arith.constant 2 : i32
    %c0_i32 = arith.constant 0 : i32
    %c0_i32_0 = arith.constant 0 : i32
    %c0_i32_1 = arith.constant 0 : i32
    return %c2_i32, %c0_i32, %c0_i32_0 : i32, i32, i32
  }
  func.func @transform_6(%arg0: i32, %arg1: i32) -> (i32, i32, i32) {
    %c0_i32 = arith.constant 0 : i32
    %c0_i32_0 = arith.constant 0 : i32
    return %arg0, %arg1, %c0_i32 : i32, i32, i32
  }
}

module attributes {stable_mosaic.version = 14 : i64} {
  func.func @body(%arg0: i32, %arg1: i32, %arg2: memref<1x512x768xf32, #tpu.memory_space<vmem>>, %arg3: memref<1x768x3072xf32, #tpu.memory_space<vmem>>, %arg4: memref<1x1x3072xf32, #tpu.memory_space<vmem>>, %arg5: memref<1x3072x768xf32, #tpu.memory_space<vmem>>, %arg6: memref<1x1x768xf32, #tpu.memory_space<vmem>>, %arg7: memref<1x1x768xf32, #tpu.memory_space<vmem>>, %arg8: memref<1x1x768xf32, #tpu.memory_space<vmem>>, %arg9: memref<1x512x768xf32, #tpu.memory_space<vmem>>) attributes {dimension_semantics = [#tpu.dimension_semantics<parallel>, #tpu.dimension_semantics<parallel>], iteration_bounds = array<i64: 2, 4>, scalar_prefetch = 0 : i64, scratch_operands = 0 : i64, tpu.core_type = #tpu.core_type<tc>, window_params = [{transform_indices = @transform_0, window_bounds = array<i64: 1, 512, 768>}, {transform_indices = @transform_1, window_bounds = array<i64: 1, 768, 3072>}, {transform_indices = @transform_2, window_bounds = array<i64: 1, 1, 3072>}, {transform_indices = @transform_3, window_bounds = array<i64: 1, 3072, 768>}, {transform_indices = @transform_4, window_bounds = array<i64: 1, 1, 768>}, {transform_indices = @transform_5, window_bounds = array<i64: 1, 1, 768>}, {transform_indices = @transform_6, window_bounds = array<i64: 1, 1, 768>}, {transform_indices = @transform_7, window_bounds = array<i64: 1, 512, 768>}]} {
    %get3A = arith.constant 0 : index
    %get3A_0 = arith.constant 0 : index
    %get3A_1 = arith.constant 0 : index
    %get3A_2 = vector.load %arg2[%get3A, %get3A_0, %get3A_1] : memref<1x512x768xf32, #tpu.memory_space<vmem>>, vector<1x512x768xf32>
    %get3A_3 = vector.shape_cast %get3A_2 : vector<1x512x768xf32> to vector<512x768xf32>
    %get3A_4 = arith.constant 0 : index
    %get3A_5 = arith.constant 0 : index
    %get3A_6 = arith.constant 0 : index
    %get3A_7 = vector.load %arg7[%get3A_4, %get3A_5, %get3A_6] : memref<1x1x768xf32, #tpu.memory_space<vmem>>, vector<1x1x768xf32>
    %get3A_8 = vector.shape_cast %get3A_7 : vector<1x1x768xf32> to vector<1x768xf32>
    %get3A_9 = arith.constant 0 : index
    %get3A_10 = arith.constant 0 : index
    %get3A_11 = arith.constant 0 : index
    %get3A_12 = vector.load %arg8[%get3A_9, %get3A_10, %get3A_11] : memref<1x1x768xf32, #tpu.memory_space<vmem>>, vector<1x1x768xf32>
    %get3A_13 = vector.shape_cast %get3A_12 : vector<1x1x768xf32> to vector<1x768xf32>
    %reduce_sum3A = arith.constant dense<0.000000e+00> : vector<512xf32>
    %reduce_sum3A_14 = vector.multi_reduction <add>, %get3A_3, %reduce_sum3A [1] : vector<512x768xf32> to vector<512xf32>
    %broadcast_in_dim3A = vector.shape_cast %reduce_sum3A_14 : vector<512xf32> to vector<512x1xf32>
    %div3A = arith.constant 7.680000e+02 : f32
    %div3A_15 = vector.broadcast %div3A : f32 to vector<512x1xf32>
    %div3A_16 = arith.divf %broadcast_in_dim3A, %div3A_15 : vector<512x1xf32>
    %sub3A = vector.broadcast %div3A_16 : vector<512x1xf32> to vector<512x768xf32>
    %sub3A_17 = arith.subf %get3A_3, %sub3A : vector<512x768xf32>
    %integer_pow3A = arith.mulf %sub3A_17, %sub3A_17 : vector<512x768xf32>
    %reduce_sum3A_18 = arith.constant dense<0.000000e+00> : vector<512xf32>
    %reduce_sum3A_19 = vector.multi_reduction <add>, %integer_pow3A, %reduce_sum3A_18 [1] : vector<512x768xf32> to vector<512xf32>
    %broadcast_in_dim3A_20 = vector.shape_cast %reduce_sum3A_19 : vector<512xf32> to vector<512x1xf32>
    %div3A_21 = arith.constant 7.680000e+02 : f32
    %div3A_22 = vector.broadcast %div3A_21 : f32 to vector<512x1xf32>
    %div3A_23 = arith.divf %broadcast_in_dim3A_20, %div3A_22 : vector<512x1xf32>
    %sub3A_24 = vector.broadcast %div3A_16 : vector<512x1xf32> to vector<512x768xf32>
    %sub3A_25 = arith.subf %get3A_3, %sub3A_24 : vector<512x768xf32>
    %add3A = arith.constant 9.99999974E-6 : f32
    %add3A_26 = vector.broadcast %add3A : f32 to vector<512x1xf32>
    %add3A_27 = arith.addf %div3A_23, %add3A_26 : vector<512x1xf32>
    %sqrt3A = math.sqrt %add3A_27 : vector<512x1xf32>
    %div3A_28 = vector.broadcast %sqrt3A : vector<512x1xf32> to vector<512x768xf32>
    %div3A_29 = arith.divf %sub3A_25, %div3A_28 : vector<512x768xf32>
    %mul3A = vector.broadcast %get3A_8 : vector<1x768xf32> to vector<512x768xf32>
    %mul3A_30 = arith.mulf %div3A_29, %mul3A : vector<512x768xf32>
    %add3A_31 = vector.broadcast %get3A_13 : vector<1x768xf32> to vector<512x768xf32>
    %add3A_32 = arith.addf %mul3A_30, %add3A_31 : vector<512x768xf32>
    %get3A_33 = arith.constant 0 : index
    %get3A_34 = arith.constant 0 : index
    %get3A_35 = arith.constant 0 : index
    %get3A_36 = vector.load %arg3[%get3A_33, %get3A_34, %get3A_35] : memref<1x768x3072xf32, #tpu.memory_space<vmem>>, vector<1x768x3072xf32>
    %get3A_37 = vector.shape_cast %get3A_36 : vector<1x768x3072xf32> to vector<768x3072xf32>
    %dot_general3A = arith.constant dense<0.000000e+00> : vector<512x3072xf32>
    %dot_general3A_38 = tpu.matmul %add3A_32, %get3A_37, %dot_general3A {dimension_numbers = #tpu.dot_dimension_numbers<[1], [0], [0], [1], [0, 0, 1, 1], [], []>, transpose_lhs_hint = false} : vector<512x768xf32>, vector<768x3072xf32>, vector<512x3072xf32> -> vector<512x3072xf32>
    %get3A_39 = arith.constant 0 : index
    %get3A_40 = arith.constant 0 : index
    %get3A_41 = arith.constant 0 : index
    %get3A_42 = vector.load %arg4[%get3A_39, %get3A_40, %get3A_41] : memref<1x1x3072xf32, #tpu.memory_space<vmem>>, vector<1x1x3072xf32>
    %get3A_43 = vector.shape_cast %get3A_42 : vector<1x1x3072xf32> to vector<1x3072xf32>
    %add3A_44 = vector.broadcast %get3A_43 : vector<1x3072xf32> to vector<512x3072xf32>
    %add3A_45 = arith.addf %dot_general3A_38, %add3A_44 : vector<512x3072xf32>
    %mul3A_46 = arith.constant 5.000000e-01 : f32
    %mul3A_47 = vector.broadcast %mul3A_46 : f32 to vector<512x3072xf32>
    %mul3A_48 = arith.mulf %mul3A_47, %add3A_45 : vector<512x3072xf32>
    %mul3A_49 = arith.constant 0.707106769 : f32
    %mul3A_50 = vector.broadcast %mul3A_49 : f32 to vector<512x3072xf32>
    %mul3A_51 = arith.mulf %add3A_45, %mul3A_50 : vector<512x3072xf32>
    %erf3A = math.erf %mul3A_51 : vector<512x3072xf32>
    %add3A_52 = arith.constant 1.000000e+00 : f32
    %add3A_53 = vector.broadcast %add3A_52 : f32 to vector<512x3072xf32>
    %add3A_54 = arith.addf %add3A_53, %erf3A : vector<512x3072xf32>
    %mul3A_55 = arith.mulf %mul3A_48, %add3A_54 : vector<512x3072xf32>
    %get3A_56 = arith.constant 0 : index
    %get3A_57 = arith.constant 0 : index
    %get3A_58 = arith.constant 0 : index
    %get3A_59 = vector.load %arg5[%get3A_56, %get3A_57, %get3A_58] : memref<1x3072x768xf32, #tpu.memory_space<vmem>>, vector<1x3072x768xf32>
    %get3A_60 = vector.shape_cast %get3A_59 : vector<1x3072x768xf32> to vector<3072x768xf32>
    %dot_general3A_61 = arith.constant dense<0.000000e+00> : vector<512x768xf32>
    %dot_general3A_62 = tpu.matmul %mul3A_55, %get3A_60, %dot_general3A_61 {dimension_numbers = #tpu.dot_dimension_numbers<[1], [0], [0], [1], [0, 0, 1, 1], [], []>, transpose_lhs_hint = false} : vector<512x3072xf32>, vector<3072x768xf32>, vector<512x768xf32> -> vector<512x768xf32>
    %add3A_63 = arith.addf %get3A_3, %dot_general3A_62 : vector<512x768xf32>
    %get3A_64 = arith.constant 0 : index
    %get3A_65 = arith.constant 0 : index
    %get3A_66 = arith.constant 0 : index
    %get3A_67 = vector.load %arg6[%get3A_64, %get3A_65, %get3A_66] : memref<1x1x768xf32, #tpu.memory_space<vmem>>, vector<1x1x768xf32>
    %get3A_68 = vector.shape_cast %get3A_67 : vector<1x1x768xf32> to vector<1x768xf32>
    %add3A_69 = vector.broadcast %get3A_68 : vector<1x768xf32> to vector<512x768xf32>
    %add3A_70 = arith.addf %add3A_63, %add3A_69 : vector<512x768xf32>
    %swap3A = arith.constant 0 : index
    %swap3A_71 = arith.constant 0 : index
    %swap3A_72 = arith.constant 0 : index
    %swap3A_73 = vector.load %arg9[%swap3A, %swap3A_71, %swap3A_72] : memref<1x512x768xf32, #tpu.memory_space<vmem>>, vector<1x512x768xf32>
    %swap3A_74 = vector.shape_cast %swap3A_73 : vector<1x512x768xf32> to vector<512x768xf32>
    %swap3A_75 = vector.shape_cast %add3A_70 : vector<512x768xf32> to vector<1x512x768xf32>
    tpu.vector_store %arg9[%swap3A, %swap3A_71, %swap3A_72], %swap3A_75 {strides = array<i32>} : memref<1x512x768xf32, #tpu.memory_space<vmem>>, vector<1x512x768xf32>,
    return
  }
  func.func @transform_0(%arg0: i32, %arg1: i32) -> (i32, i32, i32) {
    %c0_i32 = arith.constant 0 : i32
    %c0_i32_0 = arith.constant 0 : i32
    return %arg0, %arg1, %c0_i32 : i32, i32, i32
  }
  func.func @transform_1(%arg0: i32, %arg1: i32) -> (i32, i32, i32) {
    %c2_i32 = arith.constant 2 : i32
    %c0_i32 = arith.constant 0 : i32
    %c0_i32_0 = arith.constant 0 : i32
    %c0_i32_1 = arith.constant 0 : i32
    return %c2_i32, %c0_i32, %c0_i32_0 : i32, i32, i32
  }
  func.func @transform_2(%arg0: i32, %arg1: i32) -> (i32, i32, i32) {
    %c2_i32 = arith.constant 2 : i32
    %c0_i32 = arith.constant 0 : i32
    %c0_i32_0 = arith.constant 0 : i32
    %c0_i32_1 = arith.constant 0 : i32
    return %c2_i32, %c0_i32, %c0_i32_0 : i32, i32, i32
  }
  func.func @transform_3(%arg0: i32, %arg1: i32) -> (i32, i32, i32) {
    %c2_i32 = arith.constant 2 : i32
    %c0_i32 = arith.constant 0 : i32
    %c0_i32_0 = arith.constant 0 : i32
    %c0_i32_1 = arith.constant 0 : i32
    return %c2_i32, %c0_i32, %c0_i32_0 : i32, i32, i32
  }
  func.func @transform_4(%arg0: i32, %arg1: i32) -> (i32, i32, i32) {
    %c2_i32 = arith.constant 2 : i32
    %c0_i32 = arith.constant 0 : i32
    %c0_i32_0 = arith.constant 0 : i32
    %c0_i32_1 = arith.constant 0 : i32
    return %c2_i32, %c0_i32, %c0_i32_0 : i32, i32, i32
  }
  func.func @transform_5(%arg0: i32, %arg1: i32) -> (i32, i32, i32) {
    %c2_i32 = arith.constant 2 : i32
    %c0_i32 = arith.constant 0 : i32
    %c0_i32_0 = arith.constant 0 : i32
    %c0_i32_1 = arith.constant 0 : i32
    return %c2_i32, %c0_i32, %c0_i32_0 : i32, i32, i32
  }
  func.func @transform_6(%arg0: i32, %arg1: i32) -> (i32, i32, i32) {
    %c2_i32 = arith.constant 2 : i32
    %c0_i32 = arith.constant 0 : i32
    %c0_i32_0 = arith.constant 0 : i32
    %c0_i32_1 = arith.constant 0 : i32
    return %c2_i32, %c0_i32, %c0_i32_0 : i32, i32, i32
  }
  func.func @transform_7(%arg0: i32, %arg1: i32) -> (i32, i32, i32) {
    %c0_i32 = arith.constant 0 : i32
    %c0_i32_0 = arith.constant 0 : i32
    return %arg0, %arg1, %c0_i32 : i32, i32, i32
  }
}

module attributes {stable_mosaic.version = 14 : i64} {
  func.func @body(%arg0: i32, %arg1: i32, %arg2: memref<1x512x768xf32, #tpu.memory_space<vmem>>, %arg3: memref<1x768x768xf32, #tpu.memory_space<vmem>>, %arg4: memref<1x768x768xf32, #tpu.memory_space<vmem>>, %arg5: memref<1x768x768xf32, #tpu.memory_space<vmem>>, %arg6: memref<1x1x768xf32, #tpu.memory_space<vmem>>, %arg7: memref<1x1x768xf32, #tpu.memory_space<vmem>>, %arg8: memref<1x1x768xf32, #tpu.memory_space<vmem>>, %arg9: memref<1x1x768xf32, #tpu.memory_space<vmem>>, %arg10: memref<1x1x768xf32, #tpu.memory_space<vmem>>, %arg11: memref<1x512x768xbf16, #tpu.memory_space<vmem>>, %arg12: memref<1x512x768xbf16, #tpu.memory_space<vmem>>, %arg13: memref<1x512x768xbf16, #tpu.memory_space<vmem>>) attributes {dimension_semantics = [#tpu.dimension_semantics<parallel>, #tpu.dimension_semantics<parallel>], iteration_bounds = array<i64: 2, 4>, scalar_prefetch = 0 : i64, scratch_operands = 0 : i64, tpu.core_type = #tpu.core_type<tc>, window_params = [{transform_indices = @transform_0, window_bounds = array<i64: 1, 512, 768>}, {transform_indices = @transform_1, window_bounds = array<i64: 1, 768, 768>}, {transform_indices = @transform_2, window_bounds = array<i64: 1, 768, 768>}, {transform_indices = @transform_3, window_bounds = array<i64: 1, 768, 768>}, {transform_indices = @transform_4, window_bounds = array<i64: 1, 1, 768>}, {transform_indices = @transform_5, window_bounds = array<i64: 1, 1, 768>}, {transform_indices = @transform_6, window_bounds = array<i64: 1, 1, 768>}, {transform_indices = @transform_7, window_bounds = array<i64: 1, 1, 768>}, {transform_indices = @transform_8, window_bounds = array<i64: 1, 1, 768>}, {transform_indices = @transform_9, window_bounds = array<i64: 1, 512, 768>}, {transform_indices = @transform_10, window_bounds = array<i64: 1, 512, 768>}, {transform_indices = @transform_11, window_bounds = array<i64: 1, 512, 768>}]} {
    %get3A = arith.constant 0 : index
    %get3A_0 = arith.constant 0 : index
    %get3A_1 = arith.constant 0 : index
    %get3A_2 = vector.load %arg2[%get3A, %get3A_0, %get3A_1] : memref<1x512x768xf32, #tpu.memory_space<vmem>>, vector<1x512x768xf32>
    %get3A_3 = vector.shape_cast %get3A_2 : vector<1x512x768xf32> to vector<512x768xf32>
    %get3A_4 = arith.constant 0 : index
    %get3A_5 = arith.constant 0 : index
    %get3A_6 = arith.constant 0 : index
    %get3A_7 = vector.load %arg9[%get3A_4, %get3A_5, %get3A_6] : memref<1x1x768xf32, #tpu.memory_space<vmem>>, vector<1x1x768xf32>
    %get3A_8 = vector.shape_cast %get3A_7 : vector<1x1x768xf32> to vector<1x768xf32>
    %get3A_9 = arith.constant 0 : index
    %get3A_10 = arith.constant 0 : index
    %get3A_11 = arith.constant 0 : index
    %get3A_12 = vector.load %arg10[%get3A_9, %get3A_10, %get3A_11] : memref<1x1x768xf32, #tpu.memory_space<vmem>>, vector<1x1x768xf32>
    %get3A_13 = vector.shape_cast %get3A_12 : vector<1x1x768xf32> to vector<1x768xf32>
    %reduce_sum3A = arith.constant dense<0.000000e+00> : vector<512xf32>
    %reduce_sum3A_14 = vector.multi_reduction <add>, %get3A_3, %reduce_sum3A [1] : vector<512x768xf32> to vector<512xf32>
    %broadcast_in_dim3A = vector.shape_cast %reduce_sum3A_14 : vector<512xf32> to vector<512x1xf32>
    %div3A = arith.constant 7.680000e+02 : f32
    %div3A_15 = vector.broadcast %div3A : f32 to vector<512x1xf32>
    %div3A_16 = arith.divf %broadcast_in_dim3A, %div3A_15 : vector<512x1xf32>
    %sub3A = vector.broadcast %div3A_16 : vector<512x1xf32> to vector<512x768xf32>
    %sub3A_17 = arith.subf %get3A_3, %sub3A : vector<512x768xf32>
    %integer_pow3A = arith.mulf %sub3A_17, %sub3A_17 : vector<512x768xf32>
    %reduce_sum3A_18 = arith.constant dense<0.000000e+00> : vector<512xf32>
    %reduce_sum3A_19 = vector.multi_reduction <add>, %integer_pow3A, %reduce_sum3A_18 [1] : vector<512x768xf32> to vector<512xf32>
    %broadcast_in_dim3A_20 = vector.shape_cast %reduce_sum3A_19 : vector<512xf32> to vector<512x1xf32>
    %div3A_21 = arith.constant 7.680000e+02 : f32
    %div3A_22 = vector.broadcast %div3A_21 : f32 to vector<512x1xf32>
    %div3A_23 = arith.divf %broadcast_in_dim3A_20, %div3A_22 : vector<512x1xf32>
    %sub3A_24 = vector.broadcast %div3A_16 : vector<512x1xf32> to vector<512x768xf32>
    %sub3A_25 = arith.subf %get3A_3, %sub3A_24 : vector<512x768xf32>
    %add3A = arith.constant 9.99999974E-6 : f32
    %add3A_26 = vector.broadcast %add3A : f32 to vector<512x1xf32>
    %add3A_27 = arith.addf %div3A_23, %add3A_26 : vector<512x1xf32>
    %sqrt3A = math.sqrt %add3A_27 : vector<512x1xf32>
    %div3A_28 = vector.broadcast %sqrt3A : vector<512x1xf32> to vector<512x768xf32>
    %div3A_29 = arith.divf %sub3A_25, %div3A_28 : vector<512x768xf32>
    %mul3A = vector.broadcast %get3A_8 : vector<1x768xf32> to vector<512x768xf32>
    %mul3A_30 = arith.mulf %div3A_29, %mul3A : vector<512x768xf32>
    %add3A_31 = vector.broadcast %get3A_13 : vector<1x768xf32> to vector<512x768xf32>
    %add3A_32 = arith.addf %mul3A_30, %add3A_31 : vector<512x768xf32>
    %get3A_33 = arith.constant 0 : index
    %get3A_34 = arith.constant 0 : index
    %get3A_35 = arith.constant 0 : index
    %get3A_36 = vector.load %arg3[%get3A_33, %get3A_34, %get3A_35] : memref<1x768x768xf32, #tpu.memory_space<vmem>>, vector<1x768x768xf32>
    %get3A_37 = vector.shape_cast %get3A_36 : vector<1x768x768xf32> to vector<768x768xf32>
    %dot_general3A = arith.constant dense<0.000000e+00> : vector<512x768xf32>
    %dot_general3A_38 = tpu.matmul %add3A_32, %get3A_37, %dot_general3A {dimension_numbers = #tpu.dot_dimension_numbers<[1], [0], [0], [1], [0, 0, 1, 1], [], []>, transpose_lhs_hint = false} : vector<512x768xf32>, vector<768x768xf32>, vector<512x768xf32> -> vector<512x768xf32>
    %get3A_39 = arith.constant 0 : index
    %get3A_40 = arith.constant 0 : index
    %get3A_41 = arith.constant 0 : index
    %get3A_42 = vector.load %arg6[%get3A_39, %get3A_40, %get3A_41] : memref<1x1x768xf32, #tpu.memory_space<vmem>>, vector<1x1x768xf32>
    %get3A_43 = vector.shape_cast %get3A_42 : vector<1x1x768xf32> to vector<1x768xf32>
    %add3A_44 = vector.broadcast %get3A_43 : vector<1x768xf32> to vector<512x768xf32>
    %add3A_45 = arith.addf %dot_general3A_38, %add3A_44 : vector<512x768xf32>
    %convert_element_type3A = arith.truncf %add3A_45 : vector<512x768xf32> to vector<512x768xbf16>
    %swap3A = arith.constant 0 : index
    %swap3A_46 = arith.constant 0 : index
    %swap3A_47 = arith.constant 0 : index
    %swap3A_48 = vector.load %arg11[%swap3A, %swap3A_46, %swap3A_47] : memref<1x512x768xbf16, #tpu.memory_space<vmem>>, vector<1x512x768xbf16>
    %swap3A_49 = vector.shape_cast %swap3A_48 : vector<1x512x768xbf16> to vector<512x768xbf16>
    %swap3A_50 = vector.shape_cast %convert_element_type3A : vector<512x768xbf16> to vector<1x512x768xbf16>
    tpu.vector_store %arg11[%swap3A, %swap3A_46, %swap3A_47], %swap3A_50 {strides = array<i32>} : memref<1x512x768xbf16, #tpu.memory_space<vmem>>, vector<1x512x768xbf16>,
    %get3A_51 = arith.constant 0 : index
    %get3A_52 = arith.constant 0 : index
    %get3A_53 = arith.constant 0 : index
    %get3A_54 = vector.load %arg4[%get3A_51, %get3A_52, %get3A_53] : memref<1x768x768xf32, #tpu.memory_space<vmem>>, vector<1x768x768xf32>
    %get3A_55 = vector.shape_cast %get3A_54 : vector<1x768x768xf32> to vector<768x768xf32>
    %dot_general3A_56 = arith.constant dense<0.000000e+00> : vector<512x768xf32>
    %dot_general3A_57 = tpu.matmul %add3A_32, %get3A_55, %dot_general3A_56 {dimension_numbers = #tpu.dot_dimension_numbers<[1], [0], [0], [1], [0, 0, 1, 1], [], []>, transpose_lhs_hint = false} : vector<512x768xf32>, vector<768x768xf32>, vector<512x768xf32> -> vector<512x768xf32>
    %get3A_58 = arith.constant 0 : index
    %get3A_59 = arith.constant 0 : index
    %get3A_60 = arith.constant 0 : index
    %get3A_61 = vector.load %arg7[%get3A_58, %get3A_59, %get3A_60] : memref<1x1x768xf32, #tpu.memory_space<vmem>>, vector<1x1x768xf32>
    %get3A_62 = vector.shape_cast %get3A_61 : vector<1x1x768xf32> to vector<1x768xf32>
    %add3A_63 = vector.broadcast %get3A_62 : vector<1x768xf32> to vector<512x768xf32>
    %add3A_64 = arith.addf %dot_general3A_57, %add3A_63 : vector<512x768xf32>
    %convert_element_type3A_65 = arith.truncf %add3A_64 : vector<512x768xf32> to vector<512x768xbf16>
    %swap3A_66 = arith.constant 0 : index
    %swap3A_67 = arith.constant 0 : index
    %swap3A_68 = arith.constant 0 : index
    %swap3A_69 = vector.load %arg12[%swap3A_66, %swap3A_67, %swap3A_68] : memref<1x512x768xbf16, #tpu.memory_space<vmem>>, vector<1x512x768xbf16>
    %swap3A_70 = vector.shape_cast %swap3A_69 : vector<1x512x768xbf16> to vector<512x768xbf16>
    %swap3A_71 = vector.shape_cast %convert_element_type3A_65 : vector<512x768xbf16> to vector<1x512x768xbf16>
    tpu.vector_store %arg12[%swap3A_66, %swap3A_67, %swap3A_68], %swap3A_71 {strides = array<i32>} : memref<1x512x768xbf16, #tpu.memory_space<vmem>>, vector<1x512x768xbf16>,
    %get3A_72 = arith.constant 0 : index
    %get3A_73 = arith.constant 0 : index
    %get3A_74 = arith.constant 0 : index
    %get3A_75 = vector.load %arg5[%get3A_72, %get3A_73, %get3A_74] : memref<1x768x768xf32, #tpu.memory_space<vmem>>, vector<1x768x768xf32>
    %get3A_76 = vector.shape_cast %get3A_75 : vector<1x768x768xf32> to vector<768x768xf32>
    %dot_general3A_77 = arith.constant dense<0.000000e+00> : vector<512x768xf32>
    %dot_general3A_78 = tpu.matmul %add3A_32, %get3A_76, %dot_general3A_77 {dimension_numbers = #tpu.dot_dimension_numbers<[1], [0], [0], [1], [0, 0, 1, 1], [], []>, transpose_lhs_hint = false} : vector<512x768xf32>, vector<768x768xf32>, vector<512x768xf32> -> vector<512x768xf32>
    %get3A_79 = arith.constant 0 : index
    %get3A_80 = arith.constant 0 : index
    %get3A_81 = arith.constant 0 : index
    %get3A_82 = vector.load %arg8[%get3A_79, %get3A_80, %get3A_81] : memref<1x1x768xf32, #tpu.memory_space<vmem>>, vector<1x1x768xf32>
    %get3A_83 = vector.shape_cast %get3A_82 : vector<1x1x768xf32> to vector<1x768xf32>
    %add3A_84 = vector.broadcast %get3A_83 : vector<1x768xf32> to vector<512x768xf32>
    %add3A_85 = arith.addf %dot_general3A_78, %add3A_84 : vector<512x768xf32>
    %convert_element_type3A_86 = arith.truncf %add3A_85 : vector<512x768xf32> to vector<512x768xbf16>
    %swap3A_87 = arith.constant 0 : index
    %swap3A_88 = arith.constant 0 : index
    %swap3A_89 = arith.constant 0 : index
    %swap3A_90 = vector.load %arg13[%swap3A_87, %swap3A_88, %swap3A_89] : memref<1x512x768xbf16, #tpu.memory_space<vmem>>, vector<1x512x768xbf16>
    %swap3A_91 = vector.shape_cast %swap3A_90 : vector<1x512x768xbf16> to vector<512x768xbf16>
    %swap3A_92 = vector.shape_cast %convert_element_type3A_86 : vector<512x768xbf16> to vector<1x512x768xbf16>
    tpu.vector_store %arg13[%swap3A_87, %swap3A_88, %swap3A_89], %swap3A_92 {strides = array<i32>} : memref<1x512x768xbf16, #tpu.memory_space<vmem>>, vector<1x512x768xbf16>,
    return
  }
  func.func @transform_0(%arg0: i32, %arg1: i32) -> (i32, i32, i32) {
    %c0_i32 = arith.constant 0 : i32
    %c0_i32_0 = arith.constant 0 : i32
    return %arg0, %arg1, %c0_i32 : i32, i32, i32
  }
  func.func @transform_1(%arg0: i32, %arg1: i32) -> (i32, i32, i32) {
    %c3_i32 = arith.constant 3 : i32
    %c0_i32 = arith.constant 0 : i32
    %c0_i32_0 = arith.constant 0 : i32
    %c0_i32_1 = arith.constant 0 : i32
    return %c3_i32, %c0_i32, %c0_i32_0 : i32, i32, i32
  }
  func.func @transform_2(%arg0: i32, %arg1: i32) -> (i32, i32, i32) {
    %c3_i32 = arith.constant 3 : i32
    %c0_i32 = arith.constant 0 : i32
    %c0_i32_0 = arith.constant 0 : i32
    %c0_i32_1 = arith.constant 0 : i32
    return %c3_i32, %c0_i32, %c0_i32_0 : i32, i32, i32
  }
  func.func @transform_3(%arg0: i32, %arg1: i32) -> (i32, i32, i32) {
    %c3_i32 = arith.constant 3 : i32
    %c0_i32 = arith.constant 0 : i32
    %c0_i32_0 = arith.constant 0 : i32
    %c0_i32_1 = arith.constant 0 : i32
    return %c3_i32, %c0_i32, %c0_i32_0 : i32, i32, i32
  }
  func.func @transform_4(%arg0: i32, %arg1: i32) -> (i32, i32, i32) {
    %c3_i32 = arith.constant 3 : i32
    %c0_i32 = arith.constant 0 : i32
    %c0_i32_0 = arith.constant 0 : i32
    %c0_i32_1 = arith.constant 0 : i32
    return %c3_i32, %c0_i32, %c0_i32_0 : i32, i32, i32
  }
  func.func @transform_5(%arg0: i32, %arg1: i32) -> (i32, i32, i32) {
    %c3_i32 = arith.constant 3 : i32
    %c0_i32 = arith.constant 0 : i32
    %c0_i32_0 = arith.constant 0 : i32
    %c0_i32_1 = arith.constant 0 : i32
    return %c3_i32, %c0_i32, %c0_i32_0 : i32, i32, i32
  }
  func.func @transform_6(%arg0: i32, %arg1: i32) -> (i32, i32, i32) {
    %c3_i32 = arith.constant 3 : i32
    %c0_i32 = arith.constant 0 : i32
    %c0_i32_0 = arith.constant 0 : i32
    %c0_i32_1 = arith.constant 0 : i32
    return %c3_i32, %c0_i32, %c0_i32_0 : i32, i32, i32
  }
  func.func @transform_7(%arg0: i32, %arg1: i32) -> (i32, i32, i32) {
    %c3_i32 = arith.constant 3 : i32
    %c0_i32 = arith.constant 0 : i32
    %c0_i32_0 = arith.constant 0 : i32
    %c0_i32_1 = arith.constant 0 : i32
    return %c3_i32, %c0_i32, %c0_i32_0 : i32, i32, i32
  }
  func.func @transform_8(%arg0: i32, %arg1: i32) -> (i32, i32, i32) {
    %c3_i32 = arith.constant 3 : i32
    %c0_i32 = arith.constant 0 : i32
    %c0_i32_0 = arith.constant 0 : i32
    %c0_i32_1 = arith.constant 0 : i32
    return %c3_i32, %c0_i32, %c0_i32_0 : i32, i32, i32
  }
  func.func @transform_9(%arg0: i32, %arg1: i32) -> (i32, i32, i32) {
    %c0_i32 = arith.constant 0 : i32
    %c0_i32_0 = arith.constant 0 : i32
    return %arg0, %arg1, %c0_i32 : i32, i32, i32
  }
  func.func @transform_10(%arg0: i32, %arg1: i32) -> (i32, i32, i32) {
    %c0_i32 = arith.constant 0 : i32
    %c0_i32_0 = arith.constant 0 : i32
    return %arg0, %arg1, %c0_i32 : i32, i32, i32
  }
  func.func @transform_11(%arg0: i32, %arg1: i32) -> (i32, i32, i32) {
    %c0_i32 = arith.constant 0 : i32
    %c0_i32_0 = arith.constant 0 : i32
    return %arg0, %arg1, %c0_i32 : i32, i32, i32
  }
}

module attributes {stable_mosaic.version = 14 : i64} {
  func.func @body(%arg0: i32, %arg1: i32, %arg2: memref<1x256x768xbf16, #tpu.memory_space<vmem>>, %arg3: memref<1x2048x768xbf16, #tpu.memory_space<vmem>>, %arg4: memref<1x2048x768xbf16, #tpu.memory_space<vmem>>, %arg5: memref<1x256x768xf32, #tpu.memory_space<vmem>>, %arg6: memref<1x768x768xf32, #tpu.memory_space<vmem>>, %arg7: memref<1x1x768xf32, #tpu.memory_space<vmem>>, %arg8: memref<1x256x768xf32, #tpu.memory_space<vmem>>) attributes {dimension_semantics = [#tpu.dimension_semantics<parallel>, #tpu.dimension_semantics<parallel>], iteration_bounds = array<i64: 2, 8>, scalar_prefetch = 0 : i64, scratch_operands = 0 : i64, tpu.core_type = #tpu.core_type<tc>, window_params = [{transform_indices = @transform_0, window_bounds = array<i64: 1, 256, 768>}, {transform_indices = @transform_1, window_bounds = array<i64: 1, 2048, 768>}, {transform_indices = @transform_2, window_bounds = array<i64: 1, 2048, 768>}, {transform_indices = @transform_3, window_bounds = array<i64: 1, 256, 768>}, {transform_indices = @transform_4, window_bounds = array<i64: 1, 768, 768>}, {transform_indices = @transform_5, window_bounds = array<i64: 1, 1, 768>}, {transform_indices = @transform_6, window_bounds = array<i64: 1, 256, 768>}]} {
    %get3A = arith.constant 0 : index
    %get3A_0 = arith.constant 0 : index
    %get3A_1 = arith.constant 0 : index
    %get3A_2 = vector.load %arg5[%get3A, %get3A_0, %get3A_1] : memref<1x256x768xf32, #tpu.memory_space<vmem>>, vector<1x256x768xf32>
    %get3A_3 = vector.shape_cast %get3A_2 : vector<1x256x768xf32> to vector<256x768xf32>
    %get3A_4 = arith.constant 0 : index
    %get3A_5 = arith.constant 0 : index
    %get3A_6 = arith.constant 0 : index
    %get3A_7 = vector.load %arg7[%get3A_4, %get3A_5, %get3A_6] : memref<1x1x768xf32, #tpu.memory_space<vmem>>, vector<1x1x768xf32>
    %get3A_8 = vector.shape_cast %get3A_7 : vector<1x1x768xf32> to vector<1x768xf32>
    %add3A = vector.broadcast %get3A_8 : vector<1x768xf32> to vector<256x768xf32>
    %add3A_9 = arith.addf %get3A_3, %add3A : vector<256x768xf32>
    %broadcast_in_dim3A = arith.constant 1.000000e+00 : bf16
    %broadcast_in_dim3A_10 = vector.broadcast %broadcast_in_dim3A : bf16 to vector<2048x1xbf16>
    %get3A_11 = arith.constant 0 : index
    %get3A_12 = arith.constant 0 : index
    %get3A_13 = arith.constant 0 : index
    %get3A_14 = vector.load %arg2[%get3A_11, %get3A_12, %get3A_13] : memref<1x256x768xbf16, #tpu.memory_space<vmem>>, vector<1x256x768xbf16>
    %get3A_15 = vector.shape_cast %get3A_14 : vector<1x256x768xbf16> to vector<256x768xbf16>
    %slice3A = vector.extract_strided_slice %get3A_15 {offsets = [0, 0], sizes = [256, 96], strides = [1, 1]} : vector<256x768xbf16> to vector<256x96xbf16>
    %get3A_16 = arith.constant 0 : index
    %get3A_17 = arith.constant 0 : index
    %get3A_18 = arith.constant 0 : index
    %get3A_19 = vector.load %arg3[%get3A_16, %get3A_17, %get3A_18] : memref<1x2048x768xbf16, #tpu.memory_space<vmem>>, vector<1x2048x768xbf16>
    %get3A_20 = vector.shape_cast %get3A_19 : vector<1x2048x768xbf16> to vector<2048x768xbf16>
    %slice3A_21 = vector.extract_strided_slice %get3A_20 {offsets = [0, 0], sizes = [2048, 96], strides = [1, 1]} : vector<2048x768xbf16> to vector<2048x96xbf16>
    %get3A_22 = arith.constant 0 : index
    %get3A_23 = arith.constant 0 : index
    %get3A_24 = arith.constant 0 : index
    %get3A_25 = vector.load %arg4[%get3A_22, %get3A_23, %get3A_24] : memref<1x2048x768xbf16, #tpu.memory_space<vmem>>, vector<1x2048x768xbf16>
    %get3A_26 = vector.shape_cast %get3A_25 : vector<1x2048x768xbf16> to vector<2048x768xbf16>
    %slice3A_27 = vector.extract_strided_slice %get3A_26 {offsets = [0, 0], sizes = [2048, 96], strides = [1, 1]} : vector<2048x768xbf16> to vector<2048x96xbf16>
    %concatenate3A = tpu.concatenate %slice3A_27, %broadcast_in_dim3A_10 in 1 : vector<2048x96xbf16>, vector<2048x1xbf16> -> vector<2048x97xbf16>
    %dot_general3A = arith.constant dense<0.000000e+00> : vector<256x2048xf32>
    %dot_general3A_28 = tpu.matmul %slice3A, %slice3A_21, %dot_general3A {dimension_numbers = #tpu.dot_dimension_numbers<[1], [1], [0], [0], [0, 0, 1, 0], [], []>, transpose_lhs_hint = false} : vector<256x96xbf16>, vector<2048x96xbf16>, vector<256x2048xf32> -> vector<256x2048xf32>
    %reduce_max3A = arith.constant dense<0xFF800000> : vector<256xf32>
    %reduce_max3A_29 = vector.multi_reduction <maximumf>, %dot_general3A_28, %reduce_max3A [1] : vector<256x2048xf32> to vector<256xf32>
    %broadcast_in_dim3A_30 = vector.shape_cast %reduce_max3A_29 : vector<256xf32> to vector<256x1xf32>
    %sub3A = vector.broadcast %broadcast_in_dim3A_30 : vector<256x1xf32> to vector<256x2048xf32>
    %sub3A_31 = arith.subf %dot_general3A_28, %sub3A : vector<256x2048xf32>
    %exp23A = math.exp2 %sub3A_31 : vector<256x2048xf32>
    %convert_element_type3A = arith.truncf %exp23A : vector<256x2048xf32> to vector<256x2048xbf16>
    %dot_general3A_32 = arith.constant dense<0.000000e+00> : vector<256x97xf32>
    %dot_general3A_33 = tpu.matmul %convert_element_type3A, %concatenate3A, %dot_general3A_32 {dimension_numbers = #tpu.dot_dimension_numbers<[1], [0], [0], [1], [0, 0, 1, 1], [], []>, transpose_lhs_hint = false} : vector<256x2048xbf16>, vector<2048x97xbf16>, vector<256x97xf32> -> vector<256x97xf32>
    %slice3A_34 = vector.extract_strided_slice %dot_general3A_33 {offsets = [0, 0], sizes = [256, 96], strides = [1, 1]} : vector<256x97xf32> to vector<256x96xf32>
    %slice3A_35 = vector.extract_strided_slice %dot_general3A_33 {offsets = [0, 96], sizes = [256, 1], strides = [1, 1]} : vector<256x97xf32> to vector<256x1xf32>
    %div3A = arith.constant 1.000000e+00 : f32
    %div3A_36 = vector.broadcast %div3A : f32 to vector<256x1xf32>
    %div3A_37 = arith.divf %div3A_36, %slice3A_35 : vector<256x1xf32>
    %mul3A = vector.broadcast %div3A_37 : vector<256x1xf32> to vector<256x96xf32>
    %mul3A_38 = arith.mulf %slice3A_34, %mul3A : vector<256x96xf32>
    %get3A_39 = arith.constant 0 : index
    %get3A_40 = arith.constant 0 : index
    %get3A_41 = arith.constant 0 : index
    %get3A_42 = vector.load %arg6[%get3A_39, %get3A_40, %get3A_41] : memref<1x768x768xf32, #tpu.memory_space<vmem>>, vector<1x768x768xf32>
    %get3A_43 = vector.shape_cast %get3A_42 : vector<1x768x768xf32> to vector<768x768xf32>
    %slice3A_44 = vector.extract_strided_slice %get3A_43 {offsets = [0, 0], sizes = [96, 768], strides = [1, 1]} : vector<768x768xf32> to vector<96x768xf32>
    %dot_general3A_45 = arith.constant dense<0.000000e+00> : vector<256x768xf32>
    %dot_general3A_46 = tpu.matmul %mul3A_38, %slice3A_44, %dot_general3A_45 {dimension_numbers = #tpu.dot_dimension_numbers<[1], [0], [0], [1], [0, 0, 1, 1], [], []>, transpose_lhs_hint = false} : vector<256x96xf32>, vector<96x768xf32>, vector<256x768xf32> -> vector<256x768xf32>
    %add3A_47 = arith.addf %add3A_9, %dot_general3A_46 : vector<256x768xf32>
    %get3A_48 = arith.constant 0 : index
    %get3A_49 = arith.constant 0 : index
    %get3A_50 = arith.constant 0 : index
    %get3A_51 = vector.load %arg2[%get3A_48, %get3A_49, %get3A_50] : memref<1x256x768xbf16, #tpu.memory_space<vmem>>, vector<1x256x768xbf16>
    %get3A_52 = vector.shape_cast %get3A_51 : vector<1x256x768xbf16> to vector<256x768xbf16>
    %slice3A_53 = vector.extract_strided_slice %get3A_52 {offsets = [0, 96], sizes = [256, 96], strides = [1, 1]} : vector<256x768xbf16> to vector<256x96xbf16>
    %get3A_54 = arith.constant 0 : index
    %get3A_55 = arith.constant 0 : index
    %get3A_56 = arith.constant 0 : index
    %get3A_57 = vector.load %arg3[%get3A_54, %get3A_55, %get3A_56] : memref<1x2048x768xbf16, #tpu.memory_space<vmem>>, vector<1x2048x768xbf16>
    %get3A_58 = vector.shape_cast %get3A_57 : vector<1x2048x768xbf16> to vector<2048x768xbf16>
    %slice3A_59 = vector.extract_strided_slice %get3A_58 {offsets = [0, 96], sizes = [2048, 96], strides = [1, 1]} : vector<2048x768xbf16> to vector<2048x96xbf16>
    %get3A_60 = arith.constant 0 : index
    %get3A_61 = arith.constant 0 : index
    %get3A_62 = arith.constant 0 : index
    %get3A_63 = vector.load %arg4[%get3A_60, %get3A_61, %get3A_62] : memref<1x2048x768xbf16, #tpu.memory_space<vmem>>, vector<1x2048x768xbf16>
    %get3A_64 = vector.shape_cast %get3A_63 : vector<1x2048x768xbf16> to vector<2048x768xbf16>
    %slice3A_65 = vector.extract_strided_slice %get3A_64 {offsets = [0, 96], sizes = [2048, 96], strides = [1, 1]} : vector<2048x768xbf16> to vector<2048x96xbf16>
    %concatenate3A_66 = tpu.concatenate %slice3A_65, %broadcast_in_dim3A_10 in 1 : vector<2048x96xbf16>, vector<2048x1xbf16> -> vector<2048x97xbf16>
    %dot_general3A_67 = arith.constant dense<0.000000e+00> : vector<256x2048xf32>
    %dot_general3A_68 = tpu.matmul %slice3A_53, %slice3A_59, %dot_general3A_67 {dimension_numbers = #tpu.dot_dimension_numbers<[1], [1], [0], [0], [0, 0, 1, 0], [], []>, transpose_lhs_hint = false} : vector<256x96xbf16>, vector<2048x96xbf16>, vector<256x2048xf32> -> vector<256x2048xf32>
    %reduce_max3A_69 = arith.constant dense<0xFF800000> : vector<256xf32>
    %reduce_max3A_70 = vector.multi_reduction <maximumf>, %dot_general3A_68, %reduce_max3A_69 [1] : vector<256x2048xf32> to vector<256xf32>
    %broadcast_in_dim3A_71 = vector.shape_cast %reduce_max3A_70 : vector<256xf32> to vector<256x1xf32>
    %sub3A_72 = vector.broadcast %broadcast_in_dim3A_71 : vector<256x1xf32> to vector<256x2048xf32>
    %sub3A_73 = arith.subf %dot_general3A_68, %sub3A_72 : vector<256x2048xf32>
    %exp23A_74 = math.exp2 %sub3A_73 : vector<256x2048xf32>
    %convert_element_type3A_75 = arith.truncf %exp23A_74 : vector<256x2048xf32> to vector<256x2048xbf16>
    %dot_general3A_76 = arith.constant dense<0.000000e+00> : vector<256x97xf32>
    %dot_general3A_77 = tpu.matmul %convert_element_type3A_75, %concatenate3A_66, %dot_general3A_76 {dimension_numbers = #tpu.dot_dimension_numbers<[1], [0], [0], [1], [0, 0, 1, 1], [], []>, transpose_lhs_hint = false} : vector<256x2048xbf16>, vector<2048x97xbf16>, vector<256x97xf32> -> vector<256x97xf32>
    %slice3A_78 = vector.extract_strided_slice %dot_general3A_77 {offsets = [0, 0], sizes = [256, 96], strides = [1, 1]} : vector<256x97xf32> to vector<256x96xf32>
    %slice3A_79 = vector.extract_strided_slice %dot_general3A_77 {offsets = [0, 96], sizes = [256, 1], strides = [1, 1]} : vector<256x97xf32> to vector<256x1xf32>
    %div3A_80 = arith.constant 1.000000e+00 : f32
    %div3A_81 = vector.broadcast %div3A_80 : f32 to vector<256x1xf32>
    %div3A_82 = arith.divf %div3A_81, %slice3A_79 : vector<256x1xf32>
    %mul3A_83 = vector.broadcast %div3A_82 : vector<256x1xf32> to vector<256x96xf32>
    %mul3A_84 = arith.mulf %slice3A_78, %mul3A_83 : vector<256x96xf32>
    %get3A_85 = arith.constant 0 : index
    %get3A_86 = arith.constant 0 : index
    %get3A_87 = arith.constant 0 : index
    %get3A_88 = vector.load %arg6[%get3A_85, %get3A_86, %get3A_87] : memref<1x768x768xf32, #tpu.memory_space<vmem>>, vector<1x768x768xf32>
    %get3A_89 = vector.shape_cast %get3A_88 : vector<1x768x768xf32> to vector<768x768xf32>
    %slice3A_90 = vector.extract_strided_slice %get3A_89 {offsets = [96, 0], sizes = [96, 768], strides = [1, 1]} : vector<768x768xf32> to vector<96x768xf32>
    %dot_general3A_91 = arith.constant dense<0.000000e+00> : vector<256x768xf32>
    %dot_general3A_92 = tpu.matmul %mul3A_84, %slice3A_90, %dot_general3A_91 {dimension_numbers = #tpu.dot_dimension_numbers<[1], [0], [0], [1], [0, 0, 1, 1], [], []>, transpose_lhs_hint = false} : vector<256x96xf32>, vector<96x768xf32>, vector<256x768xf32> -> vector<256x768xf32>
    %add3A_93 = arith.addf %add3A_47, %dot_general3A_92 : vector<256x768xf32>
    %get3A_94 = arith.constant 0 : index
    %get3A_95 = arith.constant 0 : index
    %get3A_96 = arith.constant 0 : index
    %get3A_97 = vector.load %arg2[%get3A_94, %get3A_95, %get3A_96] : memref<1x256x768xbf16, #tpu.memory_space<vmem>>, vector<1x256x768xbf16>
    %get3A_98 = vector.shape_cast %get3A_97 : vector<1x256x768xbf16> to vector<256x768xbf16>
    %slice3A_99 = vector.extract_strided_slice %get3A_98 {offsets = [0, 192], sizes = [256, 96], strides = [1, 1]} : vector<256x768xbf16> to vector<256x96xbf16>
    %get3A_100 = arith.constant 0 : index
    %get3A_101 = arith.constant 0 : index
    %get3A_102 = arith.constant 0 : index
    %get3A_103 = vector.load %arg3[%get3A_100, %get3A_101, %get3A_102] : memref<1x2048x768xbf16, #tpu.memory_space<vmem>>, vector<1x2048x768xbf16>
    %get3A_104 = vector.shape_cast %get3A_103 : vector<1x2048x768xbf16> to vector<2048x768xbf16>
    %slice3A_105 = vector.extract_strided_slice %get3A_104 {offsets = [0, 192], sizes = [2048, 96], strides = [1, 1]} : vector<2048x768xbf16> to vector<2048x96xbf16>
    %get3A_106 = arith.constant 0 : index
    %get3A_107 = arith.constant 0 : index
    %get3A_108 = arith.constant 0 : index
    %get3A_109 = vector.load %arg4[%get3A_106, %get3A_107, %get3A_108] : memref<1x2048x768xbf16, #tpu.memory_space<vmem>>, vector<1x2048x768xbf16>
    %get3A_110 = vector.shape_cast %get3A_109 : vector<1x2048x768xbf16> to vector<2048x768xbf16>
    %slice3A_111 = vector.extract_strided_slice %get3A_110 {offsets = [0, 192], sizes = [2048, 96], strides = [1, 1]} : vector<2048x768xbf16> to vector<2048x96xbf16>
    %concatenate3A_112 = tpu.concatenate %slice3A_111, %broadcast_in_dim3A_10 in 1 : vector<2048x96xbf16>, vector<2048x1xbf16> -> vector<2048x97xbf16>
    %dot_general3A_113 = arith.constant dense<0.000000e+00> : vector<256x2048xf32>
    %dot_general3A_114 = tpu.matmul %slice3A_99, %slice3A_105, %dot_general3A_113 {dimension_numbers = #tpu.dot_dimension_numbers<[1], [1], [0], [0], [0, 0, 1, 0], [], []>, transpose_lhs_hint = false} : vector<256x96xbf16>, vector<2048x96xbf16>, vector<256x2048xf32> -> vector<256x2048xf32>
    %reduce_max3A_115 = arith.constant dense<0xFF800000> : vector<256xf32>
    %reduce_max3A_116 = vector.multi_reduction <maximumf>, %dot_general3A_114, %reduce_max3A_115 [1] : vector<256x2048xf32> to vector<256xf32>
    %broadcast_in_dim3A_117 = vector.shape_cast %reduce_max3A_116 : vector<256xf32> to vector<256x1xf32>
    %sub3A_118 = vector.broadcast %broadcast_in_dim3A_117 : vector<256x1xf32> to vector<256x2048xf32>
    %sub3A_119 = arith.subf %dot_general3A_114, %sub3A_118 : vector<256x2048xf32>
    %exp23A_120 = math.exp2 %sub3A_119 : vector<256x2048xf32>
    %convert_element_type3A_121 = arith.truncf %exp23A_120 : vector<256x2048xf32> to vector<256x2048xbf16>
    %dot_general3A_122 = arith.constant dense<0.000000e+00> : vector<256x97xf32>
    %dot_general3A_123 = tpu.matmul %convert_element_type3A_121, %concatenate3A_112, %dot_general3A_122 {dimension_numbers = #tpu.dot_dimension_numbers<[1], [0], [0], [1], [0, 0, 1, 1], [], []>, transpose_lhs_hint = false} : vector<256x2048xbf16>, vector<2048x97xbf16>, vector<256x97xf32> -> vector<256x97xf32>
    %slice3A_124 = vector.extract_strided_slice %dot_general3A_123 {offsets = [0, 0], sizes = [256, 96], strides = [1, 1]} : vector<256x97xf32> to vector<256x96xf32>
    %slice3A_125 = vector.extract_strided_slice %dot_general3A_123 {offsets = [0, 96], sizes = [256, 1], strides = [1, 1]} : vector<256x97xf32> to vector<256x1xf32>
    %div3A_126 = arith.constant 1.000000e+00 : f32
    %div3A_127 = vector.broadcast %div3A_126 : f32 to vector<256x1xf32>
    %div3A_128 = arith.divf %div3A_127, %slice3A_125 : vector<256x1xf32>
    %mul3A_129 = vector.broadcast %div3A_128 : vector<256x1xf32> to vector<256x96xf32>
    %mul3A_130 = arith.mulf %slice3A_124, %mul3A_129 : vector<256x96xf32>
    %get3A_131 = arith.constant 0 : index
    %get3A_132 = arith.constant 0 : index
    %get3A_133 = arith.constant 0 : index
    %get3A_134 = vector.load %arg6[%get3A_131, %get3A_132, %get3A_133] : memref<1x768x768xf32, #tpu.memory_space<vmem>>, vector<1x768x768xf32>
    %get3A_135 = vector.shape_cast %get3A_134 : vector<1x768x768xf32> to vector<768x768xf32>
    %slice3A_136 = vector.extract_strided_slice %get3A_135 {offsets = [192, 0], sizes = [96, 768], strides = [1, 1]} : vector<768x768xf32> to vector<96x768xf32>
    %dot_general3A_137 = arith.constant dense<0.000000e+00> : vector<256x768xf32>
    %dot_general3A_138 = tpu.matmul %mul3A_130, %slice3A_136, %dot_general3A_137 {dimension_numbers = #tpu.dot_dimension_numbers<[1], [0], [0], [1], [0, 0, 1, 1], [], []>, transpose_lhs_hint = false} : vector<256x96xf32>, vector<96x768xf32>, vector<256x768xf32> -> vector<256x768xf32>
    %add3A_139 = arith.addf %add3A_93, %dot_general3A_138 : vector<256x768xf32>
    %get3A_140 = arith.constant 0 : index
    %get3A_141 = arith.constant 0 : index
    %get3A_142 = arith.constant 0 : index
    %get3A_143 = vector.load %arg2[%get3A_140, %get3A_141, %get3A_142] : memref<1x256x768xbf16, #tpu.memory_space<vmem>>, vector<1x256x768xbf16>
    %get3A_144 = vector.shape_cast %get3A_143 : vector<1x256x768xbf16> to vector<256x768xbf16>
    %slice3A_145 = vector.extract_strided_slice %get3A_144 {offsets = [0, 288], sizes = [256, 96], strides = [1, 1]} : vector<256x768xbf16> to vector<256x96xbf16>
    %get3A_146 = arith.constant 0 : index
    %get3A_147 = arith.constant 0 : index
    %get3A_148 = arith.constant 0 : index
    %get3A_149 = vector.load %arg3[%get3A_146, %get3A_147, %get3A_148] : memref<1x2048x768xbf16, #tpu.memory_space<vmem>>, vector<1x2048x768xbf16>
    %get3A_150 = vector.shape_cast %get3A_149 : vector<1x2048x768xbf16> to vector<2048x768xbf16>
    %slice3A_151 = vector.extract_strided_slice %get3A_150 {offsets = [0, 288], sizes = [2048, 96], strides = [1, 1]} : vector<2048x768xbf16> to vector<2048x96xbf16>
    %get3A_152 = arith.constant 0 : index
    %get3A_153 = arith.constant 0 : index
    %get3A_154 = arith.constant 0 : index
    %get3A_155 = vector.load %arg4[%get3A_152, %get3A_153, %get3A_154] : memref<1x2048x768xbf16, #tpu.memory_space<vmem>>, vector<1x2048x768xbf16>
    %get3A_156 = vector.shape_cast %get3A_155 : vector<1x2048x768xbf16> to vector<2048x768xbf16>
    %slice3A_157 = vector.extract_strided_slice %get3A_156 {offsets = [0, 288], sizes = [2048, 96], strides = [1, 1]} : vector<2048x768xbf16> to vector<2048x96xbf16>
    %concatenate3A_158 = tpu.concatenate %slice3A_157, %broadcast_in_dim3A_10 in 1 : vector<2048x96xbf16>, vector<2048x1xbf16> -> vector<2048x97xbf16>
    %dot_general3A_159 = arith.constant dense<0.000000e+00> : vector<256x2048xf32>
    %dot_general3A_160 = tpu.matmul %slice3A_145, %slice3A_151, %dot_general3A_159 {dimension_numbers = #tpu.dot_dimension_numbers<[1], [1], [0], [0], [0, 0, 1, 0], [], []>, transpose_lhs_hint = false} : vector<256x96xbf16>, vector<2048x96xbf16>, vector<256x2048xf32> -> vector<256x2048xf32>
    %reduce_max3A_161 = arith.constant dense<0xFF800000> : vector<256xf32>
    %reduce_max3A_162 = vector.multi_reduction <maximumf>, %dot_general3A_160, %reduce_max3A_161 [1] : vector<256x2048xf32> to vector<256xf32>
    %broadcast_in_dim3A_163 = vector.shape_cast %reduce_max3A_162 : vector<256xf32> to vector<256x1xf32>
    %sub3A_164 = vector.broadcast %broadcast_in_dim3A_163 : vector<256x1xf32> to vector<256x2048xf32>
    %sub3A_165 = arith.subf %dot_general3A_160, %sub3A_164 : vector<256x2048xf32>
    %exp23A_166 = math.exp2 %sub3A_165 : vector<256x2048xf32>
    %convert_element_type3A_167 = arith.truncf %exp23A_166 : vector<256x2048xf32> to vector<256x2048xbf16>
    %dot_general3A_168 = arith.constant dense<0.000000e+00> : vector<256x97xf32>
    %dot_general3A_169 = tpu.matmul %convert_element_type3A_167, %concatenate3A_158, %dot_general3A_168 {dimension_numbers = #tpu.dot_dimension_numbers<[1], [0], [0], [1], [0, 0, 1, 1], [], []>, transpose_lhs_hint = false} : vector<256x2048xbf16>, vector<2048x97xbf16>, vector<256x97xf32> -> vector<256x97xf32>
    %slice3A_170 = vector.extract_strided_slice %dot_general3A_169 {offsets = [0, 0], sizes = [256, 96], strides = [1, 1]} : vector<256x97xf32> to vector<256x96xf32>
    %slice3A_171 = vector.extract_strided_slice %dot_general3A_169 {offsets = [0, 96], sizes = [256, 1], strides = [1, 1]} : vector<256x97xf32> to vector<256x1xf32>
    %div3A_172 = arith.constant 1.000000e+00 : f32
    %div3A_173 = vector.broadcast %div3A_172 : f32 to vector<256x1xf32>
    %div3A_174 = arith.divf %div3A_173, %slice3A_171 : vector<256x1xf32>
    %mul3A_175 = vector.broadcast %div3A_174 : vector<256x1xf32> to vector<256x96xf32>
    %mul3A_176 = arith.mulf %slice3A_170, %mul3A_175 : vector<256x96xf32>
    %get3A_177 = arith.constant 0 : index
    %get3A_178 = arith.constant 0 : index
    %get3A_179 = arith.constant 0 : index
    %get3A_180 = vector.load %arg6[%get3A_177, %get3A_178, %get3A_179] : memref<1x768x768xf32, #tpu.memory_space<vmem>>, vector<1x768x768xf32>
    %get3A_181 = vector.shape_cast %get3A_180 : vector<1x768x768xf32> to vector<768x768xf32>
    %slice3A_182 = vector.extract_strided_slice %get3A_181 {offsets = [288, 0], sizes = [96, 768], strides = [1, 1]} : vector<768x768xf32> to vector<96x768xf32>
    %dot_general3A_183 = arith.constant dense<0.000000e+00> : vector<256x768xf32>
    %dot_general3A_184 = tpu.matmul %mul3A_176, %slice3A_182, %dot_general3A_183 {dimension_numbers = #tpu.dot_dimension_numbers<[1], [0], [0], [1], [0, 0, 1, 1], [], []>, transpose_lhs_hint = false} : vector<256x96xf32>, vector<96x768xf32>, vector<256x768xf32> -> vector<256x768xf32>
    %add3A_185 = arith.addf %add3A_139, %dot_general3A_184 : vector<256x768xf32>
    %get3A_186 = arith.constant 0 : index
    %get3A_187 = arith.constant 0 : index
    %get3A_188 = arith.constant 0 : index
    %get3A_189 = vector.load %arg2[%get3A_186, %get3A_187, %get3A_188] : memref<1x256x768xbf16, #tpu.memory_space<vmem>>, vector<1x256x768xbf16>
    %get3A_190 = vector.shape_cast %get3A_189 : vector<1x256x768xbf16> to vector<256x768xbf16>
    %slice3A_191 = vector.extract_strided_slice %get3A_190 {offsets = [0, 384], sizes = [256, 96], strides = [1, 1]} : vector<256x768xbf16> to vector<256x96xbf16>
    %get3A_192 = arith.constant 0 : index
    %get3A_193 = arith.constant 0 : index
    %get3A_194 = arith.constant 0 : index
    %get3A_195 = vector.load %arg3[%get3A_192, %get3A_193, %get3A_194] : memref<1x2048x768xbf16, #tpu.memory_space<vmem>>, vector<1x2048x768xbf16>
    %get3A_196 = vector.shape_cast %get3A_195 : vector<1x2048x768xbf16> to vector<2048x768xbf16>
    %slice3A_197 = vector.extract_strided_slice %get3A_196 {offsets = [0, 384], sizes = [2048, 96], strides = [1, 1]} : vector<2048x768xbf16> to vector<2048x96xbf16>
    %get3A_198 = arith.constant 0 : index
    %get3A_199 = arith.constant 0 : index
    %get3A_200 = arith.constant 0 : index
    %get3A_201 = vector.load %arg4[%get3A_198, %get3A_199, %get3A_200] : memref<1x2048x768xbf16, #tpu.memory_space<vmem>>, vector<1x2048x768xbf16>
    %get3A_202 = vector.shape_cast %get3A_201 : vector<1x2048x768xbf16> to vector<2048x768xbf16>
    %slice3A_203 = vector.extract_strided_slice %get3A_202 {offsets = [0, 384], sizes = [2048, 96], strides = [1, 1]} : vector<2048x768xbf16> to vector<2048x96xbf16>
    %concatenate3A_204 = tpu.concatenate %slice3A_203, %broadcast_in_dim3A_10 in 1 : vector<2048x96xbf16>, vector<2048x1xbf16> -> vector<2048x97xbf16>
    %dot_general3A_205 = arith.constant dense<0.000000e+00> : vector<256x2048xf32>
    %dot_general3A_206 = tpu.matmul %slice3A_191, %slice3A_197, %dot_general3A_205 {dimension_numbers = #tpu.dot_dimension_numbers<[1], [1], [0], [0], [0, 0, 1, 0], [], []>, transpose_lhs_hint = false} : vector<256x96xbf16>, vector<2048x96xbf16>, vector<256x2048xf32> -> vector<256x2048xf32>
    %reduce_max3A_207 = arith.constant dense<0xFF800000> : vector<256xf32>
    %reduce_max3A_208 = vector.multi_reduction <maximumf>, %dot_general3A_206, %reduce_max3A_207 [1] : vector<256x2048xf32> to vector<256xf32>
    %broadcast_in_dim3A_209 = vector.shape_cast %reduce_max3A_208 : vector<256xf32> to vector<256x1xf32>
    %sub3A_210 = vector.broadcast %broadcast_in_dim3A_209 : vector<256x1xf32> to vector<256x2048xf32>
    %sub3A_211 = arith.subf %dot_general3A_206, %sub3A_210 : vector<256x2048xf32>
    %exp23A_212 = math.exp2 %sub3A_211 : vector<256x2048xf32>
    %convert_element_type3A_213 = arith.truncf %exp23A_212 : vector<256x2048xf32> to vector<256x2048xbf16>
    %dot_general3A_214 = arith.constant dense<0.000000e+00> : vector<256x97xf32>
    %dot_general3A_215 = tpu.matmul %convert_element_type3A_213, %concatenate3A_204, %dot_general3A_214 {dimension_numbers = #tpu.dot_dimension_numbers<[1], [0], [0], [1], [0, 0, 1, 1], [], []>, transpose_lhs_hint = false} : vector<256x2048xbf16>, vector<2048x97xbf16>, vector<256x97xf32> -> vector<256x97xf32>
    %slice3A_216 = vector.extract_strided_slice %dot_general3A_215 {offsets = [0, 0], sizes = [256, 96], strides = [1, 1]} : vector<256x97xf32> to vector<256x96xf32>
    %slice3A_217 = vector.extract_strided_slice %dot_general3A_215 {offsets = [0, 96], sizes = [256, 1], strides = [1, 1]} : vector<256x97xf32> to vector<256x1xf32>
    %div3A_218 = arith.constant 1.000000e+00 : f32
    %div3A_219 = vector.broadcast %div3A_218 : f32 to vector<256x1xf32>
    %div3A_220 = arith.divf %div3A_219, %slice3A_217 : vector<256x1xf32>
    %mul3A_221 = vector.broadcast %div3A_220 : vector<256x1xf32> to vector<256x96xf32>
    %mul3A_222 = arith.mulf %slice3A_216, %mul3A_221 : vector<256x96xf32>
    %get3A_223 = arith.constant 0 : index
    %get3A_224 = arith.constant 0 : index
    %get3A_225 = arith.constant 0 : index
    %get3A_226 = vector.load %arg6[%get3A_223, %get3A_224, %get3A_225] : memref<1x768x768xf32, #tpu.memory_space<vmem>>, vector<1x768x768xf32>
    %get3A_227 = vector.shape_cast %get3A_226 : vector<1x768x768xf32> to vector<768x768xf32>
    %slice3A_228 = vector.extract_strided_slice %get3A_227 {offsets = [384, 0], sizes = [96, 768], strides = [1, 1]} : vector<768x768xf32> to vector<96x768xf32>
    %dot_general3A_229 = arith.constant dense<0.000000e+00> : vector<256x768xf32>
    %dot_general3A_230 = tpu.matmul %mul3A_222, %slice3A_228, %dot_general3A_229 {dimension_numbers = #tpu.dot_dimension_numbers<[1], [0], [0], [1], [0, 0, 1, 1], [], []>, transpose_lhs_hint = false} : vector<256x96xf32>, vector<96x768xf32>, vector<256x768xf32> -> vector<256x768xf32>
    %add3A_231 = arith.addf %add3A_185, %dot_general3A_230 : vector<256x768xf32>
    %get3A_232 = arith.constant 0 : index
    %get3A_233 = arith.constant 0 : index
    %get3A_234 = arith.constant 0 : index
    %get3A_235 = vector.load %arg2[%get3A_232, %get3A_233, %get3A_234] : memref<1x256x768xbf16, #tpu.memory_space<vmem>>, vector<1x256x768xbf16>
    %get3A_236 = vector.shape_cast %get3A_235 : vector<1x256x768xbf16> to vector<256x768xbf16>
    %slice3A_237 = vector.extract_strided_slice %get3A_236 {offsets = [0, 480], sizes = [256, 96], strides = [1, 1]} : vector<256x768xbf16> to vector<256x96xbf16>
    %get3A_238 = arith.constant 0 : index
    %get3A_239 = arith.constant 0 : index
    %get3A_240 = arith.constant 0 : index
    %get3A_241 = vector.load %arg3[%get3A_238, %get3A_239, %get3A_240] : memref<1x2048x768xbf16, #tpu.memory_space<vmem>>, vector<1x2048x768xbf16>
    %get3A_242 = vector.shape_cast %get3A_241 : vector<1x2048x768xbf16> to vector<2048x768xbf16>
    %slice3A_243 = vector.extract_strided_slice %get3A_242 {offsets = [0, 480], sizes = [2048, 96], strides = [1, 1]} : vector<2048x768xbf16> to vector<2048x96xbf16>
    %get3A_244 = arith.constant 0 : index
    %get3A_245 = arith.constant 0 : index
    %get3A_246 = arith.constant 0 : index
    %get3A_247 = vector.load %arg4[%get3A_244, %get3A_245, %get3A_246] : memref<1x2048x768xbf16, #tpu.memory_space<vmem>>, vector<1x2048x768xbf16>
    %get3A_248 = vector.shape_cast %get3A_247 : vector<1x2048x768xbf16> to vector<2048x768xbf16>
    %slice3A_249 = vector.extract_strided_slice %get3A_248 {offsets = [0, 480], sizes = [2048, 96], strides = [1, 1]} : vector<2048x768xbf16> to vector<2048x96xbf16>
    %concatenate3A_250 = tpu.concatenate %slice3A_249, %broadcast_in_dim3A_10 in 1 : vector<2048x96xbf16>, vector<2048x1xbf16> -> vector<2048x97xbf16>
    %dot_general3A_251 = arith.constant dense<0.000000e+00> : vector<256x2048xf32>
    %dot_general3A_252 = tpu.matmul %slice3A_237, %slice3A_243, %dot_general3A_251 {dimension_numbers = #tpu.dot_dimension_numbers<[1], [1], [0], [0], [0, 0, 1, 0], [], []>, transpose_lhs_hint = false} : vector<256x96xbf16>, vector<2048x96xbf16>, vector<256x2048xf32> -> vector<256x2048xf32>
    %reduce_max3A_253 = arith.constant dense<0xFF800000> : vector<256xf32>
    %reduce_max3A_254 = vector.multi_reduction <maximumf>, %dot_general3A_252, %reduce_max3A_253 [1] : vector<256x2048xf32> to vector<256xf32>
    %broadcast_in_dim3A_255 = vector.shape_cast %reduce_max3A_254 : vector<256xf32> to vector<256x1xf32>
    %sub3A_256 = vector.broadcast %broadcast_in_dim3A_255 : vector<256x1xf32> to vector<256x2048xf32>
    %sub3A_257 = arith.subf %dot_general3A_252, %sub3A_256 : vector<256x2048xf32>
    %exp23A_258 = math.exp2 %sub3A_257 : vector<256x2048xf32>
    %convert_element_type3A_259 = arith.truncf %exp23A_258 : vector<256x2048xf32> to vector<256x2048xbf16>
    %dot_general3A_260 = arith.constant dense<0.000000e+00> : vector<256x97xf32>
    %dot_general3A_261 = tpu.matmul %convert_element_type3A_259, %concatenate3A_250, %dot_general3A_260 {dimension_numbers = #tpu.dot_dimension_numbers<[1], [0], [0], [1], [0, 0, 1, 1], [], []>, transpose_lhs_hint = false} : vector<256x2048xbf16>, vector<2048x97xbf16>, vector<256x97xf32> -> vector<256x97xf32>
    %slice3A_262 = vector.extract_strided_slice %dot_general3A_261 {offsets = [0, 0], sizes = [256, 96], strides = [1, 1]} : vector<256x97xf32> to vector<256x96xf32>
    %slice3A_263 = vector.extract_strided_slice %dot_general3A_261 {offsets = [0, 96], sizes = [256, 1], strides = [1, 1]} : vector<256x97xf32> to vector<256x1xf32>
    %div3A_264 = arith.constant 1.000000e+00 : f32
    %div3A_265 = vector.broadcast %div3A_264 : f32 to vector<256x1xf32>
    %div3A_266 = arith.divf %div3A_265, %slice3A_263 : vector<256x1xf32>
    %mul3A_267 = vector.broadcast %div3A_266 : vector<256x1xf32> to vector<256x96xf32>
    %mul3A_268 = arith.mulf %slice3A_262, %mul3A_267 : vector<256x96xf32>
    %get3A_269 = arith.constant 0 : index
    %get3A_270 = arith.constant 0 : index
    %get3A_271 = arith.constant 0 : index
    %get3A_272 = vector.load %arg6[%get3A_269, %get3A_270, %get3A_271] : memref<1x768x768xf32, #tpu.memory_space<vmem>>, vector<1x768x768xf32>
    %get3A_273 = vector.shape_cast %get3A_272 : vector<1x768x768xf32> to vector<768x768xf32>
    %slice3A_274 = vector.extract_strided_slice %get3A_273 {offsets = [480, 0], sizes = [96, 768], strides = [1, 1]} : vector<768x768xf32> to vector<96x768xf32>
    %dot_general3A_275 = arith.constant dense<0.000000e+00> : vector<256x768xf32>
    %dot_general3A_276 = tpu.matmul %mul3A_268, %slice3A_274, %dot_general3A_275 {dimension_numbers = #tpu.dot_dimension_numbers<[1], [0], [0], [1], [0, 0, 1, 1], [], []>, transpose_lhs_hint = false} : vector<256x96xf32>, vector<96x768xf32>, vector<256x768xf32> -> vector<256x768xf32>
    %add3A_277 = arith.addf %add3A_231, %dot_general3A_276 : vector<256x768xf32>
    %get3A_278 = arith.constant 0 : index
    %get3A_279 = arith.constant 0 : index
    %get3A_280 = arith.constant 0 : index
    %get3A_281 = vector.load %arg2[%get3A_278, %get3A_279, %get3A_280] : memref<1x256x768xbf16, #tpu.memory_space<vmem>>, vector<1x256x768xbf16>
    %get3A_282 = vector.shape_cast %get3A_281 : vector<1x256x768xbf16> to vector<256x768xbf16>
    %slice3A_283 = vector.extract_strided_slice %get3A_282 {offsets = [0, 576], sizes = [256, 96], strides = [1, 1]} : vector<256x768xbf16> to vector<256x96xbf16>
    %get3A_284 = arith.constant 0 : index
    %get3A_285 = arith.constant 0 : index
    %get3A_286 = arith.constant 0 : index
    %get3A_287 = vector.load %arg3[%get3A_284, %get3A_285, %get3A_286] : memref<1x2048x768xbf16, #tpu.memory_space<vmem>>, vector<1x2048x768xbf16>
    %get3A_288 = vector.shape_cast %get3A_287 : vector<1x2048x768xbf16> to vector<2048x768xbf16>
    %slice3A_289 = vector.extract_strided_slice %get3A_288 {offsets = [0, 576], sizes = [2048, 96], strides = [1, 1]} : vector<2048x768xbf16> to vector<2048x96xbf16>
    %get3A_290 = arith.constant 0 : index
    %get3A_291 = arith.constant 0 : index
    %get3A_292 = arith.constant 0 : index
    %get3A_293 = vector.load %arg4[%get3A_290, %get3A_291, %get3A_292] : memref<1x2048x768xbf16, #tpu.memory_space<vmem>>, vector<1x2048x768xbf16>
    %get3A_294 = vector.shape_cast %get3A_293 : vector<1x2048x768xbf16> to vector<2048x768xbf16>
    %slice3A_295 = vector.extract_strided_slice %get3A_294 {offsets = [0, 576], sizes = [2048, 96], strides = [1, 1]} : vector<2048x768xbf16> to vector<2048x96xbf16>
    %concatenate3A_296 = tpu.concatenate %slice3A_295, %broadcast_in_dim3A_10 in 1 : vector<2048x96xbf16>, vector<2048x1xbf16> -> vector<2048x97xbf16>
    %dot_general3A_297 = arith.constant dense<0.000000e+00> : vector<256x2048xf32>
    %dot_general3A_298 = tpu.matmul %slice3A_283, %slice3A_289, %dot_general3A_297 {dimension_numbers = #tpu.dot_dimension_numbers<[1], [1], [0], [0], [0, 0, 1, 0], [], []>, transpose_lhs_hint = false} : vector<256x96xbf16>, vector<2048x96xbf16>, vector<256x2048xf32> -> vector<256x2048xf32>
    %reduce_max3A_299 = arith.constant dense<0xFF800000> : vector<256xf32>
    %reduce_max3A_300 = vector.multi_reduction <maximumf>, %dot_general3A_298, %reduce_max3A_299 [1] : vector<256x2048xf32> to vector<256xf32>
    %broadcast_in_dim3A_301 = vector.shape_cast %reduce_max3A_300 : vector<256xf32> to vector<256x1xf32>
    %sub3A_302 = vector.broadcast %broadcast_in_dim3A_301 : vector<256x1xf32> to vector<256x2048xf32>
    %sub3A_303 = arith.subf %dot_general3A_298, %sub3A_302 : vector<256x2048xf32>
    %exp23A_304 = math.exp2 %sub3A_303 : vector<256x2048xf32>
    %convert_element_type3A_305 = arith.truncf %exp23A_304 : vector<256x2048xf32> to vector<256x2048xbf16>
    %dot_general3A_306 = arith.constant dense<0.000000e+00> : vector<256x97xf32>
    %dot_general3A_307 = tpu.matmul %convert_element_type3A_305, %concatenate3A_296, %dot_general3A_306 {dimension_numbers = #tpu.dot_dimension_numbers<[1], [0], [0], [1], [0, 0, 1, 1], [], []>, transpose_lhs_hint = false} : vector<256x2048xbf16>, vector<2048x97xbf16>, vector<256x97xf32> -> vector<256x97xf32>
    %slice3A_308 = vector.extract_strided_slice %dot_general3A_307 {offsets = [0, 0], sizes = [256, 96], strides = [1, 1]} : vector<256x97xf32> to vector<256x96xf32>
    %slice3A_309 = vector.extract_strided_slice %dot_general3A_307 {offsets = [0, 96], sizes = [256, 1], strides = [1, 1]} : vector<256x97xf32> to vector<256x1xf32>
    %div3A_310 = arith.constant 1.000000e+00 : f32
    %div3A_311 = vector.broadcast %div3A_310 : f32 to vector<256x1xf32>
    %div3A_312 = arith.divf %div3A_311, %slice3A_309 : vector<256x1xf32>
    %mul3A_313 = vector.broadcast %div3A_312 : vector<256x1xf32> to vector<256x96xf32>
    %mul3A_314 = arith.mulf %slice3A_308, %mul3A_313 : vector<256x96xf32>
    %get3A_315 = arith.constant 0 : index
    %get3A_316 = arith.constant 0 : index
    %get3A_317 = arith.constant 0 : index
    %get3A_318 = vector.load %arg6[%get3A_315, %get3A_316, %get3A_317] : memref<1x768x768xf32, #tpu.memory_space<vmem>>, vector<1x768x768xf32>
    %get3A_319 = vector.shape_cast %get3A_318 : vector<1x768x768xf32> to vector<768x768xf32>
    %slice3A_320 = vector.extract_strided_slice %get3A_319 {offsets = [576, 0], sizes = [96, 768], strides = [1, 1]} : vector<768x768xf32> to vector<96x768xf32>
    %dot_general3A_321 = arith.constant dense<0.000000e+00> : vector<256x768xf32>
    %dot_general3A_322 = tpu.matmul %mul3A_314, %slice3A_320, %dot_general3A_321 {dimension_numbers = #tpu.dot_dimension_numbers<[1], [0], [0], [1], [0, 0, 1, 1], [], []>, transpose_lhs_hint = false} : vector<256x96xf32>, vector<96x768xf32>, vector<256x768xf32> -> vector<256x768xf32>
    %add3A_323 = arith.addf %add3A_277, %dot_general3A_322 : vector<256x768xf32>
    %get3A_324 = arith.constant 0 : index
    %get3A_325 = arith.constant 0 : index
    %get3A_326 = arith.constant 0 : index
    %get3A_327 = vector.load %arg2[%get3A_324, %get3A_325, %get3A_326] : memref<1x256x768xbf16, #tpu.memory_space<vmem>>, vector<1x256x768xbf16>
    %get3A_328 = vector.shape_cast %get3A_327 : vector<1x256x768xbf16> to vector<256x768xbf16>
    %slice3A_329 = vector.extract_strided_slice %get3A_328 {offsets = [0, 672], sizes = [256, 96], strides = [1, 1]} : vector<256x768xbf16> to vector<256x96xbf16>
    %get3A_330 = arith.constant 0 : index
    %get3A_331 = arith.constant 0 : index
    %get3A_332 = arith.constant 0 : index
    %get3A_333 = vector.load %arg3[%get3A_330, %get3A_331, %get3A_332] : memref<1x2048x768xbf16, #tpu.memory_space<vmem>>, vector<1x2048x768xbf16>
    %get3A_334 = vector.shape_cast %get3A_333 : vector<1x2048x768xbf16> to vector<2048x768xbf16>
    %slice3A_335 = vector.extract_strided_slice %get3A_334 {offsets = [0, 672], sizes = [2048, 96], strides = [1, 1]} : vector<2048x768xbf16> to vector<2048x96xbf16>
    %get3A_336 = arith.constant 0 : index
    %get3A_337 = arith.constant 0 : index
    %get3A_338 = arith.constant 0 : index
    %get3A_339 = vector.load %arg4[%get3A_336, %get3A_337, %get3A_338] : memref<1x2048x768xbf16, #tpu.memory_space<vmem>>, vector<1x2048x768xbf16>
    %get3A_340 = vector.shape_cast %get3A_339 : vector<1x2048x768xbf16> to vector<2048x768xbf16>
    %slice3A_341 = vector.extract_strided_slice %get3A_340 {offsets = [0, 672], sizes = [2048, 96], strides = [1, 1]} : vector<2048x768xbf16> to vector<2048x96xbf16>
    %concatenate3A_342 = tpu.concatenate %slice3A_341, %broadcast_in_dim3A_10 in 1 : vector<2048x96xbf16>, vector<2048x1xbf16> -> vector<2048x97xbf16>
    %dot_general3A_343 = arith.constant dense<0.000000e+00> : vector<256x2048xf32>
    %dot_general3A_344 = tpu.matmul %slice3A_329, %slice3A_335, %dot_general3A_343 {dimension_numbers = #tpu.dot_dimension_numbers<[1], [1], [0], [0], [0, 0, 1, 0], [], []>, transpose_lhs_hint = false} : vector<256x96xbf16>, vector<2048x96xbf16>, vector<256x2048xf32> -> vector<256x2048xf32>
    %reduce_max3A_345 = arith.constant dense<0xFF800000> : vector<256xf32>
    %reduce_max3A_346 = vector.multi_reduction <maximumf>, %dot_general3A_344, %reduce_max3A_345 [1] : vector<256x2048xf32> to vector<256xf32>
    %broadcast_in_dim3A_347 = vector.shape_cast %reduce_max3A_346 : vector<256xf32> to vector<256x1xf32>
    %sub3A_348 = vector.broadcast %broadcast_in_dim3A_347 : vector<256x1xf32> to vector<256x2048xf32>
    %sub3A_349 = arith.subf %dot_general3A_344, %sub3A_348 : vector<256x2048xf32>
    %exp23A_350 = math.exp2 %sub3A_349 : vector<256x2048xf32>
    %convert_element_type3A_351 = arith.truncf %exp23A_350 : vector<256x2048xf32> to vector<256x2048xbf16>
    %dot_general3A_352 = arith.constant dense<0.000000e+00> : vector<256x97xf32>
    %dot_general3A_353 = tpu.matmul %convert_element_type3A_351, %concatenate3A_342, %dot_general3A_352 {dimension_numbers = #tpu.dot_dimension_numbers<[1], [0], [0], [1], [0, 0, 1, 1], [], []>, transpose_lhs_hint = false} : vector<256x2048xbf16>, vector<2048x97xbf16>, vector<256x97xf32> -> vector<256x97xf32>
    %slice3A_354 = vector.extract_strided_slice %dot_general3A_353 {offsets = [0, 0], sizes = [256, 96], strides = [1, 1]} : vector<256x97xf32> to vector<256x96xf32>
    %slice3A_355 = vector.extract_strided_slice %dot_general3A_353 {offsets = [0, 96], sizes = [256, 1], strides = [1, 1]} : vector<256x97xf32> to vector<256x1xf32>
    %div3A_356 = arith.constant 1.000000e+00 : f32
    %div3A_357 = vector.broadcast %div3A_356 : f32 to vector<256x1xf32>
    %div3A_358 = arith.divf %div3A_357, %slice3A_355 : vector<256x1xf32>
    %mul3A_359 = vector.broadcast %div3A_358 : vector<256x1xf32> to vector<256x96xf32>
    %mul3A_360 = arith.mulf %slice3A_354, %mul3A_359 : vector<256x96xf32>
    %get3A_361 = arith.constant 0 : index
    %get3A_362 = arith.constant 0 : index
    %get3A_363 = arith.constant 0 : index
    %get3A_364 = vector.load %arg6[%get3A_361, %get3A_362, %get3A_363] : memref<1x768x768xf32, #tpu.memory_space<vmem>>, vector<1x768x768xf32>
    %get3A_365 = vector.shape_cast %get3A_364 : vector<1x768x768xf32> to vector<768x768xf32>
    %slice3A_366 = vector.extract_strided_slice %get3A_365 {offsets = [672, 0], sizes = [96, 768], strides = [1, 1]} : vector<768x768xf32> to vector<96x768xf32>
    %dot_general3A_367 = arith.constant dense<0.000000e+00> : vector<256x768xf32>
    %dot_general3A_368 = tpu.matmul %mul3A_360, %slice3A_366, %dot_general3A_367 {dimension_numbers = #tpu.dot_dimension_numbers<[1], [0], [0], [1], [0, 0, 1, 1], [], []>, transpose_lhs_hint = false} : vector<256x96xf32>, vector<96x768xf32>, vector<256x768xf32> -> vector<256x768xf32>
    %add3A_369 = arith.addf %add3A_323, %dot_general3A_368 : vector<256x768xf32>
    %swap3A = arith.constant 0 : index
    %swap3A_370 = arith.constant 0 : index
    %swap3A_371 = arith.constant 0 : index
    %swap3A_372 = vector.load %arg8[%swap3A, %swap3A_370, %swap3A_371] : memref<1x256x768xf32, #tpu.memory_space<vmem>>, vector<1x256x768xf32>
    %swap3A_373 = vector.shape_cast %swap3A_372 : vector<1x256x768xf32> to vector<256x768xf32>
    %swap3A_374 = vector.shape_cast %add3A_369 : vector<256x768xf32> to vector<1x256x768xf32>
    tpu.vector_store %arg8[%swap3A, %swap3A_370, %swap3A_371], %swap3A_374 {strides = array<i32>} : memref<1x256x768xf32, #tpu.memory_space<vmem>>, vector<1x256x768xf32>,
    return
  }
  func.func @transform_0(%arg0: i32, %arg1: i32) -> (i32, i32, i32) {
    %c0_i32 = arith.constant 0 : i32
    %c0_i32_0 = arith.constant 0 : i32
    return %arg0, %arg1, %c0_i32 : i32, i32, i32
  }
  func.func @transform_1(%arg0: i32, %arg1: i32) -> (i32, i32, i32) {
    %c0_i32 = arith.constant 0 : i32
    %c0_i32_0 = arith.constant 0 : i32
    %c0_i32_1 = arith.constant 0 : i32
    return %arg0, %c0_i32, %c0_i32_0 : i32, i32, i32
  }
  func.func @transform_2(%arg0: i32, %arg1: i32) -> (i32, i32, i32) {
    %c0_i32 = arith.constant 0 : i32
    %c0_i32_0 = arith.constant 0 : i32
    %c0_i32_1 = arith.constant 0 : i32
    return %arg0, %c0_i32, %c0_i32_0 : i32, i32, i32
  }
  func.func @transform_3(%arg0: i32, %arg1: i32) -> (i32, i32, i32) {
    %c0_i32 = arith.constant 0 : i32
    %c0_i32_0 = arith.constant 0 : i32
    return %arg0, %arg1, %c0_i32 : i32, i32, i32
  }
  func.func @transform_4(%arg0: i32, %arg1: i32) -> (i32, i32, i32) {
    %c3_i32 = arith.constant 3 : i32
    %c0_i32 = arith.constant 0 : i32
    %c0_i32_0 = arith.constant 0 : i32
    %c0_i32_1 = arith.constant 0 : i32
    return %c3_i32, %c0_i32, %c0_i32_0 : i32, i32, i32
  }
  func.func @transform_5(%arg0: i32, %arg1: i32) -> (i32, i32, i32) {
    %c3_i32 = arith.constant 3 : i32
    %c0_i32 = arith.constant 0 : i32
    %c0_i32_0 = arith.constant 0 : i32
    %c0_i32_1 = arith.constant 0 : i32
    return %c3_i32, %c0_i32, %c0_i32_0 : i32, i32, i32
  }
  func.func @transform_6(%arg0: i32, %arg1: i32) -> (i32, i32, i32) {
    %c0_i32 = arith.constant 0 : i32
    %c0_i32_0 = arith.constant 0 : i32
    return %arg0, %arg1, %c0_i32 : i32, i32, i32
  }
}

module attributes {stable_mosaic.version = 14 : i64} {
  func.func @body(%arg0: i32, %arg1: i32, %arg2: memref<1x512x768xf32, #tpu.memory_space<vmem>>, %arg3: memref<1x768x3072xf32, #tpu.memory_space<vmem>>, %arg4: memref<1x1x3072xf32, #tpu.memory_space<vmem>>, %arg5: memref<1x3072x768xf32, #tpu.memory_space<vmem>>, %arg6: memref<1x1x768xf32, #tpu.memory_space<vmem>>, %arg7: memref<1x1x768xf32, #tpu.memory_space<vmem>>, %arg8: memref<1x1x768xf32, #tpu.memory_space<vmem>>, %arg9: memref<1x512x768xf32, #tpu.memory_space<vmem>>) attributes {dimension_semantics = [#tpu.dimension_semantics<parallel>, #tpu.dimension_semantics<parallel>], iteration_bounds = array<i64: 2, 4>, scalar_prefetch = 0 : i64, scratch_operands = 0 : i64, tpu.core_type = #tpu.core_type<tc>, window_params = [{transform_indices = @transform_0, window_bounds = array<i64: 1, 512, 768>}, {transform_indices = @transform_1, window_bounds = array<i64: 1, 768, 3072>}, {transform_indices = @transform_2, window_bounds = array<i64: 1, 1, 3072>}, {transform_indices = @transform_3, window_bounds = array<i64: 1, 3072, 768>}, {transform_indices = @transform_4, window_bounds = array<i64: 1, 1, 768>}, {transform_indices = @transform_5, window_bounds = array<i64: 1, 1, 768>}, {transform_indices = @transform_6, window_bounds = array<i64: 1, 1, 768>}, {transform_indices = @transform_7, window_bounds = array<i64: 1, 512, 768>}]} {
    %get3A = arith.constant 0 : index
    %get3A_0 = arith.constant 0 : index
    %get3A_1 = arith.constant 0 : index
    %get3A_2 = vector.load %arg2[%get3A, %get3A_0, %get3A_1] : memref<1x512x768xf32, #tpu.memory_space<vmem>>, vector<1x512x768xf32>
    %get3A_3 = vector.shape_cast %get3A_2 : vector<1x512x768xf32> to vector<512x768xf32>
    %get3A_4 = arith.constant 0 : index
    %get3A_5 = arith.constant 0 : index
    %get3A_6 = arith.constant 0 : index
    %get3A_7 = vector.load %arg7[%get3A_4, %get3A_5, %get3A_6] : memref<1x1x768xf32, #tpu.memory_space<vmem>>, vector<1x1x768xf32>
    %get3A_8 = vector.shape_cast %get3A_7 : vector<1x1x768xf32> to vector<1x768xf32>
    %get3A_9 = arith.constant 0 : index
    %get3A_10 = arith.constant 0 : index
    %get3A_11 = arith.constant 0 : index
    %get3A_12 = vector.load %arg8[%get3A_9, %get3A_10, %get3A_11] : memref<1x1x768xf32, #tpu.memory_space<vmem>>, vector<1x1x768xf32>
    %get3A_13 = vector.shape_cast %get3A_12 : vector<1x1x768xf32> to vector<1x768xf32>
    %reduce_sum3A = arith.constant dense<0.000000e+00> : vector<512xf32>
    %reduce_sum3A_14 = vector.multi_reduction <add>, %get3A_3, %reduce_sum3A [1] : vector<512x768xf32> to vector<512xf32>
    %broadcast_in_dim3A = vector.shape_cast %reduce_sum3A_14 : vector<512xf32> to vector<512x1xf32>
    %div3A = arith.constant 7.680000e+02 : f32
    %div3A_15 = vector.broadcast %div3A : f32 to vector<512x1xf32>
    %div3A_16 = arith.divf %broadcast_in_dim3A, %div3A_15 : vector<512x1xf32>
    %sub3A = vector.broadcast %div3A_16 : vector<512x1xf32> to vector<512x768xf32>
    %sub3A_17 = arith.subf %get3A_3, %sub3A : vector<512x768xf32>
    %integer_pow3A = arith.mulf %sub3A_17, %sub3A_17 : vector<512x768xf32>
    %reduce_sum3A_18 = arith.constant dense<0.000000e+00> : vector<512xf32>
    %reduce_sum3A_19 = vector.multi_reduction <add>, %integer_pow3A, %reduce_sum3A_18 [1] : vector<512x768xf32> to vector<512xf32>
    %broadcast_in_dim3A_20 = vector.shape_cast %reduce_sum3A_19 : vector<512xf32> to vector<512x1xf32>
    %div3A_21 = arith.constant 7.680000e+02 : f32
    %div3A_22 = vector.broadcast %div3A_21 : f32 to vector<512x1xf32>
    %div3A_23 = arith.divf %broadcast_in_dim3A_20, %div3A_22 : vector<512x1xf32>
    %sub3A_24 = vector.broadcast %div3A_16 : vector<512x1xf32> to vector<512x768xf32>
    %sub3A_25 = arith.subf %get3A_3, %sub3A_24 : vector<512x768xf32>
    %add3A = arith.constant 9.99999974E-6 : f32
    %add3A_26 = vector.broadcast %add3A : f32 to vector<512x1xf32>
    %add3A_27 = arith.addf %div3A_23, %add3A_26 : vector<512x1xf32>
    %sqrt3A = math.sqrt %add3A_27 : vector<512x1xf32>
    %div3A_28 = vector.broadcast %sqrt3A : vector<512x1xf32> to vector<512x768xf32>
    %div3A_29 = arith.divf %sub3A_25, %div3A_28 : vector<512x768xf32>
    %mul3A = vector.broadcast %get3A_8 : vector<1x768xf32> to vector<512x768xf32>
    %mul3A_30 = arith.mulf %div3A_29, %mul3A : vector<512x768xf32>
    %add3A_31 = vector.broadcast %get3A_13 : vector<1x768xf32> to vector<512x768xf32>
    %add3A_32 = arith.addf %mul3A_30, %add3A_31 : vector<512x768xf32>
    %get3A_33 = arith.constant 0 : index
    %get3A_34 = arith.constant 0 : index
    %get3A_35 = arith.constant 0 : index
    %get3A_36 = vector.load %arg3[%get3A_33, %get3A_34, %get3A_35] : memref<1x768x3072xf32, #tpu.memory_space<vmem>>, vector<1x768x3072xf32>
    %get3A_37 = vector.shape_cast %get3A_36 : vector<1x768x3072xf32> to vector<768x3072xf32>
    %dot_general3A = arith.constant dense<0.000000e+00> : vector<512x3072xf32>
    %dot_general3A_38 = tpu.matmul %add3A_32, %get3A_37, %dot_general3A {dimension_numbers = #tpu.dot_dimension_numbers<[1], [0], [0], [1], [0, 0, 1, 1], [], []>, transpose_lhs_hint = false} : vector<512x768xf32>, vector<768x3072xf32>, vector<512x3072xf32> -> vector<512x3072xf32>
    %get3A_39 = arith.constant 0 : index
    %get3A_40 = arith.constant 0 : index
    %get3A_41 = arith.constant 0 : index
    %get3A_42 = vector.load %arg4[%get3A_39, %get3A_40, %get3A_41] : memref<1x1x3072xf32, #tpu.memory_space<vmem>>, vector<1x1x3072xf32>
    %get3A_43 = vector.shape_cast %get3A_42 : vector<1x1x3072xf32> to vector<1x3072xf32>
    %add3A_44 = vector.broadcast %get3A_43 : vector<1x3072xf32> to vector<512x3072xf32>
    %add3A_45 = arith.addf %dot_general3A_38, %add3A_44 : vector<512x3072xf32>
    %mul3A_46 = arith.constant 5.000000e-01 : f32
    %mul3A_47 = vector.broadcast %mul3A_46 : f32 to vector<512x3072xf32>
    %mul3A_48 = arith.mulf %mul3A_47, %add3A_45 : vector<512x3072xf32>
    %mul3A_49 = arith.constant 0.707106769 : f32
    %mul3A_50 = vector.broadcast %mul3A_49 : f32 to vector<512x3072xf32>
    %mul3A_51 = arith.mulf %add3A_45, %mul3A_50 : vector<512x3072xf32>
    %erf3A = math.erf %mul3A_51 : vector<512x3072xf32>
    %add3A_52 = arith.constant 1.000000e+00 : f32
    %add3A_53 = vector.broadcast %add3A_52 : f32 to vector<512x3072xf32>
    %add3A_54 = arith.addf %add3A_53, %erf3A : vector<512x3072xf32>
    %mul3A_55 = arith.mulf %mul3A_48, %add3A_54 : vector<512x3072xf32>
    %get3A_56 = arith.constant 0 : index
    %get3A_57 = arith.constant 0 : index
    %get3A_58 = arith.constant 0 : index
    %get3A_59 = vector.load %arg5[%get3A_56, %get3A_57, %get3A_58] : memref<1x3072x768xf32, #tpu.memory_space<vmem>>, vector<1x3072x768xf32>
    %get3A_60 = vector.shape_cast %get3A_59 : vector<1x3072x768xf32> to vector<3072x768xf32>
    %dot_general3A_61 = arith.constant dense<0.000000e+00> : vector<512x768xf32>
    %dot_general3A_62 = tpu.matmul %mul3A_55, %get3A_60, %dot_general3A_61 {dimension_numbers = #tpu.dot_dimension_numbers<[1], [0], [0], [1], [0, 0, 1, 1], [], []>, transpose_lhs_hint = false} : vector<512x3072xf32>, vector<3072x768xf32>, vector<512x768xf32> -> vector<512x768xf32>
    %add3A_63 = arith.addf %get3A_3, %dot_general3A_62 : vector<512x768xf32>
    %get3A_64 = arith.constant 0 : index
    %get3A_65 = arith.constant 0 : index
    %get3A_66 = arith.constant 0 : index
    %get3A_67 = vector.load %arg6[%get3A_64, %get3A_65, %get3A_66] : memref<1x1x768xf32, #tpu.memory_space<vmem>>, vector<1x1x768xf32>
    %get3A_68 = vector.shape_cast %get3A_67 : vector<1x1x768xf32> to vector<1x768xf32>
    %add3A_69 = vector.broadcast %get3A_68 : vector<1x768xf32> to vector<512x768xf32>
    %add3A_70 = arith.addf %add3A_63, %add3A_69 : vector<512x768xf32>
    %swap3A = arith.constant 0 : index
    %swap3A_71 = arith.constant 0 : index
    %swap3A_72 = arith.constant 0 : index
    %swap3A_73 = vector.load %arg9[%swap3A, %swap3A_71, %swap3A_72] : memref<1x512x768xf32, #tpu.memory_space<vmem>>, vector<1x512x768xf32>
    %swap3A_74 = vector.shape_cast %swap3A_73 : vector<1x512x768xf32> to vector<512x768xf32>
    %swap3A_75 = vector.shape_cast %add3A_70 : vector<512x768xf32> to vector<1x512x768xf32>
    tpu.vector_store %arg9[%swap3A, %swap3A_71, %swap3A_72], %swap3A_75 {strides = array<i32>} : memref<1x512x768xf32, #tpu.memory_space<vmem>>, vector<1x512x768xf32>,
    return
  }
  func.func @transform_0(%arg0: i32, %arg1: i32) -> (i32, i32, i32) {
    %c0_i32 = arith.constant 0 : i32
    %c0_i32_0 = arith.constant 0 : i32
    return %arg0, %arg1, %c0_i32 : i32, i32, i32
  }
  func.func @transform_1(%arg0: i32, %arg1: i32) -> (i32, i32, i32) {
    %c3_i32 = arith.constant 3 : i32
    %c0_i32 = arith.constant 0 : i32
    %c0_i32_0 = arith.constant 0 : i32
    %c0_i32_1 = arith.constant 0 : i32
    return %c3_i32, %c0_i32, %c0_i32_0 : i32, i32, i32
  }
  func.func @transform_2(%arg0: i32, %arg1: i32) -> (i32, i32, i32) {
    %c3_i32 = arith.constant 3 : i32
    %c0_i32 = arith.constant 0 : i32
    %c0_i32_0 = arith.constant 0 : i32
    %c0_i32_1 = arith.constant 0 : i32
    return %c3_i32, %c0_i32, %c0_i32_0 : i32, i32, i32
  }
  func.func @transform_3(%arg0: i32, %arg1: i32) -> (i32, i32, i32) {
    %c3_i32 = arith.constant 3 : i32
    %c0_i32 = arith.constant 0 : i32
    %c0_i32_0 = arith.constant 0 : i32
    %c0_i32_1 = arith.constant 0 : i32
    return %c3_i32, %c0_i32, %c0_i32_0 : i32, i32, i32
  }
  func.func @transform_4(%arg0: i32, %arg1: i32) -> (i32, i32, i32) {
    %c3_i32 = arith.constant 3 : i32
    %c0_i32 = arith.constant 0 : i32
    %c0_i32_0 = arith.constant 0 : i32
    %c0_i32_1 = arith.constant 0 : i32
    return %c3_i32, %c0_i32, %c0_i32_0 : i32, i32, i32
  }
  func.func @transform_5(%arg0: i32, %arg1: i32) -> (i32, i32, i32) {
    %c3_i32 = arith.constant 3 : i32
    %c0_i32 = arith.constant 0 : i32
    %c0_i32_0 = arith.constant 0 : i32
    %c0_i32_1 = arith.constant 0 : i32
    return %c3_i32, %c0_i32, %c0_i32_0 : i32, i32, i32
  }
  func.func @transform_6(%arg0: i32, %arg1: i32) -> (i32, i32, i32) {
    %c3_i32 = arith.constant 3 : i32
    %c0_i32 = arith.constant 0 : i32
    %c0_i32_0 = arith.constant 0 : i32
    %c0_i32_1 = arith.constant 0 : i32
    return %c3_i32, %c0_i32, %c0_i32_0 : i32, i32, i32
  }
  func.func @transform_7(%arg0: i32, %arg1: i32) -> (i32, i32, i32) {
    %c0_i32 = arith.constant 0 : i32
    %c0_i32_0 = arith.constant 0 : i32
    return %arg0, %arg1, %c0_i32 : i32, i32, i32
  }
}

module attributes {stable_mosaic.version = 14 : i64} {
  func.func @body(%arg0: i32, %arg1: i32, %arg2: memref<1x512x768xf32, #tpu.memory_space<vmem>>, %arg3: memref<1x768x768xf32, #tpu.memory_space<vmem>>, %arg4: memref<1x768x768xf32, #tpu.memory_space<vmem>>, %arg5: memref<1x768x768xf32, #tpu.memory_space<vmem>>, %arg6: memref<1x1x768xf32, #tpu.memory_space<vmem>>, %arg7: memref<1x1x768xf32, #tpu.memory_space<vmem>>, %arg8: memref<1x1x768xf32, #tpu.memory_space<vmem>>, %arg9: memref<1x1x768xf32, #tpu.memory_space<vmem>>, %arg10: memref<1x1x768xf32, #tpu.memory_space<vmem>>, %arg11: memref<1x512x768xbf16, #tpu.memory_space<vmem>>, %arg12: memref<1x512x768xbf16, #tpu.memory_space<vmem>>, %arg13: memref<1x512x768xbf16, #tpu.memory_space<vmem>>) attributes {dimension_semantics = [#tpu.dimension_semantics<parallel>, #tpu.dimension_semantics<parallel>], iteration_bounds = array<i64: 2, 4>, scalar_prefetch = 0 : i64, scratch_operands = 0 : i64, tpu.core_type = #tpu.core_type<tc>, window_params = [{transform_indices = @transform_0, window_bounds = array<i64: 1, 512, 768>}, {transform_indices = @transform_1, window_bounds = array<i64: 1, 768, 768>}, {transform_indices = @transform_2, window_bounds = array<i64: 1, 768, 768>}, {transform_indices = @transform_3, window_bounds = array<i64: 1, 768, 768>}, {transform_indices = @transform_4, window_bounds = array<i64: 1, 1, 768>}, {transform_indices = @transform_5, window_bounds = array<i64: 1, 1, 768>}, {transform_indices = @transform_6, window_bounds = array<i64: 1, 1, 768>}, {transform_indices = @transform_7, window_bounds = array<i64: 1, 1, 768>}, {transform_indices = @transform_8, window_bounds = array<i64: 1, 1, 768>}, {transform_indices = @transform_9, window_bounds = array<i64: 1, 512, 768>}, {transform_indices = @transform_10, window_bounds = array<i64: 1, 512, 768>}, {transform_indices = @transform_11, window_bounds = array<i64: 1, 512, 768>}]} {
    %get3A = arith.constant 0 : index
    %get3A_0 = arith.constant 0 : index
    %get3A_1 = arith.constant 0 : index
    %get3A_2 = vector.load %arg2[%get3A, %get3A_0, %get3A_1] : memref<1x512x768xf32, #tpu.memory_space<vmem>>, vector<1x512x768xf32>
    %get3A_3 = vector.shape_cast %get3A_2 : vector<1x512x768xf32> to vector<512x768xf32>
    %get3A_4 = arith.constant 0 : index
    %get3A_5 = arith.constant 0 : index
    %get3A_6 = arith.constant 0 : index
    %get3A_7 = vector.load %arg9[%get3A_4, %get3A_5, %get3A_6] : memref<1x1x768xf32, #tpu.memory_space<vmem>>, vector<1x1x768xf32>
    %get3A_8 = vector.shape_cast %get3A_7 : vector<1x1x768xf32> to vector<1x768xf32>
    %get3A_9 = arith.constant 0 : index
    %get3A_10 = arith.constant 0 : index
    %get3A_11 = arith.constant 0 : index
    %get3A_12 = vector.load %arg10[%get3A_9, %get3A_10, %get3A_11] : memref<1x1x768xf32, #tpu.memory_space<vmem>>, vector<1x1x768xf32>
    %get3A_13 = vector.shape_cast %get3A_12 : vector<1x1x768xf32> to vector<1x768xf32>
    %reduce_sum3A = arith.constant dense<0.000000e+00> : vector<512xf32>
    %reduce_sum3A_14 = vector.multi_reduction <add>, %get3A_3, %reduce_sum3A [1] : vector<512x768xf32> to vector<512xf32>
    %broadcast_in_dim3A = vector.shape_cast %reduce_sum3A_14 : vector<512xf32> to vector<512x1xf32>
    %div3A = arith.constant 7.680000e+02 : f32
    %div3A_15 = vector.broadcast %div3A : f32 to vector<512x1xf32>
    %div3A_16 = arith.divf %broadcast_in_dim3A, %div3A_15 : vector<512x1xf32>
    %sub3A = vector.broadcast %div3A_16 : vector<512x1xf32> to vector<512x768xf32>
    %sub3A_17 = arith.subf %get3A_3, %sub3A : vector<512x768xf32>
    %integer_pow3A = arith.mulf %sub3A_17, %sub3A_17 : vector<512x768xf32>
    %reduce_sum3A_18 = arith.constant dense<0.000000e+00> : vector<512xf32>
    %reduce_sum3A_19 = vector.multi_reduction <add>, %integer_pow3A, %reduce_sum3A_18 [1] : vector<512x768xf32> to vector<512xf32>
    %broadcast_in_dim3A_20 = vector.shape_cast %reduce_sum3A_19 : vector<512xf32> to vector<512x1xf32>
    %div3A_21 = arith.constant 7.680000e+02 : f32
    %div3A_22 = vector.broadcast %div3A_21 : f32 to vector<512x1xf32>
    %div3A_23 = arith.divf %broadcast_in_dim3A_20, %div3A_22 : vector<512x1xf32>
    %sub3A_24 = vector.broadcast %div3A_16 : vector<512x1xf32> to vector<512x768xf32>
    %sub3A_25 = arith.subf %get3A_3, %sub3A_24 : vector<512x768xf32>
    %add3A = arith.constant 9.99999974E-6 : f32
    %add3A_26 = vector.broadcast %add3A : f32 to vector<512x1xf32>
    %add3A_27 = arith.addf %div3A_23, %add3A_26 : vector<512x1xf32>
    %sqrt3A = math.sqrt %add3A_27 : vector<512x1xf32>
    %div3A_28 = vector.broadcast %sqrt3A : vector<512x1xf32> to vector<512x768xf32>
    %div3A_29 = arith.divf %sub3A_25, %div3A_28 : vector<512x768xf32>
    %mul3A = vector.broadcast %get3A_8 : vector<1x768xf32> to vector<512x768xf32>
    %mul3A_30 = arith.mulf %div3A_29, %mul3A : vector<512x768xf32>
    %add3A_31 = vector.broadcast %get3A_13 : vector<1x768xf32> to vector<512x768xf32>
    %add3A_32 = arith.addf %mul3A_30, %add3A_31 : vector<512x768xf32>
    %get3A_33 = arith.constant 0 : index
    %get3A_34 = arith.constant 0 : index
    %get3A_35 = arith.constant 0 : index
    %get3A_36 = vector.load %arg3[%get3A_33, %get3A_34, %get3A_35] : memref<1x768x768xf32, #tpu.memory_space<vmem>>, vector<1x768x768xf32>
    %get3A_37 = vector.shape_cast %get3A_36 : vector<1x768x768xf32> to vector<768x768xf32>
    %dot_general3A = arith.constant dense<0.000000e+00> : vector<512x768xf32>
    %dot_general3A_38 = tpu.matmul %add3A_32, %get3A_37, %dot_general3A {dimension_numbers = #tpu.dot_dimension_numbers<[1], [0], [0], [1], [0, 0, 1, 1], [], []>, transpose_lhs_hint = false} : vector<512x768xf32>, vector<768x768xf32>, vector<512x768xf32> -> vector<512x768xf32>
    %get3A_39 = arith.constant 0 : index
    %get3A_40 = arith.constant 0 : index
    %get3A_41 = arith.constant 0 : index
    %get3A_42 = vector.load %arg6[%get3A_39, %get3A_40, %get3A_41] : memref<1x1x768xf32, #tpu.memory_space<vmem>>, vector<1x1x768xf32>
    %get3A_43 = vector.shape_cast %get3A_42 : vector<1x1x768xf32> to vector<1x768xf32>
    %add3A_44 = vector.broadcast %get3A_43 : vector<1x768xf32> to vector<512x768xf32>
    %add3A_45 = arith.addf %dot_general3A_38, %add3A_44 : vector<512x768xf32>
    %convert_element_type3A = arith.truncf %add3A_45 : vector<512x768xf32> to vector<512x768xbf16>
    %swap3A = arith.constant 0 : index
    %swap3A_46 = arith.constant 0 : index
    %swap3A_47 = arith.constant 0 : index
    %swap3A_48 = vector.load %arg11[%swap3A, %swap3A_46, %swap3A_47] : memref<1x512x768xbf16, #tpu.memory_space<vmem>>, vector<1x512x768xbf16>
    %swap3A_49 = vector.shape_cast %swap3A_48 : vector<1x512x768xbf16> to vector<512x768xbf16>
    %swap3A_50 = vector.shape_cast %convert_element_type3A : vector<512x768xbf16> to vector<1x512x768xbf16>
    tpu.vector_store %arg11[%swap3A, %swap3A_46, %swap3A_47], %swap3A_50 {strides = array<i32>} : memref<1x512x768xbf16, #tpu.memory_space<vmem>>, vector<1x512x768xbf16>,
    %get3A_51 = arith.constant 0 : index
    %get3A_52 = arith.constant 0 : index
    %get3A_53 = arith.constant 0 : index
    %get3A_54 = vector.load %arg4[%get3A_51, %get3A_52, %get3A_53] : memref<1x768x768xf32, #tpu.memory_space<vmem>>, vector<1x768x768xf32>
    %get3A_55 = vector.shape_cast %get3A_54 : vector<1x768x768xf32> to vector<768x768xf32>
    %dot_general3A_56 = arith.constant dense<0.000000e+00> : vector<512x768xf32>
    %dot_general3A_57 = tpu.matmul %add3A_32, %get3A_55, %dot_general3A_56 {dimension_numbers = #tpu.dot_dimension_numbers<[1], [0], [0], [1], [0, 0, 1, 1], [], []>, transpose_lhs_hint = false} : vector<512x768xf32>, vector<768x768xf32>, vector<512x768xf32> -> vector<512x768xf32>
    %get3A_58 = arith.constant 0 : index
    %get3A_59 = arith.constant 0 : index
    %get3A_60 = arith.constant 0 : index
    %get3A_61 = vector.load %arg7[%get3A_58, %get3A_59, %get3A_60] : memref<1x1x768xf32, #tpu.memory_space<vmem>>, vector<1x1x768xf32>
    %get3A_62 = vector.shape_cast %get3A_61 : vector<1x1x768xf32> to vector<1x768xf32>
    %add3A_63 = vector.broadcast %get3A_62 : vector<1x768xf32> to vector<512x768xf32>
    %add3A_64 = arith.addf %dot_general3A_57, %add3A_63 : vector<512x768xf32>
    %convert_element_type3A_65 = arith.truncf %add3A_64 : vector<512x768xf32> to vector<512x768xbf16>
    %swap3A_66 = arith.constant 0 : index
    %swap3A_67 = arith.constant 0 : index
    %swap3A_68 = arith.constant 0 : index
    %swap3A_69 = vector.load %arg12[%swap3A_66, %swap3A_67, %swap3A_68] : memref<1x512x768xbf16, #tpu.memory_space<vmem>>, vector<1x512x768xbf16>
    %swap3A_70 = vector.shape_cast %swap3A_69 : vector<1x512x768xbf16> to vector<512x768xbf16>
    %swap3A_71 = vector.shape_cast %convert_element_type3A_65 : vector<512x768xbf16> to vector<1x512x768xbf16>
    tpu.vector_store %arg12[%swap3A_66, %swap3A_67, %swap3A_68], %swap3A_71 {strides = array<i32>} : memref<1x512x768xbf16, #tpu.memory_space<vmem>>, vector<1x512x768xbf16>,
    %get3A_72 = arith.constant 0 : index
    %get3A_73 = arith.constant 0 : index
    %get3A_74 = arith.constant 0 : index
    %get3A_75 = vector.load %arg5[%get3A_72, %get3A_73, %get3A_74] : memref<1x768x768xf32, #tpu.memory_space<vmem>>, vector<1x768x768xf32>
    %get3A_76 = vector.shape_cast %get3A_75 : vector<1x768x768xf32> to vector<768x768xf32>
    %dot_general3A_77 = arith.constant dense<0.000000e+00> : vector<512x768xf32>
    %dot_general3A_78 = tpu.matmul %add3A_32, %get3A_76, %dot_general3A_77 {dimension_numbers = #tpu.dot_dimension_numbers<[1], [0], [0], [1], [0, 0, 1, 1], [], []>, transpose_lhs_hint = false} : vector<512x768xf32>, vector<768x768xf32>, vector<512x768xf32> -> vector<512x768xf32>
    %get3A_79 = arith.constant 0 : index
    %get3A_80 = arith.constant 0 : index
    %get3A_81 = arith.constant 0 : index
    %get3A_82 = vector.load %arg8[%get3A_79, %get3A_80, %get3A_81] : memref<1x1x768xf32, #tpu.memory_space<vmem>>, vector<1x1x768xf32>
    %get3A_83 = vector.shape_cast %get3A_82 : vector<1x1x768xf32> to vector<1x768xf32>
    %add3A_84 = vector.broadcast %get3A_83 : vector<1x768xf32> to vector<512x768xf32>
    %add3A_85 = arith.addf %dot_general3A_78, %add3A_84 : vector<512x768xf32>
    %convert_element_type3A_86 = arith.truncf %add3A_85 : vector<512x768xf32> to vector<512x768xbf16>
    %swap3A_87 = arith.constant 0 : index
    %swap3A_88 = arith.constant 0 : index
    %swap3A_89 = arith.constant 0 : index
    %swap3A_90 = vector.load %arg13[%swap3A_87, %swap3A_88, %swap3A_89] : memref<1x512x768xbf16, #tpu.memory_space<vmem>>, vector<1x512x768xbf16>
    %swap3A_91 = vector.shape_cast %swap3A_90 : vector<1x512x768xbf16> to vector<512x768xbf16>
    %swap3A_92 = vector.shape_cast %convert_element_type3A_86 : vector<512x768xbf16> to vector<1x512x768xbf16>
    tpu.vector_store %arg13[%swap3A_87, %swap3A_88, %swap3A_89], %swap3A_92 {strides = array<i32>} : memref<1x512x768xbf16, #tpu.memory_space<vmem>>, vector<1x512x768xbf16>,
    return
  }
  func.func @transform_0(%arg0: i32, %arg1: i32) -> (i32, i32, i32) {
    %c0_i32 = arith.constant 0 : i32
    %c0_i32_0 = arith.constant 0 : i32
    return %arg0, %arg1, %c0_i32 : i32, i32, i32
  }
  func.func @transform_1(%arg0: i32, %arg1: i32) -> (i32, i32, i32) {
    %c4_i32 = arith.constant 4 : i32
    %c0_i32 = arith.constant 0 : i32
    %c0_i32_0 = arith.constant 0 : i32
    %c0_i32_1 = arith.constant 0 : i32
    return %c4_i32, %c0_i32, %c0_i32_0 : i32, i32, i32
  }
  func.func @transform_2(%arg0: i32, %arg1: i32) -> (i32, i32, i32) {
    %c4_i32 = arith.constant 4 : i32
    %c0_i32 = arith.constant 0 : i32
    %c0_i32_0 = arith.constant 0 : i32
    %c0_i32_1 = arith.constant 0 : i32
    return %c4_i32, %c0_i32, %c0_i32_0 : i32, i32, i32
  }
  func.func @transform_3(%arg0: i32, %arg1: i32) -> (i32, i32, i32) {
    %c4_i32 = arith.constant 4 : i32
    %c0_i32 = arith.constant 0 : i32
    %c0_i32_0 = arith.constant 0 : i32
    %c0_i32_1 = arith.constant 0 : i32
    return %c4_i32, %c0_i32, %c0_i32_0 : i32, i32, i32
  }
  func.func @transform_4(%arg0: i32, %arg1: i32) -> (i32, i32, i32) {
    %c4_i32 = arith.constant 4 : i32
    %c0_i32 = arith.constant 0 : i32
    %c0_i32_0 = arith.constant 0 : i32
    %c0_i32_1 = arith.constant 0 : i32
    return %c4_i32, %c0_i32, %c0_i32_0 : i32, i32, i32
  }
  func.func @transform_5(%arg0: i32, %arg1: i32) -> (i32, i32, i32) {
    %c4_i32 = arith.constant 4 : i32
    %c0_i32 = arith.constant 0 : i32
    %c0_i32_0 = arith.constant 0 : i32
    %c0_i32_1 = arith.constant 0 : i32
    return %c4_i32, %c0_i32, %c0_i32_0 : i32, i32, i32
  }
  func.func @transform_6(%arg0: i32, %arg1: i32) -> (i32, i32, i32) {
    %c4_i32 = arith.constant 4 : i32
    %c0_i32 = arith.constant 0 : i32
    %c0_i32_0 = arith.constant 0 : i32
    %c0_i32_1 = arith.constant 0 : i32
    return %c4_i32, %c0_i32, %c0_i32_0 : i32, i32, i32
  }
  func.func @transform_7(%arg0: i32, %arg1: i32) -> (i32, i32, i32) {
    %c4_i32 = arith.constant 4 : i32
    %c0_i32 = arith.constant 0 : i32
    %c0_i32_0 = arith.constant 0 : i32
    %c0_i32_1 = arith.constant 0 : i32
    return %c4_i32, %c0_i32, %c0_i32_0 : i32, i32, i32
  }
  func.func @transform_8(%arg0: i32, %arg1: i32) -> (i32, i32, i32) {
    %c4_i32 = arith.constant 4 : i32
    %c0_i32 = arith.constant 0 : i32
    %c0_i32_0 = arith.constant 0 : i32
    %c0_i32_1 = arith.constant 0 : i32
    return %c4_i32, %c0_i32, %c0_i32_0 : i32, i32, i32
  }
  func.func @transform_9(%arg0: i32, %arg1: i32) -> (i32, i32, i32) {
    %c0_i32 = arith.constant 0 : i32
    %c0_i32_0 = arith.constant 0 : i32
    return %arg0, %arg1, %c0_i32 : i32, i32, i32
  }
  func.func @transform_10(%arg0: i32, %arg1: i32) -> (i32, i32, i32) {
    %c0_i32 = arith.constant 0 : i32
    %c0_i32_0 = arith.constant 0 : i32
    return %arg0, %arg1, %c0_i32 : i32, i32, i32
  }
  func.func @transform_11(%arg0: i32, %arg1: i32) -> (i32, i32, i32) {
    %c0_i32 = arith.constant 0 : i32
    %c0_i32_0 = arith.constant 0 : i32
    return %arg0, %arg1, %c0_i32 : i32, i32, i32
  }
}

module attributes {stable_mosaic.version = 14 : i64} {
  func.func @body(%arg0: i32, %arg1: i32, %arg2: memref<1x256x768xbf16, #tpu.memory_space<vmem>>, %arg3: memref<1x2048x768xbf16, #tpu.memory_space<vmem>>, %arg4: memref<1x2048x768xbf16, #tpu.memory_space<vmem>>, %arg5: memref<1x256x768xf32, #tpu.memory_space<vmem>>, %arg6: memref<1x768x768xf32, #tpu.memory_space<vmem>>, %arg7: memref<1x1x768xf32, #tpu.memory_space<vmem>>, %arg8: memref<1x256x768xf32, #tpu.memory_space<vmem>>) attributes {dimension_semantics = [#tpu.dimension_semantics<parallel>, #tpu.dimension_semantics<parallel>], iteration_bounds = array<i64: 2, 8>, scalar_prefetch = 0 : i64, scratch_operands = 0 : i64, tpu.core_type = #tpu.core_type<tc>, window_params = [{transform_indices = @transform_0, window_bounds = array<i64: 1, 256, 768>}, {transform_indices = @transform_1, window_bounds = array<i64: 1, 2048, 768>}, {transform_indices = @transform_2, window_bounds = array<i64: 1, 2048, 768>}, {transform_indices = @transform_3, window_bounds = array<i64: 1, 256, 768>}, {transform_indices = @transform_4, window_bounds = array<i64: 1, 768, 768>}, {transform_indices = @transform_5, window_bounds = array<i64: 1, 1, 768>}, {transform_indices = @transform_6, window_bounds = array<i64: 1, 256, 768>}]} {
    %get3A = arith.constant 0 : index
    %get3A_0 = arith.constant 0 : index
    %get3A_1 = arith.constant 0 : index
    %get3A_2 = vector.load %arg5[%get3A, %get3A_0, %get3A_1] : memref<1x256x768xf32, #tpu.memory_space<vmem>>, vector<1x256x768xf32>
    %get3A_3 = vector.shape_cast %get3A_2 : vector<1x256x768xf32> to vector<256x768xf32>
    %get3A_4 = arith.constant 0 : index
    %get3A_5 = arith.constant 0 : index
    %get3A_6 = arith.constant 0 : index
    %get3A_7 = vector.load %arg7[%get3A_4, %get3A_5, %get3A_6] : memref<1x1x768xf32, #tpu.memory_space<vmem>>, vector<1x1x768xf32>
    %get3A_8 = vector.shape_cast %get3A_7 : vector<1x1x768xf32> to vector<1x768xf32>
    %add3A = vector.broadcast %get3A_8 : vector<1x768xf32> to vector<256x768xf32>
    %add3A_9 = arith.addf %get3A_3, %add3A : vector<256x768xf32>
    %broadcast_in_dim3A = arith.constant 1.000000e+00 : bf16
    %broadcast_in_dim3A_10 = vector.broadcast %broadcast_in_dim3A : bf16 to vector<2048x1xbf16>
    %get3A_11 = arith.constant 0 : index
    %get3A_12 = arith.constant 0 : index
    %get3A_13 = arith.constant 0 : index
    %get3A_14 = vector.load %arg2[%get3A_11, %get3A_12, %get3A_13] : memref<1x256x768xbf16, #tpu.memory_space<vmem>>, vector<1x256x768xbf16>
    %get3A_15 = vector.shape_cast %get3A_14 : vector<1x256x768xbf16> to vector<256x768xbf16>
    %slice3A = vector.extract_strided_slice %get3A_15 {offsets = [0, 0], sizes = [256, 96], strides = [1, 1]} : vector<256x768xbf16> to vector<256x96xbf16>
    %get3A_16 = arith.constant 0 : index
    %get3A_17 = arith.constant 0 : index
    %get3A_18 = arith.constant 0 : index
    %get3A_19 = vector.load %arg3[%get3A_16, %get3A_17, %get3A_18] : memref<1x2048x768xbf16, #tpu.memory_space<vmem>>, vector<1x2048x768xbf16>
    %get3A_20 = vector.shape_cast %get3A_19 : vector<1x2048x768xbf16> to vector<2048x768xbf16>
    %slice3A_21 = vector.extract_strided_slice %get3A_20 {offsets = [0, 0], sizes = [2048, 96], strides = [1, 1]} : vector<2048x768xbf16> to vector<2048x96xbf16>
    %get3A_22 = arith.constant 0 : index
    %get3A_23 = arith.constant 0 : index
    %get3A_24 = arith.constant 0 : index
    %get3A_25 = vector.load %arg4[%get3A_22, %get3A_23, %get3A_24] : memref<1x2048x768xbf16, #tpu.memory_space<vmem>>, vector<1x2048x768xbf16>
    %get3A_26 = vector.shape_cast %get3A_25 : vector<1x2048x768xbf16> to vector<2048x768xbf16>
    %slice3A_27 = vector.extract_strided_slice %get3A_26 {offsets = [0, 0], sizes = [2048, 96], strides = [1, 1]} : vector<2048x768xbf16> to vector<2048x96xbf16>
    %concatenate3A = tpu.concatenate %slice3A_27, %broadcast_in_dim3A_10 in 1 : vector<2048x96xbf16>, vector<2048x1xbf16> -> vector<2048x97xbf16>
    %dot_general3A = arith.constant dense<0.000000e+00> : vector<256x2048xf32>
    %dot_general3A_28 = tpu.matmul %slice3A, %slice3A_21, %dot_general3A {dimension_numbers = #tpu.dot_dimension_numbers<[1], [1], [0], [0], [0, 0, 1, 0], [], []>, transpose_lhs_hint = false} : vector<256x96xbf16>, vector<2048x96xbf16>, vector<256x2048xf32> -> vector<256x2048xf32>
    %reduce_max3A = arith.constant dense<0xFF800000> : vector<256xf32>
    %reduce_max3A_29 = vector.multi_reduction <maximumf>, %dot_general3A_28, %reduce_max3A [1] : vector<256x2048xf32> to vector<256xf32>
    %broadcast_in_dim3A_30 = vector.shape_cast %reduce_max3A_29 : vector<256xf32> to vector<256x1xf32>
    %sub3A = vector.broadcast %broadcast_in_dim3A_30 : vector<256x1xf32> to vector<256x2048xf32>
    %sub3A_31 = arith.subf %dot_general3A_28, %sub3A : vector<256x2048xf32>
    %exp23A = math.exp2 %sub3A_31 : vector<256x2048xf32>
    %convert_element_type3A = arith.truncf %exp23A : vector<256x2048xf32> to vector<256x2048xbf16>
    %dot_general3A_32 = arith.constant dense<0.000000e+00> : vector<256x97xf32>
    %dot_general3A_33 = tpu.matmul %convert_element_type3A, %concatenate3A, %dot_general3A_32 {dimension_numbers = #tpu.dot_dimension_numbers<[1], [0], [0], [1], [0, 0, 1, 1], [], []>, transpose_lhs_hint = false} : vector<256x2048xbf16>, vector<2048x97xbf16>, vector<256x97xf32> -> vector<256x97xf32>
    %slice3A_34 = vector.extract_strided_slice %dot_general3A_33 {offsets = [0, 0], sizes = [256, 96], strides = [1, 1]} : vector<256x97xf32> to vector<256x96xf32>
    %slice3A_35 = vector.extract_strided_slice %dot_general3A_33 {offsets = [0, 96], sizes = [256, 1], strides = [1, 1]} : vector<256x97xf32> to vector<256x1xf32>
    %div3A = arith.constant 1.000000e+00 : f32
    %div3A_36 = vector.broadcast %div3A : f32 to vector<256x1xf32>
    %div3A_37 = arith.divf %div3A_36, %slice3A_35 : vector<256x1xf32>
    %mul3A = vector.broadcast %div3A_37 : vector<256x1xf32> to vector<256x96xf32>
    %mul3A_38 = arith.mulf %slice3A_34, %mul3A : vector<256x96xf32>
    %get3A_39 = arith.constant 0 : index
    %get3A_40 = arith.constant 0 : index
    %get3A_41 = arith.constant 0 : index
    %get3A_42 = vector.load %arg6[%get3A_39, %get3A_40, %get3A_41] : memref<1x768x768xf32, #tpu.memory_space<vmem>>, vector<1x768x768xf32>
    %get3A_43 = vector.shape_cast %get3A_42 : vector<1x768x768xf32> to vector<768x768xf32>
    %slice3A_44 = vector.extract_strided_slice %get3A_43 {offsets = [0, 0], sizes = [96, 768], strides = [1, 1]} : vector<768x768xf32> to vector<96x768xf32>
    %dot_general3A_45 = arith.constant dense<0.000000e+00> : vector<256x768xf32>
    %dot_general3A_46 = tpu.matmul %mul3A_38, %slice3A_44, %dot_general3A_45 {dimension_numbers = #tpu.dot_dimension_numbers<[1], [0], [0], [1], [0, 0, 1, 1], [], []>, transpose_lhs_hint = false} : vector<256x96xf32>, vector<96x768xf32>, vector<256x768xf32> -> vector<256x768xf32>
    %add3A_47 = arith.addf %add3A_9, %dot_general3A_46 : vector<256x768xf32>
    %get3A_48 = arith.constant 0 : index
    %get3A_49 = arith.constant 0 : index
    %get3A_50 = arith.constant 0 : index
    %get3A_51 = vector.load %arg2[%get3A_48, %get3A_49, %get3A_50] : memref<1x256x768xbf16, #tpu.memory_space<vmem>>, vector<1x256x768xbf16>
    %get3A_52 = vector.shape_cast %get3A_51 : vector<1x256x768xbf16> to vector<256x768xbf16>
    %slice3A_53 = vector.extract_strided_slice %get3A_52 {offsets = [0, 96], sizes = [256, 96], strides = [1, 1]} : vector<256x768xbf16> to vector<256x96xbf16>
    %get3A_54 = arith.constant 0 : index
    %get3A_55 = arith.constant 0 : index
    %get3A_56 = arith.constant 0 : index
    %get3A_57 = vector.load %arg3[%get3A_54, %get3A_55, %get3A_56] : memref<1x2048x768xbf16, #tpu.memory_space<vmem>>, vector<1x2048x768xbf16>
    %get3A_58 = vector.shape_cast %get3A_57 : vector<1x2048x768xbf16> to vector<2048x768xbf16>
    %slice3A_59 = vector.extract_strided_slice %get3A_58 {offsets = [0, 96], sizes = [2048, 96], strides = [1, 1]} : vector<2048x768xbf16> to vector<2048x96xbf16>
    %get3A_60 = arith.constant 0 : index
    %get3A_61 = arith.constant 0 : index
    %get3A_62 = arith.constant 0 : index
    %get3A_63 = vector.load %arg4[%get3A_60, %get3A_61, %get3A_62] : memref<1x2048x768xbf16, #tpu.memory_space<vmem>>, vector<1x2048x768xbf16>
    %get3A_64 = vector.shape_cast %get3A_63 : vector<1x2048x768xbf16> to vector<2048x768xbf16>
    %slice3A_65 = vector.extract_strided_slice %get3A_64 {offsets = [0, 96], sizes = [2048, 96], strides = [1, 1]} : vector<2048x768xbf16> to vector<2048x96xbf16>
    %concatenate3A_66 = tpu.concatenate %slice3A_65, %broadcast_in_dim3A_10 in 1 : vector<2048x96xbf16>, vector<2048x1xbf16> -> vector<2048x97xbf16>
    %dot_general3A_67 = arith.constant dense<0.000000e+00> : vector<256x2048xf32>
    %dot_general3A_68 = tpu.matmul %slice3A_53, %slice3A_59, %dot_general3A_67 {dimension_numbers = #tpu.dot_dimension_numbers<[1], [1], [0], [0], [0, 0, 1, 0], [], []>, transpose_lhs_hint = false} : vector<256x96xbf16>, vector<2048x96xbf16>, vector<256x2048xf32> -> vector<256x2048xf32>
    %reduce_max3A_69 = arith.constant dense<0xFF800000> : vector<256xf32>
    %reduce_max3A_70 = vector.multi_reduction <maximumf>, %dot_general3A_68, %reduce_max3A_69 [1] : vector<256x2048xf32> to vector<256xf32>
    %broadcast_in_dim3A_71 = vector.shape_cast %reduce_max3A_70 : vector<256xf32> to vector<256x1xf32>
    %sub3A_72 = vector.broadcast %broadcast_in_dim3A_71 : vector<256x1xf32> to vector<256x2048xf32>
    %sub3A_73 = arith.subf %dot_general3A_68, %sub3A_72 : vector<256x2048xf32>
    %exp23A_74 = math.exp2 %sub3A_73 : vector<256x2048xf32>
    %convert_element_type3A_75 = arith.truncf %exp23A_74 : vector<256x2048xf32> to vector<256x2048xbf16>
    %dot_general3A_76 = arith.constant dense<0.000000e+00> : vector<256x97xf32>
    %dot_general3A_77 = tpu.matmul %convert_element_type3A_75, %concatenate3A_66, %dot_general3A_76 {dimension_numbers = #tpu.dot_dimension_numbers<[1], [0], [0], [1], [0, 0, 1, 1], [], []>, transpose_lhs_hint = false} : vector<256x2048xbf16>, vector<2048x97xbf16>, vector<256x97xf32> -> vector<256x97xf32>
    %slice3A_78 = vector.extract_strided_slice %dot_general3A_77 {offsets = [0, 0], sizes = [256, 96], strides = [1, 1]} : vector<256x97xf32> to vector<256x96xf32>
    %slice3A_79 = vector.extract_strided_slice %dot_general3A_77 {offsets = [0, 96], sizes = [256, 1], strides = [1, 1]} : vector<256x97xf32> to vector<256x1xf32>
    %div3A_80 = arith.constant 1.000000e+00 : f32
    %div3A_81 = vector.broadcast %div3A_80 : f32 to vector<256x1xf32>
    %div3A_82 = arith.divf %div3A_81, %slice3A_79 : vector<256x1xf32>
    %mul3A_83 = vector.broadcast %div3A_82 : vector<256x1xf32> to vector<256x96xf32>
    %mul3A_84 = arith.mulf %slice3A_78, %mul3A_83 : vector<256x96xf32>
    %get3A_85 = arith.constant 0 : index
    %get3A_86 = arith.constant 0 : index
    %get3A_87 = arith.constant 0 : index
    %get3A_88 = vector.load %arg6[%get3A_85, %get3A_86, %get3A_87] : memref<1x768x768xf32, #tpu.memory_space<vmem>>, vector<1x768x768xf32>
    %get3A_89 = vector.shape_cast %get3A_88 : vector<1x768x768xf32> to vector<768x768xf32>
    %slice3A_90 = vector.extract_strided_slice %get3A_89 {offsets = [96, 0], sizes = [96, 768], strides = [1, 1]} : vector<768x768xf32> to vector<96x768xf32>
    %dot_general3A_91 = arith.constant dense<0.000000e+00> : vector<256x768xf32>
    %dot_general3A_92 = tpu.matmul %mul3A_84, %slice3A_90, %dot_general3A_91 {dimension_numbers = #tpu.dot_dimension_numbers<[1], [0], [0], [1], [0, 0, 1, 1], [], []>, transpose_lhs_hint = false} : vector<256x96xf32>, vector<96x768xf32>, vector<256x768xf32> -> vector<256x768xf32>
    %add3A_93 = arith.addf %add3A_47, %dot_general3A_92 : vector<256x768xf32>
    %get3A_94 = arith.constant 0 : index
    %get3A_95 = arith.constant 0 : index
    %get3A_96 = arith.constant 0 : index
    %get3A_97 = vector.load %arg2[%get3A_94, %get3A_95, %get3A_96] : memref<1x256x768xbf16, #tpu.memory_space<vmem>>, vector<1x256x768xbf16>
    %get3A_98 = vector.shape_cast %get3A_97 : vector<1x256x768xbf16> to vector<256x768xbf16>
    %slice3A_99 = vector.extract_strided_slice %get3A_98 {offsets = [0, 192], sizes = [256, 96], strides = [1, 1]} : vector<256x768xbf16> to vector<256x96xbf16>
    %get3A_100 = arith.constant 0 : index
    %get3A_101 = arith.constant 0 : index
    %get3A_102 = arith.constant 0 : index
    %get3A_103 = vector.load %arg3[%get3A_100, %get3A_101, %get3A_102] : memref<1x2048x768xbf16, #tpu.memory_space<vmem>>, vector<1x2048x768xbf16>
    %get3A_104 = vector.shape_cast %get3A_103 : vector<1x2048x768xbf16> to vector<2048x768xbf16>
    %slice3A_105 = vector.extract_strided_slice %get3A_104 {offsets = [0, 192], sizes = [2048, 96], strides = [1, 1]} : vector<2048x768xbf16> to vector<2048x96xbf16>
    %get3A_106 = arith.constant 0 : index
    %get3A_107 = arith.constant 0 : index
    %get3A_108 = arith.constant 0 : index
    %get3A_109 = vector.load %arg4[%get3A_106, %get3A_107, %get3A_108] : memref<1x2048x768xbf16, #tpu.memory_space<vmem>>, vector<1x2048x768xbf16>
    %get3A_110 = vector.shape_cast %get3A_109 : vector<1x2048x768xbf16> to vector<2048x768xbf16>
    %slice3A_111 = vector.extract_strided_slice %get3A_110 {offsets = [0, 192], sizes = [2048, 96], strides = [1, 1]} : vector<2048x768xbf16> to vector<2048x96xbf16>
    %concatenate3A_112 = tpu.concatenate %slice3A_111, %broadcast_in_dim3A_10 in 1 : vector<2048x96xbf16>, vector<2048x1xbf16> -> vector<2048x97xbf16>
    %dot_general3A_113 = arith.constant dense<0.000000e+00> : vector<256x2048xf32>
    %dot_general3A_114 = tpu.matmul %slice3A_99, %slice3A_105, %dot_general3A_113 {dimension_numbers = #tpu.dot_dimension_numbers<[1], [1], [0], [0], [0, 0, 1, 0], [], []>, transpose_lhs_hint = false} : vector<256x96xbf16>, vector<2048x96xbf16>, vector<256x2048xf32> -> vector<256x2048xf32>
    %reduce_max3A_115 = arith.constant dense<0xFF800000> : vector<256xf32>
    %reduce_max3A_116 = vector.multi_reduction <maximumf>, %dot_general3A_114, %reduce_max3A_115 [1] : vector<256x2048xf32> to vector<256xf32>
    %broadcast_in_dim3A_117 = vector.shape_cast %reduce_max3A_116 : vector<256xf32> to vector<256x1xf32>
    %sub3A_118 = vector.broadcast %broadcast_in_dim3A_117 : vector<256x1xf32> to vector<256x2048xf32>
    %sub3A_119 = arith.subf %dot_general3A_114, %sub3A_118 : vector<256x2048xf32>
    %exp23A_120 = math.exp2 %sub3A_119 : vector<256x2048xf32>
    %convert_element_type3A_121 = arith.truncf %exp23A_120 : vector<256x2048xf32> to vector<256x2048xbf16>
    %dot_general3A_122 = arith.constant dense<0.000000e+00> : vector<256x97xf32>
    %dot_general3A_123 = tpu.matmul %convert_element_type3A_121, %concatenate3A_112, %dot_general3A_122 {dimension_numbers = #tpu.dot_dimension_numbers<[1], [0], [0], [1], [0, 0, 1, 1], [], []>, transpose_lhs_hint = false} : vector<256x2048xbf16>, vector<2048x97xbf16>, vector<256x97xf32> -> vector<256x97xf32>
    %slice3A_124 = vector.extract_strided_slice %dot_general3A_123 {offsets = [0, 0], sizes = [256, 96], strides = [1, 1]} : vector<256x97xf32> to vector<256x96xf32>
    %slice3A_125 = vector.extract_strided_slice %dot_general3A_123 {offsets = [0, 96], sizes = [256, 1], strides = [1, 1]} : vector<256x97xf32> to vector<256x1xf32>
    %div3A_126 = arith.constant 1.000000e+00 : f32
    %div3A_127 = vector.broadcast %div3A_126 : f32 to vector<256x1xf32>
    %div3A_128 = arith.divf %div3A_127, %slice3A_125 : vector<256x1xf32>
    %mul3A_129 = vector.broadcast %div3A_128 : vector<256x1xf32> to vector<256x96xf32>
    %mul3A_130 = arith.mulf %slice3A_124, %mul3A_129 : vector<256x96xf32>
    %get3A_131 = arith.constant 0 : index
    %get3A_132 = arith.constant 0 : index
    %get3A_133 = arith.constant 0 : index
    %get3A_134 = vector.load %arg6[%get3A_131, %get3A_132, %get3A_133] : memref<1x768x768xf32, #tpu.memory_space<vmem>>, vector<1x768x768xf32>
    %get3A_135 = vector.shape_cast %get3A_134 : vector<1x768x768xf32> to vector<768x768xf32>
    %slice3A_136 = vector.extract_strided_slice %get3A_135 {offsets = [192, 0], sizes = [96, 768], strides = [1, 1]} : vector<768x768xf32> to vector<96x768xf32>
    %dot_general3A_137 = arith.constant dense<0.000000e+00> : vector<256x768xf32>
    %dot_general3A_138 = tpu.matmul %mul3A_130, %slice3A_136, %dot_general3A_137 {dimension_numbers = #tpu.dot_dimension_numbers<[1], [0], [0], [1], [0, 0, 1, 1], [], []>, transpose_lhs_hint = false} : vector<256x96xf32>, vector<96x768xf32>, vector<256x768xf32> -> vector<256x768xf32>
    %add3A_139 = arith.addf %add3A_93, %dot_general3A_138 : vector<256x768xf32>
    %get3A_140 = arith.constant 0 : index
    %get3A_141 = arith.constant 0 : index
    %get3A_142 = arith.constant 0 : index
    %get3A_143 = vector.load %arg2[%get3A_140, %get3A_141, %get3A_142] : memref<1x256x768xbf16, #tpu.memory_space<vmem>>, vector<1x256x768xbf16>
    %get3A_144 = vector.shape_cast %get3A_143 : vector<1x256x768xbf16> to vector<256x768xbf16>
    %slice3A_145 = vector.extract_strided_slice %get3A_144 {offsets = [0, 288], sizes = [256, 96], strides = [1, 1]} : vector<256x768xbf16> to vector<256x96xbf16>
    %get3A_146 = arith.constant 0 : index
    %get3A_147 = arith.constant 0 : index
    %get3A_148 = arith.constant 0 : index
    %get3A_149 = vector.load %arg3[%get3A_146, %get3A_147, %get3A_148] : memref<1x2048x768xbf16, #tpu.memory_space<vmem>>, vector<1x2048x768xbf16>
    %get3A_150 = vector.shape_cast %get3A_149 : vector<1x2048x768xbf16> to vector<2048x768xbf16>
    %slice3A_151 = vector.extract_strided_slice %get3A_150 {offsets = [0, 288], sizes = [2048, 96], strides = [1, 1]} : vector<2048x768xbf16> to vector<2048x96xbf16>
    %get3A_152 = arith.constant 0 : index
    %get3A_153 = arith.constant 0 : index
    %get3A_154 = arith.constant 0 : index
    %get3A_155 = vector.load %arg4[%get3A_152, %get3A_153, %get3A_154] : memref<1x2048x768xbf16, #tpu.memory_space<vmem>>, vector<1x2048x768xbf16>
    %get3A_156 = vector.shape_cast %get3A_155 : vector<1x2048x768xbf16> to vector<2048x768xbf16>
    %slice3A_157 = vector.extract_strided_slice %get3A_156 {offsets = [0, 288], sizes = [2048, 96], strides = [1, 1]} : vector<2048x768xbf16> to vector<2048x96xbf16>
    %concatenate3A_158 = tpu.concatenate %slice3A_157, %broadcast_in_dim3A_10 in 1 : vector<2048x96xbf16>, vector<2048x1xbf16> -> vector<2048x97xbf16>
    %dot_general3A_159 = arith.constant dense<0.000000e+00> : vector<256x2048xf32>
    %dot_general3A_160 = tpu.matmul %slice3A_145, %slice3A_151, %dot_general3A_159 {dimension_numbers = #tpu.dot_dimension_numbers<[1], [1], [0], [0], [0, 0, 1, 0], [], []>, transpose_lhs_hint = false} : vector<256x96xbf16>, vector<2048x96xbf16>, vector<256x2048xf32> -> vector<256x2048xf32>
    %reduce_max3A_161 = arith.constant dense<0xFF800000> : vector<256xf32>
    %reduce_max3A_162 = vector.multi_reduction <maximumf>, %dot_general3A_160, %reduce_max3A_161 [1] : vector<256x2048xf32> to vector<256xf32>
    %broadcast_in_dim3A_163 = vector.shape_cast %reduce_max3A_162 : vector<256xf32> to vector<256x1xf32>
    %sub3A_164 = vector.broadcast %broadcast_in_dim3A_163 : vector<256x1xf32> to vector<256x2048xf32>
    %sub3A_165 = arith.subf %dot_general3A_160, %sub3A_164 : vector<256x2048xf32>
    %exp23A_166 = math.exp2 %sub3A_165 : vector<256x2048xf32>
    %convert_element_type3A_167 = arith.truncf %exp23A_166 : vector<256x2048xf32> to vector<256x2048xbf16>
    %dot_general3A_168 = arith.constant dense<0.000000e+00> : vector<256x97xf32>
    %dot_general3A_169 = tpu.matmul %convert_element_type3A_167, %concatenate3A_158, %dot_general3A_168 {dimension_numbers = #tpu.dot_dimension_numbers<[1], [0], [0], [1], [0, 0, 1, 1], [], []>, transpose_lhs_hint = false} : vector<256x2048xbf16>, vector<2048x97xbf16>, vector<256x97xf32> -> vector<256x97xf32>
    %slice3A_170 = vector.extract_strided_slice %dot_general3A_169 {offsets = [0, 0], sizes = [256, 96], strides = [1, 1]} : vector<256x97xf32> to vector<256x96xf32>
    %slice3A_171 = vector.extract_strided_slice %dot_general3A_169 {offsets = [0, 96], sizes = [256, 1], strides = [1, 1]} : vector<256x97xf32> to vector<256x1xf32>
    %div3A_172 = arith.constant 1.000000e+00 : f32
    %div3A_173 = vector.broadcast %div3A_172 : f32 to vector<256x1xf32>
    %div3A_174 = arith.divf %div3A_173, %slice3A_171 : vector<256x1xf32>
    %mul3A_175 = vector.broadcast %div3A_174 : vector<256x1xf32> to vector<256x96xf32>
    %mul3A_176 = arith.mulf %slice3A_170, %mul3A_175 : vector<256x96xf32>
    %get3A_177 = arith.constant 0 : index
    %get3A_178 = arith.constant 0 : index
    %get3A_179 = arith.constant 0 : index
    %get3A_180 = vector.load %arg6[%get3A_177, %get3A_178, %get3A_179] : memref<1x768x768xf32, #tpu.memory_space<vmem>>, vector<1x768x768xf32>
    %get3A_181 = vector.shape_cast %get3A_180 : vector<1x768x768xf32> to vector<768x768xf32>
    %slice3A_182 = vector.extract_strided_slice %get3A_181 {offsets = [288, 0], sizes = [96, 768], strides = [1, 1]} : vector<768x768xf32> to vector<96x768xf32>
    %dot_general3A_183 = arith.constant dense<0.000000e+00> : vector<256x768xf32>
    %dot_general3A_184 = tpu.matmul %mul3A_176, %slice3A_182, %dot_general3A_183 {dimension_numbers = #tpu.dot_dimension_numbers<[1], [0], [0], [1], [0, 0, 1, 1], [], []>, transpose_lhs_hint = false} : vector<256x96xf32>, vector<96x768xf32>, vector<256x768xf32> -> vector<256x768xf32>
    %add3A_185 = arith.addf %add3A_139, %dot_general3A_184 : vector<256x768xf32>
    %get3A_186 = arith.constant 0 : index
    %get3A_187 = arith.constant 0 : index
    %get3A_188 = arith.constant 0 : index
    %get3A_189 = vector.load %arg2[%get3A_186, %get3A_187, %get3A_188] : memref<1x256x768xbf16, #tpu.memory_space<vmem>>, vector<1x256x768xbf16>
    %get3A_190 = vector.shape_cast %get3A_189 : vector<1x256x768xbf16> to vector<256x768xbf16>
    %slice3A_191 = vector.extract_strided_slice %get3A_190 {offsets = [0, 384], sizes = [256, 96], strides = [1, 1]} : vector<256x768xbf16> to vector<256x96xbf16>
    %get3A_192 = arith.constant 0 : index
    %get3A_193 = arith.constant 0 : index
    %get3A_194 = arith.constant 0 : index
    %get3A_195 = vector.load %arg3[%get3A_192, %get3A_193, %get3A_194] : memref<1x2048x768xbf16, #tpu.memory_space<vmem>>, vector<1x2048x768xbf16>
    %get3A_196 = vector.shape_cast %get3A_195 : vector<1x2048x768xbf16> to vector<2048x768xbf16>
    %slice3A_197 = vector.extract_strided_slice %get3A_196 {offsets = [0, 384], sizes = [2048, 96], strides = [1, 1]} : vector<2048x768xbf16> to vector<2048x96xbf16>
    %get3A_198 = arith.constant 0 : index
    %get3A_199 = arith.constant 0 : index
    %get3A_200 = arith.constant 0 : index
    %get3A_201 = vector.load %arg4[%get3A_198, %get3A_199, %get3A_200] : memref<1x2048x768xbf16, #tpu.memory_space<vmem>>, vector<1x2048x768xbf16>
    %get3A_202 = vector.shape_cast %get3A_201 : vector<1x2048x768xbf16> to vector<2048x768xbf16>
    %slice3A_203 = vector.extract_strided_slice %get3A_202 {offsets = [0, 384], sizes = [2048, 96], strides = [1, 1]} : vector<2048x768xbf16> to vector<2048x96xbf16>
    %concatenate3A_204 = tpu.concatenate %slice3A_203, %broadcast_in_dim3A_10 in 1 : vector<2048x96xbf16>, vector<2048x1xbf16> -> vector<2048x97xbf16>
    %dot_general3A_205 = arith.constant dense<0.000000e+00> : vector<256x2048xf32>
    %dot_general3A_206 = tpu.matmul %slice3A_191, %slice3A_197, %dot_general3A_205 {dimension_numbers = #tpu.dot_dimension_numbers<[1], [1], [0], [0], [0, 0, 1, 0], [], []>, transpose_lhs_hint = false} : vector<256x96xbf16>, vector<2048x96xbf16>, vector<256x2048xf32> -> vector<256x2048xf32>
    %reduce_max3A_207 = arith.constant dense<0xFF800000> : vector<256xf32>
    %reduce_max3A_208 = vector.multi_reduction <maximumf>, %dot_general3A_206, %reduce_max3A_207 [1] : vector<256x2048xf32> to vector<256xf32>
    %broadcast_in_dim3A_209 = vector.shape_cast %reduce_max3A_208 : vector<256xf32> to vector<256x1xf32>
    %sub3A_210 = vector.broadcast %broadcast_in_dim3A_209 : vector<256x1xf32> to vector<256x2048xf32>
    %sub3A_211 = arith.subf %dot_general3A_206, %sub3A_210 : vector<256x2048xf32>
    %exp23A_212 = math.exp2 %sub3A_211 : vector<256x2048xf32>
    %convert_element_type3A_213 = arith.truncf %exp23A_212 : vector<256x2048xf32> to vector<256x2048xbf16>
    %dot_general3A_214 = arith.constant dense<0.000000e+00> : vector<256x97xf32>
    %dot_general3A_215 = tpu.matmul %convert_element_type3A_213, %concatenate3A_204, %dot_general3A_214 {dimension_numbers = #tpu.dot_dimension_numbers<[1], [0], [0], [1], [0, 0, 1, 1], [], []>, transpose_lhs_hint = false} : vector<256x2048xbf16>, vector<2048x97xbf16>, vector<256x97xf32> -> vector<256x97xf32>
    %slice3A_216 = vector.extract_strided_slice %dot_general3A_215 {offsets = [0, 0], sizes = [256, 96], strides = [1, 1]} : vector<256x97xf32> to vector<256x96xf32>
    %slice3A_217 = vector.extract_strided_slice %dot_general3A_215 {offsets = [0, 96], sizes = [256, 1], strides = [1, 1]} : vector<256x97xf32> to vector<256x1xf32>
    %div3A_218 = arith.constant 1.000000e+00 : f32
    %div3A_219 = vector.broadcast %div3A_218 : f32 to vector<256x1xf32>
    %div3A_220 = arith.divf %div3A_219, %slice3A_217 : vector<256x1xf32>
    %mul3A_221 = vector.broadcast %div3A_220 : vector<256x1xf32> to vector<256x96xf32>
    %mul3A_222 = arith.mulf %slice3A_216, %mul3A_221 : vector<256x96xf32>
    %get3A_223 = arith.constant 0 : index
    %get3A_224 = arith.constant 0 : index
    %get3A_225 = arith.constant 0 : index
    %get3A_226 = vector.load %arg6[%get3A_223, %get3A_224, %get3A_225] : memref<1x768x768xf32, #tpu.memory_space<vmem>>, vector<1x768x768xf32>
    %get3A_227 = vector.shape_cast %get3A_226 : vector<1x768x768xf32> to vector<768x768xf32>
    %slice3A_228 = vector.extract_strided_slice %get3A_227 {offsets = [384, 0], sizes = [96, 768], strides = [1, 1]} : vector<768x768xf32> to vector<96x768xf32>
    %dot_general3A_229 = arith.constant dense<0.000000e+00> : vector<256x768xf32>
    %dot_general3A_230 = tpu.matmul %mul3A_222, %slice3A_228, %dot_general3A_229 {dimension_numbers = #tpu.dot_dimension_numbers<[1], [0], [0], [1], [0, 0, 1, 1], [], []>, transpose_lhs_hint = false} : vector<256x96xf32>, vector<96x768xf32>, vector<256x768xf32> -> vector<256x768xf32>
    %add3A_231 = arith.addf %add3A_185, %dot_general3A_230 : vector<256x768xf32>
    %get3A_232 = arith.constant 0 : index
    %get3A_233 = arith.constant 0 : index
    %get3A_234 = arith.constant 0 : index
    %get3A_235 = vector.load %arg2[%get3A_232, %get3A_233, %get3A_234] : memref<1x256x768xbf16, #tpu.memory_space<vmem>>, vector<1x256x768xbf16>
    %get3A_236 = vector.shape_cast %get3A_235 : vector<1x256x768xbf16> to vector<256x768xbf16>
    %slice3A_237 = vector.extract_strided_slice %get3A_236 {offsets = [0, 480], sizes = [256, 96], strides = [1, 1]} : vector<256x768xbf16> to vector<256x96xbf16>
    %get3A_238 = arith.constant 0 : index
    %get3A_239 = arith.constant 0 : index
    %get3A_240 = arith.constant 0 : index
    %get3A_241 = vector.load %arg3[%get3A_238, %get3A_239, %get3A_240] : memref<1x2048x768xbf16, #tpu.memory_space<vmem>>, vector<1x2048x768xbf16>
    %get3A_242 = vector.shape_cast %get3A_241 : vector<1x2048x768xbf16> to vector<2048x768xbf16>
    %slice3A_243 = vector.extract_strided_slice %get3A_242 {offsets = [0, 480], sizes = [2048, 96], strides = [1, 1]} : vector<2048x768xbf16> to vector<2048x96xbf16>
    %get3A_244 = arith.constant 0 : index
    %get3A_245 = arith.constant 0 : index
    %get3A_246 = arith.constant 0 : index
    %get3A_247 = vector.load %arg4[%get3A_244, %get3A_245, %get3A_246] : memref<1x2048x768xbf16, #tpu.memory_space<vmem>>, vector<1x2048x768xbf16>
    %get3A_248 = vector.shape_cast %get3A_247 : vector<1x2048x768xbf16> to vector<2048x768xbf16>
    %slice3A_249 = vector.extract_strided_slice %get3A_248 {offsets = [0, 480], sizes = [2048, 96], strides = [1, 1]} : vector<2048x768xbf16> to vector<2048x96xbf16>
    %concatenate3A_250 = tpu.concatenate %slice3A_249, %broadcast_in_dim3A_10 in 1 : vector<2048x96xbf16>, vector<2048x1xbf16> -> vector<2048x97xbf16>
    %dot_general3A_251 = arith.constant dense<0.000000e+00> : vector<256x2048xf32>
    %dot_general3A_252 = tpu.matmul %slice3A_237, %slice3A_243, %dot_general3A_251 {dimension_numbers = #tpu.dot_dimension_numbers<[1], [1], [0], [0], [0, 0, 1, 0], [], []>, transpose_lhs_hint = false} : vector<256x96xbf16>, vector<2048x96xbf16>, vector<256x2048xf32> -> vector<256x2048xf32>
    %reduce_max3A_253 = arith.constant dense<0xFF800000> : vector<256xf32>
    %reduce_max3A_254 = vector.multi_reduction <maximumf>, %dot_general3A_252, %reduce_max3A_253 [1] : vector<256x2048xf32> to vector<256xf32>
    %broadcast_in_dim3A_255 = vector.shape_cast %reduce_max3A_254 : vector<256xf32> to vector<256x1xf32>
    %sub3A_256 = vector.broadcast %broadcast_in_dim3A_255 : vector<256x1xf32> to vector<256x2048xf32>
    %sub3A_257 = arith.subf %dot_general3A_252, %sub3A_256 : vector<256x2048xf32>
    %exp23A_258 = math.exp2 %sub3A_257 : vector<256x2048xf32>
    %convert_element_type3A_259 = arith.truncf %exp23A_258 : vector<256x2048xf32> to vector<256x2048xbf16>
    %dot_general3A_260 = arith.constant dense<0.000000e+00> : vector<256x97xf32>
    %dot_general3A_261 = tpu.matmul %convert_element_type3A_259, %concatenate3A_250, %dot_general3A_260 {dimension_numbers = #tpu.dot_dimension_numbers<[1], [0], [0], [1], [0, 0, 1, 1], [], []>, transpose_lhs_hint = false} : vector<256x2048xbf16>, vector<2048x97xbf16>, vector<256x97xf32> -> vector<256x97xf32>
    %slice3A_262 = vector.extract_strided_slice %dot_general3A_261 {offsets = [0, 0], sizes = [256, 96], strides = [1, 1]} : vector<256x97xf32> to vector<256x96xf32>
    %slice3A_263 = vector.extract_strided_slice %dot_general3A_261 {offsets = [0, 96], sizes = [256, 1], strides = [1, 1]} : vector<256x97xf32> to vector<256x1xf32>
    %div3A_264 = arith.constant 1.000000e+00 : f32
    %div3A_265 = vector.broadcast %div3A_264 : f32 to vector<256x1xf32>
    %div3A_266 = arith.divf %div3A_265, %slice3A_263 : vector<256x1xf32>
    %mul3A_267 = vector.broadcast %div3A_266 : vector<256x1xf32> to vector<256x96xf32>
    %mul3A_268 = arith.mulf %slice3A_262, %mul3A_267 : vector<256x96xf32>
    %get3A_269 = arith.constant 0 : index
    %get3A_270 = arith.constant 0 : index
    %get3A_271 = arith.constant 0 : index
    %get3A_272 = vector.load %arg6[%get3A_269, %get3A_270, %get3A_271] : memref<1x768x768xf32, #tpu.memory_space<vmem>>, vector<1x768x768xf32>
    %get3A_273 = vector.shape_cast %get3A_272 : vector<1x768x768xf32> to vector<768x768xf32>
    %slice3A_274 = vector.extract_strided_slice %get3A_273 {offsets = [480, 0], sizes = [96, 768], strides = [1, 1]} : vector<768x768xf32> to vector<96x768xf32>
    %dot_general3A_275 = arith.constant dense<0.000000e+00> : vector<256x768xf32>
    %dot_general3A_276 = tpu.matmul %mul3A_268, %slice3A_274, %dot_general3A_275 {dimension_numbers = #tpu.dot_dimension_numbers<[1], [0], [0], [1], [0, 0, 1, 1], [], []>, transpose_lhs_hint = false} : vector<256x96xf32>, vector<96x768xf32>, vector<256x768xf32> -> vector<256x768xf32>
    %add3A_277 = arith.addf %add3A_231, %dot_general3A_276 : vector<256x768xf32>
    %get3A_278 = arith.constant 0 : index
    %get3A_279 = arith.constant 0 : index
    %get3A_280 = arith.constant 0 : index
    %get3A_281 = vector.load %arg2[%get3A_278, %get3A_279, %get3A_280] : memref<1x256x768xbf16, #tpu.memory_space<vmem>>, vector<1x256x768xbf16>
    %get3A_282 = vector.shape_cast %get3A_281 : vector<1x256x768xbf16> to vector<256x768xbf16>
    %slice3A_283 = vector.extract_strided_slice %get3A_282 {offsets = [0, 576], sizes = [256, 96], strides = [1, 1]} : vector<256x768xbf16> to vector<256x96xbf16>
    %get3A_284 = arith.constant 0 : index
    %get3A_285 = arith.constant 0 : index
    %get3A_286 = arith.constant 0 : index
    %get3A_287 = vector.load %arg3[%get3A_284, %get3A_285, %get3A_286] : memref<1x2048x768xbf16, #tpu.memory_space<vmem>>, vector<1x2048x768xbf16>
    %get3A_288 = vector.shape_cast %get3A_287 : vector<1x2048x768xbf16> to vector<2048x768xbf16>
    %slice3A_289 = vector.extract_strided_slice %get3A_288 {offsets = [0, 576], sizes = [2048, 96], strides = [1, 1]} : vector<2048x768xbf16> to vector<2048x96xbf16>
    %get3A_290 = arith.constant 0 : index
    %get3A_291 = arith.constant 0 : index
    %get3A_292 = arith.constant 0 : index
    %get3A_293 = vector.load %arg4[%get3A_290, %get3A_291, %get3A_292] : memref<1x2048x768xbf16, #tpu.memory_space<vmem>>, vector<1x2048x768xbf16>
    %get3A_294 = vector.shape_cast %get3A_293 : vector<1x2048x768xbf16> to vector<2048x768xbf16>
    %slice3A_295 = vector.extract_strided_slice %get3A_294 {offsets = [0, 576], sizes = [2048, 96], strides = [1, 1]} : vector<2048x768xbf16> to vector<2048x96xbf16>
    %concatenate3A_296 = tpu.concatenate %slice3A_295, %broadcast_in_dim3A_10 in 1 : vector<2048x96xbf16>, vector<2048x1xbf16> -> vector<2048x97xbf16>
    %dot_general3A_297 = arith.constant dense<0.000000e+00> : vector<256x2048xf32>
    %dot_general3A_298 = tpu.matmul %slice3A_283, %slice3A_289, %dot_general3A_297 {dimension_numbers = #tpu.dot_dimension_numbers<[1], [1], [0], [0], [0, 0, 1, 0], [], []>, transpose_lhs_hint = false} : vector<256x96xbf16>, vector<2048x96xbf16>, vector<256x2048xf32> -> vector<256x2048xf32>
    %reduce_max3A_299 = arith.constant dense<0xFF800000> : vector<256xf32>
    %reduce_max3A_300 = vector.multi_reduction <maximumf>, %dot_general3A_298, %reduce_max3A_299 [1] : vector<256x2048xf32> to vector<256xf32>
    %broadcast_in_dim3A_301 = vector.shape_cast %reduce_max3A_300 : vector<256xf32> to vector<256x1xf32>
    %sub3A_302 = vector.broadcast %broadcast_in_dim3A_301 : vector<256x1xf32> to vector<256x2048xf32>
    %sub3A_303 = arith.subf %dot_general3A_298, %sub3A_302 : vector<256x2048xf32>
    %exp23A_304 = math.exp2 %sub3A_303 : vector<256x2048xf32>
    %convert_element_type3A_305 = arith.truncf %exp23A_304 : vector<256x2048xf32> to vector<256x2048xbf16>
    %dot_general3A_306 = arith.constant dense<0.000000e+00> : vector<256x97xf32>
    %dot_general3A_307 = tpu.matmul %convert_element_type3A_305, %concatenate3A_296, %dot_general3A_306 {dimension_numbers = #tpu.dot_dimension_numbers<[1], [0], [0], [1], [0, 0, 1, 1], [], []>, transpose_lhs_hint = false} : vector<256x2048xbf16>, vector<2048x97xbf16>, vector<256x97xf32> -> vector<256x97xf32>
    %slice3A_308 = vector.extract_strided_slice %dot_general3A_307 {offsets = [0, 0], sizes = [256, 96], strides = [1, 1]} : vector<256x97xf32> to vector<256x96xf32>
    %slice3A_309 = vector.extract_strided_slice %dot_general3A_307 {offsets = [0, 96], sizes = [256, 1], strides = [1, 1]} : vector<256x97xf32> to vector<256x1xf32>
    %div3A_310 = arith.constant 1.000000e+00 : f32
    %div3A_311 = vector.broadcast %div3A_310 : f32 to vector<256x1xf32>
    %div3A_312 = arith.divf %div3A_311, %slice3A_309 : vector<256x1xf32>
    %mul3A_313 = vector.broadcast %div3A_312 : vector<256x1xf32> to vector<256x96xf32>
    %mul3A_314 = arith.mulf %slice3A_308, %mul3A_313 : vector<256x96xf32>
    %get3A_315 = arith.constant 0 : index
    %get3A_316 = arith.constant 0 : index
    %get3A_317 = arith.constant 0 : index
    %get3A_318 = vector.load %arg6[%get3A_315, %get3A_316, %get3A_317] : memref<1x768x768xf32, #tpu.memory_space<vmem>>, vector<1x768x768xf32>
    %get3A_319 = vector.shape_cast %get3A_318 : vector<1x768x768xf32> to vector<768x768xf32>
    %slice3A_320 = vector.extract_strided_slice %get3A_319 {offsets = [576, 0], sizes = [96, 768], strides = [1, 1]} : vector<768x768xf32> to vector<96x768xf32>
    %dot_general3A_321 = arith.constant dense<0.000000e+00> : vector<256x768xf32>
    %dot_general3A_322 = tpu.matmul %mul3A_314, %slice3A_320, %dot_general3A_321 {dimension_numbers = #tpu.dot_dimension_numbers<[1], [0], [0], [1], [0, 0, 1, 1], [], []>, transpose_lhs_hint = false} : vector<256x96xf32>, vector<96x768xf32>, vector<256x768xf32> -> vector<256x768xf32>
    %add3A_323 = arith.addf %add3A_277, %dot_general3A_322 : vector<256x768xf32>
    %get3A_324 = arith.constant 0 : index
    %get3A_325 = arith.constant 0 : index
    %get3A_326 = arith.constant 0 : index
    %get3A_327 = vector.load %arg2[%get3A_324, %get3A_325, %get3A_326] : memref<1x256x768xbf16, #tpu.memory_space<vmem>>, vector<1x256x768xbf16>
    %get3A_328 = vector.shape_cast %get3A_327 : vector<1x256x768xbf16> to vector<256x768xbf16>
    %slice3A_329 = vector.extract_strided_slice %get3A_328 {offsets = [0, 672], sizes = [256, 96], strides = [1, 1]} : vector<256x768xbf16> to vector<256x96xbf16>
    %get3A_330 = arith.constant 0 : index
    %get3A_331 = arith.constant 0 : index
    %get3A_332 = arith.constant 0 : index
    %get3A_333 = vector.load %arg3[%get3A_330, %get3A_331, %get3A_332] : memref<1x2048x768xbf16, #tpu.memory_space<vmem>>, vector<1x2048x768xbf16>
    %get3A_334 = vector.shape_cast %get3A_333 : vector<1x2048x768xbf16> to vector<2048x768xbf16>
    %slice3A_335 = vector.extract_strided_slice %get3A_334 {offsets = [0, 672], sizes = [2048, 96], strides = [1, 1]} : vector<2048x768xbf16> to vector<2048x96xbf16>
    %get3A_336 = arith.constant 0 : index
    %get3A_337 = arith.constant 0 : index
    %get3A_338 = arith.constant 0 : index
    %get3A_339 = vector.load %arg4[%get3A_336, %get3A_337, %get3A_338] : memref<1x2048x768xbf16, #tpu.memory_space<vmem>>, vector<1x2048x768xbf16>
    %get3A_340 = vector.shape_cast %get3A_339 : vector<1x2048x768xbf16> to vector<2048x768xbf16>
    %slice3A_341 = vector.extract_strided_slice %get3A_340 {offsets = [0, 672], sizes = [2048, 96], strides = [1, 1]} : vector<2048x768xbf16> to vector<2048x96xbf16>
    %concatenate3A_342 = tpu.concatenate %slice3A_341, %broadcast_in_dim3A_10 in 1 : vector<2048x96xbf16>, vector<2048x1xbf16> -> vector<2048x97xbf16>
    %dot_general3A_343 = arith.constant dense<0.000000e+00> : vector<256x2048xf32>
    %dot_general3A_344 = tpu.matmul %slice3A_329, %slice3A_335, %dot_general3A_343 {dimension_numbers = #tpu.dot_dimension_numbers<[1], [1], [0], [0], [0, 0, 1, 0], [], []>, transpose_lhs_hint = false} : vector<256x96xbf16>, vector<2048x96xbf16>, vector<256x2048xf32> -> vector<256x2048xf32>
    %reduce_max3A_345 = arith.constant dense<0xFF800000> : vector<256xf32>
    %reduce_max3A_346 = vector.multi_reduction <maximumf>, %dot_general3A_344, %reduce_max3A_345 [1] : vector<256x2048xf32> to vector<256xf32>
    %broadcast_in_dim3A_347 = vector.shape_cast %reduce_max3A_346 : vector<256xf32> to vector<256x1xf32>
    %sub3A_348 = vector.broadcast %broadcast_in_dim3A_347 : vector<256x1xf32> to vector<256x2048xf32>
    %sub3A_349 = arith.subf %dot_general3A_344, %sub3A_348 : vector<256x2048xf32>
    %exp23A_350 = math.exp2 %sub3A_349 : vector<256x2048xf32>
    %convert_element_type3A_351 = arith.truncf %exp23A_350 : vector<256x2048xf32> to vector<256x2048xbf16>
    %dot_general3A_352 = arith.constant dense<0.000000e+00> : vector<256x97xf32>
    %dot_general3A_353 = tpu.matmul %convert_element_type3A_351, %concatenate3A_342, %dot_general3A_352 {dimension_numbers = #tpu.dot_dimension_numbers<[1], [0], [0], [1], [0, 0, 1, 1], [], []>, transpose_lhs_hint = false} : vector<256x2048xbf16>, vector<2048x97xbf16>, vector<256x97xf32> -> vector<256x97xf32>
    %slice3A_354 = vector.extract_strided_slice %dot_general3A_353 {offsets = [0, 0], sizes = [256, 96], strides = [1, 1]} : vector<256x97xf32> to vector<256x96xf32>
    %slice3A_355 = vector.extract_strided_slice %dot_general3A_353 {offsets = [0, 96], sizes = [256, 1], strides = [1, 1]} : vector<256x97xf32> to vector<256x1xf32>
    %div3A_356 = arith.constant 1.000000e+00 : f32
    %div3A_357 = vector.broadcast %div3A_356 : f32 to vector<256x1xf32>
    %div3A_358 = arith.divf %div3A_357, %slice3A_355 : vector<256x1xf32>
    %mul3A_359 = vector.broadcast %div3A_358 : vector<256x1xf32> to vector<256x96xf32>
    %mul3A_360 = arith.mulf %slice3A_354, %mul3A_359 : vector<256x96xf32>
    %get3A_361 = arith.constant 0 : index
    %get3A_362 = arith.constant 0 : index
    %get3A_363 = arith.constant 0 : index
    %get3A_364 = vector.load %arg6[%get3A_361, %get3A_362, %get3A_363] : memref<1x768x768xf32, #tpu.memory_space<vmem>>, vector<1x768x768xf32>
    %get3A_365 = vector.shape_cast %get3A_364 : vector<1x768x768xf32> to vector<768x768xf32>
    %slice3A_366 = vector.extract_strided_slice %get3A_365 {offsets = [672, 0], sizes = [96, 768], strides = [1, 1]} : vector<768x768xf32> to vector<96x768xf32>
    %dot_general3A_367 = arith.constant dense<0.000000e+00> : vector<256x768xf32>
    %dot_general3A_368 = tpu.matmul %mul3A_360, %slice3A_366, %dot_general3A_367 {dimension_numbers = #tpu.dot_dimension_numbers<[1], [0], [0], [1], [0, 0, 1, 1], [], []>, transpose_lhs_hint = false} : vector<256x96xf32>, vector<96x768xf32>, vector<256x768xf32> -> vector<256x768xf32>
    %add3A_369 = arith.addf %add3A_323, %dot_general3A_368 : vector<256x768xf32>
    %swap3A = arith.constant 0 : index
    %swap3A_370 = arith.constant 0 : index
    %swap3A_371 = arith.constant 0 : index
    %swap3A_372 = vector.load %arg8[%swap3A, %swap3A_370, %swap3A_371] : memref<1x256x768xf32, #tpu.memory_space<vmem>>, vector<1x256x768xf32>
    %swap3A_373 = vector.shape_cast %swap3A_372 : vector<1x256x768xf32> to vector<256x768xf32>
    %swap3A_374 = vector.shape_cast %add3A_369 : vector<256x768xf32> to vector<1x256x768xf32>
    tpu.vector_store %arg8[%swap3A, %swap3A_370, %swap3A_371], %swap3A_374 {strides = array<i32>} : memref<1x256x768xf32, #tpu.memory_space<vmem>>, vector<1x256x768xf32>,
    return
  }
  func.func @transform_0(%arg0: i32, %arg1: i32) -> (i32, i32, i32) {
    %c0_i32 = arith.constant 0 : i32
    %c0_i32_0 = arith.constant 0 : i32
    return %arg0, %arg1, %c0_i32 : i32, i32, i32
  }
  func.func @transform_1(%arg0: i32, %arg1: i32) -> (i32, i32, i32) {
    %c0_i32 = arith.constant 0 : i32
    %c0_i32_0 = arith.constant 0 : i32
    %c0_i32_1 = arith.constant 0 : i32
    return %arg0, %c0_i32, %c0_i32_0 : i32, i32, i32
  }
  func.func @transform_2(%arg0: i32, %arg1: i32) -> (i32, i32, i32) {
    %c0_i32 = arith.constant 0 : i32
    %c0_i32_0 = arith.constant 0 : i32
    %c0_i32_1 = arith.constant 0 : i32
    return %arg0, %c0_i32, %c0_i32_0 : i32, i32, i32
  }
  func.func @transform_3(%arg0: i32, %arg1: i32) -> (i32, i32, i32) {
    %c0_i32 = arith.constant 0 : i32
    %c0_i32_0 = arith.constant 0 : i32
    return %arg0, %arg1, %c0_i32 : i32, i32, i32
  }
  func.func @transform_4(%arg0: i32, %arg1: i32) -> (i32, i32, i32) {
    %c4_i32 = arith.constant 4 : i32
    %c0_i32 = arith.constant 0 : i32
    %c0_i32_0 = arith.constant 0 : i32
    %c0_i32_1 = arith.constant 0 : i32
    return %c4_i32, %c0_i32, %c0_i32_0 : i32, i32, i32
  }
  func.func @transform_5(%arg0: i32, %arg1: i32) -> (i32, i32, i32) {
    %c4_i32 = arith.constant 4 : i32
    %c0_i32 = arith.constant 0 : i32
    %c0_i32_0 = arith.constant 0 : i32
    %c0_i32_1 = arith.constant 0 : i32
    return %c4_i32, %c0_i32, %c0_i32_0 : i32, i32, i32
  }
  func.func @transform_6(%arg0: i32, %arg1: i32) -> (i32, i32, i32) {
    %c0_i32 = arith.constant 0 : i32
    %c0_i32_0 = arith.constant 0 : i32
    return %arg0, %arg1, %c0_i32 : i32, i32, i32
  }
}

module attributes {stable_mosaic.version = 14 : i64} {
  func.func @body(%arg0: i32, %arg1: i32, %arg2: memref<1x512x768xf32, #tpu.memory_space<vmem>>, %arg3: memref<1x768x3072xf32, #tpu.memory_space<vmem>>, %arg4: memref<1x1x3072xf32, #tpu.memory_space<vmem>>, %arg5: memref<1x3072x768xf32, #tpu.memory_space<vmem>>, %arg6: memref<1x1x768xf32, #tpu.memory_space<vmem>>, %arg7: memref<1x1x768xf32, #tpu.memory_space<vmem>>, %arg8: memref<1x1x768xf32, #tpu.memory_space<vmem>>, %arg9: memref<1x512x768xf32, #tpu.memory_space<vmem>>) attributes {dimension_semantics = [#tpu.dimension_semantics<parallel>, #tpu.dimension_semantics<parallel>], iteration_bounds = array<i64: 2, 4>, scalar_prefetch = 0 : i64, scratch_operands = 0 : i64, tpu.core_type = #tpu.core_type<tc>, window_params = [{transform_indices = @transform_0, window_bounds = array<i64: 1, 512, 768>}, {transform_indices = @transform_1, window_bounds = array<i64: 1, 768, 3072>}, {transform_indices = @transform_2, window_bounds = array<i64: 1, 1, 3072>}, {transform_indices = @transform_3, window_bounds = array<i64: 1, 3072, 768>}, {transform_indices = @transform_4, window_bounds = array<i64: 1, 1, 768>}, {transform_indices = @transform_5, window_bounds = array<i64: 1, 1, 768>}, {transform_indices = @transform_6, window_bounds = array<i64: 1, 1, 768>}, {transform_indices = @transform_7, window_bounds = array<i64: 1, 512, 768>}]} {
    %get3A = arith.constant 0 : index
    %get3A_0 = arith.constant 0 : index
    %get3A_1 = arith.constant 0 : index
    %get3A_2 = vector.load %arg2[%get3A, %get3A_0, %get3A_1] : memref<1x512x768xf32, #tpu.memory_space<vmem>>, vector<1x512x768xf32>
    %get3A_3 = vector.shape_cast %get3A_2 : vector<1x512x768xf32> to vector<512x768xf32>
    %get3A_4 = arith.constant 0 : index
    %get3A_5 = arith.constant 0 : index
    %get3A_6 = arith.constant 0 : index
    %get3A_7 = vector.load %arg7[%get3A_4, %get3A_5, %get3A_6] : memref<1x1x768xf32, #tpu.memory_space<vmem>>, vector<1x1x768xf32>
    %get3A_8 = vector.shape_cast %get3A_7 : vector<1x1x768xf32> to vector<1x768xf32>
    %get3A_9 = arith.constant 0 : index
    %get3A_10 = arith.constant 0 : index
    %get3A_11 = arith.constant 0 : index
    %get3A_12 = vector.load %arg8[%get3A_9, %get3A_10, %get3A_11] : memref<1x1x768xf32, #tpu.memory_space<vmem>>, vector<1x1x768xf32>
    %get3A_13 = vector.shape_cast %get3A_12 : vector<1x1x768xf32> to vector<1x768xf32>
    %reduce_sum3A = arith.constant dense<0.000000e+00> : vector<512xf32>
    %reduce_sum3A_14 = vector.multi_reduction <add>, %get3A_3, %reduce_sum3A [1] : vector<512x768xf32> to vector<512xf32>
    %broadcast_in_dim3A = vector.shape_cast %reduce_sum3A_14 : vector<512xf32> to vector<512x1xf32>
    %div3A = arith.constant 7.680000e+02 : f32
    %div3A_15 = vector.broadcast %div3A : f32 to vector<512x1xf32>
    %div3A_16 = arith.divf %broadcast_in_dim3A, %div3A_15 : vector<512x1xf32>
    %sub3A = vector.broadcast %div3A_16 : vector<512x1xf32> to vector<512x768xf32>
    %sub3A_17 = arith.subf %get3A_3, %sub3A : vector<512x768xf32>
    %integer_pow3A = arith.mulf %sub3A_17, %sub3A_17 : vector<512x768xf32>
    %reduce_sum3A_18 = arith.constant dense<0.000000e+00> : vector<512xf32>
    %reduce_sum3A_19 = vector.multi_reduction <add>, %integer_pow3A, %reduce_sum3A_18 [1] : vector<512x768xf32> to vector<512xf32>
    %broadcast_in_dim3A_20 = vector.shape_cast %reduce_sum3A_19 : vector<512xf32> to vector<512x1xf32>
    %div3A_21 = arith.constant 7.680000e+02 : f32
    %div3A_22 = vector.broadcast %div3A_21 : f32 to vector<512x1xf32>
    %div3A_23 = arith.divf %broadcast_in_dim3A_20, %div3A_22 : vector<512x1xf32>
    %sub3A_24 = vector.broadcast %div3A_16 : vector<512x1xf32> to vector<512x768xf32>
    %sub3A_25 = arith.subf %get3A_3, %sub3A_24 : vector<512x768xf32>
    %add3A = arith.constant 9.99999974E-6 : f32
    %add3A_26 = vector.broadcast %add3A : f32 to vector<512x1xf32>
    %add3A_27 = arith.addf %div3A_23, %add3A_26 : vector<512x1xf32>
    %sqrt3A = math.sqrt %add3A_27 : vector<512x1xf32>
    %div3A_28 = vector.broadcast %sqrt3A : vector<512x1xf32> to vector<512x768xf32>
    %div3A_29 = arith.divf %sub3A_25, %div3A_28 : vector<512x768xf32>
    %mul3A = vector.broadcast %get3A_8 : vector<1x768xf32> to vector<512x768xf32>
    %mul3A_30 = arith.mulf %div3A_29, %mul3A : vector<512x768xf32>
    %add3A_31 = vector.broadcast %get3A_13 : vector<1x768xf32> to vector<512x768xf32>
    %add3A_32 = arith.addf %mul3A_30, %add3A_31 : vector<512x768xf32>
    %get3A_33 = arith.constant 0 : index
    %get3A_34 = arith.constant 0 : index
    %get3A_35 = arith.constant 0 : index
    %get3A_36 = vector.load %arg3[%get3A_33, %get3A_34, %get3A_35] : memref<1x768x3072xf32, #tpu.memory_space<vmem>>, vector<1x768x3072xf32>
    %get3A_37 = vector.shape_cast %get3A_36 : vector<1x768x3072xf32> to vector<768x3072xf32>
    %dot_general3A = arith.constant dense<0.000000e+00> : vector<512x3072xf32>
    %dot_general3A_38 = tpu.matmul %add3A_32, %get3A_37, %dot_general3A {dimension_numbers = #tpu.dot_dimension_numbers<[1], [0], [0], [1], [0, 0, 1, 1], [], []>, transpose_lhs_hint = false} : vector<512x768xf32>, vector<768x3072xf32>, vector<512x3072xf32> -> vector<512x3072xf32>
    %get3A_39 = arith.constant 0 : index
    %get3A_40 = arith.constant 0 : index
    %get3A_41 = arith.constant 0 : index
    %get3A_42 = vector.load %arg4[%get3A_39, %get3A_40, %get3A_41] : memref<1x1x3072xf32, #tpu.memory_space<vmem>>, vector<1x1x3072xf32>
    %get3A_43 = vector.shape_cast %get3A_42 : vector<1x1x3072xf32> to vector<1x3072xf32>
    %add3A_44 = vector.broadcast %get3A_43 : vector<1x3072xf32> to vector<512x3072xf32>
    %add3A_45 = arith.addf %dot_general3A_38, %add3A_44 : vector<512x3072xf32>
    %mul3A_46 = arith.constant 5.000000e-01 : f32
    %mul3A_47 = vector.broadcast %mul3A_46 : f32 to vector<512x3072xf32>
    %mul3A_48 = arith.mulf %mul3A_47, %add3A_45 : vector<512x3072xf32>
    %mul3A_49 = arith.constant 0.707106769 : f32
    %mul3A_50 = vector.broadcast %mul3A_49 : f32 to vector<512x3072xf32>
    %mul3A_51 = arith.mulf %add3A_45, %mul3A_50 : vector<512x3072xf32>
    %erf3A = math.erf %mul3A_51 : vector<512x3072xf32>
    %add3A_52 = arith.constant 1.000000e+00 : f32
    %add3A_53 = vector.broadcast %add3A_52 : f32 to vector<512x3072xf32>
    %add3A_54 = arith.addf %add3A_53, %erf3A : vector<512x3072xf32>
    %mul3A_55 = arith.mulf %mul3A_48, %add3A_54 : vector<512x3072xf32>
    %get3A_56 = arith.constant 0 : index
    %get3A_57 = arith.constant 0 : index
    %get3A_58 = arith.constant 0 : index
    %get3A_59 = vector.load %arg5[%get3A_56, %get3A_57, %get3A_58] : memref<1x3072x768xf32, #tpu.memory_space<vmem>>, vector<1x3072x768xf32>
    %get3A_60 = vector.shape_cast %get3A_59 : vector<1x3072x768xf32> to vector<3072x768xf32>
    %dot_general3A_61 = arith.constant dense<0.000000e+00> : vector<512x768xf32>
    %dot_general3A_62 = tpu.matmul %mul3A_55, %get3A_60, %dot_general3A_61 {dimension_numbers = #tpu.dot_dimension_numbers<[1], [0], [0], [1], [0, 0, 1, 1], [], []>, transpose_lhs_hint = false} : vector<512x3072xf32>, vector<3072x768xf32>, vector<512x768xf32> -> vector<512x768xf32>
    %add3A_63 = arith.addf %get3A_3, %dot_general3A_62 : vector<512x768xf32>
    %get3A_64 = arith.constant 0 : index
    %get3A_65 = arith.constant 0 : index
    %get3A_66 = arith.constant 0 : index
    %get3A_67 = vector.load %arg6[%get3A_64, %get3A_65, %get3A_66] : memref<1x1x768xf32, #tpu.memory_space<vmem>>, vector<1x1x768xf32>
    %get3A_68 = vector.shape_cast %get3A_67 : vector<1x1x768xf32> to vector<1x768xf32>
    %add3A_69 = vector.broadcast %get3A_68 : vector<1x768xf32> to vector<512x768xf32>
    %add3A_70 = arith.addf %add3A_63, %add3A_69 : vector<512x768xf32>
    %swap3A = arith.constant 0 : index
    %swap3A_71 = arith.constant 0 : index
    %swap3A_72 = arith.constant 0 : index
    %swap3A_73 = vector.load %arg9[%swap3A, %swap3A_71, %swap3A_72] : memref<1x512x768xf32, #tpu.memory_space<vmem>>, vector<1x512x768xf32>
    %swap3A_74 = vector.shape_cast %swap3A_73 : vector<1x512x768xf32> to vector<512x768xf32>
    %swap3A_75 = vector.shape_cast %add3A_70 : vector<512x768xf32> to vector<1x512x768xf32>
    tpu.vector_store %arg9[%swap3A, %swap3A_71, %swap3A_72], %swap3A_75 {strides = array<i32>} : memref<1x512x768xf32, #tpu.memory_space<vmem>>, vector<1x512x768xf32>,
    return
  }
  func.func @transform_0(%arg0: i32, %arg1: i32) -> (i32, i32, i32) {
    %c0_i32 = arith.constant 0 : i32
    %c0_i32_0 = arith.constant 0 : i32
    return %arg0, %arg1, %c0_i32 : i32, i32, i32
  }
  func.func @transform_1(%arg0: i32, %arg1: i32) -> (i32, i32, i32) {
    %c4_i32 = arith.constant 4 : i32
    %c0_i32 = arith.constant 0 : i32
    %c0_i32_0 = arith.constant 0 : i32
    %c0_i32_1 = arith.constant 0 : i32
    return %c4_i32, %c0_i32, %c0_i32_0 : i32, i32, i32
  }
  func.func @transform_2(%arg0: i32, %arg1: i32) -> (i32, i32, i32) {
    %c4_i32 = arith.constant 4 : i32
    %c0_i32 = arith.constant 0 : i32
    %c0_i32_0 = arith.constant 0 : i32
    %c0_i32_1 = arith.constant 0 : i32
    return %c4_i32, %c0_i32, %c0_i32_0 : i32, i32, i32
  }
  func.func @transform_3(%arg0: i32, %arg1: i32) -> (i32, i32, i32) {
    %c4_i32 = arith.constant 4 : i32
    %c0_i32 = arith.constant 0 : i32
    %c0_i32_0 = arith.constant 0 : i32
    %c0_i32_1 = arith.constant 0 : i32
    return %c4_i32, %c0_i32, %c0_i32_0 : i32, i32, i32
  }
  func.func @transform_4(%arg0: i32, %arg1: i32) -> (i32, i32, i32) {
    %c4_i32 = arith.constant 4 : i32
    %c0_i32 = arith.constant 0 : i32
    %c0_i32_0 = arith.constant 0 : i32
    %c0_i32_1 = arith.constant 0 : i32
    return %c4_i32, %c0_i32, %c0_i32_0 : i32, i32, i32
  }
  func.func @transform_5(%arg0: i32, %arg1: i32) -> (i32, i32, i32) {
    %c4_i32 = arith.constant 4 : i32
    %c0_i32 = arith.constant 0 : i32
    %c0_i32_0 = arith.constant 0 : i32
    %c0_i32_1 = arith.constant 0 : i32
    return %c4_i32, %c0_i32, %c0_i32_0 : i32, i32, i32
  }
  func.func @transform_6(%arg0: i32, %arg1: i32) -> (i32, i32, i32) {
    %c4_i32 = arith.constant 4 : i32
    %c0_i32 = arith.constant 0 : i32
    %c0_i32_0 = arith.constant 0 : i32
    %c0_i32_1 = arith.constant 0 : i32
    return %c4_i32, %c0_i32, %c0_i32_0 : i32, i32, i32
  }
  func.func @transform_7(%arg0: i32, %arg1: i32) -> (i32, i32, i32) {
    %c0_i32 = arith.constant 0 : i32
    %c0_i32_0 = arith.constant 0 : i32
    return %arg0, %arg1, %c0_i32 : i32, i32, i32
  }
}

module attributes {stable_mosaic.version = 14 : i64} {
  func.func @body(%arg0: i32, %arg1: i32, %arg2: memref<1x512x768xf32, #tpu.memory_space<vmem>>, %arg3: memref<1x768x768xf32, #tpu.memory_space<vmem>>, %arg4: memref<1x768x768xf32, #tpu.memory_space<vmem>>, %arg5: memref<1x768x768xf32, #tpu.memory_space<vmem>>, %arg6: memref<1x1x768xf32, #tpu.memory_space<vmem>>, %arg7: memref<1x1x768xf32, #tpu.memory_space<vmem>>, %arg8: memref<1x1x768xf32, #tpu.memory_space<vmem>>, %arg9: memref<1x1x768xf32, #tpu.memory_space<vmem>>, %arg10: memref<1x1x768xf32, #tpu.memory_space<vmem>>, %arg11: memref<1x512x768xbf16, #tpu.memory_space<vmem>>, %arg12: memref<1x512x768xbf16, #tpu.memory_space<vmem>>, %arg13: memref<1x512x768xbf16, #tpu.memory_space<vmem>>) attributes {dimension_semantics = [#tpu.dimension_semantics<parallel>, #tpu.dimension_semantics<parallel>], iteration_bounds = array<i64: 2, 4>, scalar_prefetch = 0 : i64, scratch_operands = 0 : i64, tpu.core_type = #tpu.core_type<tc>, window_params = [{transform_indices = @transform_0, window_bounds = array<i64: 1, 512, 768>}, {transform_indices = @transform_1, window_bounds = array<i64: 1, 768, 768>}, {transform_indices = @transform_2, window_bounds = array<i64: 1, 768, 768>}, {transform_indices = @transform_3, window_bounds = array<i64: 1, 768, 768>}, {transform_indices = @transform_4, window_bounds = array<i64: 1, 1, 768>}, {transform_indices = @transform_5, window_bounds = array<i64: 1, 1, 768>}, {transform_indices = @transform_6, window_bounds = array<i64: 1, 1, 768>}, {transform_indices = @transform_7, window_bounds = array<i64: 1, 1, 768>}, {transform_indices = @transform_8, window_bounds = array<i64: 1, 1, 768>}, {transform_indices = @transform_9, window_bounds = array<i64: 1, 512, 768>}, {transform_indices = @transform_10, window_bounds = array<i64: 1, 512, 768>}, {transform_indices = @transform_11, window_bounds = array<i64: 1, 512, 768>}]} {
    %get3A = arith.constant 0 : index
    %get3A_0 = arith.constant 0 : index
    %get3A_1 = arith.constant 0 : index
    %get3A_2 = vector.load %arg2[%get3A, %get3A_0, %get3A_1] : memref<1x512x768xf32, #tpu.memory_space<vmem>>, vector<1x512x768xf32>
    %get3A_3 = vector.shape_cast %get3A_2 : vector<1x512x768xf32> to vector<512x768xf32>
    %get3A_4 = arith.constant 0 : index
    %get3A_5 = arith.constant 0 : index
    %get3A_6 = arith.constant 0 : index
    %get3A_7 = vector.load %arg9[%get3A_4, %get3A_5, %get3A_6] : memref<1x1x768xf32, #tpu.memory_space<vmem>>, vector<1x1x768xf32>
    %get3A_8 = vector.shape_cast %get3A_7 : vector<1x1x768xf32> to vector<1x768xf32>
    %get3A_9 = arith.constant 0 : index
    %get3A_10 = arith.constant 0 : index
    %get3A_11 = arith.constant 0 : index
    %get3A_12 = vector.load %arg10[%get3A_9, %get3A_10, %get3A_11] : memref<1x1x768xf32, #tpu.memory_space<vmem>>, vector<1x1x768xf32>
    %get3A_13 = vector.shape_cast %get3A_12 : vector<1x1x768xf32> to vector<1x768xf32>
    %reduce_sum3A = arith.constant dense<0.000000e+00> : vector<512xf32>
    %reduce_sum3A_14 = vector.multi_reduction <add>, %get3A_3, %reduce_sum3A [1] : vector<512x768xf32> to vector<512xf32>
    %broadcast_in_dim3A = vector.shape_cast %reduce_sum3A_14 : vector<512xf32> to vector<512x1xf32>
    %div3A = arith.constant 7.680000e+02 : f32
    %div3A_15 = vector.broadcast %div3A : f32 to vector<512x1xf32>
    %div3A_16 = arith.divf %broadcast_in_dim3A, %div3A_15 : vector<512x1xf32>
    %sub3A = vector.broadcast %div3A_16 : vector<512x1xf32> to vector<512x768xf32>
    %sub3A_17 = arith.subf %get3A_3, %sub3A : vector<512x768xf32>
    %integer_pow3A = arith.mulf %sub3A_17, %sub3A_17 : vector<512x768xf32>
    %reduce_sum3A_18 = arith.constant dense<0.000000e+00> : vector<512xf32>
    %reduce_sum3A_19 = vector.multi_reduction <add>, %integer_pow3A, %reduce_sum3A_18 [1] : vector<512x768xf32> to vector<512xf32>
    %broadcast_in_dim3A_20 = vector.shape_cast %reduce_sum3A_19 : vector<512xf32> to vector<512x1xf32>
    %div3A_21 = arith.constant 7.680000e+02 : f32
    %div3A_22 = vector.broadcast %div3A_21 : f32 to vector<512x1xf32>
    %div3A_23 = arith.divf %broadcast_in_dim3A_20, %div3A_22 : vector<512x1xf32>
    %sub3A_24 = vector.broadcast %div3A_16 : vector<512x1xf32> to vector<512x768xf32>
    %sub3A_25 = arith.subf %get3A_3, %sub3A_24 : vector<512x768xf32>
    %add3A = arith.constant 9.99999974E-6 : f32
    %add3A_26 = vector.broadcast %add3A : f32 to vector<512x1xf32>
    %add3A_27 = arith.addf %div3A_23, %add3A_26 : vector<512x1xf32>
    %sqrt3A = math.sqrt %add3A_27 : vector<512x1xf32>
    %div3A_28 = vector.broadcast %sqrt3A : vector<512x1xf32> to vector<512x768xf32>
    %div3A_29 = arith.divf %sub3A_25, %div3A_28 : vector<512x768xf32>
    %mul3A = vector.broadcast %get3A_8 : vector<1x768xf32> to vector<512x768xf32>
    %mul3A_30 = arith.mulf %div3A_29, %mul3A : vector<512x768xf32>
    %add3A_31 = vector.broadcast %get3A_13 : vector<1x768xf32> to vector<512x768xf32>
    %add3A_32 = arith.addf %mul3A_30, %add3A_31 : vector<512x768xf32>
    %get3A_33 = arith.constant 0 : index
    %get3A_34 = arith.constant 0 : index
    %get3A_35 = arith.constant 0 : index
    %get3A_36 = vector.load %arg3[%get3A_33, %get3A_34, %get3A_35] : memref<1x768x768xf32, #tpu.memory_space<vmem>>, vector<1x768x768xf32>
    %get3A_37 = vector.shape_cast %get3A_36 : vector<1x768x768xf32> to vector<768x768xf32>
    %dot_general3A = arith.constant dense<0.000000e+00> : vector<512x768xf32>
    %dot_general3A_38 = tpu.matmul %add3A_32, %get3A_37, %dot_general3A {dimension_numbers = #tpu.dot_dimension_numbers<[1], [0], [0], [1], [0, 0, 1, 1], [], []>, transpose_lhs_hint = false} : vector<512x768xf32>, vector<768x768xf32>, vector<512x768xf32> -> vector<512x768xf32>
    %get3A_39 = arith.constant 0 : index
    %get3A_40 = arith.constant 0 : index
    %get3A_41 = arith.constant 0 : index
    %get3A_42 = vector.load %arg6[%get3A_39, %get3A_40, %get3A_41] : memref<1x1x768xf32, #tpu.memory_space<vmem>>, vector<1x1x768xf32>
    %get3A_43 = vector.shape_cast %get3A_42 : vector<1x1x768xf32> to vector<1x768xf32>
    %add3A_44 = vector.broadcast %get3A_43 : vector<1x768xf32> to vector<512x768xf32>
    %add3A_45 = arith.addf %dot_general3A_38, %add3A_44 : vector<512x768xf32>
    %convert_element_type3A = arith.truncf %add3A_45 : vector<512x768xf32> to vector<512x768xbf16>
    %swap3A = arith.constant 0 : index
    %swap3A_46 = arith.constant 0 : index
    %swap3A_47 = arith.constant 0 : index
    %swap3A_48 = vector.load %arg11[%swap3A, %swap3A_46, %swap3A_47] : memref<1x512x768xbf16, #tpu.memory_space<vmem>>, vector<1x512x768xbf16>
    %swap3A_49 = vector.shape_cast %swap3A_48 : vector<1x512x768xbf16> to vector<512x768xbf16>
    %swap3A_50 = vector.shape_cast %convert_element_type3A : vector<512x768xbf16> to vector<1x512x768xbf16>
    tpu.vector_store %arg11[%swap3A, %swap3A_46, %swap3A_47], %swap3A_50 {strides = array<i32>} : memref<1x512x768xbf16, #tpu.memory_space<vmem>>, vector<1x512x768xbf16>,
    %get3A_51 = arith.constant 0 : index
    %get3A_52 = arith.constant 0 : index
    %get3A_53 = arith.constant 0 : index
    %get3A_54 = vector.load %arg4[%get3A_51, %get3A_52, %get3A_53] : memref<1x768x768xf32, #tpu.memory_space<vmem>>, vector<1x768x768xf32>
    %get3A_55 = vector.shape_cast %get3A_54 : vector<1x768x768xf32> to vector<768x768xf32>
    %dot_general3A_56 = arith.constant dense<0.000000e+00> : vector<512x768xf32>
    %dot_general3A_57 = tpu.matmul %add3A_32, %get3A_55, %dot_general3A_56 {dimension_numbers = #tpu.dot_dimension_numbers<[1], [0], [0], [1], [0, 0, 1, 1], [], []>, transpose_lhs_hint = false} : vector<512x768xf32>, vector<768x768xf32>, vector<512x768xf32> -> vector<512x768xf32>
    %get3A_58 = arith.constant 0 : index
    %get3A_59 = arith.constant 0 : index
    %get3A_60 = arith.constant 0 : index
    %get3A_61 = vector.load %arg7[%get3A_58, %get3A_59, %get3A_60] : memref<1x1x768xf32, #tpu.memory_space<vmem>>, vector<1x1x768xf32>
    %get3A_62 = vector.shape_cast %get3A_61 : vector<1x1x768xf32> to vector<1x768xf32>
    %add3A_63 = vector.broadcast %get3A_62 : vector<1x768xf32> to vector<512x768xf32>
    %add3A_64 = arith.addf %dot_general3A_57, %add3A_63 : vector<512x768xf32>
    %convert_element_type3A_65 = arith.truncf %add3A_64 : vector<512x768xf32> to vector<512x768xbf16>
    %swap3A_66 = arith.constant 0 : index
    %swap3A_67 = arith.constant 0 : index
    %swap3A_68 = arith.constant 0 : index
    %swap3A_69 = vector.load %arg12[%swap3A_66, %swap3A_67, %swap3A_68] : memref<1x512x768xbf16, #tpu.memory_space<vmem>>, vector<1x512x768xbf16>
    %swap3A_70 = vector.shape_cast %swap3A_69 : vector<1x512x768xbf16> to vector<512x768xbf16>
    %swap3A_71 = vector.shape_cast %convert_element_type3A_65 : vector<512x768xbf16> to vector<1x512x768xbf16>
    tpu.vector_store %arg12[%swap3A_66, %swap3A_67, %swap3A_68], %swap3A_71 {strides = array<i32>} : memref<1x512x768xbf16, #tpu.memory_space<vmem>>, vector<1x512x768xbf16>,
    %get3A_72 = arith.constant 0 : index
    %get3A_73 = arith.constant 0 : index
    %get3A_74 = arith.constant 0 : index
    %get3A_75 = vector.load %arg5[%get3A_72, %get3A_73, %get3A_74] : memref<1x768x768xf32, #tpu.memory_space<vmem>>, vector<1x768x768xf32>
    %get3A_76 = vector.shape_cast %get3A_75 : vector<1x768x768xf32> to vector<768x768xf32>
    %dot_general3A_77 = arith.constant dense<0.000000e+00> : vector<512x768xf32>
    %dot_general3A_78 = tpu.matmul %add3A_32, %get3A_76, %dot_general3A_77 {dimension_numbers = #tpu.dot_dimension_numbers<[1], [0], [0], [1], [0, 0, 1, 1], [], []>, transpose_lhs_hint = false} : vector<512x768xf32>, vector<768x768xf32>, vector<512x768xf32> -> vector<512x768xf32>
    %get3A_79 = arith.constant 0 : index
    %get3A_80 = arith.constant 0 : index
    %get3A_81 = arith.constant 0 : index
    %get3A_82 = vector.load %arg8[%get3A_79, %get3A_80, %get3A_81] : memref<1x1x768xf32, #tpu.memory_space<vmem>>, vector<1x1x768xf32>
    %get3A_83 = vector.shape_cast %get3A_82 : vector<1x1x768xf32> to vector<1x768xf32>
    %add3A_84 = vector.broadcast %get3A_83 : vector<1x768xf32> to vector<512x768xf32>
    %add3A_85 = arith.addf %dot_general3A_78, %add3A_84 : vector<512x768xf32>
    %convert_element_type3A_86 = arith.truncf %add3A_85 : vector<512x768xf32> to vector<512x768xbf16>
    %swap3A_87 = arith.constant 0 : index
    %swap3A_88 = arith.constant 0 : index
    %swap3A_89 = arith.constant 0 : index
    %swap3A_90 = vector.load %arg13[%swap3A_87, %swap3A_88, %swap3A_89] : memref<1x512x768xbf16, #tpu.memory_space<vmem>>, vector<1x512x768xbf16>
    %swap3A_91 = vector.shape_cast %swap3A_90 : vector<1x512x768xbf16> to vector<512x768xbf16>
    %swap3A_92 = vector.shape_cast %convert_element_type3A_86 : vector<512x768xbf16> to vector<1x512x768xbf16>
    tpu.vector_store %arg13[%swap3A_87, %swap3A_88, %swap3A_89], %swap3A_92 {strides = array<i32>} : memref<1x512x768xbf16, #tpu.memory_space<vmem>>, vector<1x512x768xbf16>,
    return
  }
  func.func @transform_0(%arg0: i32, %arg1: i32) -> (i32, i32, i32) {
    %c0_i32 = arith.constant 0 : i32
    %c0_i32_0 = arith.constant 0 : i32
    return %arg0, %arg1, %c0_i32 : i32, i32, i32
  }
  func.func @transform_1(%arg0: i32, %arg1: i32) -> (i32, i32, i32) {
    %c5_i32 = arith.constant 5 : i32
    %c0_i32 = arith.constant 0 : i32
    %c0_i32_0 = arith.constant 0 : i32
    %c0_i32_1 = arith.constant 0 : i32
    return %c5_i32, %c0_i32, %c0_i32_0 : i32, i32, i32
  }
  func.func @transform_2(%arg0: i32, %arg1: i32) -> (i32, i32, i32) {
    %c5_i32 = arith.constant 5 : i32
    %c0_i32 = arith.constant 0 : i32
    %c0_i32_0 = arith.constant 0 : i32
    %c0_i32_1 = arith.constant 0 : i32
    return %c5_i32, %c0_i32, %c0_i32_0 : i32, i32, i32
  }
  func.func @transform_3(%arg0: i32, %arg1: i32) -> (i32, i32, i32) {
    %c5_i32 = arith.constant 5 : i32
    %c0_i32 = arith.constant 0 : i32
    %c0_i32_0 = arith.constant 0 : i32
    %c0_i32_1 = arith.constant 0 : i32
    return %c5_i32, %c0_i32, %c0_i32_0 : i32, i32, i32
  }
  func.func @transform_4(%arg0: i32, %arg1: i32) -> (i32, i32, i32) {
    %c5_i32 = arith.constant 5 : i32
    %c0_i32 = arith.constant 0 : i32
    %c0_i32_0 = arith.constant 0 : i32
    %c0_i32_1 = arith.constant 0 : i32
    return %c5_i32, %c0_i32, %c0_i32_0 : i32, i32, i32
  }
  func.func @transform_5(%arg0: i32, %arg1: i32) -> (i32, i32, i32) {
    %c5_i32 = arith.constant 5 : i32
    %c0_i32 = arith.constant 0 : i32
    %c0_i32_0 = arith.constant 0 : i32
    %c0_i32_1 = arith.constant 0 : i32
    return %c5_i32, %c0_i32, %c0_i32_0 : i32, i32, i32
  }
  func.func @transform_6(%arg0: i32, %arg1: i32) -> (i32, i32, i32) {
    %c5_i32 = arith.constant 5 : i32
    %c0_i32 = arith.constant 0 : i32
    %c0_i32_0 = arith.constant 0 : i32
    %c0_i32_1 = arith.constant 0 : i32
    return %c5_i32, %c0_i32, %c0_i32_0 : i32, i32, i32
  }
  func.func @transform_7(%arg0: i32, %arg1: i32) -> (i32, i32, i32) {
    %c5_i32 = arith.constant 5 : i32
    %c0_i32 = arith.constant 0 : i32
    %c0_i32_0 = arith.constant 0 : i32
    %c0_i32_1 = arith.constant 0 : i32
    return %c5_i32, %c0_i32, %c0_i32_0 : i32, i32, i32
  }
  func.func @transform_8(%arg0: i32, %arg1: i32) -> (i32, i32, i32) {
    %c5_i32 = arith.constant 5 : i32
    %c0_i32 = arith.constant 0 : i32
    %c0_i32_0 = arith.constant 0 : i32
    %c0_i32_1 = arith.constant 0 : i32
    return %c5_i32, %c0_i32, %c0_i32_0 : i32, i32, i32
  }
  func.func @transform_9(%arg0: i32, %arg1: i32) -> (i32, i32, i32) {
    %c0_i32 = arith.constant 0 : i32
    %c0_i32_0 = arith.constant 0 : i32
    return %arg0, %arg1, %c0_i32 : i32, i32, i32
  }
  func.func @transform_10(%arg0: i32, %arg1: i32) -> (i32, i32, i32) {
    %c0_i32 = arith.constant 0 : i32
    %c0_i32_0 = arith.constant 0 : i32
    return %arg0, %arg1, %c0_i32 : i32, i32, i32
  }
  func.func @transform_11(%arg0: i32, %arg1: i32) -> (i32, i32, i32) {
    %c0_i32 = arith.constant 0 : i32
    %c0_i32_0 = arith.constant 0 : i32
    return %arg0, %arg1, %c0_i32 : i32, i32, i32
  }
}

module attributes {stable_mosaic.version = 14 : i64} {
  func.func @body(%arg0: i32, %arg1: i32, %arg2: memref<1x256x768xbf16, #tpu.memory_space<vmem>>, %arg3: memref<1x2048x768xbf16, #tpu.memory_space<vmem>>, %arg4: memref<1x2048x768xbf16, #tpu.memory_space<vmem>>, %arg5: memref<1x256x768xf32, #tpu.memory_space<vmem>>, %arg6: memref<1x768x768xf32, #tpu.memory_space<vmem>>, %arg7: memref<1x1x768xf32, #tpu.memory_space<vmem>>, %arg8: memref<1x256x768xf32, #tpu.memory_space<vmem>>) attributes {dimension_semantics = [#tpu.dimension_semantics<parallel>, #tpu.dimension_semantics<parallel>], iteration_bounds = array<i64: 2, 8>, scalar_prefetch = 0 : i64, scratch_operands = 0 : i64, tpu.core_type = #tpu.core_type<tc>, window_params = [{transform_indices = @transform_0, window_bounds = array<i64: 1, 256, 768>}, {transform_indices = @transform_1, window_bounds = array<i64: 1, 2048, 768>}, {transform_indices = @transform_2, window_bounds = array<i64: 1, 2048, 768>}, {transform_indices = @transform_3, window_bounds = array<i64: 1, 256, 768>}, {transform_indices = @transform_4, window_bounds = array<i64: 1, 768, 768>}, {transform_indices = @transform_5, window_bounds = array<i64: 1, 1, 768>}, {transform_indices = @transform_6, window_bounds = array<i64: 1, 256, 768>}]} {
    %get3A = arith.constant 0 : index
    %get3A_0 = arith.constant 0 : index
    %get3A_1 = arith.constant 0 : index
    %get3A_2 = vector.load %arg5[%get3A, %get3A_0, %get3A_1] : memref<1x256x768xf32, #tpu.memory_space<vmem>>, vector<1x256x768xf32>
    %get3A_3 = vector.shape_cast %get3A_2 : vector<1x256x768xf32> to vector<256x768xf32>
    %get3A_4 = arith.constant 0 : index
    %get3A_5 = arith.constant 0 : index
    %get3A_6 = arith.constant 0 : index
    %get3A_7 = vector.load %arg7[%get3A_4, %get3A_5, %get3A_6] : memref<1x1x768xf32, #tpu.memory_space<vmem>>, vector<1x1x768xf32>
    %get3A_8 = vector.shape_cast %get3A_7 : vector<1x1x768xf32> to vector<1x768xf32>
    %add3A = vector.broadcast %get3A_8 : vector<1x768xf32> to vector<256x768xf32>
    %add3A_9 = arith.addf %get3A_3, %add3A : vector<256x768xf32>
    %broadcast_in_dim3A = arith.constant 1.000000e+00 : bf16
    %broadcast_in_dim3A_10 = vector.broadcast %broadcast_in_dim3A : bf16 to vector<2048x1xbf16>
    %get3A_11 = arith.constant 0 : index
    %get3A_12 = arith.constant 0 : index
    %get3A_13 = arith.constant 0 : index
    %get3A_14 = vector.load %arg2[%get3A_11, %get3A_12, %get3A_13] : memref<1x256x768xbf16, #tpu.memory_space<vmem>>, vector<1x256x768xbf16>
    %get3A_15 = vector.shape_cast %get3A_14 : vector<1x256x768xbf16> to vector<256x768xbf16>
    %slice3A = vector.extract_strided_slice %get3A_15 {offsets = [0, 0], sizes = [256, 96], strides = [1, 1]} : vector<256x768xbf16> to vector<256x96xbf16>
    %get3A_16 = arith.constant 0 : index
    %get3A_17 = arith.constant 0 : index
    %get3A_18 = arith.constant 0 : index
    %get3A_19 = vector.load %arg3[%get3A_16, %get3A_17, %get3A_18] : memref<1x2048x768xbf16, #tpu.memory_space<vmem>>, vector<1x2048x768xbf16>
    %get3A_20 = vector.shape_cast %get3A_19 : vector<1x2048x768xbf16> to vector<2048x768xbf16>
    %slice3A_21 = vector.extract_strided_slice %get3A_20 {offsets = [0, 0], sizes = [2048, 96], strides = [1, 1]} : vector<2048x768xbf16> to vector<2048x96xbf16>
    %get3A_22 = arith.constant 0 : index
    %get3A_23 = arith.constant 0 : index
    %get3A_24 = arith.constant 0 : index
    %get3A_25 = vector.load %arg4[%get3A_22, %get3A_23, %get3A_24] : memref<1x2048x768xbf16, #tpu.memory_space<vmem>>, vector<1x2048x768xbf16>
    %get3A_26 = vector.shape_cast %get3A_25 : vector<1x2048x768xbf16> to vector<2048x768xbf16>
    %slice3A_27 = vector.extract_strided_slice %get3A_26 {offsets = [0, 0], sizes = [2048, 96], strides = [1, 1]} : vector<2048x768xbf16> to vector<2048x96xbf16>
    %concatenate3A = tpu.concatenate %slice3A_27, %broadcast_in_dim3A_10 in 1 : vector<2048x96xbf16>, vector<2048x1xbf16> -> vector<2048x97xbf16>
    %dot_general3A = arith.constant dense<0.000000e+00> : vector<256x2048xf32>
    %dot_general3A_28 = tpu.matmul %slice3A, %slice3A_21, %dot_general3A {dimension_numbers = #tpu.dot_dimension_numbers<[1], [1], [0], [0], [0, 0, 1, 0], [], []>, transpose_lhs_hint = false} : vector<256x96xbf16>, vector<2048x96xbf16>, vector<256x2048xf32> -> vector<256x2048xf32>
    %reduce_max3A = arith.constant dense<0xFF800000> : vector<256xf32>
    %reduce_max3A_29 = vector.multi_reduction <maximumf>, %dot_general3A_28, %reduce_max3A [1] : vector<256x2048xf32> to vector<256xf32>
    %broadcast_in_dim3A_30 = vector.shape_cast %reduce_max3A_29 : vector<256xf32> to vector<256x1xf32>
    %sub3A = vector.broadcast %broadcast_in_dim3A_30 : vector<256x1xf32> to vector<256x2048xf32>
    %sub3A_31 = arith.subf %dot_general3A_28, %sub3A : vector<256x2048xf32>
    %exp23A = math.exp2 %sub3A_31 : vector<256x2048xf32>
    %convert_element_type3A = arith.truncf %exp23A : vector<256x2048xf32> to vector<256x2048xbf16>
    %dot_general3A_32 = arith.constant dense<0.000000e+00> : vector<256x97xf32>
    %dot_general3A_33 = tpu.matmul %convert_element_type3A, %concatenate3A, %dot_general3A_32 {dimension_numbers = #tpu.dot_dimension_numbers<[1], [0], [0], [1], [0, 0, 1, 1], [], []>, transpose_lhs_hint = false} : vector<256x2048xbf16>, vector<2048x97xbf16>, vector<256x97xf32> -> vector<256x97xf32>
    %slice3A_34 = vector.extract_strided_slice %dot_general3A_33 {offsets = [0, 0], sizes = [256, 96], strides = [1, 1]} : vector<256x97xf32> to vector<256x96xf32>
    %slice3A_35 = vector.extract_strided_slice %dot_general3A_33 {offsets = [0, 96], sizes = [256, 1], strides = [1, 1]} : vector<256x97xf32> to vector<256x1xf32>
    %div3A = arith.constant 1.000000e+00 : f32
    %div3A_36 = vector.broadcast %div3A : f32 to vector<256x1xf32>
    %div3A_37 = arith.divf %div3A_36, %slice3A_35 : vector<256x1xf32>
    %mul3A = vector.broadcast %div3A_37 : vector<256x1xf32> to vector<256x96xf32>
    %mul3A_38 = arith.mulf %slice3A_34, %mul3A : vector<256x96xf32>
    %get3A_39 = arith.constant 0 : index
    %get3A_40 = arith.constant 0 : index
    %get3A_41 = arith.constant 0 : index
    %get3A_42 = vector.load %arg6[%get3A_39, %get3A_40, %get3A_41] : memref<1x768x768xf32, #tpu.memory_space<vmem>>, vector<1x768x768xf32>
    %get3A_43 = vector.shape_cast %get3A_42 : vector<1x768x768xf32> to vector<768x768xf32>
    %slice3A_44 = vector.extract_strided_slice %get3A_43 {offsets = [0, 0], sizes = [96, 768], strides = [1, 1]} : vector<768x768xf32> to vector<96x768xf32>
    %dot_general3A_45 = arith.constant dense<0.000000e+00> : vector<256x768xf32>
    %dot_general3A_46 = tpu.matmul %mul3A_38, %slice3A_44, %dot_general3A_45 {dimension_numbers = #tpu.dot_dimension_numbers<[1], [0], [0], [1], [0, 0, 1, 1], [], []>, transpose_lhs_hint = false} : vector<256x96xf32>, vector<96x768xf32>, vector<256x768xf32> -> vector<256x768xf32>
    %add3A_47 = arith.addf %add3A_9, %dot_general3A_46 : vector<256x768xf32>
    %get3A_48 = arith.constant 0 : index
    %get3A_49 = arith.constant 0 : index
    %get3A_50 = arith.constant 0 : index
    %get3A_51 = vector.load %arg2[%get3A_48, %get3A_49, %get3A_50] : memref<1x256x768xbf16, #tpu.memory_space<vmem>>, vector<1x256x768xbf16>
    %get3A_52 = vector.shape_cast %get3A_51 : vector<1x256x768xbf16> to vector<256x768xbf16>
    %slice3A_53 = vector.extract_strided_slice %get3A_52 {offsets = [0, 96], sizes = [256, 96], strides = [1, 1]} : vector<256x768xbf16> to vector<256x96xbf16>
    %get3A_54 = arith.constant 0 : index
    %get3A_55 = arith.constant 0 : index
    %get3A_56 = arith.constant 0 : index
    %get3A_57 = vector.load %arg3[%get3A_54, %get3A_55, %get3A_56] : memref<1x2048x768xbf16, #tpu.memory_space<vmem>>, vector<1x2048x768xbf16>
    %get3A_58 = vector.shape_cast %get3A_57 : vector<1x2048x768xbf16> to vector<2048x768xbf16>
    %slice3A_59 = vector.extract_strided_slice %get3A_58 {offsets = [0, 96], sizes = [2048, 96], strides = [1, 1]} : vector<2048x768xbf16> to vector<2048x96xbf16>
    %get3A_60 = arith.constant 0 : index
    %get3A_61 = arith.constant 0 : index
    %get3A_62 = arith.constant 0 : index
    %get3A_63 = vector.load %arg4[%get3A_60, %get3A_61, %get3A_62] : memref<1x2048x768xbf16, #tpu.memory_space<vmem>>, vector<1x2048x768xbf16>
    %get3A_64 = vector.shape_cast %get3A_63 : vector<1x2048x768xbf16> to vector<2048x768xbf16>
    %slice3A_65 = vector.extract_strided_slice %get3A_64 {offsets = [0, 96], sizes = [2048, 96], strides = [1, 1]} : vector<2048x768xbf16> to vector<2048x96xbf16>
    %concatenate3A_66 = tpu.concatenate %slice3A_65, %broadcast_in_dim3A_10 in 1 : vector<2048x96xbf16>, vector<2048x1xbf16> -> vector<2048x97xbf16>
    %dot_general3A_67 = arith.constant dense<0.000000e+00> : vector<256x2048xf32>
    %dot_general3A_68 = tpu.matmul %slice3A_53, %slice3A_59, %dot_general3A_67 {dimension_numbers = #tpu.dot_dimension_numbers<[1], [1], [0], [0], [0, 0, 1, 0], [], []>, transpose_lhs_hint = false} : vector<256x96xbf16>, vector<2048x96xbf16>, vector<256x2048xf32> -> vector<256x2048xf32>
    %reduce_max3A_69 = arith.constant dense<0xFF800000> : vector<256xf32>
    %reduce_max3A_70 = vector.multi_reduction <maximumf>, %dot_general3A_68, %reduce_max3A_69 [1] : vector<256x2048xf32> to vector<256xf32>
    %broadcast_in_dim3A_71 = vector.shape_cast %reduce_max3A_70 : vector<256xf32> to vector<256x1xf32>
    %sub3A_72 = vector.broadcast %broadcast_in_dim3A_71 : vector<256x1xf32> to vector<256x2048xf32>
    %sub3A_73 = arith.subf %dot_general3A_68, %sub3A_72 : vector<256x2048xf32>
    %exp23A_74 = math.exp2 %sub3A_73 : vector<256x2048xf32>
    %convert_element_type3A_75 = arith.truncf %exp23A_74 : vector<256x2048xf32> to vector<256x2048xbf16>
    %dot_general3A_76 = arith.constant dense<0.000000e+00> : vector<256x97xf32>
    %dot_general3A_77 = tpu.matmul %convert_element_type3A_75, %concatenate3A_66, %dot_general3A_76 {dimension_numbers = #tpu.dot_dimension_numbers<[1], [0], [0], [1], [0, 0, 1, 1], [], []>, transpose_lhs_hint = false} : vector<256x2048xbf16>, vector<2048x97xbf16>, vector<256x97xf32> -> vector<256x97xf32>
    %slice3A_78 = vector.extract_strided_slice %dot_general3A_77 {offsets = [0, 0], sizes = [256, 96], strides = [1, 1]} : vector<256x97xf32> to vector<256x96xf32>
    %slice3A_79 = vector.extract_strided_slice %dot_general3A_77 {offsets = [0, 96], sizes = [256, 1], strides = [1, 1]} : vector<256x97xf32> to vector<256x1xf32>
    %div3A_80 = arith.constant 1.000000e+00 : f32
    %div3A_81 = vector.broadcast %div3A_80 : f32 to vector<256x1xf32>
    %div3A_82 = arith.divf %div3A_81, %slice3A_79 : vector<256x1xf32>
    %mul3A_83 = vector.broadcast %div3A_82 : vector<256x1xf32> to vector<256x96xf32>
    %mul3A_84 = arith.mulf %slice3A_78, %mul3A_83 : vector<256x96xf32>
    %get3A_85 = arith.constant 0 : index
    %get3A_86 = arith.constant 0 : index
    %get3A_87 = arith.constant 0 : index
    %get3A_88 = vector.load %arg6[%get3A_85, %get3A_86, %get3A_87] : memref<1x768x768xf32, #tpu.memory_space<vmem>>, vector<1x768x768xf32>
    %get3A_89 = vector.shape_cast %get3A_88 : vector<1x768x768xf32> to vector<768x768xf32>
    %slice3A_90 = vector.extract_strided_slice %get3A_89 {offsets = [96, 0], sizes = [96, 768], strides = [1, 1]} : vector<768x768xf32> to vector<96x768xf32>
    %dot_general3A_91 = arith.constant dense<0.000000e+00> : vector<256x768xf32>
    %dot_general3A_92 = tpu.matmul %mul3A_84, %slice3A_90, %dot_general3A_91 {dimension_numbers = #tpu.dot_dimension_numbers<[1], [0], [0], [1], [0, 0, 1, 1], [], []>, transpose_lhs_hint = false} : vector<256x96xf32>, vector<96x768xf32>, vector<256x768xf32> -> vector<256x768xf32>
    %add3A_93 = arith.addf %add3A_47, %dot_general3A_92 : vector<256x768xf32>
    %get3A_94 = arith.constant 0 : index
    %get3A_95 = arith.constant 0 : index
    %get3A_96 = arith.constant 0 : index
    %get3A_97 = vector.load %arg2[%get3A_94, %get3A_95, %get3A_96] : memref<1x256x768xbf16, #tpu.memory_space<vmem>>, vector<1x256x768xbf16>
    %get3A_98 = vector.shape_cast %get3A_97 : vector<1x256x768xbf16> to vector<256x768xbf16>
    %slice3A_99 = vector.extract_strided_slice %get3A_98 {offsets = [0, 192], sizes = [256, 96], strides = [1, 1]} : vector<256x768xbf16> to vector<256x96xbf16>
    %get3A_100 = arith.constant 0 : index
    %get3A_101 = arith.constant 0 : index
    %get3A_102 = arith.constant 0 : index
    %get3A_103 = vector.load %arg3[%get3A_100, %get3A_101, %get3A_102] : memref<1x2048x768xbf16, #tpu.memory_space<vmem>>, vector<1x2048x768xbf16>
    %get3A_104 = vector.shape_cast %get3A_103 : vector<1x2048x768xbf16> to vector<2048x768xbf16>
    %slice3A_105 = vector.extract_strided_slice %get3A_104 {offsets = [0, 192], sizes = [2048, 96], strides = [1, 1]} : vector<2048x768xbf16> to vector<2048x96xbf16>
    %get3A_106 = arith.constant 0 : index
    %get3A_107 = arith.constant 0 : index
    %get3A_108 = arith.constant 0 : index
    %get3A_109 = vector.load %arg4[%get3A_106, %get3A_107, %get3A_108] : memref<1x2048x768xbf16, #tpu.memory_space<vmem>>, vector<1x2048x768xbf16>
    %get3A_110 = vector.shape_cast %get3A_109 : vector<1x2048x768xbf16> to vector<2048x768xbf16>
    %slice3A_111 = vector.extract_strided_slice %get3A_110 {offsets = [0, 192], sizes = [2048, 96], strides = [1, 1]} : vector<2048x768xbf16> to vector<2048x96xbf16>
    %concatenate3A_112 = tpu.concatenate %slice3A_111, %broadcast_in_dim3A_10 in 1 : vector<2048x96xbf16>, vector<2048x1xbf16> -> vector<2048x97xbf16>
    %dot_general3A_113 = arith.constant dense<0.000000e+00> : vector<256x2048xf32>
    %dot_general3A_114 = tpu.matmul %slice3A_99, %slice3A_105, %dot_general3A_113 {dimension_numbers = #tpu.dot_dimension_numbers<[1], [1], [0], [0], [0, 0, 1, 0], [], []>, transpose_lhs_hint = false} : vector<256x96xbf16>, vector<2048x96xbf16>, vector<256x2048xf32> -> vector<256x2048xf32>
    %reduce_max3A_115 = arith.constant dense<0xFF800000> : vector<256xf32>
    %reduce_max3A_116 = vector.multi_reduction <maximumf>, %dot_general3A_114, %reduce_max3A_115 [1] : vector<256x2048xf32> to vector<256xf32>
    %broadcast_in_dim3A_117 = vector.shape_cast %reduce_max3A_116 : vector<256xf32> to vector<256x1xf32>
    %sub3A_118 = vector.broadcast %broadcast_in_dim3A_117 : vector<256x1xf32> to vector<256x2048xf32>
    %sub3A_119 = arith.subf %dot_general3A_114, %sub3A_118 : vector<256x2048xf32>
    %exp23A_120 = math.exp2 %sub3A_119 : vector<256x2048xf32>
    %convert_element_type3A_121 = arith.truncf %exp23A_120 : vector<256x2048xf32> to vector<256x2048xbf16>
    %dot_general3A_122 = arith.constant dense<0.000000e+00> : vector<256x97xf32>
    %dot_general3A_123 = tpu.matmul %convert_element_type3A_121, %concatenate3A_112, %dot_general3A_122 {dimension_numbers = #tpu.dot_dimension_numbers<[1], [0], [0], [1], [0, 0, 1, 1], [], []>, transpose_lhs_hint = false} : vector<256x2048xbf16>, vector<2048x97xbf16>, vector<256x97xf32> -> vector<256x97xf32>
    %slice3A_124 = vector.extract_strided_slice %dot_general3A_123 {offsets = [0, 0], sizes = [256, 96], strides = [1, 1]} : vector<256x97xf32> to vector<256x96xf32>
    %slice3A_125 = vector.extract_strided_slice %dot_general3A_123 {offsets = [0, 96], sizes = [256, 1], strides = [1, 1]} : vector<256x97xf32> to vector<256x1xf32>
    %div3A_126 = arith.constant 1.000000e+00 : f32
    %div3A_127 = vector.broadcast %div3A_126 : f32 to vector<256x1xf32>
    %div3A_128 = arith.divf %div3A_127, %slice3A_125 : vector<256x1xf32>
    %mul3A_129 = vector.broadcast %div3A_128 : vector<256x1xf32> to vector<256x96xf32>
    %mul3A_130 = arith.mulf %slice3A_124, %mul3A_129 : vector<256x96xf32>
    %get3A_131 = arith.constant 0 : index
    %get3A_132 = arith.constant 0 : index
    %get3A_133 = arith.constant 0 : index
    %get3A_134 = vector.load %arg6[%get3A_131, %get3A_132, %get3A_133] : memref<1x768x768xf32, #tpu.memory_space<vmem>>, vector<1x768x768xf32>
    %get3A_135 = vector.shape_cast %get3A_134 : vector<1x768x768xf32> to vector<768x768xf32>
    %slice3A_136 = vector.extract_strided_slice %get3A_135 {offsets = [192, 0], sizes = [96, 768], strides = [1, 1]} : vector<768x768xf32> to vector<96x768xf32>
    %dot_general3A_137 = arith.constant dense<0.000000e+00> : vector<256x768xf32>
    %dot_general3A_138 = tpu.matmul %mul3A_130, %slice3A_136, %dot_general3A_137 {dimension_numbers = #tpu.dot_dimension_numbers<[1], [0], [0], [1], [0, 0, 1, 1], [], []>, transpose_lhs_hint = false} : vector<256x96xf32>, vector<96x768xf32>, vector<256x768xf32> -> vector<256x768xf32>
    %add3A_139 = arith.addf %add3A_93, %dot_general3A_138 : vector<256x768xf32>
    %get3A_140 = arith.constant 0 : index
    %get3A_141 = arith.constant 0 : index
    %get3A_142 = arith.constant 0 : index
    %get3A_143 = vector.load %arg2[%get3A_140, %get3A_141, %get3A_142] : memref<1x256x768xbf16, #tpu.memory_space<vmem>>, vector<1x256x768xbf16>
    %get3A_144 = vector.shape_cast %get3A_143 : vector<1x256x768xbf16> to vector<256x768xbf16>
    %slice3A_145 = vector.extract_strided_slice %get3A_144 {offsets = [0, 288], sizes = [256, 96], strides = [1, 1]} : vector<256x768xbf16> to vector<256x96xbf16>
    %get3A_146 = arith.constant 0 : index
    %get3A_147 = arith.constant 0 : index
    %get3A_148 = arith.constant 0 : index
    %get3A_149 = vector.load %arg3[%get3A_146, %get3A_147, %get3A_148] : memref<1x2048x768xbf16, #tpu.memory_space<vmem>>, vector<1x2048x768xbf16>
    %get3A_150 = vector.shape_cast %get3A_149 : vector<1x2048x768xbf16> to vector<2048x768xbf16>
    %slice3A_151 = vector.extract_strided_slice %get3A_150 {offsets = [0, 288], sizes = [2048, 96], strides = [1, 1]} : vector<2048x768xbf16> to vector<2048x96xbf16>
    %get3A_152 = arith.constant 0 : index
    %get3A_153 = arith.constant 0 : index
    %get3A_154 = arith.constant 0 : index
    %get3A_155 = vector.load %arg4[%get3A_152, %get3A_153, %get3A_154] : memref<1x2048x768xbf16, #tpu.memory_space<vmem>>, vector<1x2048x768xbf16>
    %get3A_156 = vector.shape_cast %get3A_155 : vector<1x2048x768xbf16> to vector<2048x768xbf16>
    %slice3A_157 = vector.extract_strided_slice %get3A_156 {offsets = [0, 288], sizes = [2048, 96], strides = [1, 1]} : vector<2048x768xbf16> to vector<2048x96xbf16>
    %concatenate3A_158 = tpu.concatenate %slice3A_157, %broadcast_in_dim3A_10 in 1 : vector<2048x96xbf16>, vector<2048x1xbf16> -> vector<2048x97xbf16>
    %dot_general3A_159 = arith.constant dense<0.000000e+00> : vector<256x2048xf32>
    %dot_general3A_160 = tpu.matmul %slice3A_145, %slice3A_151, %dot_general3A_159 {dimension_numbers = #tpu.dot_dimension_numbers<[1], [1], [0], [0], [0, 0, 1, 0], [], []>, transpose_lhs_hint = false} : vector<256x96xbf16>, vector<2048x96xbf16>, vector<256x2048xf32> -> vector<256x2048xf32>
    %reduce_max3A_161 = arith.constant dense<0xFF800000> : vector<256xf32>
    %reduce_max3A_162 = vector.multi_reduction <maximumf>, %dot_general3A_160, %reduce_max3A_161 [1] : vector<256x2048xf32> to vector<256xf32>
    %broadcast_in_dim3A_163 = vector.shape_cast %reduce_max3A_162 : vector<256xf32> to vector<256x1xf32>
    %sub3A_164 = vector.broadcast %broadcast_in_dim3A_163 : vector<256x1xf32> to vector<256x2048xf32>
    %sub3A_165 = arith.subf %dot_general3A_160, %sub3A_164 : vector<256x2048xf32>
    %exp23A_166 = math.exp2 %sub3A_165 : vector<256x2048xf32>
    %convert_element_type3A_167 = arith.truncf %exp23A_166 : vector<256x2048xf32> to vector<256x2048xbf16>
    %dot_general3A_168 = arith.constant dense<0.000000e+00> : vector<256x97xf32>
    %dot_general3A_169 = tpu.matmul %convert_element_type3A_167, %concatenate3A_158, %dot_general3A_168 {dimension_numbers = #tpu.dot_dimension_numbers<[1], [0], [0], [1], [0, 0, 1, 1], [], []>, transpose_lhs_hint = false} : vector<256x2048xbf16>, vector<2048x97xbf16>, vector<256x97xf32> -> vector<256x97xf32>
    %slice3A_170 = vector.extract_strided_slice %dot_general3A_169 {offsets = [0, 0], sizes = [256, 96], strides = [1, 1]} : vector<256x97xf32> to vector<256x96xf32>
    %slice3A_171 = vector.extract_strided_slice %dot_general3A_169 {offsets = [0, 96], sizes = [256, 1], strides = [1, 1]} : vector<256x97xf32> to vector<256x1xf32>
    %div3A_172 = arith.constant 1.000000e+00 : f32
    %div3A_173 = vector.broadcast %div3A_172 : f32 to vector<256x1xf32>
    %div3A_174 = arith.divf %div3A_173, %slice3A_171 : vector<256x1xf32>
    %mul3A_175 = vector.broadcast %div3A_174 : vector<256x1xf32> to vector<256x96xf32>
    %mul3A_176 = arith.mulf %slice3A_170, %mul3A_175 : vector<256x96xf32>
    %get3A_177 = arith.constant 0 : index
    %get3A_178 = arith.constant 0 : index
    %get3A_179 = arith.constant 0 : index
    %get3A_180 = vector.load %arg6[%get3A_177, %get3A_178, %get3A_179] : memref<1x768x768xf32, #tpu.memory_space<vmem>>, vector<1x768x768xf32>
    %get3A_181 = vector.shape_cast %get3A_180 : vector<1x768x768xf32> to vector<768x768xf32>
    %slice3A_182 = vector.extract_strided_slice %get3A_181 {offsets = [288, 0], sizes = [96, 768], strides = [1, 1]} : vector<768x768xf32> to vector<96x768xf32>
    %dot_general3A_183 = arith.constant dense<0.000000e+00> : vector<256x768xf32>
    %dot_general3A_184 = tpu.matmul %mul3A_176, %slice3A_182, %dot_general3A_183 {dimension_numbers = #tpu.dot_dimension_numbers<[1], [0], [0], [1], [0, 0, 1, 1], [], []>, transpose_lhs_hint = false} : vector<256x96xf32>, vector<96x768xf32>, vector<256x768xf32> -> vector<256x768xf32>
    %add3A_185 = arith.addf %add3A_139, %dot_general3A_184 : vector<256x768xf32>
    %get3A_186 = arith.constant 0 : index
    %get3A_187 = arith.constant 0 : index
    %get3A_188 = arith.constant 0 : index
    %get3A_189 = vector.load %arg2[%get3A_186, %get3A_187, %get3A_188] : memref<1x256x768xbf16, #tpu.memory_space<vmem>>, vector<1x256x768xbf16>
    %get3A_190 = vector.shape_cast %get3A_189 : vector<1x256x768xbf16> to vector<256x768xbf16>
    %slice3A_191 = vector.extract_strided_slice %get3A_190 {offsets = [0, 384], sizes = [256, 96], strides = [1, 1]} : vector<256x768xbf16> to vector<256x96xbf16>
    %get3A_192 = arith.constant 0 : index
    %get3A_193 = arith.constant 0 : index
    %get3A_194 = arith.constant 0 : index
    %get3A_195 = vector.load %arg3[%get3A_192, %get3A_193, %get3A_194] : memref<1x2048x768xbf16, #tpu.memory_space<vmem>>, vector<1x2048x768xbf16>
    %get3A_196 = vector.shape_cast %get3A_195 : vector<1x2048x768xbf16> to vector<2048x768xbf16>
    %slice3A_197 = vector.extract_strided_slice %get3A_196 {offsets = [0, 384], sizes = [2048, 96], strides = [1, 1]} : vector<2048x768xbf16> to vector<2048x96xbf16>
    %get3A_198 = arith.constant 0 : index
    %get3A_199 = arith.constant 0 : index
    %get3A_200 = arith.constant 0 : index
    %get3A_201 = vector.load %arg4[%get3A_198, %get3A_199, %get3A_200] : memref<1x2048x768xbf16, #tpu.memory_space<vmem>>, vector<1x2048x768xbf16>
    %get3A_202 = vector.shape_cast %get3A_201 : vector<1x2048x768xbf16> to vector<2048x768xbf16>
    %slice3A_203 = vector.extract_strided_slice %get3A_202 {offsets = [0, 384], sizes = [2048, 96], strides = [1, 1]} : vector<2048x768xbf16> to vector<2048x96xbf16>
    %concatenate3A_204 = tpu.concatenate %slice3A_203, %broadcast_in_dim3A_10 in 1 : vector<2048x96xbf16>, vector<2048x1xbf16> -> vector<2048x97xbf16>
    %dot_general3A_205 = arith.constant dense<0.000000e+00> : vector<256x2048xf32>
    %dot_general3A_206 = tpu.matmul %slice3A_191, %slice3A_197, %dot_general3A_205 {dimension_numbers = #tpu.dot_dimension_numbers<[1], [1], [0], [0], [0, 0, 1, 0], [], []>, transpose_lhs_hint = false} : vector<256x96xbf16>, vector<2048x96xbf16>, vector<256x2048xf32> -> vector<256x2048xf32>
    %reduce_max3A_207 = arith.constant dense<0xFF800000> : vector<256xf32>
    %reduce_max3A_208 = vector.multi_reduction <maximumf>, %dot_general3A_206, %reduce_max3A_207 [1] : vector<256x2048xf32> to vector<256xf32>
    %broadcast_in_dim3A_209 = vector.shape_cast %reduce_max3A_208 : vector<256xf32> to vector<256x1xf32>
    %sub3A_210 = vector.broadcast %broadcast_in_dim3A_209 : vector<256x1xf32> to vector<256x2048xf32>
    %sub3A_211 = arith.subf %dot_general3A_206, %sub3A_210 : vector<256x2048xf32>
    %exp23A_212 = math.exp2 %sub3A_211 : vector<256x2048xf32>
    %convert_element_type3A_213 = arith.truncf %exp23A_212 : vector<256x2048xf32> to vector<256x2048xbf16>
    %dot_general3A_214 = arith.constant dense<0.000000e+00> : vector<256x97xf32>
    %dot_general3A_215 = tpu.matmul %convert_element_type3A_213, %concatenate3A_204, %dot_general3A_214 {dimension_numbers = #tpu.dot_dimension_numbers<[1], [0], [0], [1], [0, 0, 1, 1], [], []>, transpose_lhs_hint = false} : vector<256x2048xbf16>, vector<2048x97xbf16>, vector<256x97xf32> -> vector<256x97xf32>
    %slice3A_216 = vector.extract_strided_slice %dot_general3A_215 {offsets = [0, 0], sizes = [256, 96], strides = [1, 1]} : vector<256x97xf32> to vector<256x96xf32>
    %slice3A_217 = vector.extract_strided_slice %dot_general3A_215 {offsets = [0, 96], sizes = [256, 1], strides = [1, 1]} : vector<256x97xf32> to vector<256x1xf32>
    %div3A_218 = arith.constant 1.000000e+00 : f32
    %div3A_219 = vector.broadcast %div3A_218 : f32 to vector<256x1xf32>
    %div3A_220 = arith.divf %div3A_219, %slice3A_217 : vector<256x1xf32>
    %mul3A_221 = vector.broadcast %div3A_220 : vector<256x1xf32> to vector<256x96xf32>
    %mul3A_222 = arith.mulf %slice3A_216, %mul3A_221 : vector<256x96xf32>
    %get3A_223 = arith.constant 0 : index
    %get3A_224 = arith.constant 0 : index
    %get3A_225 = arith.constant 0 : index
    %get3A_226 = vector.load %arg6[%get3A_223, %get3A_224, %get3A_225] : memref<1x768x768xf32, #tpu.memory_space<vmem>>, vector<1x768x768xf32>
    %get3A_227 = vector.shape_cast %get3A_226 : vector<1x768x768xf32> to vector<768x768xf32>
    %slice3A_228 = vector.extract_strided_slice %get3A_227 {offsets = [384, 0], sizes = [96, 768], strides = [1, 1]} : vector<768x768xf32> to vector<96x768xf32>
    %dot_general3A_229 = arith.constant dense<0.000000e+00> : vector<256x768xf32>
    %dot_general3A_230 = tpu.matmul %mul3A_222, %slice3A_228, %dot_general3A_229 {dimension_numbers = #tpu.dot_dimension_numbers<[1], [0], [0], [1], [0, 0, 1, 1], [], []>, transpose_lhs_hint = false} : vector<256x96xf32>, vector<96x768xf32>, vector<256x768xf32> -> vector<256x768xf32>
    %add3A_231 = arith.addf %add3A_185, %dot_general3A_230 : vector<256x768xf32>
    %get3A_232 = arith.constant 0 : index
    %get3A_233 = arith.constant 0 : index
    %get3A_234 = arith.constant 0 : index
    %get3A_235 = vector.load %arg2[%get3A_232, %get3A_233, %get3A_234] : memref<1x256x768xbf16, #tpu.memory_space<vmem>>, vector<1x256x768xbf16>
    %get3A_236 = vector.shape_cast %get3A_235 : vector<1x256x768xbf16> to vector<256x768xbf16>
    %slice3A_237 = vector.extract_strided_slice %get3A_236 {offsets = [0, 480], sizes = [256, 96], strides = [1, 1]} : vector<256x768xbf16> to vector<256x96xbf16>
    %get3A_238 = arith.constant 0 : index
    %get3A_239 = arith.constant 0 : index
    %get3A_240 = arith.constant 0 : index
    %get3A_241 = vector.load %arg3[%get3A_238, %get3A_239, %get3A_240] : memref<1x2048x768xbf16, #tpu.memory_space<vmem>>, vector<1x2048x768xbf16>
    %get3A_242 = vector.shape_cast %get3A_241 : vector<1x2048x768xbf16> to vector<2048x768xbf16>
    %slice3A_243 = vector.extract_strided_slice %get3A_242 {offsets = [0, 480], sizes = [2048, 96], strides = [1, 1]} : vector<2048x768xbf16> to vector<2048x96xbf16>
    %get3A_244 = arith.constant 0 : index
    %get3A_245 = arith.constant 0 : index
    %get3A_246 = arith.constant 0 : index
    %get3A_247 = vector.load %arg4[%get3A_244, %get3A_245, %get3A_246] : memref<1x2048x768xbf16, #tpu.memory_space<vmem>>, vector<1x2048x768xbf16>
    %get3A_248 = vector.shape_cast %get3A_247 : vector<1x2048x768xbf16> to vector<2048x768xbf16>
    %slice3A_249 = vector.extract_strided_slice %get3A_248 {offsets = [0, 480], sizes = [2048, 96], strides = [1, 1]} : vector<2048x768xbf16> to vector<2048x96xbf16>
    %concatenate3A_250 = tpu.concatenate %slice3A_249, %broadcast_in_dim3A_10 in 1 : vector<2048x96xbf16>, vector<2048x1xbf16> -> vector<2048x97xbf16>
    %dot_general3A_251 = arith.constant dense<0.000000e+00> : vector<256x2048xf32>
    %dot_general3A_252 = tpu.matmul %slice3A_237, %slice3A_243, %dot_general3A_251 {dimension_numbers = #tpu.dot_dimension_numbers<[1], [1], [0], [0], [0, 0, 1, 0], [], []>, transpose_lhs_hint = false} : vector<256x96xbf16>, vector<2048x96xbf16>, vector<256x2048xf32> -> vector<256x2048xf32>
    %reduce_max3A_253 = arith.constant dense<0xFF800000> : vector<256xf32>
    %reduce_max3A_254 = vector.multi_reduction <maximumf>, %dot_general3A_252, %reduce_max3A_253 [1] : vector<256x2048xf32> to vector<256xf32>
    %broadcast_in_dim3A_255 = vector.shape_cast %reduce_max3A_254 : vector<256xf32> to vector<256x1xf32>
    %sub3A_256 = vector.broadcast %broadcast_in_dim3A_255 : vector<256x1xf32> to vector<256x2048xf32>
    %sub3A_257 = arith.subf %dot_general3A_252, %sub3A_256 : vector<256x2048xf32>
    %exp23A_258 = math.exp2 %sub3A_257 : vector<256x2048xf32>
    %convert_element_type3A_259 = arith.truncf %exp23A_258 : vector<256x2048xf32> to vector<256x2048xbf16>
    %dot_general3A_260 = arith.constant dense<0.000000e+00> : vector<256x97xf32>
    %dot_general3A_261 = tpu.matmul %convert_element_type3A_259, %concatenate3A_250, %dot_general3A_260 {dimension_numbers = #tpu.dot_dimension_numbers<[1], [0], [0], [1], [0, 0, 1, 1], [], []>, transpose_lhs_hint = false} : vector<256x2048xbf16>, vector<2048x97xbf16>, vector<256x97xf32> -> vector<256x97xf32>
    %slice3A_262 = vector.extract_strided_slice %dot_general3A_261 {offsets = [0, 0], sizes = [256, 96], strides = [1, 1]} : vector<256x97xf32> to vector<256x96xf32>
    %slice3A_263 = vector.extract_strided_slice %dot_general3A_261 {offsets = [0, 96], sizes = [256, 1], strides = [1, 1]} : vector<256x97xf32> to vector<256x1xf32>
    %div3A_264 = arith.constant 1.000000e+00 : f32
    %div3A_265 = vector.broadcast %div3A_264 : f32 to vector<256x1xf32>
    %div3A_266 = arith.divf %div3A_265, %slice3A_263 : vector<256x1xf32>
    %mul3A_267 = vector.broadcast %div3A_266 : vector<256x1xf32> to vector<256x96xf32>
    %mul3A_268 = arith.mulf %slice3A_262, %mul3A_267 : vector<256x96xf32>
    %get3A_269 = arith.constant 0 : index
    %get3A_270 = arith.constant 0 : index
    %get3A_271 = arith.constant 0 : index
    %get3A_272 = vector.load %arg6[%get3A_269, %get3A_270, %get3A_271] : memref<1x768x768xf32, #tpu.memory_space<vmem>>, vector<1x768x768xf32>
    %get3A_273 = vector.shape_cast %get3A_272 : vector<1x768x768xf32> to vector<768x768xf32>
    %slice3A_274 = vector.extract_strided_slice %get3A_273 {offsets = [480, 0], sizes = [96, 768], strides = [1, 1]} : vector<768x768xf32> to vector<96x768xf32>
    %dot_general3A_275 = arith.constant dense<0.000000e+00> : vector<256x768xf32>
    %dot_general3A_276 = tpu.matmul %mul3A_268, %slice3A_274, %dot_general3A_275 {dimension_numbers = #tpu.dot_dimension_numbers<[1], [0], [0], [1], [0, 0, 1, 1], [], []>, transpose_lhs_hint = false} : vector<256x96xf32>, vector<96x768xf32>, vector<256x768xf32> -> vector<256x768xf32>
    %add3A_277 = arith.addf %add3A_231, %dot_general3A_276 : vector<256x768xf32>
    %get3A_278 = arith.constant 0 : index
    %get3A_279 = arith.constant 0 : index
    %get3A_280 = arith.constant 0 : index
    %get3A_281 = vector.load %arg2[%get3A_278, %get3A_279, %get3A_280] : memref<1x256x768xbf16, #tpu.memory_space<vmem>>, vector<1x256x768xbf16>
    %get3A_282 = vector.shape_cast %get3A_281 : vector<1x256x768xbf16> to vector<256x768xbf16>
    %slice3A_283 = vector.extract_strided_slice %get3A_282 {offsets = [0, 576], sizes = [256, 96], strides = [1, 1]} : vector<256x768xbf16> to vector<256x96xbf16>
    %get3A_284 = arith.constant 0 : index
    %get3A_285 = arith.constant 0 : index
    %get3A_286 = arith.constant 0 : index
    %get3A_287 = vector.load %arg3[%get3A_284, %get3A_285, %get3A_286] : memref<1x2048x768xbf16, #tpu.memory_space<vmem>>, vector<1x2048x768xbf16>
    %get3A_288 = vector.shape_cast %get3A_287 : vector<1x2048x768xbf16> to vector<2048x768xbf16>
    %slice3A_289 = vector.extract_strided_slice %get3A_288 {offsets = [0, 576], sizes = [2048, 96], strides = [1, 1]} : vector<2048x768xbf16> to vector<2048x96xbf16>
    %get3A_290 = arith.constant 0 : index
    %get3A_291 = arith.constant 0 : index
    %get3A_292 = arith.constant 0 : index
    %get3A_293 = vector.load %arg4[%get3A_290, %get3A_291, %get3A_292] : memref<1x2048x768xbf16, #tpu.memory_space<vmem>>, vector<1x2048x768xbf16>
    %get3A_294 = vector.shape_cast %get3A_293 : vector<1x2048x768xbf16> to vector<2048x768xbf16>
    %slice3A_295 = vector.extract_strided_slice %get3A_294 {offsets = [0, 576], sizes = [2048, 96], strides = [1, 1]} : vector<2048x768xbf16> to vector<2048x96xbf16>
    %concatenate3A_296 = tpu.concatenate %slice3A_295, %broadcast_in_dim3A_10 in 1 : vector<2048x96xbf16>, vector<2048x1xbf16> -> vector<2048x97xbf16>
    %dot_general3A_297 = arith.constant dense<0.000000e+00> : vector<256x2048xf32>
    %dot_general3A_298 = tpu.matmul %slice3A_283, %slice3A_289, %dot_general3A_297 {dimension_numbers = #tpu.dot_dimension_numbers<[1], [1], [0], [0], [0, 0, 1, 0], [], []>, transpose_lhs_hint = false} : vector<256x96xbf16>, vector<2048x96xbf16>, vector<256x2048xf32> -> vector<256x2048xf32>
    %reduce_max3A_299 = arith.constant dense<0xFF800000> : vector<256xf32>
    %reduce_max3A_300 = vector.multi_reduction <maximumf>, %dot_general3A_298, %reduce_max3A_299 [1] : vector<256x2048xf32> to vector<256xf32>
    %broadcast_in_dim3A_301 = vector.shape_cast %reduce_max3A_300 : vector<256xf32> to vector<256x1xf32>
    %sub3A_302 = vector.broadcast %broadcast_in_dim3A_301 : vector<256x1xf32> to vector<256x2048xf32>
    %sub3A_303 = arith.subf %dot_general3A_298, %sub3A_302 : vector<256x2048xf32>
    %exp23A_304 = math.exp2 %sub3A_303 : vector<256x2048xf32>
    %convert_element_type3A_305 = arith.truncf %exp23A_304 : vector<256x2048xf32> to vector<256x2048xbf16>
    %dot_general3A_306 = arith.constant dense<0.000000e+00> : vector<256x97xf32>
    %dot_general3A_307 = tpu.matmul %convert_element_type3A_305, %concatenate3A_296, %dot_general3A_306 {dimension_numbers = #tpu.dot_dimension_numbers<[1], [0], [0], [1], [0, 0, 1, 1], [], []>, transpose_lhs_hint = false} : vector<256x2048xbf16>, vector<2048x97xbf16>, vector<256x97xf32> -> vector<256x97xf32>
    %slice3A_308 = vector.extract_strided_slice %dot_general3A_307 {offsets = [0, 0], sizes = [256, 96], strides = [1, 1]} : vector<256x97xf32> to vector<256x96xf32>
    %slice3A_309 = vector.extract_strided_slice %dot_general3A_307 {offsets = [0, 96], sizes = [256, 1], strides = [1, 1]} : vector<256x97xf32> to vector<256x1xf32>
    %div3A_310 = arith.constant 1.000000e+00 : f32
    %div3A_311 = vector.broadcast %div3A_310 : f32 to vector<256x1xf32>
    %div3A_312 = arith.divf %div3A_311, %slice3A_309 : vector<256x1xf32>
    %mul3A_313 = vector.broadcast %div3A_312 : vector<256x1xf32> to vector<256x96xf32>
    %mul3A_314 = arith.mulf %slice3A_308, %mul3A_313 : vector<256x96xf32>
    %get3A_315 = arith.constant 0 : index
    %get3A_316 = arith.constant 0 : index
    %get3A_317 = arith.constant 0 : index
    %get3A_318 = vector.load %arg6[%get3A_315, %get3A_316, %get3A_317] : memref<1x768x768xf32, #tpu.memory_space<vmem>>, vector<1x768x768xf32>
    %get3A_319 = vector.shape_cast %get3A_318 : vector<1x768x768xf32> to vector<768x768xf32>
    %slice3A_320 = vector.extract_strided_slice %get3A_319 {offsets = [576, 0], sizes = [96, 768], strides = [1, 1]} : vector<768x768xf32> to vector<96x768xf32>
    %dot_general3A_321 = arith.constant dense<0.000000e+00> : vector<256x768xf32>
    %dot_general3A_322 = tpu.matmul %mul3A_314, %slice3A_320, %dot_general3A_321 {dimension_numbers = #tpu.dot_dimension_numbers<[1], [0], [0], [1], [0, 0, 1, 1], [], []>, transpose_lhs_hint = false} : vector<256x96xf32>, vector<96x768xf32>, vector<256x768xf32> -> vector<256x768xf32>
    %add3A_323 = arith.addf %add3A_277, %dot_general3A_322 : vector<256x768xf32>
    %get3A_324 = arith.constant 0 : index
    %get3A_325 = arith.constant 0 : index
    %get3A_326 = arith.constant 0 : index
    %get3A_327 = vector.load %arg2[%get3A_324, %get3A_325, %get3A_326] : memref<1x256x768xbf16, #tpu.memory_space<vmem>>, vector<1x256x768xbf16>
    %get3A_328 = vector.shape_cast %get3A_327 : vector<1x256x768xbf16> to vector<256x768xbf16>
    %slice3A_329 = vector.extract_strided_slice %get3A_328 {offsets = [0, 672], sizes = [256, 96], strides = [1, 1]} : vector<256x768xbf16> to vector<256x96xbf16>
    %get3A_330 = arith.constant 0 : index
    %get3A_331 = arith.constant 0 : index
    %get3A_332 = arith.constant 0 : index
    %get3A_333 = vector.load %arg3[%get3A_330, %get3A_331, %get3A_332] : memref<1x2048x768xbf16, #tpu.memory_space<vmem>>, vector<1x2048x768xbf16>
    %get3A_334 = vector.shape_cast %get3A_333 : vector<1x2048x768xbf16> to vector<2048x768xbf16>
    %slice3A_335 = vector.extract_strided_slice %get3A_334 {offsets = [0, 672], sizes = [2048, 96], strides = [1, 1]} : vector<2048x768xbf16> to vector<2048x96xbf16>
    %get3A_336 = arith.constant 0 : index
    %get3A_337 = arith.constant 0 : index
    %get3A_338 = arith.constant 0 : index
    %get3A_339 = vector.load %arg4[%get3A_336, %get3A_337, %get3A_338] : memref<1x2048x768xbf16, #tpu.memory_space<vmem>>, vector<1x2048x768xbf16>
    %get3A_340 = vector.shape_cast %get3A_339 : vector<1x2048x768xbf16> to vector<2048x768xbf16>
    %slice3A_341 = vector.extract_strided_slice %get3A_340 {offsets = [0, 672], sizes = [2048, 96], strides = [1, 1]} : vector<2048x768xbf16> to vector<2048x96xbf16>
    %concatenate3A_342 = tpu.concatenate %slice3A_341, %broadcast_in_dim3A_10 in 1 : vector<2048x96xbf16>, vector<2048x1xbf16> -> vector<2048x97xbf16>
    %dot_general3A_343 = arith.constant dense<0.000000e+00> : vector<256x2048xf32>
    %dot_general3A_344 = tpu.matmul %slice3A_329, %slice3A_335, %dot_general3A_343 {dimension_numbers = #tpu.dot_dimension_numbers<[1], [1], [0], [0], [0, 0, 1, 0], [], []>, transpose_lhs_hint = false} : vector<256x96xbf16>, vector<2048x96xbf16>, vector<256x2048xf32> -> vector<256x2048xf32>
    %reduce_max3A_345 = arith.constant dense<0xFF800000> : vector<256xf32>
    %reduce_max3A_346 = vector.multi_reduction <maximumf>, %dot_general3A_344, %reduce_max3A_345 [1] : vector<256x2048xf32> to vector<256xf32>
    %broadcast_in_dim3A_347 = vector.shape_cast %reduce_max3A_346 : vector<256xf32> to vector<256x1xf32>
    %sub3A_348 = vector.broadcast %broadcast_in_dim3A_347 : vector<256x1xf32> to vector<256x2048xf32>
    %sub3A_349 = arith.subf %dot_general3A_344, %sub3A_348 : vector<256x2048xf32>
    %exp23A_350 = math.exp2 %sub3A_349 : vector<256x2048xf32>
    %convert_element_type3A_351 = arith.truncf %exp23A_350 : vector<256x2048xf32> to vector<256x2048xbf16>
    %dot_general3A_352 = arith.constant dense<0.000000e+00> : vector<256x97xf32>
    %dot_general3A_353 = tpu.matmul %convert_element_type3A_351, %concatenate3A_342, %dot_general3A_352 {dimension_numbers = #tpu.dot_dimension_numbers<[1], [0], [0], [1], [0, 0, 1, 1], [], []>, transpose_lhs_hint = false} : vector<256x2048xbf16>, vector<2048x97xbf16>, vector<256x97xf32> -> vector<256x97xf32>
    %slice3A_354 = vector.extract_strided_slice %dot_general3A_353 {offsets = [0, 0], sizes = [256, 96], strides = [1, 1]} : vector<256x97xf32> to vector<256x96xf32>
    %slice3A_355 = vector.extract_strided_slice %dot_general3A_353 {offsets = [0, 96], sizes = [256, 1], strides = [1, 1]} : vector<256x97xf32> to vector<256x1xf32>
    %div3A_356 = arith.constant 1.000000e+00 : f32
    %div3A_357 = vector.broadcast %div3A_356 : f32 to vector<256x1xf32>
    %div3A_358 = arith.divf %div3A_357, %slice3A_355 : vector<256x1xf32>
    %mul3A_359 = vector.broadcast %div3A_358 : vector<256x1xf32> to vector<256x96xf32>
    %mul3A_360 = arith.mulf %slice3A_354, %mul3A_359 : vector<256x96xf32>
    %get3A_361 = arith.constant 0 : index
    %get3A_362 = arith.constant 0 : index
    %get3A_363 = arith.constant 0 : index
    %get3A_364 = vector.load %arg6[%get3A_361, %get3A_362, %get3A_363] : memref<1x768x768xf32, #tpu.memory_space<vmem>>, vector<1x768x768xf32>
    %get3A_365 = vector.shape_cast %get3A_364 : vector<1x768x768xf32> to vector<768x768xf32>
    %slice3A_366 = vector.extract_strided_slice %get3A_365 {offsets = [672, 0], sizes = [96, 768], strides = [1, 1]} : vector<768x768xf32> to vector<96x768xf32>
    %dot_general3A_367 = arith.constant dense<0.000000e+00> : vector<256x768xf32>
    %dot_general3A_368 = tpu.matmul %mul3A_360, %slice3A_366, %dot_general3A_367 {dimension_numbers = #tpu.dot_dimension_numbers<[1], [0], [0], [1], [0, 0, 1, 1], [], []>, transpose_lhs_hint = false} : vector<256x96xf32>, vector<96x768xf32>, vector<256x768xf32> -> vector<256x768xf32>
    %add3A_369 = arith.addf %add3A_323, %dot_general3A_368 : vector<256x768xf32>
    %swap3A = arith.constant 0 : index
    %swap3A_370 = arith.constant 0 : index
    %swap3A_371 = arith.constant 0 : index
    %swap3A_372 = vector.load %arg8[%swap3A, %swap3A_370, %swap3A_371] : memref<1x256x768xf32, #tpu.memory_space<vmem>>, vector<1x256x768xf32>
    %swap3A_373 = vector.shape_cast %swap3A_372 : vector<1x256x768xf32> to vector<256x768xf32>
    %swap3A_374 = vector.shape_cast %add3A_369 : vector<256x768xf32> to vector<1x256x768xf32>
    tpu.vector_store %arg8[%swap3A, %swap3A_370, %swap3A_371], %swap3A_374 {strides = array<i32>} : memref<1x256x768xf32, #tpu.memory_space<vmem>>, vector<1x256x768xf32>,
    return
  }
  func.func @transform_0(%arg0: i32, %arg1: i32) -> (i32, i32, i32) {
    %c0_i32 = arith.constant 0 : i32
    %c0_i32_0 = arith.constant 0 : i32
    return %arg0, %arg1, %c0_i32 : i32, i32, i32
  }
  func.func @transform_1(%arg0: i32, %arg1: i32) -> (i32, i32, i32) {
    %c0_i32 = arith.constant 0 : i32
    %c0_i32_0 = arith.constant 0 : i32
    %c0_i32_1 = arith.constant 0 : i32
    return %arg0, %c0_i32, %c0_i32_0 : i32, i32, i32
  }
  func.func @transform_2(%arg0: i32, %arg1: i32) -> (i32, i32, i32) {
    %c0_i32 = arith.constant 0 : i32
    %c0_i32_0 = arith.constant 0 : i32
    %c0_i32_1 = arith.constant 0 : i32
    return %arg0, %c0_i32, %c0_i32_0 : i32, i32, i32
  }
  func.func @transform_3(%arg0: i32, %arg1: i32) -> (i32, i32, i32) {
    %c0_i32 = arith.constant 0 : i32
    %c0_i32_0 = arith.constant 0 : i32
    return %arg0, %arg1, %c0_i32 : i32, i32, i32
  }
  func.func @transform_4(%arg0: i32, %arg1: i32) -> (i32, i32, i32) {
    %c5_i32 = arith.constant 5 : i32
    %c0_i32 = arith.constant 0 : i32
    %c0_i32_0 = arith.constant 0 : i32
    %c0_i32_1 = arith.constant 0 : i32
    return %c5_i32, %c0_i32, %c0_i32_0 : i32, i32, i32
  }
  func.func @transform_5(%arg0: i32, %arg1: i32) -> (i32, i32, i32) {
    %c5_i32 = arith.constant 5 : i32
    %c0_i32 = arith.constant 0 : i32
    %c0_i32_0 = arith.constant 0 : i32
    %c0_i32_1 = arith.constant 0 : i32
    return %c5_i32, %c0_i32, %c0_i32_0 : i32, i32, i32
  }
  func.func @transform_6(%arg0: i32, %arg1: i32) -> (i32, i32, i32) {
    %c0_i32 = arith.constant 0 : i32
    %c0_i32_0 = arith.constant 0 : i32
    return %arg0, %arg1, %c0_i32 : i32, i32, i32
  }
}

module attributes {stable_mosaic.version = 14 : i64} {
  func.func @body(%arg0: i32, %arg1: i32, %arg2: memref<1x512x768xf32, #tpu.memory_space<vmem>>, %arg3: memref<1x768x3072xf32, #tpu.memory_space<vmem>>, %arg4: memref<1x1x3072xf32, #tpu.memory_space<vmem>>, %arg5: memref<1x3072x768xf32, #tpu.memory_space<vmem>>, %arg6: memref<1x1x768xf32, #tpu.memory_space<vmem>>, %arg7: memref<1x1x768xf32, #tpu.memory_space<vmem>>, %arg8: memref<1x1x768xf32, #tpu.memory_space<vmem>>, %arg9: memref<1x512x768xf32, #tpu.memory_space<vmem>>) attributes {dimension_semantics = [#tpu.dimension_semantics<parallel>, #tpu.dimension_semantics<parallel>], iteration_bounds = array<i64: 2, 4>, scalar_prefetch = 0 : i64, scratch_operands = 0 : i64, tpu.core_type = #tpu.core_type<tc>, window_params = [{transform_indices = @transform_0, window_bounds = array<i64: 1, 512, 768>}, {transform_indices = @transform_1, window_bounds = array<i64: 1, 768, 3072>}, {transform_indices = @transform_2, window_bounds = array<i64: 1, 1, 3072>}, {transform_indices = @transform_3, window_bounds = array<i64: 1, 3072, 768>}, {transform_indices = @transform_4, window_bounds = array<i64: 1, 1, 768>}, {transform_indices = @transform_5, window_bounds = array<i64: 1, 1, 768>}, {transform_indices = @transform_6, window_bounds = array<i64: 1, 1, 768>}, {transform_indices = @transform_7, window_bounds = array<i64: 1, 512, 768>}]} {
    %get3A = arith.constant 0 : index
    %get3A_0 = arith.constant 0 : index
    %get3A_1 = arith.constant 0 : index
    %get3A_2 = vector.load %arg2[%get3A, %get3A_0, %get3A_1] : memref<1x512x768xf32, #tpu.memory_space<vmem>>, vector<1x512x768xf32>
    %get3A_3 = vector.shape_cast %get3A_2 : vector<1x512x768xf32> to vector<512x768xf32>
    %get3A_4 = arith.constant 0 : index
    %get3A_5 = arith.constant 0 : index
    %get3A_6 = arith.constant 0 : index
    %get3A_7 = vector.load %arg7[%get3A_4, %get3A_5, %get3A_6] : memref<1x1x768xf32, #tpu.memory_space<vmem>>, vector<1x1x768xf32>
    %get3A_8 = vector.shape_cast %get3A_7 : vector<1x1x768xf32> to vector<1x768xf32>
    %get3A_9 = arith.constant 0 : index
    %get3A_10 = arith.constant 0 : index
    %get3A_11 = arith.constant 0 : index
    %get3A_12 = vector.load %arg8[%get3A_9, %get3A_10, %get3A_11] : memref<1x1x768xf32, #tpu.memory_space<vmem>>, vector<1x1x768xf32>
    %get3A_13 = vector.shape_cast %get3A_12 : vector<1x1x768xf32> to vector<1x768xf32>
    %reduce_sum3A = arith.constant dense<0.000000e+00> : vector<512xf32>
    %reduce_sum3A_14 = vector.multi_reduction <add>, %get3A_3, %reduce_sum3A [1] : vector<512x768xf32> to vector<512xf32>
    %broadcast_in_dim3A = vector.shape_cast %reduce_sum3A_14 : vector<512xf32> to vector<512x1xf32>
    %div3A = arith.constant 7.680000e+02 : f32
    %div3A_15 = vector.broadcast %div3A : f32 to vector<512x1xf32>
    %div3A_16 = arith.divf %broadcast_in_dim3A, %div3A_15 : vector<512x1xf32>
    %sub3A = vector.broadcast %div3A_16 : vector<512x1xf32> to vector<512x768xf32>
    %sub3A_17 = arith.subf %get3A_3, %sub3A : vector<512x768xf32>
    %integer_pow3A = arith.mulf %sub3A_17, %sub3A_17 : vector<512x768xf32>
    %reduce_sum3A_18 = arith.constant dense<0.000000e+00> : vector<512xf32>
    %reduce_sum3A_19 = vector.multi_reduction <add>, %integer_pow3A, %reduce_sum3A_18 [1] : vector<512x768xf32> to vector<512xf32>
    %broadcast_in_dim3A_20 = vector.shape_cast %reduce_sum3A_19 : vector<512xf32> to vector<512x1xf32>
    %div3A_21 = arith.constant 7.680000e+02 : f32
    %div3A_22 = vector.broadcast %div3A_21 : f32 to vector<512x1xf32>
    %div3A_23 = arith.divf %broadcast_in_dim3A_20, %div3A_22 : vector<512x1xf32>
    %sub3A_24 = vector.broadcast %div3A_16 : vector<512x1xf32> to vector<512x768xf32>
    %sub3A_25 = arith.subf %get3A_3, %sub3A_24 : vector<512x768xf32>
    %add3A = arith.constant 9.99999974E-6 : f32
    %add3A_26 = vector.broadcast %add3A : f32 to vector<512x1xf32>
    %add3A_27 = arith.addf %div3A_23, %add3A_26 : vector<512x1xf32>
    %sqrt3A = math.sqrt %add3A_27 : vector<512x1xf32>
    %div3A_28 = vector.broadcast %sqrt3A : vector<512x1xf32> to vector<512x768xf32>
    %div3A_29 = arith.divf %sub3A_25, %div3A_28 : vector<512x768xf32>
    %mul3A = vector.broadcast %get3A_8 : vector<1x768xf32> to vector<512x768xf32>
    %mul3A_30 = arith.mulf %div3A_29, %mul3A : vector<512x768xf32>
    %add3A_31 = vector.broadcast %get3A_13 : vector<1x768xf32> to vector<512x768xf32>
    %add3A_32 = arith.addf %mul3A_30, %add3A_31 : vector<512x768xf32>
    %get3A_33 = arith.constant 0 : index
    %get3A_34 = arith.constant 0 : index
    %get3A_35 = arith.constant 0 : index
    %get3A_36 = vector.load %arg3[%get3A_33, %get3A_34, %get3A_35] : memref<1x768x3072xf32, #tpu.memory_space<vmem>>, vector<1x768x3072xf32>
    %get3A_37 = vector.shape_cast %get3A_36 : vector<1x768x3072xf32> to vector<768x3072xf32>
    %dot_general3A = arith.constant dense<0.000000e+00> : vector<512x3072xf32>
    %dot_general3A_38 = tpu.matmul %add3A_32, %get3A_37, %dot_general3A {dimension_numbers = #tpu.dot_dimension_numbers<[1], [0], [0], [1], [0, 0, 1, 1], [], []>, transpose_lhs_hint = false} : vector<512x768xf32>, vector<768x3072xf32>, vector<512x3072xf32> -> vector<512x3072xf32>
    %get3A_39 = arith.constant 0 : index
    %get3A_40 = arith.constant 0 : index
    %get3A_41 = arith.constant 0 : index
    %get3A_42 = vector.load %arg4[%get3A_39, %get3A_40, %get3A_41] : memref<1x1x3072xf32, #tpu.memory_space<vmem>>, vector<1x1x3072xf32>
    %get3A_43 = vector.shape_cast %get3A_42 : vector<1x1x3072xf32> to vector<1x3072xf32>
    %add3A_44 = vector.broadcast %get3A_43 : vector<1x3072xf32> to vector<512x3072xf32>
    %add3A_45 = arith.addf %dot_general3A_38, %add3A_44 : vector<512x3072xf32>
    %mul3A_46 = arith.constant 5.000000e-01 : f32
    %mul3A_47 = vector.broadcast %mul3A_46 : f32 to vector<512x3072xf32>
    %mul3A_48 = arith.mulf %mul3A_47, %add3A_45 : vector<512x3072xf32>
    %mul3A_49 = arith.constant 0.707106769 : f32
    %mul3A_50 = vector.broadcast %mul3A_49 : f32 to vector<512x3072xf32>
    %mul3A_51 = arith.mulf %add3A_45, %mul3A_50 : vector<512x3072xf32>
    %erf3A = math.erf %mul3A_51 : vector<512x3072xf32>
    %add3A_52 = arith.constant 1.000000e+00 : f32
    %add3A_53 = vector.broadcast %add3A_52 : f32 to vector<512x3072xf32>
    %add3A_54 = arith.addf %add3A_53, %erf3A : vector<512x3072xf32>
    %mul3A_55 = arith.mulf %mul3A_48, %add3A_54 : vector<512x3072xf32>
    %get3A_56 = arith.constant 0 : index
    %get3A_57 = arith.constant 0 : index
    %get3A_58 = arith.constant 0 : index
    %get3A_59 = vector.load %arg5[%get3A_56, %get3A_57, %get3A_58] : memref<1x3072x768xf32, #tpu.memory_space<vmem>>, vector<1x3072x768xf32>
    %get3A_60 = vector.shape_cast %get3A_59 : vector<1x3072x768xf32> to vector<3072x768xf32>
    %dot_general3A_61 = arith.constant dense<0.000000e+00> : vector<512x768xf32>
    %dot_general3A_62 = tpu.matmul %mul3A_55, %get3A_60, %dot_general3A_61 {dimension_numbers = #tpu.dot_dimension_numbers<[1], [0], [0], [1], [0, 0, 1, 1], [], []>, transpose_lhs_hint = false} : vector<512x3072xf32>, vector<3072x768xf32>, vector<512x768xf32> -> vector<512x768xf32>
    %add3A_63 = arith.addf %get3A_3, %dot_general3A_62 : vector<512x768xf32>
    %get3A_64 = arith.constant 0 : index
    %get3A_65 = arith.constant 0 : index
    %get3A_66 = arith.constant 0 : index
    %get3A_67 = vector.load %arg6[%get3A_64, %get3A_65, %get3A_66] : memref<1x1x768xf32, #tpu.memory_space<vmem>>, vector<1x1x768xf32>
    %get3A_68 = vector.shape_cast %get3A_67 : vector<1x1x768xf32> to vector<1x768xf32>
    %add3A_69 = vector.broadcast %get3A_68 : vector<1x768xf32> to vector<512x768xf32>
    %add3A_70 = arith.addf %add3A_63, %add3A_69 : vector<512x768xf32>
    %swap3A = arith.constant 0 : index
    %swap3A_71 = arith.constant 0 : index
    %swap3A_72 = arith.constant 0 : index
    %swap3A_73 = vector.load %arg9[%swap3A, %swap3A_71, %swap3A_72] : memref<1x512x768xf32, #tpu.memory_space<vmem>>, vector<1x512x768xf32>
    %swap3A_74 = vector.shape_cast %swap3A_73 : vector<1x512x768xf32> to vector<512x768xf32>
    %swap3A_75 = vector.shape_cast %add3A_70 : vector<512x768xf32> to vector<1x512x768xf32>
    tpu.vector_store %arg9[%swap3A, %swap3A_71, %swap3A_72], %swap3A_75 {strides = array<i32>} : memref<1x512x768xf32, #tpu.memory_space<vmem>>, vector<1x512x768xf32>,
    return
  }
  func.func @transform_0(%arg0: i32, %arg1: i32) -> (i32, i32, i32) {
    %c0_i32 = arith.constant 0 : i32
    %c0_i32_0 = arith.constant 0 : i32
    return %arg0, %arg1, %c0_i32 : i32, i32, i32
  }
  func.func @transform_1(%arg0: i32, %arg1: i32) -> (i32, i32, i32) {
    %c5_i32 = arith.constant 5 : i32
    %c0_i32 = arith.constant 0 : i32
    %c0_i32_0 = arith.constant 0 : i32
    %c0_i32_1 = arith.constant 0 : i32
    return %c5_i32, %c0_i32, %c0_i32_0 : i32, i32, i32
  }
  func.func @transform_2(%arg0: i32, %arg1: i32) -> (i32, i32, i32) {
    %c5_i32 = arith.constant 5 : i32
    %c0_i32 = arith.constant 0 : i32
    %c0_i32_0 = arith.constant 0 : i32
    %c0_i32_1 = arith.constant 0 : i32
    return %c5_i32, %c0_i32, %c0_i32_0 : i32, i32, i32
  }
  func.func @transform_3(%arg0: i32, %arg1: i32) -> (i32, i32, i32) {
    %c5_i32 = arith.constant 5 : i32
    %c0_i32 = arith.constant 0 : i32
    %c0_i32_0 = arith.constant 0 : i32
    %c0_i32_1 = arith.constant 0 : i32
    return %c5_i32, %c0_i32, %c0_i32_0 : i32, i32, i32
  }
  func.func @transform_4(%arg0: i32, %arg1: i32) -> (i32, i32, i32) {
    %c5_i32 = arith.constant 5 : i32
    %c0_i32 = arith.constant 0 : i32
    %c0_i32_0 = arith.constant 0 : i32
    %c0_i32_1 = arith.constant 0 : i32
    return %c5_i32, %c0_i32, %c0_i32_0 : i32, i32, i32
  }
  func.func @transform_5(%arg0: i32, %arg1: i32) -> (i32, i32, i32) {
    %c5_i32 = arith.constant 5 : i32
    %c0_i32 = arith.constant 0 : i32
    %c0_i32_0 = arith.constant 0 : i32
    %c0_i32_1 = arith.constant 0 : i32
    return %c5_i32, %c0_i32, %c0_i32_0 : i32, i32, i32
  }
  func.func @transform_6(%arg0: i32, %arg1: i32) -> (i32, i32, i32) {
    %c5_i32 = arith.constant 5 : i32
    %c0_i32 = arith.constant 0 : i32
    %c0_i32_0 = arith.constant 0 : i32
    %c0_i32_1 = arith.constant 0 : i32
    return %c5_i32, %c0_i32, %c0_i32_0 : i32, i32, i32
  }
  func.func @transform_7(%arg0: i32, %arg1: i32) -> (i32, i32, i32) {
    %c0_i32 = arith.constant 0 : i32
    %c0_i32_0 = arith.constant 0 : i32
    return %arg0, %arg1, %c0_i32 : i32, i32, i32
  }
}

module attributes {stable_mosaic.version = 14 : i64} {
  func.func @body(%arg0: i32, %arg1: i32, %arg2: memref<1x512x768xf32, #tpu.memory_space<vmem>>, %arg3: memref<1x768xf32, #tpu.memory_space<vmem>>, %arg4: memref<1x768xf32, #tpu.memory_space<vmem>>, %arg5: memref<1x1x768xf32, #tpu.memory_space<vmem>>) attributes {dimension_semantics = [#tpu.dimension_semantics<parallel>, #tpu.dimension_semantics<arbitrary>], iteration_bounds = array<i64: 2, 4>, scalar_prefetch = 0 : i64, scratch_operands = 0 : i64, tpu.core_type = #tpu.core_type<tc>, window_params = [{transform_indices = @transform_0, window_bounds = array<i64: 1, 512, 768>}, {pipeline_mode = #tpu.pipeline_mode<synchronous>, transform_indices = @transform_1, window_bounds = array<i64: 1, 768>}, {pipeline_mode = #tpu.pipeline_mode<synchronous>, transform_indices = @transform_2, window_bounds = array<i64: 1, 768>}, {transform_indices = @transform_3, window_bounds = array<i64: 1, 1, 768>}]} {
    %get3A = arith.constant 0 : index
    %get3A_0 = arith.constant 0 : index
    %get3A_1 = arith.constant 0 : index
    %get3A_2 = vector.load %arg2[%get3A, %get3A_0, %get3A_1] : memref<1x512x768xf32, #tpu.memory_space<vmem>>, vector<1x512x768xf32>
    %get3A_3 = vector.shape_cast %get3A_2 : vector<1x512x768xf32> to vector<512x768xf32>
    %get3A_4 = arith.constant 0 : index
    %get3A_5 = arith.constant 0 : index
    %get3A_6 = vector.load %arg3[%get3A_4, %get3A_5] : memref<1x768xf32, #tpu.memory_space<vmem>>, vector<1x768xf32>
    %get3A_7 = arith.constant 0 : index
    %get3A_8 = arith.constant 0 : index
    %get3A_9 = vector.load %arg4[%get3A_7, %get3A_8] : memref<1x768xf32, #tpu.memory_space<vmem>>, vector<1x768xf32>
    %reduce_sum3A = arith.constant dense<0.000000e+00> : vector<512xf32>
    %reduce_sum3A_10 = vector.multi_reduction <add>, %get3A_3, %reduce_sum3A [1] : vector<512x768xf32> to vector<512xf32>
    %broadcast_in_dim3A = vector.shape_cast %reduce_sum3A_10 : vector<512xf32> to vector<512x1xf32>
    %div3A = arith.constant 7.680000e+02 : f32
    %div3A_11 = vector.broadcast %div3A : f32 to vector<512x1xf32>
    %div3A_12 = arith.divf %broadcast_in_dim3A, %div3A_11 : vector<512x1xf32>
    %sub3A = vector.broadcast %div3A_12 : vector<512x1xf32> to vector<512x768xf32>
    %sub3A_13 = arith.subf %get3A_3, %sub3A : vector<512x768xf32>
    %integer_pow3A = arith.mulf %sub3A_13, %sub3A_13 : vector<512x768xf32>
    %reduce_sum3A_14 = arith.constant dense<0.000000e+00> : vector<512xf32>
    %reduce_sum3A_15 = vector.multi_reduction <add>, %integer_pow3A, %reduce_sum3A_14 [1] : vector<512x768xf32> to vector<512xf32>
    %broadcast_in_dim3A_16 = vector.shape_cast %reduce_sum3A_15 : vector<512xf32> to vector<512x1xf32>
    %div3A_17 = arith.constant 7.680000e+02 : f32
    %div3A_18 = vector.broadcast %div3A_17 : f32 to vector<512x1xf32>
    %div3A_19 = arith.divf %broadcast_in_dim3A_16, %div3A_18 : vector<512x1xf32>
    %sub3A_20 = vector.broadcast %div3A_12 : vector<512x1xf32> to vector<512x768xf32>
    %sub3A_21 = arith.subf %get3A_3, %sub3A_20 : vector<512x768xf32>
    %add3A = arith.constant 9.99999974E-6 : f32
    %add3A_22 = vector.broadcast %add3A : f32 to vector<512x1xf32>
    %add3A_23 = arith.addf %div3A_19, %add3A_22 : vector<512x1xf32>
    %sqrt3A = math.sqrt %add3A_23 : vector<512x1xf32>
    %div3A_24 = vector.broadcast %sqrt3A : vector<512x1xf32> to vector<512x768xf32>
    %div3A_25 = arith.divf %sub3A_21, %div3A_24 : vector<512x768xf32>
    %mul3A = vector.broadcast %get3A_6 : vector<1x768xf32> to vector<512x768xf32>
    %mul3A_26 = arith.mulf %div3A_25, %mul3A : vector<512x768xf32>
    %add3A_27 = vector.broadcast %get3A_9 : vector<1x768xf32> to vector<512x768xf32>
    %add3A_28 = arith.addf %mul3A_26, %add3A_27 : vector<512x768xf32>
    %reduce_sum3A_29 = arith.constant dense<0.000000e+00> : vector<768xf32>
    %reduce_sum3A_30 = vector.multi_reduction <add>, %add3A_28, %reduce_sum3A_29 [0] : vector<512x768xf32> to vector<768xf32>
    %broadcast_in_dim3A_31 = vector.shape_cast %reduce_sum3A_30 : vector<768xf32> to vector<1x768xf32>
    %mul3A_32 = arith.constant 4.8828125E-4 : f32
    %mul3A_33 = vector.broadcast %mul3A_32 : f32 to vector<1x768xf32>
    %mul3A_34 = arith.mulf %broadcast_in_dim3A_31, %mul3A_33 : vector<1x768xf32>
    %eq3A = arith.constant 0 : i32
    %eq3A_35 = arith.cmpi eq, %arg1, %eq3A : i32
    %convert_element_type3A = arith.extui %eq3A_35 : i1 to i32
    %cond3A = arith.constant 0 : i32
    %cond3A_36 = arith.cmpi ne, %convert_element_type3A, %cond3A : i32
    scf.if %cond3A_36 {
      %swap3A = arith.constant 0 : index
      %swap3A_41 = arith.constant 0 : index
      %swap3A_42 = arith.constant 0 : index
      %swap3A_43 = vector.load %arg5[%swap3A, %swap3A_41, %swap3A_42] : memref<1x1x768xf32, #tpu.memory_space<vmem>>, vector<1x1x768xf32>
      %swap3A_44 = vector.shape_cast %swap3A_43 : vector<1x1x768xf32> to vector<1x768xf32>
      %swap3A_45 = vector.shape_cast %mul3A_34 : vector<1x768xf32> to vector<1x1x768xf32>
      tpu.vector_store %arg5[%swap3A, %swap3A_41, %swap3A_42], %swap3A_45 {strides = array<i32>} : memref<1x1x768xf32, #tpu.memory_space<vmem>>, vector<1x1x768xf32>,
    } else {
    }
    %ne3A = arith.constant 0 : i32
    %ne3A_37 = arith.cmpi ne, %arg1, %ne3A : i32
    %convert_element_type3A_38 = arith.extui %ne3A_37 : i1 to i32
    %cond3A_39 = arith.constant 0 : i32
    %cond3A_40 = arith.cmpi ne, %convert_element_type3A_38, %cond3A_39 : i32
    scf.if %cond3A_40 {
      %get3A_41 = arith.constant 0 : index
      %get3A_42 = arith.constant 0 : index
      %get3A_43 = arith.constant 0 : index
      %get3A_44 = vector.load %arg5[%get3A_41, %get3A_42, %get3A_43] : memref<1x1x768xf32, #tpu.memory_space<vmem>>, vector<1x1x768xf32>
      %get3A_45 = vector.shape_cast %get3A_44 : vector<1x1x768xf32> to vector<1x768xf32>
      %add3A_46 = arith.addf %get3A_45, %mul3A_34 : vector<1x768xf32>
      %swap3A = arith.constant 0 : index
      %swap3A_47 = arith.constant 0 : index
      %swap3A_48 = arith.constant 0 : index
      %swap3A_49 = vector.load %arg5[%swap3A, %swap3A_47, %swap3A_48] : memref<1x1x768xf32, #tpu.memory_space<vmem>>, vector<1x1x768xf32>
      %swap3A_50 = vector.shape_cast %swap3A_49 : vector<1x1x768xf32> to vector<1x768xf32>
      %swap3A_51 = vector.shape_cast %add3A_46 : vector<1x768xf32> to vector<1x1x768xf32>
      tpu.vector_store %arg5[%swap3A, %swap3A_47, %swap3A_48], %swap3A_51 {strides = array<i32>} : memref<1x1x768xf32, #tpu.memory_space<vmem>>, vector<1x1x768xf32>,
    } else {
    }
    return
  }
  func.func @transform_0(%arg0: i32, %arg1: i32) -> (i32, i32, i32) {
    %c0_i32 = arith.constant 0 : i32
    %c0_i32_0 = arith.constant 0 : i32
    return %arg0, %arg1, %c0_i32 : i32, i32, i32
  }
  func.func @transform_1(%arg0: i32, %arg1: i32) -> (i32, i32) {
    %c0_i32 = arith.constant 0 : i32
    %c0_i32_0 = arith.constant 0 : i32
    %c0_i32_1 = arith.constant 0 : i32
    return %c0_i32, %c0_i32_0 : i32, i32
  }
  func.func @transform_2(%arg0: i32, %arg1: i32) -> (i32, i32) {
    %c0_i32 = arith.constant 0 : i32
    %c0_i32_0 = arith.constant 0 : i32
    %c0_i32_1 = arith.constant 0 : i32
    return %c0_i32, %c0_i32_0 : i32, i32
  }
  func.func @transform_3(%arg0: i32, %arg1: i32) -> (i32, i32, i32) {
    %c0_i32 = arith.constant 0 : i32
    %c0_i32_0 = arith.constant 0 : i32
    %c0_i32_1 = arith.constant 0 : i32
    return %arg0, %c0_i32, %c0_i32_0 : i32, i32, i32
  }
}

module attributes {stable_mosaic.version = 14 : i64} {
  func.func @body(%arg0: memref<2x768xf32, #tpu.memory_space<vmem>>, %arg1: memref<768x16xf32, #tpu.memory_space<vmem>>, %arg2: memref<1x16xf32, #tpu.memory_space<vmem>>, %arg3: memref<2x16xf32, #tpu.memory_space<vmem>>, %arg4: memref<2x2xi32, #tpu.memory_space<vmem>>) attributes {dimension_semantics = [], scalar_prefetch = 0 : i64, scratch_operands = 0 : i64, tpu.core_type = #tpu.core_type<tc>} {
    %iota3A = tpu.iota {dimensions = array<i32: 1>} : vector<2x16xi32>
    %get3A = arith.constant 0 : index
    %get3A_0 = arith.constant 0 : index
    %get3A_1 = vector.load %arg0[%get3A, %get3A_0] : memref<2x768xf32, #tpu.memory_space<vmem>>, vector<2x768xf32>
    %get3A_2 = arith.constant 0 : index
    %get3A_3 = arith.constant 0 : index
    %get3A_4 = vector.load %arg1[%get3A_2, %get3A_3] : memref<768x16xf32, #tpu.memory_space<vmem>>, vector<768x16xf32>
    %dot_general3A = arith.constant dense<0.000000e+00> : vector<2x16xf32>
    %dot_general3A_5 = tpu.matmul %get3A_1, %get3A_4, %dot_general3A {dimension_numbers = #tpu.dot_dimension_numbers<[1], [0], [0], [1], [0, 0, 1, 1], [], []>, transpose_lhs_hint = false} : vector<2x768xf32>, vector<768x16xf32>, vector<2x16xf32> -> vector<2x16xf32>
    %get3A_6 = arith.constant 0 : index
    %get3A_7 = arith.constant 0 : index
    %get3A_8 = vector.load %arg2[%get3A_6, %get3A_7] : memref<1x16xf32, #tpu.memory_space<vmem>>, vector<1x16xf32>
    %add3A = vector.broadcast %get3A_8 : vector<1x16xf32> to vector<2x16xf32>
    %add3A_9 = arith.addf %dot_general3A_5, %add3A : vector<2x16xf32>
    %reduce_max3A = arith.constant dense<0xFF800000> : vector<2xf32>
    %reduce_max3A_10 = vector.multi_reduction <maximumf>, %add3A_9, %reduce_max3A [1] : vector<2x16xf32> to vector<2xf32>
    %broadcast_in_dim3A = vector.shape_cast %reduce_max3A_10 : vector<2xf32> to vector<2x1xf32>
    %sub3A = vector.broadcast %broadcast_in_dim3A : vector<2x1xf32> to vector<2x16xf32>
    %sub3A_11 = arith.subf %add3A_9, %sub3A : vector<2x16xf32>
    %exp3A = math.exp %sub3A_11 : vector<2x16xf32>
    %reduce_sum3A = arith.constant dense<0.000000e+00> : vector<2xf32>
    %reduce_sum3A_12 = vector.multi_reduction <add>, %exp3A, %reduce_sum3A [1] : vector<2x16xf32> to vector<2xf32>
    %broadcast_in_dim3A_13 = vector.shape_cast %reduce_sum3A_12 : vector<2xf32> to vector<2x1xf32>
    %div3A = vector.broadcast %broadcast_in_dim3A_13 : vector<2x1xf32> to vector<2x16xf32>
    %div3A_14 = arith.divf %exp3A, %div3A : vector<2x16xf32>
    %reduce_max3A_15 = arith.constant dense<0xFF800000> : vector<2xf32>
    %reduce_max3A_16 = vector.multi_reduction <maximumf>, %div3A_14, %reduce_max3A_15 [1] : vector<2x16xf32> to vector<2xf32>
    %broadcast_in_dim3A_17 = vector.shape_cast %reduce_max3A_16 : vector<2xf32> to vector<2x1xf32>
    %eq3A = vector.broadcast %broadcast_in_dim3A_17 : vector<2x1xf32> to vector<2x16xf32>
    %eq3A_18 = arith.cmpf oeq, %div3A_14, %eq3A : vector<2x16xf32>
    %jit3A = arith.constant 16 : i32
    %broadcast_in_dim3A_19 = vector.broadcast %jit3A : i32 to vector<2x16xi32>
    %select_n3A = arith.select %eq3A_18, %iota3A, %broadcast_in_dim3A_19 : vector<2x16xi1>, vector<2x16xi32>
    %reduce_min3A = arith.constant dense<2147483647> : vector<2xi32>
    %reduce_min3A_20 = vector.multi_reduction <minsi>, %select_n3A, %reduce_min3A [1] : vector<2x16xi32> to vector<2xi32>
    %broadcast_in_dim3A_21 = vector.shape_cast %reduce_min3A_20 : vector<2xi32> to vector<2x1xi32>
    %eq3A_22 = vector.broadcast %broadcast_in_dim3A_21 : vector<2x1xi32> to vector<2x16xi32>
    %eq3A_23 = arith.cmpi eq, %iota3A, %eq3A_22 : vector<2x16xi32>
    %jit3A_24 = arith.constant -1.000000e+00 : f32
    %broadcast_in_dim3A_25 = vector.broadcast %jit3A_24 : f32 to vector<2x16xf32>
    %select_n3A_26 = arith.select %eq3A_23, %broadcast_in_dim3A_25, %div3A_14 : vector<2x16xi1>, vector<2x16xf32>
    %reduce_max3A_27 = arith.constant dense<0xFF800000> : vector<2xf32>
    %reduce_max3A_28 = vector.multi_reduction <maximumf>, %select_n3A_26, %reduce_max3A_27 [1] : vector<2x16xf32> to vector<2xf32>
    %broadcast_in_dim3A_29 = vector.shape_cast %reduce_max3A_28 : vector<2xf32> to vector<2x1xf32>
    %eq3A_30 = vector.broadcast %broadcast_in_dim3A_29 : vector<2x1xf32> to vector<2x16xf32>
    %eq3A_31 = arith.cmpf oeq, %select_n3A_26, %eq3A_30 : vector<2x16xf32>
    %jit3A_32 = arith.constant 16 : i32
    %broadcast_in_dim3A_33 = vector.broadcast %jit3A_32 : i32 to vector<2x16xi32>
    %select_n3A_34 = arith.select %eq3A_31, %iota3A, %broadcast_in_dim3A_33 : vector<2x16xi1>, vector<2x16xi32>
    %reduce_min3A_35 = arith.constant dense<2147483647> : vector<2xi32>
    %reduce_min3A_36 = vector.multi_reduction <minsi>, %select_n3A_34, %reduce_min3A_35 [1] : vector<2x16xi32> to vector<2xi32>
    %broadcast_in_dim3A_37 = vector.shape_cast %reduce_min3A_36 : vector<2xi32> to vector<2x1xi32>
    %add3A_38 = arith.addf %broadcast_in_dim3A_17, %broadcast_in_dim3A_29 : vector<2x1xf32>
    %eq3A_39 = vector.broadcast %broadcast_in_dim3A_21 : vector<2x1xi32> to vector<2x16xi32>
    %eq3A_40 = arith.cmpi eq, %iota3A, %eq3A_39 : vector<2x16xi32>
    %jit3A_41 = arith.constant 0.000000e+00 : f32
    %broadcast_in_dim3A_42 = vector.shape_cast %broadcast_in_dim3A_17 : vector<2x1xf32> to vector<2x1xf32>
    %broadcast_in_dim3A_43 = vector.broadcast %broadcast_in_dim3A_42 : vector<2x1xf32> to vector<2x16xf32>
    %broadcast_in_dim3A_44 = vector.broadcast %jit3A_41 : f32 to vector<2x16xf32>
    %select_n3A_45 = arith.select %eq3A_40, %broadcast_in_dim3A_43, %broadcast_in_dim3A_44 : vector<2x16xi1>, vector<2x16xf32>
    %eq3A_46 = vector.broadcast %broadcast_in_dim3A_37 : vector<2x1xi32> to vector<2x16xi32>
    %eq3A_47 = arith.cmpi eq, %iota3A, %eq3A_46 : vector<2x16xi32>
    %jit3A_48 = arith.constant 0.000000e+00 : f32
    %broadcast_in_dim3A_49 = vector.shape_cast %broadcast_in_dim3A_29 : vector<2x1xf32> to vector<2x1xf32>
    %broadcast_in_dim3A_50 = vector.broadcast %broadcast_in_dim3A_49 : vector<2x1xf32> to vector<2x16xf32>
    %broadcast_in_dim3A_51 = vector.broadcast %jit3A_48 : f32 to vector<2x16xf32>
    %select_n3A_52 = arith.select %eq3A_47, %broadcast_in_dim3A_50, %broadcast_in_dim3A_51 : vector<2x16xi1>, vector<2x16xf32>
    %add3A_53 = arith.addf %select_n3A_45, %select_n3A_52 : vector<2x16xf32>
    %div3A_54 = vector.broadcast %add3A_38 : vector<2x1xf32> to vector<2x16xf32>
    %div3A_55 = arith.divf %add3A_53, %div3A_54 : vector<2x16xf32>
    %swap3A = arith.constant 0 : index
    %swap3A_56 = arith.constant 0 : index
    %swap3A_57 = vector.load %arg3[%swap3A, %swap3A_56] : memref<2x16xf32, #tpu.memory_space<vmem>>, vector<2x16xf32>
    tpu.vector_store %arg3[%swap3A, %swap3A_56], %div3A_55 {strides = array<i32>} : memref<2x16xf32, #tpu.memory_space<vmem>>, vector<2x16xf32>,
    %concatenate3A = tpu.concatenate %broadcast_in_dim3A_21, %broadcast_in_dim3A_37 in 1 : vector<2x1xi32>, vector<2x1xi32> -> vector<2x2xi32>
    %swap3A_58 = arith.constant 0 : index
    %swap3A_59 = arith.constant 0 : index
    %swap3A_60 = vector.load %arg4[%swap3A_58, %swap3A_59] : memref<2x2xi32, #tpu.memory_space<vmem>>, vector<2x2xi32>
    tpu.vector_store %arg4[%swap3A_58, %swap3A_59], %concatenate3A {strides = array<i32>} : memref<2x2xi32, #tpu.memory_space<vmem>>, vector<2x2xi32>,
    return
  }
}

module attributes {stable_mosaic.version = 14 : i64} {
  func.func @body(%arg0: i32, %arg1: memref<4xi32, #tpu.memory_space<smem>>, %arg2: memref<2x768xf32, #tpu.memory_space<vmem>>, %arg3: memref<2x16xf32, #tpu.memory_space<vmem>>, %arg4: memref<1x768x2048xf32, #tpu.memory_space<vmem>>, %arg5: memref<1x1x2048xf32, #tpu.memory_space<vmem>>, %arg6: memref<1x2048x8xf32, #tpu.memory_space<vmem>>, %arg7: memref<1x1x8xf32, #tpu.memory_space<vmem>>, %arg8: memref<2x8xf32, #tpu.memory_space<vmem>>) attributes {dimension_semantics = [#tpu.dimension_semantics<arbitrary>], iteration_bounds = array<i64: 4>, scalar_prefetch = 1 : i64, scratch_operands = 0 : i64, tpu.core_type = #tpu.core_type<tc>, window_params = [{pipeline_mode = #tpu.pipeline_mode<synchronous>, transform_indices = @transform_0, window_bounds = array<i64: 2, 768>}, {pipeline_mode = #tpu.pipeline_mode<synchronous>, transform_indices = @transform_1, window_bounds = array<i64: 2, 16>}, {transform_indices = @transform_2, window_bounds = array<i64: 1, 768, 2048>}, {transform_indices = @transform_3, window_bounds = array<i64: 1, 1, 2048>}, {transform_indices = @transform_4, window_bounds = array<i64: 1, 2048, 8>}, {transform_indices = @transform_5, window_bounds = array<i64: 1, 1, 8>}, {pipeline_mode = #tpu.pipeline_mode<synchronous>, transform_indices = @transform_6, window_bounds = array<i64: 2, 8>}]} {
    %get3A = arith.index_cast %arg0 : i32 to index
    %get3A_0 = memref.load %arg1[%get3A] : memref<4xi32, #tpu.memory_space<smem>>
    %jit3A = arith.constant 2 : i32
    %div3A = arith.divsi %arg0, %jit3A : i32
    %sign3A = arith.constant 0 : i32
    %sign3A_1 = arith.cmpi sgt, %arg0, %sign3A : i32
    %sign3A_2 = arith.extui %sign3A_1 : i1 to i32
    %sign3A_3 = arith.constant 0 : i32
    %sign3A_4 = arith.cmpi slt, %arg0, %sign3A_3 : i32
    %sign3A_5 = arith.extui %sign3A_4 : i1 to i32
    %sign3A_6 = arith.subi %sign3A_2, %sign3A_5 : i32
    %sign3A_7 = arith.constant 0 : i32
    %sign3A_8 = arith.cmpi sgt, %jit3A, %sign3A_7 : i32
    %sign3A_9 = arith.extui %sign3A_8 : i1 to i32
    %sign3A_10 = arith.constant 0 : i32
    %sign3A_11 = arith.cmpi slt, %jit3A, %sign3A_10 : i32
    %sign3A_12 = arith.extui %sign3A_11 : i1 to i32
    %sign3A_13 = arith.subi %sign3A_9, %sign3A_12 : i32
    %ne3A = arith.cmpi ne, %sign3A_6, %sign3A_13 : i32
    %rem3A = arith.remsi %arg0, %jit3A : i32
    %ne3A_14 = arith.constant 0 : i32
    %ne3A_15 = arith.cmpi ne, %rem3A, %ne3A_14 : i32
    %and3A = arith.andi %ne3A, %ne3A_15 : i1
    %sub3A = arith.constant 1 : i32
    %sub3A_16 = arith.subi %div3A, %sub3A : i32
    %select_n3A = arith.select %and3A, %sub3A_16, %div3A : i32
    %get3A_17 = arith.constant 0 : index
    %get3A_18 = arith.constant 0 : index
    %get3A_19 = vector.load %arg2[%get3A_17, %get3A_18] : memref<2x768xf32, #tpu.memory_space<vmem>>, vector<2x768xf32>
    %get3A_20 = arith.constant 0 : index
    %get3A_21 = arith.constant 0 : index
    %get3A_22 = arith.constant 0 : index
    %get3A_23 = vector.load %arg4[%get3A_20, %get3A_21, %get3A_22] : memref<1x768x2048xf32, #tpu.memory_space<vmem>>, vector<1x768x2048xf32>
    %get3A_24 = vector.shape_cast %get3A_23 : vector<1x768x2048xf32> to vector<768x2048xf32>
    %dot_general3A = arith.constant dense<0.000000e+00> : vector<2x2048xf32>
    %dot_general3A_25 = tpu.matmul %get3A_19, %get3A_24, %dot_general3A {dimension_numbers = #tpu.dot_dimension_numbers<[1], [0], [0], [1], [0, 0, 1, 1], [], []>, transpose_lhs_hint = false} : vector<2x768xf32>, vector<768x2048xf32>, vector<2x2048xf32> -> vector<2x2048xf32>
    %get3A_26 = arith.constant 0 : index
    %get3A_27 = arith.constant 0 : index
    %get3A_28 = arith.constant 0 : index
    %get3A_29 = vector.load %arg5[%get3A_26, %get3A_27, %get3A_28] : memref<1x1x2048xf32, #tpu.memory_space<vmem>>, vector<1x1x2048xf32>
    %get3A_30 = vector.shape_cast %get3A_29 : vector<1x1x2048xf32> to vector<1x2048xf32>
    %add3A = vector.broadcast %get3A_30 : vector<1x2048xf32> to vector<2x2048xf32>
    %add3A_31 = arith.addf %dot_general3A_25, %add3A : vector<2x2048xf32>
    %mul3A = arith.constant 5.000000e-01 : f32
    %mul3A_32 = vector.broadcast %mul3A : f32 to vector<2x2048xf32>
    %mul3A_33 = arith.mulf %mul3A_32, %add3A_31 : vector<2x2048xf32>
    %mul3A_34 = arith.constant 0.707106769 : f32
    %mul3A_35 = vector.broadcast %mul3A_34 : f32 to vector<2x2048xf32>
    %mul3A_36 = arith.mulf %add3A_31, %mul3A_35 : vector<2x2048xf32>
    %erf3A = math.erf %mul3A_36 : vector<2x2048xf32>
    %add3A_37 = arith.constant 1.000000e+00 : f32
    %add3A_38 = vector.broadcast %add3A_37 : f32 to vector<2x2048xf32>
    %add3A_39 = arith.addf %add3A_38, %erf3A : vector<2x2048xf32>
    %mul3A_40 = arith.mulf %mul3A_33, %add3A_39 : vector<2x2048xf32>
    %get3A_41 = arith.constant 0 : index
    %get3A_42 = arith.constant 0 : index
    %get3A_43 = arith.constant 0 : index
    %get3A_44 = vector.load %arg6[%get3A_41, %get3A_42, %get3A_43] : memref<1x2048x8xf32, #tpu.memory_space<vmem>>, vector<1x2048x8xf32>
    %get3A_45 = vector.shape_cast %get3A_44 : vector<1x2048x8xf32> to vector<2048x8xf32>
    %dot_general3A_46 = arith.constant dense<0.000000e+00> : vector<2x8xf32>
    %dot_general3A_47 = tpu.matmul %mul3A_40, %get3A_45, %dot_general3A_46 {dimension_numbers = #tpu.dot_dimension_numbers<[1], [0], [0], [1], [0, 0, 1, 1], [], []>, transpose_lhs_hint = false} : vector<2x2048xf32>, vector<2048x8xf32>, vector<2x8xf32> -> vector<2x8xf32>
    %get3A_48 = arith.constant 0 : index
    %get3A_49 = arith.constant 0 : index
    %get3A_50 = arith.constant 0 : index
    %get3A_51 = vector.load %arg7[%get3A_48, %get3A_49, %get3A_50] : memref<1x1x8xf32, #tpu.memory_space<vmem>>, vector<1x1x8xf32>
    %get3A_52 = vector.shape_cast %get3A_51 : vector<1x1x8xf32> to vector<1x8xf32>
    %add3A_53 = vector.broadcast %get3A_52 : vector<1x8xf32> to vector<2x8xf32>
    %add3A_54 = arith.addf %dot_general3A_47, %add3A_53 : vector<2x8xf32>
    %iota3A = tpu.iota {dimensions = array<i32: 1>} : vector<2x16xi32>
    %eq3A = vector.broadcast %get3A_0 : i32 to vector<2x16xi32>
    %eq3A_55 = arith.cmpi eq, %iota3A, %eq3A : vector<2x16xi32>
    %get3A_56 = arith.constant 0 : index
    %get3A_57 = arith.constant 0 : index
    %get3A_58 = vector.load %arg3[%get3A_56, %get3A_57] : memref<2x16xf32, #tpu.memory_space<vmem>>, vector<2x16xf32>
    %jit3A_59 = arith.constant 0.000000e+00 : f32
    %broadcast_in_dim3A = vector.broadcast %jit3A_59 : f32 to vector<2x16xf32>
    %select_n3A_60 = arith.select %eq3A_55, %get3A_58, %broadcast_in_dim3A : vector<2x16xi1>, vector<2x16xf32>
    %reduce_sum3A = arith.constant dense<0.000000e+00> : vector<2xf32>
    %reduce_sum3A_61 = vector.multi_reduction <add>, %select_n3A_60, %reduce_sum3A [1] : vector<2x16xf32> to vector<2xf32>
    %broadcast_in_dim3A_62 = vector.shape_cast %reduce_sum3A_61 : vector<2xf32> to vector<2x1xf32>
    %iota3A_63 = tpu.iota {dimensions = array<i32: 0>} : vector<2x1xi32>
    %eq3A_64 = vector.broadcast %select_n3A : i32 to vector<2x1xi32>
    %eq3A_65 = arith.cmpi eq, %iota3A_63, %eq3A_64 : vector<2x1xi32>
    %jit3A_66 = arith.constant 0.000000e+00 : f32
    %broadcast_in_dim3A_67 = vector.broadcast %jit3A_66 : f32 to vector<2x1xf32>
    %select_n3A_68 = arith.select %eq3A_65, %broadcast_in_dim3A_62, %broadcast_in_dim3A_67 : vector<2x1xi1>, vector<2x1xf32>
    %eq3A_69 = arith.constant 0 : i32
    %eq3A_70 = arith.cmpi eq, %arg0, %eq3A_69 : i32
    %convert_element_type3A = arith.extui %eq3A_70 : i1 to i32
    %cond3A = arith.constant 0 : i32
    %cond3A_71 = arith.cmpi ne, %convert_element_type3A, %cond3A : i32
    scf.if %cond3A_71 {
      %broadcast_in_dim3A_80 = arith.constant 0.000000e+00 : f32
      %broadcast_in_dim3A_81 = vector.broadcast %broadcast_in_dim3A_80 : f32 to vector<2x8xf32>
      %swap3A_82 = arith.constant 0 : index
      %swap3A_83 = arith.constant 0 : index
      %swap3A_84 = vector.load %arg8[%swap3A_82, %swap3A_83] : memref<2x8xf32, #tpu.memory_space<vmem>>, vector<2x8xf32>
      tpu.vector_store %arg8[%swap3A_82, %swap3A_83], %broadcast_in_dim3A_81 {strides = array<i32>} : memref<2x8xf32, #tpu.memory_space<vmem>>, vector<2x8xf32>,
    } else {
    }
    %get3A_72 = arith.constant 0 : index
    %get3A_73 = arith.constant 0 : index
    %get3A_74 = vector.load %arg8[%get3A_72, %get3A_73] : memref<2x8xf32, #tpu.memory_space<vmem>>, vector<2x8xf32>
    %mul3A_75 = vector.broadcast %select_n3A_68 : vector<2x1xf32> to vector<2x8xf32>
    %mul3A_76 = arith.mulf %mul3A_75, %add3A_54 : vector<2x8xf32>
    %add3A_77 = arith.addf %get3A_74, %mul3A_76 : vector<2x8xf32>
    %swap3A = arith.constant 0 : index
    %swap3A_78 = arith.constant 0 : index
    %swap3A_79 = vector.load %arg8[%swap3A, %swap3A_78] : memref<2x8xf32, #tpu.memory_space<vmem>>, vector<2x8xf32>
    tpu.vector_store %arg8[%swap3A, %swap3A_78], %add3A_77 {strides = array<i32>} : memref<2x8xf32, #tpu.memory_space<vmem>>, vector<2x8xf32>,
    return
  }
  func.func @transform_0(%arg0: i32, %arg1: memref<4xi32, #tpu.memory_space<smem>>) -> (i32, i32) {
    %c0_i32 = arith.constant 0 : i32
    %c0_i32_0 = arith.constant 0 : i32
    %c0_i32_1 = arith.constant 0 : i32
    return %c0_i32, %c0_i32_0 : i32, i32
  }
  func.func @transform_1(%arg0: i32, %arg1: memref<4xi32, #tpu.memory_space<smem>>) -> (i32, i32) {
    %c0_i32 = arith.constant 0 : i32
    %c0_i32_0 = arith.constant 0 : i32
    %c0_i32_1 = arith.constant 0 : i32
    return %c0_i32, %c0_i32_0 : i32, i32
  }
  func.func @transform_2(%arg0: i32, %arg1: memref<4xi32, #tpu.memory_space<smem>>) -> (i32, i32, i32) {
    %get3A = arith.index_cast %arg0 : i32 to index
    %get3A_0 = memref.load %arg1[%get3A] : memref<4xi32, #tpu.memory_space<smem>>
    %c0_i32 = arith.constant 0 : i32
    %c0_i32_1 = arith.constant 0 : i32
    %c0_i32_2 = arith.constant 0 : i32
    return %get3A_0, %c0_i32, %c0_i32_1 : i32, i32, i32
  }
  func.func @transform_3(%arg0: i32, %arg1: memref<4xi32, #tpu.memory_space<smem>>) -> (i32, i32, i32) {
    %get3A = arith.index_cast %arg0 : i32 to index
    %get3A_0 = memref.load %arg1[%get3A] : memref<4xi32, #tpu.memory_space<smem>>
    %c0_i32 = arith.constant 0 : i32
    %c0_i32_1 = arith.constant 0 : i32
    %c0_i32_2 = arith.constant 0 : i32
    return %get3A_0, %c0_i32, %c0_i32_1 : i32, i32, i32
  }
  func.func @transform_4(%arg0: i32, %arg1: memref<4xi32, #tpu.memory_space<smem>>) -> (i32, i32, i32) {
    %get3A = arith.index_cast %arg0 : i32 to index
    %get3A_0 = memref.load %arg1[%get3A] : memref<4xi32, #tpu.memory_space<smem>>
    %c0_i32 = arith.constant 0 : i32
    %c0_i32_1 = arith.constant 0 : i32
    %c0_i32_2 = arith.constant 0 : i32
    return %get3A_0, %c0_i32, %c0_i32_1 : i32, i32, i32
  }
  func.func @transform_5(%arg0: i32, %arg1: memref<4xi32, #tpu.memory_space<smem>>) -> (i32, i32, i32) {
    %get3A = arith.index_cast %arg0 : i32 to index
    %get3A_0 = memref.load %arg1[%get3A] : memref<4xi32, #tpu.memory_space<smem>>
    %c0_i32 = arith.constant 0 : i32
    %c0_i32_1 = arith.constant 0 : i32
    %c0_i32_2 = arith.constant 0 : i32
    return %get3A_0, %c0_i32, %c0_i32_1 : i32, i32, i32
  }
  func.func @transform_6(%arg0: i32, %arg1: memref<4xi32, #tpu.memory_space<smem>>) -> (i32, i32) {
    %c0_i32 = arith.constant 0 : i32
    %c0_i32_0 = arith.constant 0 : i32
    %c0_i32_1 = arith.constant 0 : i32
    return %c0_i32, %c0_i32_0 : i32, i32
  }
}

</mosaic_0001>

<sc_bundles>
// kernel: kernel.25.cloned.1.call-start
scs
__scs_entry_jumppad:
0x0: {  	(pc) =	sbr.rel $0x88, $3  }
0x1: {  	(tag) =	ssettag $0x0;
	lr =	simm.s32 $0x1  }
0x2: {  	[smem:$0x3F86] =	sst lr;
	_ =	strace $0xD0000000  }
0x3: {  	_ = 	snop  }
0x4: {  	_ = 	snop  }
0x5: {  	_ = 	snop  }
0x6: {  	_ = 	snop  }
0x7: {  	_ = 	snop  }
__scs_overlays_trampoline_lowered:
0x8: {  	[smem:$0x3F95] =	sst s0  }
0x9: {  	[smem:$0x3F96] =	sst s1  }
0xa: {  	[smem:$0x3F97] =	sst s2  }
0xb: {  	[smem:$0x3F98] =	sst s3  }
0xc: {  	[smem:$0x3F99] =	sst s4  }
0xd: {  	[smem:$0x3F9A] =	sst s5  }
0xe: {  	[smem:$0x3F9B] =	sst s6  }
0xf: {  	[smem:$0x3F9C] =	sst s7  }
0x10: {  	[smem:$0x3F9D] =	sst s8  }
0x11: {  	[smem:$0x3F9E] =	sst s9;
	s0 =	simm.s32 @!p0 $0x0  }
0x12: {  	s1 =	sld [smem:$0x3F84];
	s0 =	simm.s32 @p0 $0x1  }
0x13: {  	[smem:$0x3F9F] =	sst s0;
	s0 =	simm.s32 @!p1 $0x0  }
0x14: {  	s2 =	sld [smem:$0x3F83];
	s0 =	simm.s32 @p1 $0x1  }
0x15: {  	[smem:$0x3FA0] =	sst s0;
	s0 =	simm.s32 @!p2 $0x0  }
0x16: {  	s3 =	sld [smem:$0x3FDB];
	s0 =	simm.s32 @p2 $0x1  }
0x17: {  	s4 =	simm.s32 $0x1BF5;
	[smem:$0x3FA2] =	sst s0  }
0x18: {  	s0 =	sld [smem:$0x3F85];
	_ =	swait.ge [sflag:s4], $0x0  }
0x19: {  	s7 =	sld [smem:$0x3F86]  }
0x1a: {  	s8 =	sadd.s32 $0xFFFFE003, lr  }
0x1b: {  	s9 =	sadd.s32 $0xFFFFFEF7, lr;
	s5 =	simm.s32 $0xFFFFFFFF;
	p2 =	slt.u32 s8, $0xFFFFF086  }
0x1c: {  	p1 =	slt.u32 s9, $0xF7A;
	s5 =	simm.s32 @!p2 $0x0  }
0x1d: {  	s5 =	simm.s32 @p1 $0x1;
	p0 =	seq.s32 s7, s2  }
0x1e: {  	s7 =	smul.u32 @!p0 $0xF7A, s2;
	p2 =	seq.s32 @!p0 s5, $0x0  }
0x1f: {  	s9 =	smul.u32 $0xF7A, s1;
	s8 =	simm.s32 @!p0 $0x1BF5;
	p2 =	por !p2, p0  }
0x20: {  	[sflag:s8] =	ssyncset.s32 @!p0 $0xFFFFF086;
	s6 =	sadd.s32 @!p0 s3, s7;
	s7 =	simm.s32 @!p0 $0x108  }
0x21: {  	s3 =	sadd.s32 s3, s9;
	s6 =	sadd.s32 @!p0 $0x88, s6;
	s7 =	simm.s32 @p2 $0x1082  }
0x22: {  	[simem:s7], [sflag:s8] =	dma.local @!p0 [hbm:s6], $0xF7A  }
0x23: {  	s9 =	sor.u32 $0xD0000000, s2;
	s6 =	simm.s32 $0x108;
	_ =	swait.ge @!p0 [sflag:s8], $0x0  }
0x24: {  	s3 =	sadd.s32 $0x88, s3;
	s6 =	simm.s32 @!p1 $0x1082;
	[sflag:s4] =	ssyncset.s32 $0xFFFFF086  }
0x25: {  	[simem:s6], [sflag:s4] =	dma.local [hbm:s3], $0xF7A  }
0x26: {  	[smem:$0x3F86] =	sst s1;
	(tag) =	ssettag s2;
	_ =	strace s9  }
0x27: {  	s1 =	sld [smem:$0x3F96]  }
0x28: {  	s2 =	sld [smem:$0x3F97]  }
0x29: {  	s4 =	sld [smem:$0x3F99]  }
0x2a: {  	p0 =	seq.s32 s5, $0x0;
	s5 =	sld [smem:$0x3F9A]  }
0x2b: {  	s6 =	sld [smem:$0x3F9B]  }
0x2c: {  	s7 =	sld [smem:$0x3F9C]  }
0x2d: {  	s3 =	simm.s32 $0x108;
	s8 =	sld [smem:$0x3F9D]  }
0x2e: {  	s3 =	simm.s32 @!p0 $0x1082;
	s9 =	sld [smem:$0x3F9E]  }
0x2f: {  	lr =	sadd.s32 s0, s3;
	s0 =	sld [smem:$0x3F95]  }
0x30: {  	s3 =	sld [smem:$0x3F98]  }
0x31: {  	[smem:$0x3FA1] =	sst s10  }
0x32: {  	s10 =	sld [smem:$0x3F9F];
	_ =	sdelay $0x3  }
0x33: {  	p0 =	seq.s32 s10, $0x1;
	s10 =	sld [smem:$0x3FA1];
	_ =	sdelay $0x3  }
0x34: {  	[smem:$0x3FA1] =	sst s10  }
0x35: {  	s10 =	sld [smem:$0x3FA0];
	_ =	sdelay $0x3  }
0x36: {  	p1 =	seq.s32 s10, $0x1;
	s10 =	sld [smem:$0x3FA1];
	_ =	sdelay $0x3  }
0x37: {  	[smem:$0x3FA1] =	sst s10  }
0x38: {  	s10 =	sld [smem:$0x3FA2]  }
0x39: {  	_ = 	snop;
	(pc) =	sbr.ind lr, $3  }
0x3a: {  	_ = 	snop  }
0x3b: {  	_ = 	snop  }
0x3c: {  	p2 =	seq.s32 s10, $0x1;
	s10 =	sld [smem:$0x3FA1]  }
0x3d: {  	_ =	shalt  }
0x3e: {  	_ =	shalt  }
0x3f: {  	_ =	shalt  }
0x40: {  	_ =	shalt  }
0x41: {  	_ =	shalt  }
0x42: {  	_ =	shalt  }
0x43: {  	_ =	shalt  }
0x44: {  	_ =	shalt  }
0x45: {  	_ =	shalt  }
0x46: {  	_ =	shalt  }
0x47: {  	_ =	shalt  }
0x48: {  	_ =	shalt  }
0x49: {  	_ =	shalt  }
0x4a: {  	_ =	shalt  }
0x4b: {  	_ =	shalt  }
0x4c: {  	_ =	shalt  }
0x4d: {  	_ =	shalt  }
0x4e: {  	_ =	shalt  }
0x4f: {  	_ =	shalt  }
0x50: {  	_ =	shalt  }
0x51: {  	_ =	shalt  }
0x52: {  	_ =	shalt  }
0x53: {  	_ =	shalt  }
0x54: {  	_ =	shalt  }
0x55: {  	_ =	shalt  }
0x56: {  	_ =	shalt  }
0x57: {  	_ =	shalt  }
0x58: {  	_ =	shalt  }
0x59: {  	_ =	shalt  }
0x5a: {  	_ =	shalt  }
0x5b: {  	_ =	shalt  }
0x5c: {  	_ =	shalt  }
0x5d: {  	_ =	shalt  }
0x5e: {  	_ =	shalt  }
0x5f: {  	_ =	shalt  }
0x60: {  	_ =	shalt  }
0x61: {  	_ =	shalt  }
0x62: {  	_ =	shalt  }
0x63: {  	_ =	shalt  }
0x64: {  	_ =	shalt  }
0x65: {  	_ =	shalt  }
0x66: {  	_ =	shalt  }
0x67: {  	_ =	shalt  }
0x68: {  	_ =	shalt  }
0x69: {  	_ =	shalt  }
0x6a: {  	_ =	shalt  }
0x6b: {  	_ =	shalt  }
0x6c: {  	_ =	shalt  }
0x6d: {  	_ =	shalt  }
0x6e: {  	_ =	shalt  }
0x6f: {  	_ =	shalt  }
0x70: {  	_ =	shalt  }
0x71: {  	_ =	shalt  }
0x72: {  	_ =	shalt  }
0x73: {  	_ =	shalt  }
0x74: {  	_ =	shalt  }
0x75: {  	_ =	shalt  }
0x76: {  	_ =	shalt  }
0x77: {  	_ =	shalt  }
0x78: {  	_ =	shalt  }
0x79: {  	_ =	shalt  }
0x7a: {  	_ =	shalt  }
0x7b: {  	_ =	shalt  }
0x7c: {  	_ =	shalt  }
0x7d: {  	_ =	shalt  }
0x7e: {  	_ =	shalt  }
0x7f: {  	_ =	shalt  }
0x80: {  	_ =	shalt  }
0x81: {  	_ =	shalt  }
0x82: {  	_ =	shalt  }
0x83: {  	_ =	shalt  }
0x84: {  	_ =	shalt  }
0x85: {  	_ =	shalt  }
0x86: {  	_ =	shalt  }
0x87: {  	_ =	shalt  }
.Lfunc_end0:
.L_simem_size_0:
called_computation_lowered:
.L_overlay_start_0:
0x88: {  	s2 =	sld [smem:$0x3FD9]  }
0x89: {  	s3 =	sld [smem:$0x3FFE];
	_ =	sdelay $0x1  }
0x8a: {  	s1 =	srdreg.scid  }
0x8b: {  	s0 =	sand.u32 $0x1, s1  }
0x8c: {  	s17 =	sshll.u32 s0, $0xA;
	s2 =	sadd.s32 s3, s2  }
0x8d: {  	s2 =	sadd.s32 s2, s17  }
0x8e: {  	[smem:$0x3FAD] =	sst s2  }
0x8f: {  	_ = 	snop  }
0x90: {  	s2 =	sld [smem:$0x3FC8];
	(tm) =	ssettm $0x1  }
0x91: {  	s18 =	sld [smem:$0x3FFB];
	_ =	sdelay $0x3  }
0x92: {  	_ =	strace s18  }
0x93: {  	s3 =	sld [smem:$0x3FFC];
	_ =	sdelay $0x3  }
0x94: {  	_ =	strace s3  }
0x95: {  	s3 =	sld [smem:$0x3FFD];
	_ =	sdelay $0x3  }
0x96: {  	_ =	strace s3  }
0x97: {  	_ =	strace $0x8FFFFFFF  }
0x98: {  	s19 =	sld [smem:$0x3FDB];
	_ =	sdelay $0x1  }
0x99: {  	s4 =	simm.s32 $_scs_section_size  }
0x9a: {  	s5 =	simm.s32 $_size__tile_overlayer_lowered;
	s6 =	simm.s32 $_tile_overlayer_lowered  }
0x9b: {  	s22 =	simm.s32 $0x1BFF;
	s21 =	sshll.u32 s6, $0x1;
	s3 =	sadd.s32 s4, s19  }
0x9c: {  	s7 =	simm.s32 $0x0;
	s20 =	sshll.u32 s5, $0x1;
	s5 =	sadd.s32 s21, s3  }
0x9d: {  	[timem:s7], [sflag:s22] =	dma.local [hbm:s5], s20  }
0x9e: {  	_ =	swait.ge [sflag:s22], s20  }
0x9f: {  	s4 =	ssub.s32 $0x0, s20;
	[sflag:s22] =	ssyncset.done $0x0  }
0xa0: {  	[sflag:s22] =	ssyncadd.s32 s4;
	_ =	sdelay $0x1  }
0xa1: {  	s23 =	simm.s32 $0x1B8B  }
0xa2: {  	_ =	swait.ge [sflag:s23], $0x1  }
0xa3: {  	[sflag:s23] =	ssyncset.done $0x0  }
0xa4: {  	s25 =	simm.s32 $0x1B8E;
	s24 =	sld [smem:$0x3FFE];
	[sflag:s23] =	ssyncadd.s32 $0xFFFFFFFF  }
0xa5: {  	s26 =	simm.s32 $execute0_lowered;
	[smem:$0x3FD2] =	sst s25  }
0xa6: {  	s5 =	sshll.u32 s26, $0x1;
	_ =	strace $0x80000046;
	[dreg:$0x1] =	wrdreg $0xFFFFFFFF  }
0xa7: {  	s28 =	simm.s32 $_size_execute0_lowered;
	s3 =	sadd.s32 s3, s5;
	[dreg:$0x0] =	wrdreg $0x0  }
0xa8: {  	s5 =	sshll.u32 s28, $0x1;
	[dreg:$0x2] =	wrdreg s3  }
0xa9: {  	[dreg:$0x3] =	wrdreg s5  }
0xaa: {  	[dreg:$0x4] =	wrdreg $0xC0  }
0xab: {  	_ =	task [dreg:s7], $0x5FFFF  }
0xac: {  	[dreg:$0x1] =	wrdreg $0xFFFFFFFF  }
0xad: {  	[dreg:$0x0] =	wrdreg $0x60  }
0xae: {  	[dreg:$0x2] =	wrdreg s2  }
0xaf: {  	[dreg:$0x3] =	wrdreg s24  }
0xb0: {  	[dreg:$0x4] =	wrdreg $0x9  }
0xb1: {  	_ =	task.clear_ibuf [dreg:s7], $0x5FFFF;
	_ =	strace $0x90000046  }
0xb2: {  	s29 =	simm.s32 $0x9;
	_ =	strace $0x80000048  }
0xb3: {  	_ =	swait.ge [sflag:s29], $0x1  }
0xb4: {  	[sflag:s29] =	ssyncadd.s32 $0xFFFFFFFF  }
0xb5: {  	_ =	strace $0x90000048  }
0xb6: {  	_ =	sfence  }
0xb7: {  	s30 =	sld [smem:$0x0];
	_ =	sdelay $0x2  }
0xb8: {  	s31 =	sshll.u32 s1, $0xD;
	s1 =	sshrl.u32 s1, $0x2  }
0xb9: {  	s3 =	sand.u32 $0x4000, s31;
	s1 =	sadd.s32 s1, s30  }
0xba: {  	s0 =	sor.u32 s3, s0;
	s1 =	sshll.u32 s1, $0x11  }
0xbb: {  	s0 =	sor.u32 s1, s0  }
0xbc: {  	s0 =	sadd.s32 $0x8F2B, s0  }
0xbd: {  	[sflag:s0] =	ssyncadd.remote.s32 $0x1  }
0xbe: {  	_ =	sfence.sel $0xFFFF  }
0xbf: {  	[dreg:$0x0] =	wrdreg $0xFFFFFFFF;
	(pc) =	sbr.abs _section_cstart, $3  }
0xc0: {  	[dreg:$0x1] =	wrdreg $0xFFFFFFFF  }
0xc1: {  	_ =	task.clear_ibuf [dreg:s7], $0x2FFFF;
	_ =	strace $0x9FFFFFFF  }
0xc2: {  	(tm) =	ssettm $0x7FFFFFFF  }
0xc3: {  	_ =	shalt  }
tec
execute0_lowered:
.L_overlay_start_1:
0x0: {  	(tag) =	ssettag $0x1  }
0x1: {  	s1 =	srdreg.scid  }
0x2: {  	s0 =	stileid.u32;
	s1 =	sand.u32 $0x1, s1  }
0x3: {  	s2 =	rddreg [dreg:$0x0];
	s3 =	sshll.u32 s0, $0x5;
	s4 =	sshll.u32 s1, $0x4  }
0x4: {  	s5 =	rddreg [dreg:$0x1];
	s4 =	sor.u32 s4, s3;
	s3 =	simm.s32 $0x0  }
0x5: {  	s25 =	simm.s32 $0x880;
	[smem:$0x7FF] =	sst s3  }
0x6: {  	s26 =	simm.s32 $0x1080;
	_ =	strace $0x80000047;
	[dreg:$0x5] =	wrdreg s25  }
0x7: {  	s0 =	simm.s32 $0x1880;
	[dreg:$0x6] =	wrdreg s26  }
0x8: {  	s7 =	simm.s32 $0x3080;
	[dreg:$0x7] =	wrdreg s0  }
0x9: {  	s8 =	simm.s32 $0x3880;
	[dreg:$0xa] =	wrdreg s7  }
0xa: {  	s9 =	simm.s32 $0x4080;
	[dreg:$0xb] =	wrdreg s8  }
0xb: {  	s10 =	simm.s32 $0x4880;
	[dreg:$0xc] =	wrdreg s9  }
0xc: {  	s11 =	simm.s32 $0x5080;
	[dreg:$0xd] =	wrdreg s10  }
0xd: {  	s12 =	simm.s32 $0x5880;
	s13 =	simm.s32 $0x6080;
	[dreg:$0xe] =	wrdreg s11  }
0xe: {  	s14 =	simm.s32 $0x6880;
	s15 =	simm.s32 $0x7080;
	[dreg:$0xf] =	wrdreg s12  }
0xf: {  	s16 =	simm.s32 $0x7880;
	s17 =	simm.s32 $0x8080;
	[dreg:$0x10] =	wrdreg s13  }
0x10: {  	s18 =	simm.s32 $0x8880;
	s19 =	simm.s32 $0x9080;
	[dreg:$0x11] =	wrdreg s14  }
0x11: {  	s21 =	simm.s32 $0x9880;
	s22 =	simm.s32 $0xA080;
	[dreg:$0x12] =	wrdreg s15  }
0x12: {  	s23 =	simm.s32 $0xA880;
	s28 =	simm.s32 $0x16080;
	[dreg:$0x13] =	wrdreg s16  }
0x13: {  	s29 =	simm.s32 $0x16880;
	s30 =	simm.s32 $0x17080;
	[dreg:$0x14] =	wrdreg s17  }
0x14: {  	s31 =	simm.s32 $0x17880;
	s1 =	ssub.s32 $0x2, s1;
	[dreg:$0x15] =	wrdreg s18  }
0x15: {  	s20 =	sshrl.u32 s1, $0x1;
	s6 =	smul.u32 $0x300, s4;
	[dreg:$0x16] =	wrdreg s19  }
0x16: {  	s4 =	sadd.s32 s4, s5;
	s1 =	ssub.s32 s1, s20;
	[dreg:$0x17] =	wrdreg s21  }
0x17: {  	s20 =	simm.s32 $0x12880;
	s4 =	sadd.s32 $0x5A00, s4;
	[dreg:$0x18] =	wrdreg s22  }
0x18: {  	[dreg:$0x19] =	wrdreg s23;
	s7 =	simm.s32 $0xB080;
	s25 =	simm.s32 $0xC080  }
0x19: {  	s8 =	simm.s32 $0x80;
	s26 =	simm.s32 $0xC880;
	s10 =	simm.s32 $0xD880  }
0x1a: {  	s11 =	simm.s32 $0xE080;
	s12 =	simm.s32 $0xE880;
	s13 =	simm.s32 $0xF080  }
0x1b: {  	s14 =	simm.s32 $0xF880;
	s15 =	simm.s32 $0x10080;
	s16 =	simm.s32 $0x10880  }
0x1c: {  	s17 =	simm.s32 $0x11080;
	s18 =	simm.s32 $0x11880;
	s19 =	simm.s32 $0x12080  }
0x1d: {  	s21 =	simm.s32 $0x13080;
	s22 =	simm.s32 $0x13880;
	[dreg:$0x3] =	wrdreg s4  }
0x1e: {  	s23 =	simm.s32 $0x14080;
	s5 =	sadd.s32 s6, s5;
	[dreg:$0x1a] =	wrdreg s7  }
0x1f: {  	s6 =	simm.s32 $0x2880;
	s4 =	sadd.s32 $0x100, s2;
	[dreg:$0x1c] =	wrdreg s25  }
0x20: {  	s7 =	simm.s32 $0x2;
	[dreg:$0x1d] =	wrdreg s26;
	s25 =	simm.s32 $0x15080  }
0x21: {  	s26 =	simm.s32 $0x15880;
	s24 =	sadd.s32 $0x5C00, s5;
	[dreg:$0x9] =	wrdreg s6  }
0x22: {  	v2 =	vlaneseq.u32;
	s5 =	simm.s32 $0x2080;
	s6 =	smax.u32 s1, $0x1;
	[dreg:$0x4] =	wrdreg s24  }
0x23: {  	vm0 =	vmmov $0xffff;
	v1 =	vshrl.u32 v2, $0x3;
	s1 =	simm.s32 $0x1;
	[dreg:$0x8] =	wrdreg s5;
	s24 =	simm.s32 $0xB880  }
0x24: {  	v0 =	vand.u32 $0x7, v2;
	v2 =	vor.u32 $0x8, v2;
	v1 =	vmul.u32 $0x8, v1;
	s5 =	sadd.s32 $0x200, s2;
	[dreg:$0x1b] =	wrdreg s24;
	s24 =	simm.s32 $0x14880  }
.LBB2_1:
0x25: {  	s0 =	rddreg [dreg:$0x3]  }
0x26: {  	[tilespmem:s3], [sflag:$0x2] =	stream.linear.gather [hbm4b:s0+s3], $0x80, $0x38;
	[tilespmem:$0x18080] =	vst v63  }
0x27: {  	_ =	swait.ge [sflag:s7], $0x80  }
0x28: {  	[sflag:s7] =	ssyncset.done $0x0  }
0x29: {  	[sflag:s7] =	ssyncadd.s32 $0xFFFFFF80  }
0x2a: {  	v3 =	vld [tilespmem:$0x0];
	_ =	sdelay $0x4  }
0x2b: {  	v4 =	vshrl.u32 v3, $0x3  }
0x2c: {  	v4 =	vmul.u32 $0x30, v4  }
0x2d: {  	v3 =	vand.u32 $0x7, v3  }
0x2e: {  	v3 =	vor.u32 v3, v4  }
0x2f: {  	v4 =	vperm.xlane v3, v0;
	_ =	sdelay $0x1  }
0x30: {  	v4 =	vadd.s32 v1, v4;
	_ =	sdelay $0x3  }
0x31: {  	v3 =	vperm.xlane v3, v2  }
0x32: {  	[tilespmem:s8], [sflag:$0x1] =	stream.indirect_vreg.gather [hbm4b:s2+s3], $0x80, v4, vm0, $0xb8;
	[tilespmem:$0x18080] =	vst v63  }
0x33: {  	s0 =	rddreg [dreg:$0x5];
	v3 =	vadd.s32 v1, v3  }
0x34: {  	[tilespmem:s0], [sflag:$0x1] =	stream.indirect_vreg.gather [hbm4b:s4+s3], $0x80, v4, vm0, $0xb8;
	[tilespmem:$0x18080] =	vst v63  }
0x35: {  	s9 =	rddreg [dreg:$0x6]  }
0x36: {  	[tilespmem:s9], [sflag:$0x1] =	stream.indirect_vreg.gather [hbm4b:s5+s3], $0x80, v4, vm0, $0xb8;
	[tilespmem:$0x18080] =	vst v63  }
0x37: {  	s0 =	rddreg [dreg:$0x7]  }
0x38: {  	[tilespmem:s0], [sflag:$0x1] =	stream.indirect_vreg.gather [hbm4b:s2+s3], $0x80, v3, vm0, $0xb8;
	[tilespmem:$0x18080] =	vst v63  }
0x39: {  	s9 =	rddreg [dreg:$0x8]  }
0x3a: {  	[tilespmem:s9], [sflag:$0x1] =	stream.indirect_vreg.gather [hbm4b:s4+s3], $0x80, v3, vm0, $0xb8;
	[tilespmem:$0x18080] =	vst v63  }
0x3b: {  	s0 =	rddreg [dreg:$0x9]  }
0x3c: {  	[tilespmem:s0], [sflag:$0x1] =	stream.indirect_vreg.gather [hbm4b:s5+s3], $0x80, v3, vm0, $0xb8;
	[tilespmem:$0x18080] =	vst v63  }
0x3d: {  	v3 =	vld [tilespmem:$0x10];
	_ =	sdelay $0x4  }
0x3e: {  	v57 =	vshrl.u32 v3, $0x3  }
0x3f: {  	v4 =	vmul.u32 $0x30, v57  }
0x40: {  	v3 =	vand.u32 $0x7, v3  }
0x41: {  	v3 =	vor.u32 v3, v4  }
0x42: {  	v4 =	vperm.xlane v3, v0;
	_ =	sdelay $0x1  }
0x43: {  	v4 =	vadd.s32 v1, v4;
	_ =	sdelay $0x3  }
0x44: {  	s0 =	rddreg [dreg:$0xa];
	v3 =	vperm.xlane v3, v2  }
0x45: {  	[tilespmem:s0], [sflag:$0x1] =	stream.indirect_vreg.gather [hbm4b:s2+s3], $0x80, v4, vm0, $0xb8;
	[tilespmem:$0x18080] =	vst v63  }
0x46: {  	s9 =	rddreg [dreg:$0xb];
	v3 =	vadd.s32 v1, v3  }
0x47: {  	[tilespmem:s9], [sflag:$0x1] =	stream.indirect_vreg.gather [hbm4b:s4+s3], $0x80, v4, vm0, $0xb8;
	[tilespmem:$0x18080] =	vst v63  }
0x48: {  	s0 =	rddreg [dreg:$0xc]  }
0x49: {  	[tilespmem:s0], [sflag:$0x1] =	stream.indirect_vreg.gather [hbm4b:s5+s3], $0x80, v4, vm0, $0xb8;
	[tilespmem:$0x18080] =	vst v63  }
0x4a: {  	s9 =	rddreg [dreg:$0xd]  }
0x4b: {  	[tilespmem:s9], [sflag:$0x1] =	stream.indirect_vreg.gather [hbm4b:s2+s3], $0x80, v3, vm0, $0xb8;
	[tilespmem:$0x18080] =	vst v63  }
0x4c: {  	s0 =	rddreg [dreg:$0xe]  }
0x4d: {  	[tilespmem:s0], [sflag:$0x1] =	stream.indirect_vreg.gather [hbm4b:s4+s3], $0x80, v3, vm0, $0xb8;
	[tilespmem:$0x18080] =	vst v63  }
0x4e: {  	s9 =	rddreg [dreg:$0xf]  }
0x4f: {  	[tilespmem:s9], [sflag:$0x1] =	stream.indirect_vreg.gather [hbm4b:s5+s3], $0x80, v3, vm0, $0xb8;
	[tilespmem:$0x18080] =	vst v63  }
0x50: {  	v3 =	vld [tilespmem:$0x20];
	_ =	sdelay $0x4  }
0x51: {  	v58 =	vshrl.u32 v3, $0x3  }
0x52: {  	v4 =	vmul.u32 $0x30, v58  }
0x53: {  	v3 =	vand.u32 $0x7, v3  }
0x54: {  	v3 =	vor.u32 v3, v4  }
0x55: {  	v4 =	vperm.xlane v3, v0;
	_ =	sdelay $0x1  }
0x56: {  	v4 =	vadd.s32 v1, v4;
	_ =	sdelay $0x3  }
0x57: {  	s0 =	rddreg [dreg:$0x10];
	v3 =	vperm.xlane v3, v2  }
0x58: {  	[tilespmem:s0], [sflag:$0x1] =	stream.indirect_vreg.gather [hbm4b:s2+s3], $0x80, v4, vm0, $0xb8;
	[tilespmem:$0x18080] =	vst v63  }
0x59: {  	s9 =	rddreg [dreg:$0x11];
	v3 =	vadd.s32 v1, v3  }
0x5a: {  	[tilespmem:s9], [sflag:$0x1] =	stream.indirect_vreg.gather [hbm4b:s4+s3], $0x80, v4, vm0, $0xb8;
	[tilespmem:$0x18080] =	vst v63  }
0x5b: {  	s0 =	rddreg [dreg:$0x12]  }
0x5c: {  	[tilespmem:s0], [sflag:$0x1] =	stream.indirect_vreg.gather [hbm4b:s5+s3], $0x80, v4, vm0, $0xb8;
	[tilespmem:$0x18080] =	vst v63  }
0x5d: {  	s9 =	rddreg [dreg:$0x13]  }
0x5e: {  	[tilespmem:s9], [sflag:$0x1] =	stream.indirect_vreg.gather [hbm4b:s2+s3], $0x80, v3, vm0, $0xb8;
	[tilespmem:$0x18080] =	vst v63  }
0x5f: {  	s0 =	rddreg [dreg:$0x14]  }
0x60: {  	[tilespmem:s0], [sflag:$0x1] =	stream.indirect_vreg.gather [hbm4b:s4+s3], $0x80, v3, vm0, $0xb8;
	[tilespmem:$0x18080] =	vst v63  }
0x61: {  	s9 =	rddreg [dreg:$0x15]  }
0x62: {  	[tilespmem:s9], [sflag:$0x1] =	stream.indirect_vreg.gather [hbm4b:s5+s3], $0x80, v3, vm0, $0xb8;
	[tilespmem:$0x18080] =	vst v63  }
0x63: {  	v3 =	vld [tilespmem:$0x30];
	_ =	sdelay $0x4  }
0x64: {  	v59 =	vshrl.u32 v3, $0x3  }
0x65: {  	v4 =	vmul.u32 $0x30, v59  }
0x66: {  	v3 =	vand.u32 $0x7, v3  }
0x67: {  	v3 =	vor.u32 v3, v4  }
0x68: {  	v4 =	vperm.xlane v3, v0;
	_ =	sdelay $0x1  }
0x69: {  	v4 =	vadd.s32 v1, v4;
	_ =	sdelay $0x3  }
0x6a: {  	s0 =	rddreg [dreg:$0x16];
	v3 =	vperm.xlane v3, v2  }
0x6b: {  	[tilespmem:s0], [sflag:$0x1] =	stream.indirect_vreg.gather [hbm4b:s2+s3], $0x80, v4, vm0, $0xb8;
	[tilespmem:$0x18080] =	vst v63  }
0x6c: {  	s9 =	rddreg [dreg:$0x17];
	v3 =	vadd.s32 v1, v3  }
0x6d: {  	[tilespmem:s9], [sflag:$0x1] =	stream.indirect_vreg.gather [hbm4b:s4+s3], $0x80, v4, vm0, $0xb8;
	[tilespmem:$0x18080] =	vst v63  }
0x6e: {  	s0 =	rddreg [dreg:$0x18]  }
0x6f: {  	[tilespmem:s0], [sflag:$0x1] =	stream.indirect_vreg.gather [hbm4b:s5+s3], $0x80, v4, vm0, $0xb8;
	[tilespmem:$0x18080] =	vst v63  }
0x70: {  	s9 =	rddreg [dreg:$0x19]  }
0x71: {  	[tilespmem:s9], [sflag:$0x1] =	stream.indirect_vreg.gather [hbm4b:s2+s3], $0x80, v3, vm0, $0xb8;
	[tilespmem:$0x18080] =	vst v63  }
0x72: {  	s0 =	rddreg [dreg:$0x1a]  }
0x73: {  	[tilespmem:s0], [sflag:$0x1] =	stream.indirect_vreg.gather [hbm4b:s4+s3], $0x80, v3, vm0, $0xb8;
	[tilespmem:$0x18080] =	vst v63  }
0x74: {  	s9 =	rddreg [dreg:$0x1b]  }
0x75: {  	[tilespmem:s9], [sflag:$0x1] =	stream.indirect_vreg.gather [hbm4b:s5+s3], $0x80, v3, vm0, $0xb8;
	[tilespmem:$0x18080] =	vst v63  }
0x76: {  	v3 =	vld [tilespmem:$0x40];
	_ =	sdelay $0x4  }
0x77: {  	v60 =	vshrl.u32 v3, $0x3  }
0x78: {  	v4 =	vmul.u32 $0x30, v60  }
0x79: {  	v3 =	vand.u32 $0x7, v3  }
0x7a: {  	v3 =	vor.u32 v3, v4  }
0x7b: {  	v4 =	vperm.xlane v3, v0;
	_ =	sdelay $0x1  }
0x7c: {  	v4 =	vadd.s32 v1, v4;
	_ =	sdelay $0x3  }
0x7d: {  	s0 =	rddreg [dreg:$0x1c];
	v3 =	vperm.xlane v3, v2  }
0x7e: {  	[tilespmem:s0], [sflag:$0x1] =	stream.indirect_vreg.gather [hbm4b:s2+s3], $0x80, v4, vm0, $0xb8;
	[tilespmem:$0x18080] =	vst v63  }
0x7f: {  	s9 =	rddreg [dreg:$0x1d];
	v3 =	vadd.s32 v1, v3  }
0x80: {  	[tilespmem:s9], [sflag:$0x1] =	stream.indirect_vreg.gather [hbm4b:s4+s3], $0x80, v4, vm0, $0xb8;
	[tilespmem:$0x18080] =	vst v63  }
0x81: {  	s9 =	simm.s32 $0xD080  }
0x82: {  	[tilespmem:s9], [sflag:$0x1] =	stream.indirect_vreg.gather [hbm4b:s5+s3], $0x80, v4, vm0, $0xb8;
	[tilespmem:$0x18080] =	vst v63  }
0x83: {  	_ = 	snop  }
0x84: {  	[tilespmem:s10], [sflag:$0x1] =	stream.indirect_vreg.gather [hbm4b:s2+s3], $0x80, v3, vm0, $0xb8;
	[tilespmem:$0x18080] =	vst v63  }
0x85: {  	_ = 	snop  }
0x86: {  	[tilespmem:s11], [sflag:$0x1] =	stream.indirect_vreg.gather [hbm4b:s4+s3], $0x80, v3, vm0, $0xb8;
	[tilespmem:$0x18080] =	vst v63  }
0x87: {  	_ = 	snop  }
0x88: {  	[tilespmem:s12], [sflag:$0x1] =	stream.indirect_vreg.gather [hbm4b:s5+s3], $0x80, v3, vm0, $0xb8;
	[tilespmem:$0x18080] =	vst v63  }
0x89: {  	v3 =	vld [tilespmem:$0x50];
	_ =	sdelay $0x4  }
0x8a: {  	v61 =	vshrl.u32 v3, $0x3  }
0x8b: {  	v4 =	vmul.u32 $0x30, v61  }
0x8c: {  	v3 =	vand.u32 $0x7, v3  }
0x8d: {  	v3 =	vor.u32 v3, v4  }
0x8e: {  	v4 =	vperm.xlane v3, v0;
	_ =	sdelay $0x1  }
0x8f: {  	v4 =	vadd.s32 v1, v4;
	_ =	sdelay $0x3  }
0x90: {  	v3 =	vperm.xlane v3, v2  }
0x91: {  	[tilespmem:s13], [sflag:$0x1] =	stream.indirect_vreg.gather [hbm4b:s2+s3], $0x80, v4, vm0, $0xb8;
	[tilespmem:$0x18080] =	vst v63  }
0x92: {  	v3 =	vadd.s32 v1, v3  }
0x93: {  	[tilespmem:s14], [sflag:$0x1] =	stream.indirect_vreg.gather [hbm4b:s4+s3], $0x80, v4, vm0, $0xb8;
	[tilespmem:$0x18080] =	vst v63  }
0x94: {  	_ = 	snop  }
0x95: {  	[tilespmem:s15], [sflag:$0x1] =	stream.indirect_vreg.gather [hbm4b:s5+s3], $0x80, v4, vm0, $0xb8;
	[tilespmem:$0x18080] =	vst v63  }
0x96: {  	_ = 	snop  }
0x97: {  	[tilespmem:s16], [sflag:$0x1] =	stream.indirect_vreg.gather [hbm4b:s2+s3], $0x80, v3, vm0, $0xb8;
	[tilespmem:$0x18080] =	vst v63  }
0x98: {  	_ = 	snop  }
0x99: {  	[tilespmem:s17], [sflag:$0x1] =	stream.indirect_vreg.gather [hbm4b:s4+s3], $0x80, v3, vm0, $0xb8;
	[tilespmem:$0x18080] =	vst v63  }
0x9a: {  	_ = 	snop  }
0x9b: {  	[tilespmem:s18], [sflag:$0x1] =	stream.indirect_vreg.gather [hbm4b:s5+s3], $0x80, v3, vm0, $0xb8;
	[tilespmem:$0x18080] =	vst v63  }
0x9c: {  	v3 =	vld [tilespmem:$0x60];
	_ =	sdelay $0x4  }
0x9d: {  	v62 =	vshrl.u32 v3, $0x3  }
0x9e: {  	v4 =	vmul.u32 $0x30, v62  }
0x9f: {  	v3 =	vand.u32 $0x7, v3  }
0xa0: {  	v3 =	vor.u32 v3, v4  }
0xa1: {  	v4 =	vperm.xlane v3, v0;
	_ =	sdelay $0x1  }
0xa2: {  	v4 =	vadd.s32 v1, v4;
	_ =	sdelay $0x3  }
0xa3: {  	v3 =	vperm.xlane v3, v2  }
0xa4: {  	[tilespmem:s19], [sflag:$0x1] =	stream.indirect_vreg.gather [hbm4b:s2+s3], $0x80, v4, vm0, $0xb8;
	[tilespmem:$0x18080] =	vst v63  }
0xa5: {  	v3 =	vadd.s32 v1, v3  }
0xa6: {  	[tilespmem:s20], [sflag:$0x1] =	stream.indirect_vreg.gather [hbm4b:s4+s3], $0x80, v4, vm0, $0xb8;
	[tilespmem:$0x18080] =	vst v63  }
0xa7: {  	_ = 	snop  }
0xa8: {  	[tilespmem:s21], [sflag:$0x1] =	stream.indirect_vreg.gather [hbm4b:s5+s3], $0x80, v4, vm0, $0xb8;
	[tilespmem:$0x18080] =	vst v63  }
0xa9: {  	_ = 	snop  }
0xaa: {  	[tilespmem:s22], [sflag:$0x1] =	stream.indirect_vreg.gather [hbm4b:s2+s3], $0x80, v3, vm0, $0xb8;
	[tilespmem:$0x18080] =	vst v63  }
0xab: {  	_ = 	snop  }
0xac: {  	[tilespmem:s23], [sflag:$0x1] =	stream.indirect_vreg.gather [hbm4b:s4+s3], $0x80, v3, vm0, $0xb8;
	[tilespmem:$0x18080] =	vst v63  }
0xad: {  	_ = 	snop  }
0xae: {  	[tilespmem:s24], [sflag:$0x1] =	stream.indirect_vreg.gather [hbm4b:s5+s3], $0x80, v3, vm0, $0xb8;
	[tilespmem:$0x18080] =	vst v63  }
0xaf: {  	v3 =	vld [tilespmem:$0x70];
	_ =	sdelay $0x4  }
0xb0: {  	v63 =	vshrl.u32 v3, $0x3  }
0xb1: {  	v4 =	vmul.u32 $0x30, v63  }
0xb2: {  	v3 =	vand.u32 $0x7, v3  }
0xb3: {  	v3 =	vor.u32 v3, v4  }
0xb4: {  	v4 =	vperm.xlane v3, v0;
	_ =	sdelay $0x1  }
0xb5: {  	v4 =	vadd.s32 v1, v4;
	_ =	sdelay $0x3  }
0xb6: {  	v3 =	vperm.xlane v3, v2  }
0xb7: {  	[tilespmem:s25], [sflag:$0x1] =	stream.indirect_vreg.gather [hbm4b:s2+s3], $0x80, v4, vm0, $0xb8;
	[tilespmem:$0x18080] =	vst v63  }
0xb8: {  	v3 =	vadd.s32 v1, v3  }
0xb9: {  	[tilespmem:s26], [sflag:$0x1] =	stream.indirect_vreg.gather [hbm4b:s4+s3], $0x80, v4, vm0, $0xb8;
	[tilespmem:$0x18080] =	vst v63  }
0xba: {  	_ = 	snop  }
0xbb: {  	[tilespmem:s28], [sflag:$0x1] =	stream.indirect_vreg.gather [hbm4b:s5+s3], $0x80, v4, vm0, $0xb8;
	[tilespmem:$0x18080] =	vst v63  }
0xbc: {  	_ = 	snop  }
0xbd: {  	[tilespmem:s29], [sflag:$0x1] =	stream.indirect_vreg.gather [hbm4b:s2+s3], $0x80, v3, vm0, $0xb8;
	[tilespmem:$0x18080] =	vst v63  }
0xbe: {  	_ = 	snop  }
0xbf: {  	[tilespmem:s30], [sflag:$0x1] =	stream.indirect_vreg.gather [hbm4b:s4+s3], $0x80, v3, vm0, $0xb8;
	[tilespmem:$0x18080] =	vst v63  }
0xc0: {  	_ = 	snop  }
0xc1: {  	[tilespmem:s31], [sflag:$0x1] =	stream.indirect_vreg.gather [hbm4b:s5+s3], $0x80, v3, vm0, $0xb8;
	[tilespmem:$0x18080] =	vst v63  }
0xc2: {  	_ =	swait.ge [sflag:s1], $0x18000  }
0xc3: {  	p0 =	sne.s32 s6, $0x1;
	[sflag:s1] =	ssyncset.done $0x0  }
.Ltmp0:
0xc4: {  	s9 =	rddreg [dreg:$0x4];
	[sflag:s1] =	ssyncadd.s32 $0xFFFE8000;
	(pc) =	sbr.rel @p0 .LBB2_1-.Ltmp0, $4  }
0xc5: {  	[hbm4b:s9+s3] =	stream.linear.scatter [tilespmem:s8], [sflag:$0x2], $0x18000, $0x38;
	[tilespmem:$0x18080] =	vst v63  }
0xc6: {  	_ =	swait.ge [sflag:s7], $0x18000  }
0xc7: {  	[sflag:s7] =	ssyncset.done $0x0  }
0xc8: {  	s6 =	sadd.s32 $0xFFFFFFFF, s6;
	[sflag:s7] =	ssyncadd.s32 $0xFFFE8000  }
0xc9: {  	_ =	sfence.sel $0x180000  }
0xca: {  	[bflag:$0x0] =	sbarrier.arrive $0xFFFF  }
0xcb: {  	_ =	strace $0x90000047  }
0xcc: {  	s0 =	stileid.u32;
	[bflag:$0x2] =	sbarrier.arrive $0xFFFF  }
0xcd: {  	p0 =	sne.s32 s0, $0x0;
	s0 =	rddreg [dreg:$0x2]  }
0xce: {  	s0 =	sadd.s32 @!p0 $0x100000, s0  }
0xcf: {  	[sflag:s0] =	ssyncadd.tile.s32 @!p0 $0x1;
	_ =	shalt  }
.Lfunc_end2:
_tile_overlayer_lowered:
.L_overlay_start_2:
0xd0: {  	(tag) =	ssettag $0x2  }
0xd1: {  	s0 =	rddreg [dreg:$0x0];
	s2 =	stileid.u32  }
0xd2: {  	s1 =	rddreg [dreg:$0x1];
	p0 =	sne.s32 s2, $0x0  }
0xd3: {  	s3 =	rddreg [dreg:$0x2];
	[bflag:$0x3] =	sbarrier.arrive $0xFFFF;
	s2 =	simm.s32 @!p0 $0x1C02  }
0xd4: {  	[timem:s3], [sflag:s2] =	dma.local @!p0 [hbm:s0], s1  }
0xd5: {  	s0 =	simm.s32 @!p0 $0x2  }
0xd6: {  	_ =	swait.ge @!p0 [sflag:s0], s1  }
0xd7: {  	s1 =	ssub.s32 @!p0 $0x0, s1;
	[sflag:s0] =	ssyncset.done @!p0 $0x0  }
0xd8: {  	[sflag:s0] =	ssyncadd.s32 @!p0 s1  }
0xd9: {  	[bflag:$0x3] =	sbarrier.arrive $0xFFFF  }
0xda: {  	_ =	shalt  }

</sc_bundles>
